<compile_context>
chip_gen: v7x
topology: tpu7x:2x2x1
jax: 0.10.2.dev20260603
libtpu: 0.0.44.dev20260713+nightly
codegen_flags: <defaults>
</compile_context>

<pallas_src>
import functools

import jax
import jax.numpy as jnp
from jax import lax
from jax.experimental import pallas as pl
from jax.experimental.pallas import tpu as pltpu
from jax.experimental.pallas import tpu_sc as plsc

N = 10000
E = 320000
F = 128
G = 64

NC, NS = 2, 16
NW = NC * NS
EPW = E // NW
CHUNK = 80
NCHUNK = EPW // CHUNK
NP = 10240
RPS = NP // NS
KB = 4
PREF = 2
IR = 2 * KB

DW = 8


def _deg_sc_body(di_hbm, out_hbm, zbuf, ones_v, didx, sem, acc):
    c = lax.axis_index("c")
    s = lax.axis_index("s")
    wid = c * NS + s
    dps = NP // NS

    def _zfill(i, carry):
        zbuf[pl.ds(i * 16, 16)] = jnp.zeros((16,), jnp.float32)
        return carry

    cp_di = pltpu.async_copy(di_hbm.at[wid], didx, sem)
    lax.fori_loop(0, dps // 16, _zfill, 0)
    for j in range(CHUNK // 16):
        ones_v[pl.ds(j * 16, 16)] = jnp.ones((16,), jnp.float32)
    pltpu.sync_copy(zbuf, acc.at[pl.ds(s * dps, dps)])
    cp_di.wait()
    plsc.subcore_barrier()

    def _wait_one():
        pltpu.make_async_copy(ones_v, acc.at[didx.at[0]], sem).wait()

    def _body(b, carry):
        pltpu.async_copy(ones_v, acc.at[didx.at[b]], sem, add=True)

        @pl.when(b >= DW)
        def _wait():
            _wait_one()

        return carry

    lax.fori_loop(0, NCHUNK, _body, 0)
    for _ in range(DW):
        _wait_one()
    plsc.subcore_barrier()
    pltpu.sync_copy(acc.at[pl.ds(s * dps, dps)],
                    out_hbm.at[pl.ds(c * NP + s * dps, dps)])


def _agg_sc_body(g_hbm, si_hbm, di_hbm, out_hbm, sidx, didx, rows, *rest):
    sem_i = rest[0:KB]
    sem_g = rest[KB:2 * KB]
    sem_s = rest[2 * KB:3 * KB]
    acc = rest[3 * KB]
    c = lax.axis_index("c")
    s = lax.axis_index("s")
    wid = c * NS + s
    ebase = wid * EPW

    def _idx_load(t, k):
        r = lax.rem(t, IR) if not isinstance(t, int) else t % IR
        pltpu.async_copy(si_hbm.at[pl.ds(ebase + t * CHUNK, CHUNK)],
                         sidx.at[r], sem_i[k])
        pltpu.async_copy(di_hbm.at[pl.ds(ebase + t * CHUNK, CHUNK)],
                         didx.at[r], sem_i[k])

    def _idx_wait(k):
        pltpu.make_async_copy(si_hbm.at[pl.ds(0, CHUNK)], sidx.at[0],
                              sem_i[k]).wait()
        pltpu.make_async_copy(di_hbm.at[pl.ds(0, CHUNK)], didx.at[0],
                              sem_i[k]).wait()

    def _gather(t, k):
        r = lax.rem(t, IR) if not isinstance(t, int) else t % IR
        pltpu.async_copy(g_hbm.at[sidx.at[r]], rows.at[k], sem_g[k])

    def _gather_wait(k):
        pltpu.make_async_copy(g_hbm.at[sidx.at[0]], rows.at[0],
                              sem_g[k]).wait()

    def _scat(t, k):
        r = lax.rem(t, IR) if not isinstance(t, int) else t % IR
        pltpu.async_copy(rows.at[k], acc.at[didx.at[r]], sem_s[k], add=True)

    def _scat_wait(k):
        pltpu.make_async_copy(rows.at[0], acc.at[didx.at[0]],
                              sem_s[k]).wait()

    for k in range(KB):
        _idx_load(k, k)

    zslot = KB - 1

    def _zrow(i, carry):
        for j in range(F // 16):
            rows[zslot, i, pl.ds(j * 16, 16)] = jnp.zeros((16,), jnp.float32)
        return carry

    lax.fori_loop(0, CHUNK, _zrow, 0)
    zcps = [pltpu.async_copy(rows.at[zslot],
                             acc.at[pl.ds(s * RPS + t * CHUNK, CHUNK)],
                             sem_s[t % KB])
            for t in range(RPS // CHUNK)]
    for k in range(PREF):
        _idx_wait(k)
        _gather(k, k)
    for cp in zcps:
        cp.wait()
    plsc.subcore_barrier()

    def _chunk(t, k):
        kp = (k + PREF) % KB
        is_static = isinstance(t, int)

        def _when(cond, f):
            if is_static:
                if cond:
                    f()
            else:
                pl.when(cond)(f)

        _when(t >= KB - PREF, lambda: _scat_wait(kp))
        _when(t + KB < NCHUNK, lambda: _idx_load(t + KB, k))

        def _advance():
            _idx_wait(kp)
            _gather(t + PREF, kp)

        _when(t + PREF < NCHUNK, _advance)
        _gather_wait(k)
        _scat(t, k)

    def _outer(i, carry):
        t0 = i * KB
        for k in range(KB):
            _chunk(t0 + k, k)
        return carry

    lax.fori_loop(0, (NCHUNK - 1) // KB, _outer, 0)
    _chunk(NCHUNK - 1, (NCHUNK - 1) % KB)
    _scat_wait((NCHUNK - 2) % KB)
    _scat_wait((NCHUNK - 1) % KB)
    plsc.subcore_barrier()

    ocps = [pltpu.async_copy(acc.at[pl.ds(s * RPS + t * CHUNK, CHUNK)],
                             out_hbm.at[pl.ds(c * NP + s * RPS + t * CHUNK, CHUNK)],
                             sem_s[t % KB])
            for t in range(RPS // CHUNK)]
    for cp in ocps:
        cp.wait()


@functools.cache
def _sc_kernels():
    mesh = plsc.VectorSubcoreMesh(
        core_axis_name="c", subcore_axis_name="s",
        num_cores=NC, num_subcores=NS)
    deg = pl.kernel(
        _deg_sc_body,
        out_type=jax.ShapeDtypeStruct((NC * NP,), jnp.float32),
        mesh=mesh,
        scratch_types=[
            pltpu.VMEM((NP // NS,), jnp.float32),
            pltpu.VMEM((CHUNK,), jnp.float32),
            pltpu.VMEM((NCHUNK, CHUNK), jnp.int32),
            pltpu.SemaphoreType.DMA,
            pltpu.VMEM_SHARED((NP,), jnp.float32),
        ],
    )
    agg = pl.kernel(
        _agg_sc_body,
        out_type=jax.ShapeDtypeStruct((NC * NP, F), jnp.float32),
        mesh=mesh,
        scratch_types=(
            [pltpu.VMEM((IR, CHUNK), jnp.int32)]
            + [pltpu.VMEM((IR, CHUNK), jnp.int32)]
            + [pltpu.VMEM((KB, CHUNK, F), jnp.float32)]
            + [pltpu.SemaphoreType.DMA] * (3 * KB)
            + [pltpu.VMEM_SHARED((NP, F), jnp.float32)]
        ),
    )
    return deg, agg


def _tc1_body(pdeg_ref, x_ref, w1_ref, g_ref, dinv_ref):
    deg = pdeg_ref[0:N] + pdeg_ref[NP:NP + N] + 1.0
    dinv = lax.rsqrt(deg)
    h = jnp.dot(x_ref[...], w1_ref[...], preferred_element_type=jnp.float32)
    g_ref[...] = h * dinv
    dinv_ref[...] = dinv


_tc1 = pl.pallas_call(
    _tc1_body,
    out_shape=(
        jax.ShapeDtypeStruct((N, F), jnp.float32),
        jax.ShapeDtypeStruct((N, 1), jnp.float32),
    ),
)


def _tc2_body(pagg_ref, g_ref, dinv_ref, b1_ref, w2_ref, g2_ref):
    agg = pagg_ref[0:N] + pagg_ref[NP:NP + N] + g_ref[...]
    a = jnp.maximum(agg * dinv_ref[...] + b1_ref[...], 0.0)
    h2 = jnp.dot(a, w2_ref[...], preferred_element_type=jnp.float32)
    g2_ref[...] = h2 * dinv_ref[...]


_tc2 = pl.pallas_call(
    _tc2_body,
    out_shape=jax.ShapeDtypeStruct((N, F), jnp.float32),
)


def _tc3_body(pagg_ref, g2_ref, dinv_ref, b2_ref, batch_ref, out_ref):
    agg = pagg_ref[0:N] + pagg_ref[NP:NP + N] + g2_ref[...]
    a = jnp.maximum(agg * dinv_ref[...] + b2_ref[...], 0.0)
    gids = lax.broadcasted_iota(jnp.int32, (G, N), 0)
    mask = (batch_ref[...] == gids).astype(jnp.float32)
    sums = jnp.dot(mask, a, preferred_element_type=jnp.float32)
    counts = jnp.sum(mask, axis=1, keepdims=True)
    out_ref[...] = sums / jnp.maximum(counts, 1.0)


_tc3 = pl.pallas_call(
    _tc3_body,
    out_shape=jax.ShapeDtypeStruct((G, F), jnp.float32),
)


def kernel(x, edge_index, batch, W1, b1, W2, b2):
    _deg_sc, _agg_sc = _sc_kernels()
    src = edge_index[0]
    dst = edge_index[1]
    dst3 = dst.reshape(NW, NCHUNK, CHUNK)
    pdeg = _deg_sc(dst3)
    g1, dinv = _tc1(pdeg.reshape(NC * NP, 1), x, W1)
    pagg1 = _agg_sc(g1, src, dst)
    g2 = _tc2(pagg1, g1, dinv, b1.reshape(1, F), W2)
    pagg2 = _agg_sc(g2, src, dst)
    return _tc3(pagg2, g2, dinv, b2.reshape(1, F), batch.reshape(1, N))

# --- scband reference (transcript-rebuilt; emitter-appended) ---
"""Pipeline reference for scband-gcnn-51848845197571 (READ-ONLY COPY).

The authoritative reference and input builder live on the scoring server;
editing this copy changes nothing except your own understanding.
"""

import jax, jax.numpy as jnp
import numpy as np

N_NODES = 10000
N_EDGES = 320000
IN_FEAT = 128
OUT_FEAT = 128
N_GRAPHS = 64


def setup_inputs(seed: int = 0) -> dict:
    key = jax.random.key(seed)
    k1, k2, k3, k4, k5, k6, k7 = jax.random.split(key, 7)
    x = jax.random.normal(k1, (N_NODES, IN_FEAT), dtype=jnp.float32)
    edge_index = jax.random.randint(k2, (2, N_EDGES), 0, N_NODES, dtype=jnp.int32)
    batch = jnp.sort(jax.random.randint(k3, (N_NODES,), 0, N_GRAPHS, dtype=jnp.int32))
    W1 = 0.05 * jax.random.normal(k4, (IN_FEAT, OUT_FEAT), dtype=jnp.float32)
    b1 = jnp.zeros((OUT_FEAT,), dtype=jnp.float32)
    W2 = 0.05 * jax.random.normal(k5, (OUT_FEAT, OUT_FEAT), dtype=jnp.float32)
    b2 = jnp.zeros((OUT_FEAT,), dtype=jnp.float32)
    return {"x": x, "edge_index": edge_index, "batch": batch, "W1": W1, "b1": b1, "W2": W2, "b2": b2}


def _gcn_conv(x, src, dst, norm, W, b):
    # GCNConv: x' = D^{-1/2} (A + I) D^{-1/2} X W + b
    h = x @ W
    msgs = h[src] * norm[:, None]
    out = jax.ops.segment_sum(msgs, dst, num_segments=N_NODES)
    return out + b


def reference(x, edge_index, batch, W1, b1, W2, b2):
    src = edge_index[0]
    dst = edge_index[1]
    # add self-loops (PyG GCNConv default: add_self_loops=True)
    loop = jnp.arange(N_NODES, dtype=src.dtype)
    src_f = jnp.concatenate([src, loop])
    dst_f = jnp.concatenate([dst, loop])
    # symmetric normalization
    deg = jax.ops.segment_sum(jnp.ones_like(dst_f, dtype=jnp.float32), dst_f, num_segments=N_NODES)
    dinv = jnp.where(deg > 0, jax.lax.rsqrt(deg), 0.0)
    norm = dinv[src_f] * dinv[dst_f]
    # conv1 -> relu -> dropout(eval: identity)
    h = _gcn_conv(x, src_f, dst_f, norm, W1, b1)
    h = jax.nn.relu(h)
    # conv2 -> relu
    h = _gcn_conv(h, src_f, dst_f, norm, W2, b2)
    h = jax.nn.relu(h)
    # global mean pool over batch ids
    sums = jax.ops.segment_sum(h, batch, num_segments=N_GRAPHS)
    counts = jax.ops.segment_sum(jnp.ones((N_NODES,), dtype=jnp.float32), batch, num_segments=N_GRAPHS)
    out = sums / jnp.maximum(counts, 1.0)[:, None]
    return out

if __name__ == "__main__":
    import jax
    _d = setup_inputs()
    print(jax.jit(kernel)(*tuple(_d.values())))

</pallas_src>

<mosaic_0001>
#map = affine_map<(d0, d1) -> (0, 0)>
#map1 = affine_map<(d0, d1) -> (0)>
module attributes {stable_mosaic.version = 14 : i64} {
  func.func @_agg_sc_body(%arg0: i32, %arg1: i32, %arg2: memref<10000x128xf32, #tpu.memory_space<hbm>>, %arg3: memref<320000xi32, #tpu.memory_space<hbm>>, %arg4: memref<320000xi32, #tpu.memory_space<hbm>>, %arg5: memref<20480x128xf32, #tpu.memory_space<hbm>>, %arg6: memref<8x80xi32, #tpu.memory_space<vmem>>, %arg7: memref<8x80xi32, #tpu.memory_space<vmem>>, %arg8: memref<4x80x128xf32, #tpu.memory_space<vmem>>, %arg9: memref<!tpu.dma_semaphore, #tpu.memory_space<semaphore_mem>>, %arg10: memref<!tpu.dma_semaphore, #tpu.memory_space<semaphore_mem>>, %arg11: memref<!tpu.dma_semaphore, #tpu.memory_space<semaphore_mem>>, %arg12: memref<!tpu.dma_semaphore, #tpu.memory_space<semaphore_mem>>, %arg13: memref<!tpu.dma_semaphore, #tpu.memory_space<semaphore_mem>>, %arg14: memref<!tpu.dma_semaphore, #tpu.memory_space<semaphore_mem>>, %arg15: memref<!tpu.dma_semaphore, #tpu.memory_space<semaphore_mem>>, %arg16: memref<!tpu.dma_semaphore, #tpu.memory_space<semaphore_mem>>, %arg17: memref<!tpu.dma_semaphore, #tpu.memory_space<semaphore_mem>>, %arg18: memref<!tpu.dma_semaphore, #tpu.memory_space<semaphore_mem>>, %arg19: memref<!tpu.dma_semaphore, #tpu.memory_space<semaphore_mem>>, %arg20: memref<!tpu.dma_semaphore, #tpu.memory_space<semaphore_mem>>, %arg21: memref<10240x128xf32, #tpu.memory_space<vmem_shared>>) attributes {dimension_semantics = [#tpu.dimension_semantics<core_parallel>, #tpu.dimension_semantics<subcore_parallel>], iteration_bounds = array<i64: 2, 16>, scalar_prefetch = 0 : i64, scratch_operands = 16 : i64, tpu.core_type = #tpu.core_type<sc_vector_subcore>, window_params = [{transform_indices = #map}, {transform_indices = #map1}, {transform_indices = #map1}, {transform_indices = #map}]} {
    %mul3A = arith.constant 16 : i32
    %mul3A_0 = arith.muli %arg0, %mul3A : i32
    %add3A = arith.addi %mul3A_0, %arg1 : i32
    %mul3A_1 = arith.constant 10000 : i32
    %mul3A_2 = arith.muli %add3A, %mul3A_1 : i32
    %add3A_3 = arith.constant 0 : i32
    %add3A_4 = arith.addi %mul3A_2, %add3A_3 : i32
    %dma_start3A = arith.constant 0 : i32
    %dma_start3A_5 = arith.constant 0 : i32
    %dma_start3A_6 = tpu.memref_slice %arg6[%dma_start3A, %dma_start3A_5] : memref<8x80xi32, #tpu.memory_space<vmem>> -> memref<1x80xi32, #tpu.memory_space<vmem>>
    %dma_start3A_7 = tpu.memref_squeeze %dma_start3A_6 : memref<1x80xi32, #tpu.memory_space<vmem>> -> memref<80xi32, #tpu.memory_space<vmem>>
    %dma_start3A_8 = tpu.memref_slice %arg3[%add3A_4] : memref<320000xi32, #tpu.memory_space<hbm>> -> memref<80xi32, #tpu.memory_space<hbm>>
    %dma_start3A_9 = arith.constant 0 : i32
    %dma_start3A_10 = tpu.memref_slice %arg6[%dma_start3A, %dma_start3A_9] : memref<8x80xi32, #tpu.memory_space<vmem>> -> memref<1x80xi32, #tpu.memory_space<vmem>>
    %dma_start3A_11 = tpu.memref_squeeze %dma_start3A_10 : memref<1x80xi32, #tpu.memory_space<vmem>> -> memref<80xi32, #tpu.memory_space<vmem>>
    %dma_start3A_12 = tpu.memref_slice %arg3[%add3A_4] : memref<320000xi32, #tpu.memory_space<hbm>> -> memref<80xi32, #tpu.memory_space<hbm>>
    tpu.enqueue_dma source(%dma_start3A_12 : memref<80xi32, #tpu.memory_space<hbm>>) target(%dma_start3A_11 : memref<80xi32, #tpu.memory_space<vmem>>) target_semaphore(%arg9 : memref<!tpu.dma_semaphore, #tpu.memory_space<semaphore_mem>>)
    %add3A_13 = arith.constant 0 : i32
    %add3A_14 = arith.addi %mul3A_2, %add3A_13 : i32
    %dma_start3A_15 = arith.constant 0 : i32
    %dma_start3A_16 = arith.constant 0 : i32
    %dma_start3A_17 = tpu.memref_slice %arg7[%dma_start3A_15, %dma_start3A_16] : memref<8x80xi32, #tpu.memory_space<vmem>> -> memref<1x80xi32, #tpu.memory_space<vmem>>
    %dma_start3A_18 = tpu.memref_squeeze %dma_start3A_17 : memref<1x80xi32, #tpu.memory_space<vmem>> -> memref<80xi32, #tpu.memory_space<vmem>>
    %dma_start3A_19 = tpu.memref_slice %arg4[%add3A_14] : memref<320000xi32, #tpu.memory_space<hbm>> -> memref<80xi32, #tpu.memory_space<hbm>>
    %dma_start3A_20 = arith.constant 0 : i32
    %dma_start3A_21 = tpu.memref_slice %arg7[%dma_start3A_15, %dma_start3A_20] : memref<8x80xi32, #tpu.memory_space<vmem>> -> memref<1x80xi32, #tpu.memory_space<vmem>>
    %dma_start3A_22 = tpu.memref_squeeze %dma_start3A_21 : memref<1x80xi32, #tpu.memory_space<vmem>> -> memref<80xi32, #tpu.memory_space<vmem>>
    %dma_start3A_23 = tpu.memref_slice %arg4[%add3A_14] : memref<320000xi32, #tpu.memory_space<hbm>> -> memref<80xi32, #tpu.memory_space<hbm>>
    tpu.enqueue_dma source(%dma_start3A_23 : memref<80xi32, #tpu.memory_space<hbm>>) target(%dma_start3A_22 : memref<80xi32, #tpu.memory_space<vmem>>) target_semaphore(%arg9 : memref<!tpu.dma_semaphore, #tpu.memory_space<semaphore_mem>>)
    %add3A_24 = arith.constant 80 : i32
    %add3A_25 = arith.addi %mul3A_2, %add3A_24 : i32
    %dma_start3A_26 = arith.constant 1 : i32
    %dma_start3A_27 = arith.constant 0 : i32
    %dma_start3A_28 = tpu.memref_slice %arg6[%dma_start3A_26, %dma_start3A_27] : memref<8x80xi32, #tpu.memory_space<vmem>> -> memref<1x80xi32, #tpu.memory_space<vmem>>
    %dma_start3A_29 = tpu.memref_squeeze %dma_start3A_28 : memref<1x80xi32, #tpu.memory_space<vmem>> -> memref<80xi32, #tpu.memory_space<vmem>>
    %dma_start3A_30 = tpu.memref_slice %arg3[%add3A_25] : memref<320000xi32, #tpu.memory_space<hbm>> -> memref<80xi32, #tpu.memory_space<hbm>>
    %dma_start3A_31 = arith.constant 0 : i32
    %dma_start3A_32 = tpu.memref_slice %arg6[%dma_start3A_26, %dma_start3A_31] : memref<8x80xi32, #tpu.memory_space<vmem>> -> memref<1x80xi32, #tpu.memory_space<vmem>>
    %dma_start3A_33 = tpu.memref_squeeze %dma_start3A_32 : memref<1x80xi32, #tpu.memory_space<vmem>> -> memref<80xi32, #tpu.memory_space<vmem>>
    %dma_start3A_34 = tpu.memref_slice %arg3[%add3A_25] : memref<320000xi32, #tpu.memory_space<hbm>> -> memref<80xi32, #tpu.memory_space<hbm>>
    tpu.enqueue_dma source(%dma_start3A_34 : memref<80xi32, #tpu.memory_space<hbm>>) target(%dma_start3A_33 : memref<80xi32, #tpu.memory_space<vmem>>) target_semaphore(%arg10 : memref<!tpu.dma_semaphore, #tpu.memory_space<semaphore_mem>>)
    %add3A_35 = arith.constant 80 : i32
    %add3A_36 = arith.addi %mul3A_2, %add3A_35 : i32
    %dma_start3A_37 = arith.constant 1 : i32
    %dma_start3A_38 = arith.constant 0 : i32
    %dma_start3A_39 = tpu.memref_slice %arg7[%dma_start3A_37, %dma_start3A_38] : memref<8x80xi32, #tpu.memory_space<vmem>> -> memref<1x80xi32, #tpu.memory_space<vmem>>
    %dma_start3A_40 = tpu.memref_squeeze %dma_start3A_39 : memref<1x80xi32, #tpu.memory_space<vmem>> -> memref<80xi32, #tpu.memory_space<vmem>>
    %dma_start3A_41 = tpu.memref_slice %arg4[%add3A_36] : memref<320000xi32, #tpu.memory_space<hbm>> -> memref<80xi32, #tpu.memory_space<hbm>>
    %dma_start3A_42 = arith.constant 0 : i32
    %dma_start3A_43 = tpu.memref_slice %arg7[%dma_start3A_37, %dma_start3A_42] : memref<8x80xi32, #tpu.memory_space<vmem>> -> memref<1x80xi32, #tpu.memory_space<vmem>>
    %dma_start3A_44 = tpu.memref_squeeze %dma_start3A_43 : memref<1x80xi32, #tpu.memory_space<vmem>> -> memref<80xi32, #tpu.memory_space<vmem>>
    %dma_start3A_45 = tpu.memref_slice %arg4[%add3A_36] : memref<320000xi32, #tpu.memory_space<hbm>> -> memref<80xi32, #tpu.memory_space<hbm>>
    tpu.enqueue_dma source(%dma_start3A_45 : memref<80xi32, #tpu.memory_space<hbm>>) target(%dma_start3A_44 : memref<80xi32, #tpu.memory_space<vmem>>) target_semaphore(%arg10 : memref<!tpu.dma_semaphore, #tpu.memory_space<semaphore_mem>>)
    %add3A_46 = arith.constant 160 : i32
    %add3A_47 = arith.addi %mul3A_2, %add3A_46 : i32
    %dma_start3A_48 = arith.constant 2 : i32
    %dma_start3A_49 = arith.constant 0 : i32
    %dma_start3A_50 = tpu.memref_slice %arg6[%dma_start3A_48, %dma_start3A_49] : memref<8x80xi32, #tpu.memory_space<vmem>> -> memref<1x80xi32, #tpu.memory_space<vmem>>
    %dma_start3A_51 = tpu.memref_squeeze %dma_start3A_50 : memref<1x80xi32, #tpu.memory_space<vmem>> -> memref<80xi32, #tpu.memory_space<vmem>>
    %dma_start3A_52 = tpu.memref_slice %arg3[%add3A_47] : memref<320000xi32, #tpu.memory_space<hbm>> -> memref<80xi32, #tpu.memory_space<hbm>>
    %dma_start3A_53 = arith.constant 0 : i32
    %dma_start3A_54 = tpu.memref_slice %arg6[%dma_start3A_48, %dma_start3A_53] : memref<8x80xi32, #tpu.memory_space<vmem>> -> memref<1x80xi32, #tpu.memory_space<vmem>>
    %dma_start3A_55 = tpu.memref_squeeze %dma_start3A_54 : memref<1x80xi32, #tpu.memory_space<vmem>> -> memref<80xi32, #tpu.memory_space<vmem>>
    %dma_start3A_56 = tpu.memref_slice %arg3[%add3A_47] : memref<320000xi32, #tpu.memory_space<hbm>> -> memref<80xi32, #tpu.memory_space<hbm>>
    tpu.enqueue_dma source(%dma_start3A_56 : memref<80xi32, #tpu.memory_space<hbm>>) target(%dma_start3A_55 : memref<80xi32, #tpu.memory_space<vmem>>) target_semaphore(%arg11 : memref<!tpu.dma_semaphore, #tpu.memory_space<semaphore_mem>>)
    %add3A_57 = arith.constant 160 : i32
    %add3A_58 = arith.addi %mul3A_2, %add3A_57 : i32
    %dma_start3A_59 = arith.constant 2 : i32
    %dma_start3A_60 = arith.constant 0 : i32
    %dma_start3A_61 = tpu.memref_slice %arg7[%dma_start3A_59, %dma_start3A_60] : memref<8x80xi32, #tpu.memory_space<vmem>> -> memref<1x80xi32, #tpu.memory_space<vmem>>
    %dma_start3A_62 = tpu.memref_squeeze %dma_start3A_61 : memref<1x80xi32, #tpu.memory_space<vmem>> -> memref<80xi32, #tpu.memory_space<vmem>>
    %dma_start3A_63 = tpu.memref_slice %arg4[%add3A_58] : memref<320000xi32, #tpu.memory_space<hbm>> -> memref<80xi32, #tpu.memory_space<hbm>>
    %dma_start3A_64 = arith.constant 0 : i32
    %dma_start3A_65 = tpu.memref_slice %arg7[%dma_start3A_59, %dma_start3A_64] : memref<8x80xi32, #tpu.memory_space<vmem>> -> memref<1x80xi32, #tpu.memory_space<vmem>>
    %dma_start3A_66 = tpu.memref_squeeze %dma_start3A_65 : memref<1x80xi32, #tpu.memory_space<vmem>> -> memref<80xi32, #tpu.memory_space<vmem>>
    %dma_start3A_67 = tpu.memref_slice %arg4[%add3A_58] : memref<320000xi32, #tpu.memory_space<hbm>> -> memref<80xi32, #tpu.memory_space<hbm>>
    tpu.enqueue_dma source(%dma_start3A_67 : memref<80xi32, #tpu.memory_space<hbm>>) target(%dma_start3A_66 : memref<80xi32, #tpu.memory_space<vmem>>) target_semaphore(%arg11 : memref<!tpu.dma_semaphore, #tpu.memory_space<semaphore_mem>>)
    %add3A_68 = arith.constant 240 : i32
    %add3A_69 = arith.addi %mul3A_2, %add3A_68 : i32
    %dma_start3A_70 = arith.constant 3 : i32
    %dma_start3A_71 = arith.constant 0 : i32
    %dma_start3A_72 = tpu.memref_slice %arg6[%dma_start3A_70, %dma_start3A_71] : memref<8x80xi32, #tpu.memory_space<vmem>> -> memref<1x80xi32, #tpu.memory_space<vmem>>
    %dma_start3A_73 = tpu.memref_squeeze %dma_start3A_72 : memref<1x80xi32, #tpu.memory_space<vmem>> -> memref<80xi32, #tpu.memory_space<vmem>>
    %dma_start3A_74 = tpu.memref_slice %arg3[%add3A_69] : memref<320000xi32, #tpu.memory_space<hbm>> -> memref<80xi32, #tpu.memory_space<hbm>>
    %dma_start3A_75 = arith.constant 0 : i32
    %dma_start3A_76 = tpu.memref_slice %arg6[%dma_start3A_70, %dma_start3A_75] : memref<8x80xi32, #tpu.memory_space<vmem>> -> memref<1x80xi32, #tpu.memory_space<vmem>>
    %dma_start3A_77 = tpu.memref_squeeze %dma_start3A_76 : memref<1x80xi32, #tpu.memory_space<vmem>> -> memref<80xi32, #tpu.memory_space<vmem>>
    %dma_start3A_78 = tpu.memref_slice %arg3[%add3A_69] : memref<320000xi32, #tpu.memory_space<hbm>> -> memref<80xi32, #tpu.memory_space<hbm>>
    tpu.enqueue_dma source(%dma_start3A_78 : memref<80xi32, #tpu.memory_space<hbm>>) target(%dma_start3A_77 : memref<80xi32, #tpu.memory_space<vmem>>) target_semaphore(%arg12 : memref<!tpu.dma_semaphore, #tpu.memory_space<semaphore_mem>>)
    %add3A_79 = arith.constant 240 : i32
    %add3A_80 = arith.addi %mul3A_2, %add3A_79 : i32
    %dma_start3A_81 = arith.constant 3 : i32
    %dma_start3A_82 = arith.constant 0 : i32
    %dma_start3A_83 = tpu.memref_slice %arg7[%dma_start3A_81, %dma_start3A_82] : memref<8x80xi32, #tpu.memory_space<vmem>> -> memref<1x80xi32, #tpu.memory_space<vmem>>
    %dma_start3A_84 = tpu.memref_squeeze %dma_start3A_83 : memref<1x80xi32, #tpu.memory_space<vmem>> -> memref<80xi32, #tpu.memory_space<vmem>>
    %dma_start3A_85 = tpu.memref_slice %arg4[%add3A_80] : memref<320000xi32, #tpu.memory_space<hbm>> -> memref<80xi32, #tpu.memory_space<hbm>>
    %dma_start3A_86 = arith.constant 0 : i32
    %dma_start3A_87 = tpu.memref_slice %arg7[%dma_start3A_81, %dma_start3A_86] : memref<8x80xi32, #tpu.memory_space<vmem>> -> memref<1x80xi32, #tpu.memory_space<vmem>>
    %dma_start3A_88 = tpu.memref_squeeze %dma_start3A_87 : memref<1x80xi32, #tpu.memory_space<vmem>> -> memref<80xi32, #tpu.memory_space<vmem>>
    %dma_start3A_89 = tpu.memref_slice %arg4[%add3A_80] : memref<320000xi32, #tpu.memory_space<hbm>> -> memref<80xi32, #tpu.memory_space<hbm>>
    tpu.enqueue_dma source(%dma_start3A_89 : memref<80xi32, #tpu.memory_space<hbm>>) target(%dma_start3A_88 : memref<80xi32, #tpu.memory_space<vmem>>) target_semaphore(%arg12 : memref<!tpu.dma_semaphore, #tpu.memory_space<semaphore_mem>>)
    %scan3A = arith.constant 0 : i32
    %scan3A_90 = arith.constant 0 : i32
    %scan3A_91 = arith.constant 80 : i32
    %scan3A_92 = arith.addi %scan3A_90, %scan3A_91 : i32
    %scan3A_93 = arith.constant 1 : i32
    scf.for %scan3A_621 = %scan3A_90 to %scan3A_92 step %scan3A_93  : i32 {
      %broadcast_in_dim3A = arith.constant 0.000000e+00 : f32
      %broadcast_in_dim3A_622 = vector.broadcast %broadcast_in_dim3A : f32 to vector<16xf32>
      %swap3A = arith.constant 3 : i32
      %swap3A_623 = arith.index_cast %swap3A : i32 to index
      %swap3A_624 = arith.index_cast %scan3A_621 : i32 to index
      %swap3A_625 = arith.constant 0 : index
      %swap3A_626 = tpu.vector_load %arg8[%swap3A_623, %swap3A_624, %swap3A_625] {strides = array<i32>} : memref<4x80x128xf32, #tpu.memory_space<vmem>>, vector<1x1x16xf32>,
      %swap3A_627 = vector.shape_cast %swap3A_626 : vector<1x1x16xf32> to vector<16xf32>
      %swap3A_628 = vector.shape_cast %broadcast_in_dim3A_622 : vector<16xf32> to vector<1x1x16xf32>
      tpu.vector_store %arg8[%swap3A_623, %swap3A_624, %swap3A_625], %swap3A_628 {strides = array<i32>} : memref<4x80x128xf32, #tpu.memory_space<vmem>>, vector<1x1x16xf32>,
      %broadcast_in_dim3A_629 = arith.constant 0.000000e+00 : f32
      %broadcast_in_dim3A_630 = vector.broadcast %broadcast_in_dim3A_629 : f32 to vector<16xf32>
      %swap3A_631 = arith.constant 3 : i32
      %swap3A_632 = arith.index_cast %swap3A_631 : i32 to index
      %swap3A_633 = arith.index_cast %scan3A_621 : i32 to index
      %swap3A_634 = arith.constant 16 : index
      %swap3A_635 = tpu.vector_load %arg8[%swap3A_632, %swap3A_633, %swap3A_634] {strides = array<i32>} : memref<4x80x128xf32, #tpu.memory_space<vmem>>, vector<1x1x16xf32>,
      %swap3A_636 = vector.shape_cast %swap3A_635 : vector<1x1x16xf32> to vector<16xf32>
      %swap3A_637 = vector.shape_cast %broadcast_in_dim3A_630 : vector<16xf32> to vector<1x1x16xf32>
      tpu.vector_store %arg8[%swap3A_632, %swap3A_633, %swap3A_634], %swap3A_637 {strides = array<i32>} : memref<4x80x128xf32, #tpu.memory_space<vmem>>, vector<1x1x16xf32>,
      %broadcast_in_dim3A_638 = arith.constant 0.000000e+00 : f32
      %broadcast_in_dim3A_639 = vector.broadcast %broadcast_in_dim3A_638 : f32 to vector<16xf32>
      %swap3A_640 = arith.constant 3 : i32
      %swap3A_641 = arith.index_cast %swap3A_640 : i32 to index
      %swap3A_642 = arith.index_cast %scan3A_621 : i32 to index
      %swap3A_643 = arith.constant 32 : index
      %swap3A_644 = tpu.vector_load %arg8[%swap3A_641, %swap3A_642, %swap3A_643] {strides = array<i32>} : memref<4x80x128xf32, #tpu.memory_space<vmem>>, vector<1x1x16xf32>,
      %swap3A_645 = vector.shape_cast %swap3A_644 : vector<1x1x16xf32> to vector<16xf32>
      %swap3A_646 = vector.shape_cast %broadcast_in_dim3A_639 : vector<16xf32> to vector<1x1x16xf32>
      tpu.vector_store %arg8[%swap3A_641, %swap3A_642, %swap3A_643], %swap3A_646 {strides = array<i32>} : memref<4x80x128xf32, #tpu.memory_space<vmem>>, vector<1x1x16xf32>,
      %broadcast_in_dim3A_647 = arith.constant 0.000000e+00 : f32
      %broadcast_in_dim3A_648 = vector.broadcast %broadcast_in_dim3A_647 : f32 to vector<16xf32>
      %swap3A_649 = arith.constant 3 : i32
      %swap3A_650 = arith.index_cast %swap3A_649 : i32 to index
      %swap3A_651 = arith.index_cast %scan3A_621 : i32 to index
      %swap3A_652 = arith.constant 48 : index
      %swap3A_653 = tpu.vector_load %arg8[%swap3A_650, %swap3A_651, %swap3A_652] {strides = array<i32>} : memref<4x80x128xf32, #tpu.memory_space<vmem>>, vector<1x1x16xf32>,
      %swap3A_654 = vector.shape_cast %swap3A_653 : vector<1x1x16xf32> to vector<16xf32>
      %swap3A_655 = vector.shape_cast %broadcast_in_dim3A_648 : vector<16xf32> to vector<1x1x16xf32>
      tpu.vector_store %arg8[%swap3A_650, %swap3A_651, %swap3A_652], %swap3A_655 {strides = array<i32>} : memref<4x80x128xf32, #tpu.memory_space<vmem>>, vector<1x1x16xf32>,
      %broadcast_in_dim3A_656 = arith.constant 0.000000e+00 : f32
      %broadcast_in_dim3A_657 = vector.broadcast %broadcast_in_dim3A_656 : f32 to vector<16xf32>
      %swap3A_658 = arith.constant 3 : i32
      %swap3A_659 = arith.index_cast %swap3A_658 : i32 to index
      %swap3A_660 = arith.index_cast %scan3A_621 : i32 to index
      %swap3A_661 = arith.constant 64 : index
      %swap3A_662 = tpu.vector_load %arg8[%swap3A_659, %swap3A_660, %swap3A_661] {strides = array<i32>} : memref<4x80x128xf32, #tpu.memory_space<vmem>>, vector<1x1x16xf32>,
      %swap3A_663 = vector.shape_cast %swap3A_662 : vector<1x1x16xf32> to vector<16xf32>
      %swap3A_664 = vector.shape_cast %broadcast_in_dim3A_657 : vector<16xf32> to vector<1x1x16xf32>
      tpu.vector_store %arg8[%swap3A_659, %swap3A_660, %swap3A_661], %swap3A_664 {strides = array<i32>} : memref<4x80x128xf32, #tpu.memory_space<vmem>>, vector<1x1x16xf32>,
      %broadcast_in_dim3A_665 = arith.constant 0.000000e+00 : f32
      %broadcast_in_dim3A_666 = vector.broadcast %broadcast_in_dim3A_665 : f32 to vector<16xf32>
      %swap3A_667 = arith.constant 3 : i32
      %swap3A_668 = arith.index_cast %swap3A_667 : i32 to index
      %swap3A_669 = arith.index_cast %scan3A_621 : i32 to index
      %swap3A_670 = arith.constant 80 : index
      %swap3A_671 = tpu.vector_load %arg8[%swap3A_668, %swap3A_669, %swap3A_670] {strides = array<i32>} : memref<4x80x128xf32, #tpu.memory_space<vmem>>, vector<1x1x16xf32>,
      %swap3A_672 = vector.shape_cast %swap3A_671 : vector<1x1x16xf32> to vector<16xf32>
      %swap3A_673 = vector.shape_cast %broadcast_in_dim3A_666 : vector<16xf32> to vector<1x1x16xf32>
      tpu.vector_store %arg8[%swap3A_668, %swap3A_669, %swap3A_670], %swap3A_673 {strides = array<i32>} : memref<4x80x128xf32, #tpu.memory_space<vmem>>, vector<1x1x16xf32>,
      %broadcast_in_dim3A_674 = arith.constant 0.000000e+00 : f32
      %broadcast_in_dim3A_675 = vector.broadcast %broadcast_in_dim3A_674 : f32 to vector<16xf32>
      %swap3A_676 = arith.constant 3 : i32
      %swap3A_677 = arith.index_cast %swap3A_676 : i32 to index
      %swap3A_678 = arith.index_cast %scan3A_621 : i32 to index
      %swap3A_679 = arith.constant 96 : index
      %swap3A_680 = tpu.vector_load %arg8[%swap3A_677, %swap3A_678, %swap3A_679] {strides = array<i32>} : memref<4x80x128xf32, #tpu.memory_space<vmem>>, vector<1x1x16xf32>,
      %swap3A_681 = vector.shape_cast %swap3A_680 : vector<1x1x16xf32> to vector<16xf32>
      %swap3A_682 = vector.shape_cast %broadcast_in_dim3A_675 : vector<16xf32> to vector<1x1x16xf32>
      tpu.vector_store %arg8[%swap3A_677, %swap3A_678, %swap3A_679], %swap3A_682 {strides = array<i32>} : memref<4x80x128xf32, #tpu.memory_space<vmem>>, vector<1x1x16xf32>,
      %broadcast_in_dim3A_683 = arith.constant 0.000000e+00 : f32
      %broadcast_in_dim3A_684 = vector.broadcast %broadcast_in_dim3A_683 : f32 to vector<16xf32>
      %swap3A_685 = arith.constant 3 : i32
      %swap3A_686 = arith.index_cast %swap3A_685 : i32 to index
      %swap3A_687 = arith.index_cast %scan3A_621 : i32 to index
      %swap3A_688 = arith.constant 112 : index
      %swap3A_689 = tpu.vector_load %arg8[%swap3A_686, %swap3A_687, %swap3A_688] {strides = array<i32>} : memref<4x80x128xf32, #tpu.memory_space<vmem>>, vector<1x1x16xf32>,
      %swap3A_690 = vector.shape_cast %swap3A_689 : vector<1x1x16xf32> to vector<16xf32>
      %swap3A_691 = vector.shape_cast %broadcast_in_dim3A_684 : vector<16xf32> to vector<1x1x16xf32>
      tpu.vector_store %arg8[%swap3A_686, %swap3A_687, %swap3A_688], %swap3A_691 {strides = array<i32>} : memref<4x80x128xf32, #tpu.memory_space<vmem>>, vector<1x1x16xf32>,
    }
    %scan3A_94 = arith.constant 80 : i32
    %mul3A_95 = arith.constant 640 : i32
    %mul3A_96 = arith.muli %arg1, %mul3A_95 : i32
    %add3A_97 = arith.constant 0 : i32
    %add3A_98 = arith.addi %mul3A_96, %add3A_97 : i32
    %dma_start3A_99 = arith.constant 3 : i32
    %dma_start3A_100 = arith.constant 0 : i32
    %dma_start3A_101 = arith.constant 0 : i32
    %dma_start3A_102 = tpu.memref_slice %arg8[%dma_start3A_99, %dma_start3A_100, %dma_start3A_101] : memref<4x80x128xf32, #tpu.memory_space<vmem>> -> memref<1x80x128xf32, #tpu.memory_space<vmem>>
    %dma_start3A_103 = tpu.memref_squeeze %dma_start3A_102 : memref<1x80x128xf32, #tpu.memory_space<vmem>> -> memref<80x128xf32, #tpu.memory_space<vmem>>
    %dma_start3A_104 = arith.constant 0 : i32
    %dma_start3A_105 = tpu.memref_slice %arg21[%add3A_98, %dma_start3A_104] : memref<10240x128xf32, #tpu.memory_space<vmem_shared>> -> memref<80x128xf32, #tpu.memory_space<vmem_shared>>
    %dma_start3A_106 = arith.constant 0 : i32
    %dma_start3A_107 = tpu.memref_slice %arg21[%add3A_98, %dma_start3A_106] : memref<10240x128xf32, #tpu.memory_space<vmem_shared>> -> memref<80x128xf32, #tpu.memory_space<vmem_shared>>
    %dma_start3A_108 = arith.constant 0 : i32
    %dma_start3A_109 = arith.constant 0 : i32
    %dma_start3A_110 = tpu.memref_slice %arg8[%dma_start3A_99, %dma_start3A_108, %dma_start3A_109] : memref<4x80x128xf32, #tpu.memory_space<vmem>> -> memref<1x80x128xf32, #tpu.memory_space<vmem>>
    %dma_start3A_111 = tpu.memref_squeeze %dma_start3A_110 : memref<1x80x128xf32, #tpu.memory_space<vmem>> -> memref<80x128xf32, #tpu.memory_space<vmem>>
    tpu.enqueue_dma source(%dma_start3A_111 : memref<80x128xf32, #tpu.memory_space<vmem>>) target(%dma_start3A_107 : memref<80x128xf32, #tpu.memory_space<vmem_shared>>) target_semaphore(%arg17 : memref<!tpu.dma_semaphore, #tpu.memory_space<semaphore_mem>>)
    %mul3A_112 = arith.constant 640 : i32
    %mul3A_113 = arith.muli %arg1, %mul3A_112 : i32
    %add3A_114 = arith.constant 80 : i32
    %add3A_115 = arith.addi %mul3A_113, %add3A_114 : i32
    %dma_start3A_116 = arith.constant 3 : i32
    %dma_start3A_117 = arith.constant 0 : i32
    %dma_start3A_118 = arith.constant 0 : i32
    %dma_start3A_119 = tpu.memref_slice %arg8[%dma_start3A_116, %dma_start3A_117, %dma_start3A_118] : memref<4x80x128xf32, #tpu.memory_space<vmem>> -> memref<1x80x128xf32, #tpu.memory_space<vmem>>
    %dma_start3A_120 = tpu.memref_squeeze %dma_start3A_119 : memref<1x80x128xf32, #tpu.memory_space<vmem>> -> memref<80x128xf32, #tpu.memory_space<vmem>>
    %dma_start3A_121 = arith.constant 0 : i32
    %dma_start3A_122 = tpu.memref_slice %arg21[%add3A_115, %dma_start3A_121] : memref<10240x128xf32, #tpu.memory_space<vmem_shared>> -> memref<80x128xf32, #tpu.memory_space<vmem_shared>>
    %dma_start3A_123 = arith.constant 0 : i32
    %dma_start3A_124 = tpu.memref_slice %arg21[%add3A_115, %dma_start3A_123] : memref<10240x128xf32, #tpu.memory_space<vmem_shared>> -> memref<80x128xf32, #tpu.memory_space<vmem_shared>>
    %dma_start3A_125 = arith.constant 0 : i32
    %dma_start3A_126 = arith.constant 0 : i32
    %dma_start3A_127 = tpu.memref_slice %arg8[%dma_start3A_116, %dma_start3A_125, %dma_start3A_126] : memref<4x80x128xf32, #tpu.memory_space<vmem>> -> memref<1x80x128xf32, #tpu.memory_space<vmem>>
    %dma_start3A_128 = tpu.memref_squeeze %dma_start3A_127 : memref<1x80x128xf32, #tpu.memory_space<vmem>> -> memref<80x128xf32, #tpu.memory_space<vmem>>
    tpu.enqueue_dma source(%dma_start3A_128 : memref<80x128xf32, #tpu.memory_space<vmem>>) target(%dma_start3A_124 : memref<80x128xf32, #tpu.memory_space<vmem_shared>>) target_semaphore(%arg18 : memref<!tpu.dma_semaphore, #tpu.memory_space<semaphore_mem>>)
    %mul3A_129 = arith.constant 640 : i32
    %mul3A_130 = arith.muli %arg1, %mul3A_129 : i32
    %add3A_131 = arith.constant 160 : i32
    %add3A_132 = arith.addi %mul3A_130, %add3A_131 : i32
    %dma_start3A_133 = arith.constant 3 : i32
    %dma_start3A_134 = arith.constant 0 : i32
    %dma_start3A_135 = arith.constant 0 : i32
    %dma_start3A_136 = tpu.memref_slice %arg8[%dma_start3A_133, %dma_start3A_134, %dma_start3A_135] : memref<4x80x128xf32, #tpu.memory_space<vmem>> -> memref<1x80x128xf32, #tpu.memory_space<vmem>>
    %dma_start3A_137 = tpu.memref_squeeze %dma_start3A_136 : memref<1x80x128xf32, #tpu.memory_space<vmem>> -> memref<80x128xf32, #tpu.memory_space<vmem>>
    %dma_start3A_138 = arith.constant 0 : i32
    %dma_start3A_139 = tpu.memref_slice %arg21[%add3A_132, %dma_start3A_138] : memref<10240x128xf32, #tpu.memory_space<vmem_shared>> -> memref<80x128xf32, #tpu.memory_space<vmem_shared>>
    %dma_start3A_140 = arith.constant 0 : i32
    %dma_start3A_141 = tpu.memref_slice %arg21[%add3A_132, %dma_start3A_140] : memref<10240x128xf32, #tpu.memory_space<vmem_shared>> -> memref<80x128xf32, #tpu.memory_space<vmem_shared>>
    %dma_start3A_142 = arith.constant 0 : i32
    %dma_start3A_143 = arith.constant 0 : i32
    %dma_start3A_144 = tpu.memref_slice %arg8[%dma_start3A_133, %dma_start3A_142, %dma_start3A_143] : memref<4x80x128xf32, #tpu.memory_space<vmem>> -> memref<1x80x128xf32, #tpu.memory_space<vmem>>
    %dma_start3A_145 = tpu.memref_squeeze %dma_start3A_144 : memref<1x80x128xf32, #tpu.memory_space<vmem>> -> memref<80x128xf32, #tpu.memory_space<vmem>>
    tpu.enqueue_dma source(%dma_start3A_145 : memref<80x128xf32, #tpu.memory_space<vmem>>) target(%dma_start3A_141 : memref<80x128xf32, #tpu.memory_space<vmem_shared>>) target_semaphore(%arg19 : memref<!tpu.dma_semaphore, #tpu.memory_space<semaphore_mem>>)
    %mul3A_146 = arith.constant 640 : i32
    %mul3A_147 = arith.muli %arg1, %mul3A_146 : i32
    %add3A_148 = arith.constant 240 : i32
    %add3A_149 = arith.addi %mul3A_147, %add3A_148 : i32
    %dma_start3A_150 = arith.constant 3 : i32
    %dma_start3A_151 = arith.constant 0 : i32
    %dma_start3A_152 = arith.constant 0 : i32
    %dma_start3A_153 = tpu.memref_slice %arg8[%dma_start3A_150, %dma_start3A_151, %dma_start3A_152] : memref<4x80x128xf32, #tpu.memory_space<vmem>> -> memref<1x80x128xf32, #tpu.memory_space<vmem>>
    %dma_start3A_154 = tpu.memref_squeeze %dma_start3A_153 : memref<1x80x128xf32, #tpu.memory_space<vmem>> -> memref<80x128xf32, #tpu.memory_space<vmem>>
    %dma_start3A_155 = arith.constant 0 : i32
    %dma_start3A_156 = tpu.memref_slice %arg21[%add3A_149, %dma_start3A_155] : memref<10240x128xf32, #tpu.memory_space<vmem_shared>> -> memref<80x128xf32, #tpu.memory_space<vmem_shared>>
    %dma_start3A_157 = arith.constant 0 : i32
    %dma_start3A_158 = tpu.memref_slice %arg21[%add3A_149, %dma_start3A_157] : memref<10240x128xf32, #tpu.memory_space<vmem_shared>> -> memref<80x128xf32, #tpu.memory_space<vmem_shared>>
    %dma_start3A_159 = arith.constant 0 : i32
    %dma_start3A_160 = arith.constant 0 : i32
    %dma_start3A_161 = tpu.memref_slice %arg8[%dma_start3A_150, %dma_start3A_159, %dma_start3A_160] : memref<4x80x128xf32, #tpu.memory_space<vmem>> -> memref<1x80x128xf32, #tpu.memory_space<vmem>>
    %dma_start3A_162 = tpu.memref_squeeze %dma_start3A_161 : memref<1x80x128xf32, #tpu.memory_space<vmem>> -> memref<80x128xf32, #tpu.memory_space<vmem>>
    tpu.enqueue_dma source(%dma_start3A_162 : memref<80x128xf32, #tpu.memory_space<vmem>>) target(%dma_start3A_158 : memref<80x128xf32, #tpu.memory_space<vmem_shared>>) target_semaphore(%arg20 : memref<!tpu.dma_semaphore, #tpu.memory_space<semaphore_mem>>)
    %mul3A_163 = arith.constant 640 : i32
    %mul3A_164 = arith.muli %arg1, %mul3A_163 : i32
    %add3A_165 = arith.constant 320 : i32
    %add3A_166 = arith.addi %mul3A_164, %add3A_165 : i32
    %dma_start3A_167 = arith.constant 3 : i32
    %dma_start3A_168 = arith.constant 0 : i32
    %dma_start3A_169 = arith.constant 0 : i32
    %dma_start3A_170 = tpu.memref_slice %arg8[%dma_start3A_167, %dma_start3A_168, %dma_start3A_169] : memref<4x80x128xf32, #tpu.memory_space<vmem>> -> memref<1x80x128xf32, #tpu.memory_space<vmem>>
    %dma_start3A_171 = tpu.memref_squeeze %dma_start3A_170 : memref<1x80x128xf32, #tpu.memory_space<vmem>> -> memref<80x128xf32, #tpu.memory_space<vmem>>
    %dma_start3A_172 = arith.constant 0 : i32
    %dma_start3A_173 = tpu.memref_slice %arg21[%add3A_166, %dma_start3A_172] : memref<10240x128xf32, #tpu.memory_space<vmem_shared>> -> memref<80x128xf32, #tpu.memory_space<vmem_shared>>
    %dma_start3A_174 = arith.constant 0 : i32
    %dma_start3A_175 = tpu.memref_slice %arg21[%add3A_166, %dma_start3A_174] : memref<10240x128xf32, #tpu.memory_space<vmem_shared>> -> memref<80x128xf32, #tpu.memory_space<vmem_shared>>
    %dma_start3A_176 = arith.constant 0 : i32
    %dma_start3A_177 = arith.constant 0 : i32
    %dma_start3A_178 = tpu.memref_slice %arg8[%dma_start3A_167, %dma_start3A_176, %dma_start3A_177] : memref<4x80x128xf32, #tpu.memory_space<vmem>> -> memref<1x80x128xf32, #tpu.memory_space<vmem>>
    %dma_start3A_179 = tpu.memref_squeeze %dma_start3A_178 : memref<1x80x128xf32, #tpu.memory_space<vmem>> -> memref<80x128xf32, #tpu.memory_space<vmem>>
    tpu.enqueue_dma source(%dma_start3A_179 : memref<80x128xf32, #tpu.memory_space<vmem>>) target(%dma_start3A_175 : memref<80x128xf32, #tpu.memory_space<vmem_shared>>) target_semaphore(%arg17 : memref<!tpu.dma_semaphore, #tpu.memory_space<semaphore_mem>>)
    %mul3A_180 = arith.constant 640 : i32
    %mul3A_181 = arith.muli %arg1, %mul3A_180 : i32
    %add3A_182 = arith.constant 400 : i32
    %add3A_183 = arith.addi %mul3A_181, %add3A_182 : i32
    %dma_start3A_184 = arith.constant 3 : i32
    %dma_start3A_185 = arith.constant 0 : i32
    %dma_start3A_186 = arith.constant 0 : i32
    %dma_start3A_187 = tpu.memref_slice %arg8[%dma_start3A_184, %dma_start3A_185, %dma_start3A_186] : memref<4x80x128xf32, #tpu.memory_space<vmem>> -> memref<1x80x128xf32, #tpu.memory_space<vmem>>
    %dma_start3A_188 = tpu.memref_squeeze %dma_start3A_187 : memref<1x80x128xf32, #tpu.memory_space<vmem>> -> memref<80x128xf32, #tpu.memory_space<vmem>>
    %dma_start3A_189 = arith.constant 0 : i32
    %dma_start3A_190 = tpu.memref_slice %arg21[%add3A_183, %dma_start3A_189] : memref<10240x128xf32, #tpu.memory_space<vmem_shared>> -> memref<80x128xf32, #tpu.memory_space<vmem_shared>>
    %dma_start3A_191 = arith.constant 0 : i32
    %dma_start3A_192 = tpu.memref_slice %arg21[%add3A_183, %dma_start3A_191] : memref<10240x128xf32, #tpu.memory_space<vmem_shared>> -> memref<80x128xf32, #tpu.memory_space<vmem_shared>>
    %dma_start3A_193 = arith.constant 0 : i32
    %dma_start3A_194 = arith.constant 0 : i32
    %dma_start3A_195 = tpu.memref_slice %arg8[%dma_start3A_184, %dma_start3A_193, %dma_start3A_194] : memref<4x80x128xf32, #tpu.memory_space<vmem>> -> memref<1x80x128xf32, #tpu.memory_space<vmem>>
    %dma_start3A_196 = tpu.memref_squeeze %dma_start3A_195 : memref<1x80x128xf32, #tpu.memory_space<vmem>> -> memref<80x128xf32, #tpu.memory_space<vmem>>
    tpu.enqueue_dma source(%dma_start3A_196 : memref<80x128xf32, #tpu.memory_space<vmem>>) target(%dma_start3A_192 : memref<80x128xf32, #tpu.memory_space<vmem_shared>>) target_semaphore(%arg18 : memref<!tpu.dma_semaphore, #tpu.memory_space<semaphore_mem>>)
    %mul3A_197 = arith.constant 640 : i32
    %mul3A_198 = arith.muli %arg1, %mul3A_197 : i32
    %add3A_199 = arith.constant 480 : i32
    %add3A_200 = arith.addi %mul3A_198, %add3A_199 : i32
    %dma_start3A_201 = arith.constant 3 : i32
    %dma_start3A_202 = arith.constant 0 : i32
    %dma_start3A_203 = arith.constant 0 : i32
    %dma_start3A_204 = tpu.memref_slice %arg8[%dma_start3A_201, %dma_start3A_202, %dma_start3A_203] : memref<4x80x128xf32, #tpu.memory_space<vmem>> -> memref<1x80x128xf32, #tpu.memory_space<vmem>>
    %dma_start3A_205 = tpu.memref_squeeze %dma_start3A_204 : memref<1x80x128xf32, #tpu.memory_space<vmem>> -> memref<80x128xf32, #tpu.memory_space<vmem>>
    %dma_start3A_206 = arith.constant 0 : i32
    %dma_start3A_207 = tpu.memref_slice %arg21[%add3A_200, %dma_start3A_206] : memref<10240x128xf32, #tpu.memory_space<vmem_shared>> -> memref<80x128xf32, #tpu.memory_space<vmem_shared>>
    %dma_start3A_208 = arith.constant 0 : i32
    %dma_start3A_209 = tpu.memref_slice %arg21[%add3A_200, %dma_start3A_208] : memref<10240x128xf32, #tpu.memory_space<vmem_shared>> -> memref<80x128xf32, #tpu.memory_space<vmem_shared>>
    %dma_start3A_210 = arith.constant 0 : i32
    %dma_start3A_211 = arith.constant 0 : i32
    %dma_start3A_212 = tpu.memref_slice %arg8[%dma_start3A_201, %dma_start3A_210, %dma_start3A_211] : memref<4x80x128xf32, #tpu.memory_space<vmem>> -> memref<1x80x128xf32, #tpu.memory_space<vmem>>
    %dma_start3A_213 = tpu.memref_squeeze %dma_start3A_212 : memref<1x80x128xf32, #tpu.memory_space<vmem>> -> memref<80x128xf32, #tpu.memory_space<vmem>>
    tpu.enqueue_dma source(%dma_start3A_213 : memref<80x128xf32, #tpu.memory_space<vmem>>) target(%dma_start3A_209 : memref<80x128xf32, #tpu.memory_space<vmem_shared>>) target_semaphore(%arg19 : memref<!tpu.dma_semaphore, #tpu.memory_space<semaphore_mem>>)
    %mul3A_214 = arith.constant 640 : i32
    %mul3A_215 = arith.muli %arg1, %mul3A_214 : i32
    %add3A_216 = arith.constant 560 : i32
    %add3A_217 = arith.addi %mul3A_215, %add3A_216 : i32
    %dma_start3A_218 = arith.constant 3 : i32
    %dma_start3A_219 = arith.constant 0 : i32
    %dma_start3A_220 = arith.constant 0 : i32
    %dma_start3A_221 = tpu.memref_slice %arg8[%dma_start3A_218, %dma_start3A_219, %dma_start3A_220] : memref<4x80x128xf32, #tpu.memory_space<vmem>> -> memref<1x80x128xf32, #tpu.memory_space<vmem>>
    %dma_start3A_222 = tpu.memref_squeeze %dma_start3A_221 : memref<1x80x128xf32, #tpu.memory_space<vmem>> -> memref<80x128xf32, #tpu.memory_space<vmem>>
    %dma_start3A_223 = arith.constant 0 : i32
    %dma_start3A_224 = tpu.memref_slice %arg21[%add3A_217, %dma_start3A_223] : memref<10240x128xf32, #tpu.memory_space<vmem_shared>> -> memref<80x128xf32, #tpu.memory_space<vmem_shared>>
    %dma_start3A_225 = arith.constant 0 : i32
    %dma_start3A_226 = tpu.memref_slice %arg21[%add3A_217, %dma_start3A_225] : memref<10240x128xf32, #tpu.memory_space<vmem_shared>> -> memref<80x128xf32, #tpu.memory_space<vmem_shared>>
    %dma_start3A_227 = arith.constant 0 : i32
    %dma_start3A_228 = arith.constant 0 : i32
    %dma_start3A_229 = tpu.memref_slice %arg8[%dma_start3A_218, %dma_start3A_227, %dma_start3A_228] : memref<4x80x128xf32, #tpu.memory_space<vmem>> -> memref<1x80x128xf32, #tpu.memory_space<vmem>>
    %dma_start3A_230 = tpu.memref_squeeze %dma_start3A_229 : memref<1x80x128xf32, #tpu.memory_space<vmem>> -> memref<80x128xf32, #tpu.memory_space<vmem>>
    tpu.enqueue_dma source(%dma_start3A_230 : memref<80x128xf32, #tpu.memory_space<vmem>>) target(%dma_start3A_226 : memref<80x128xf32, #tpu.memory_space<vmem_shared>>) target_semaphore(%arg20 : memref<!tpu.dma_semaphore, #tpu.memory_space<semaphore_mem>>)
    %dma_wait3A = arith.constant 0 : i32
    %dma_wait3A_231 = arith.constant 0 : i32
    %dma_wait3A_232 = tpu.memref_slice %arg6[%dma_wait3A, %dma_wait3A_231] : memref<8x80xi32, #tpu.memory_space<vmem>> -> memref<1x80xi32, #tpu.memory_space<vmem>>
    %dma_wait3A_233 = tpu.memref_squeeze %dma_wait3A_232 : memref<1x80xi32, #tpu.memory_space<vmem>> -> memref<80xi32, #tpu.memory_space<vmem>>
    %dma_wait3A_234 = arith.constant 0 : i32
    %dma_wait3A_235 = tpu.memref_slice %arg3[%dma_wait3A_234] : memref<320000xi32, #tpu.memory_space<hbm>> -> memref<80xi32, #tpu.memory_space<hbm>>
    %dma_wait3A_236 = arith.constant 0 : i32
    %dma_wait3A_237 = tpu.memref_slice %arg6[%dma_wait3A, %dma_wait3A_236] : memref<8x80xi32, #tpu.memory_space<vmem>> -> memref<1x80xi32, #tpu.memory_space<vmem>>
    %dma_wait3A_238 = tpu.memref_squeeze %dma_wait3A_237 : memref<1x80xi32, #tpu.memory_space<vmem>> -> memref<80xi32, #tpu.memory_space<vmem>>
    %dma_wait3A_239 = arith.constant 0 : i32
    %dma_wait3A_240 = tpu.memref_slice %arg3[%dma_wait3A_239] : memref<320000xi32, #tpu.memory_space<hbm>> -> memref<80xi32, #tpu.memory_space<hbm>>
    tpu.wait_dma2 semaphore(%arg9 : memref<!tpu.dma_semaphore, #tpu.memory_space<semaphore_mem>>) src(%dma_wait3A_240 : memref<80xi32, #tpu.memory_space<hbm>>) dst(%dma_wait3A_238 : memref<80xi32, #tpu.memory_space<vmem>>)
    %dma_wait3A_241 = arith.constant 0 : i32
    %dma_wait3A_242 = arith.constant 0 : i32
    %dma_wait3A_243 = tpu.memref_slice %arg7[%dma_wait3A_241, %dma_wait3A_242] : memref<8x80xi32, #tpu.memory_space<vmem>> -> memref<1x80xi32, #tpu.memory_space<vmem>>
    %dma_wait3A_244 = tpu.memref_squeeze %dma_wait3A_243 : memref<1x80xi32, #tpu.memory_space<vmem>> -> memref<80xi32, #tpu.memory_space<vmem>>
    %dma_wait3A_245 = arith.constant 0 : i32
    %dma_wait3A_246 = tpu.memref_slice %arg4[%dma_wait3A_245] : memref<320000xi32, #tpu.memory_space<hbm>> -> memref<80xi32, #tpu.memory_space<hbm>>
    %dma_wait3A_247 = arith.constant 0 : i32
    %dma_wait3A_248 = tpu.memref_slice %arg7[%dma_wait3A_241, %dma_wait3A_247] : memref<8x80xi32, #tpu.memory_space<vmem>> -> memref<1x80xi32, #tpu.memory_space<vmem>>
    %dma_wait3A_249 = tpu.memref_squeeze %dma_wait3A_248 : memref<1x80xi32, #tpu.memory_space<vmem>> -> memref<80xi32, #tpu.memory_space<vmem>>
    %dma_wait3A_250 = arith.constant 0 : i32
    %dma_wait3A_251 = tpu.memref_slice %arg4[%dma_wait3A_250] : memref<320000xi32, #tpu.memory_space<hbm>> -> memref<80xi32, #tpu.memory_space<hbm>>
    tpu.wait_dma2 semaphore(%arg9 : memref<!tpu.dma_semaphore, #tpu.memory_space<semaphore_mem>>) src(%dma_wait3A_251 : memref<80xi32, #tpu.memory_space<hbm>>) dst(%dma_wait3A_249 : memref<80xi32, #tpu.memory_space<vmem>>)
    %dma_start3A_252 = arith.constant 0 : i32
    %dma_start3A_253 = arith.constant 0 : i32
    %dma_start3A_254 = arith.constant 0 : i32
    %dma_start3A_255 = arith.constant 0 : i32
    %dma_start3A_256 = tpu.memref_slice %arg8[%dma_start3A_253, %dma_start3A_254, %dma_start3A_255] : memref<4x80x128xf32, #tpu.memory_space<vmem>> -> memref<1x80x128xf32, #tpu.memory_space<vmem>>
    %dma_start3A_257 = tpu.memref_squeeze %dma_start3A_256 : memref<1x80x128xf32, #tpu.memory_space<vmem>> -> memref<80x128xf32, #tpu.memory_space<vmem>>
    %dma_start3A_258 = arith.constant 0 : i32
    %dma_start3A_259 = tpu.memref_slice %arg6[%dma_start3A_252, %dma_start3A_258] : memref<8x80xi32, #tpu.memory_space<vmem>> -> memref<1x80xi32, #tpu.memory_space<vmem>>
    %dma_start3A_260 = tpu.memref_squeeze %dma_start3A_259 : memref<1x80xi32, #tpu.memory_space<vmem>> -> memref<80xi32, #tpu.memory_space<vmem>>
    %dma_start3A_261 = arith.constant 0 : i32
    %dma_start3A_262 = arith.constant 0 : i32
    %dma_start3A_263 = tpu.memref_slice %arg2[%dma_start3A_261, %dma_start3A_262] : memref<10000x128xf32, #tpu.memory_space<hbm>> -> memref<10000x128xf32, #tpu.memory_space<hbm>>
    tpu.enqueue_indirect_dma source(%dma_start3A_263 : memref<10000x128xf32, #tpu.memory_space<hbm>>) target(%dma_start3A_257 : memref<80x128xf32, #tpu.memory_space<vmem>>) offsets(%dma_start3A_260 : memref<80xi32, #tpu.memory_space<vmem>>) semaphore(%arg13 : memref<!tpu.dma_semaphore, #tpu.memory_space<semaphore_mem>>)
    %dma_wait3A_264 = arith.constant 0 : i32
    %dma_wait3A_265 = arith.constant 0 : i32
    %dma_wait3A_266 = tpu.memref_slice %arg6[%dma_wait3A_264, %dma_wait3A_265] : memref<8x80xi32, #tpu.memory_space<vmem>> -> memref<1x80xi32, #tpu.memory_space<vmem>>
    %dma_wait3A_267 = tpu.memref_squeeze %dma_wait3A_266 : memref<1x80xi32, #tpu.memory_space<vmem>> -> memref<80xi32, #tpu.memory_space<vmem>>
    %dma_wait3A_268 = arith.constant 0 : i32
    %dma_wait3A_269 = tpu.memref_slice %arg3[%dma_wait3A_268] : memref<320000xi32, #tpu.memory_space<hbm>> -> memref<80xi32, #tpu.memory_space<hbm>>
    %dma_wait3A_270 = arith.constant 0 : i32
    %dma_wait3A_271 = tpu.memref_slice %arg6[%dma_wait3A_264, %dma_wait3A_270] : memref<8x80xi32, #tpu.memory_space<vmem>> -> memref<1x80xi32, #tpu.memory_space<vmem>>
    %dma_wait3A_272 = tpu.memref_squeeze %dma_wait3A_271 : memref<1x80xi32, #tpu.memory_space<vmem>> -> memref<80xi32, #tpu.memory_space<vmem>>
    %dma_wait3A_273 = arith.constant 0 : i32
    %dma_wait3A_274 = tpu.memref_slice %arg3[%dma_wait3A_273] : memref<320000xi32, #tpu.memory_space<hbm>> -> memref<80xi32, #tpu.memory_space<hbm>>
    tpu.wait_dma2 semaphore(%arg10 : memref<!tpu.dma_semaphore, #tpu.memory_space<semaphore_mem>>) src(%dma_wait3A_274 : memref<80xi32, #tpu.memory_space<hbm>>) dst(%dma_wait3A_272 : memref<80xi32, #tpu.memory_space<vmem>>)
    %dma_wait3A_275 = arith.constant 0 : i32
    %dma_wait3A_276 = arith.constant 0 : i32
    %dma_wait3A_277 = tpu.memref_slice %arg7[%dma_wait3A_275, %dma_wait3A_276] : memref<8x80xi32, #tpu.memory_space<vmem>> -> memref<1x80xi32, #tpu.memory_space<vmem>>
    %dma_wait3A_278 = tpu.memref_squeeze %dma_wait3A_277 : memref<1x80xi32, #tpu.memory_space<vmem>> -> memref<80xi32, #tpu.memory_space<vmem>>
    %dma_wait3A_279 = arith.constant 0 : i32
    %dma_wait3A_280 = tpu.memref_slice %arg4[%dma_wait3A_279] : memref<320000xi32, #tpu.memory_space<hbm>> -> memref<80xi32, #tpu.memory_space<hbm>>
    %dma_wait3A_281 = arith.constant 0 : i32
    %dma_wait3A_282 = tpu.memref_slice %arg7[%dma_wait3A_275, %dma_wait3A_281] : memref<8x80xi32, #tpu.memory_space<vmem>> -> memref<1x80xi32, #tpu.memory_space<vmem>>
    %dma_wait3A_283 = tpu.memref_squeeze %dma_wait3A_282 : memref<1x80xi32, #tpu.memory_space<vmem>> -> memref<80xi32, #tpu.memory_space<vmem>>
    %dma_wait3A_284 = arith.constant 0 : i32
    %dma_wait3A_285 = tpu.memref_slice %arg4[%dma_wait3A_284] : memref<320000xi32, #tpu.memory_space<hbm>> -> memref<80xi32, #tpu.memory_space<hbm>>
    tpu.wait_dma2 semaphore(%arg10 : memref<!tpu.dma_semaphore, #tpu.memory_space<semaphore_mem>>) src(%dma_wait3A_285 : memref<80xi32, #tpu.memory_space<hbm>>) dst(%dma_wait3A_283 : memref<80xi32, #tpu.memory_space<vmem>>)
    %dma_start3A_286 = arith.constant 1 : i32
    %dma_start3A_287 = arith.constant 1 : i32
    %dma_start3A_288 = arith.constant 0 : i32
    %dma_start3A_289 = arith.constant 0 : i32
    %dma_start3A_290 = tpu.memref_slice %arg8[%dma_start3A_287, %dma_start3A_288, %dma_start3A_289] : memref<4x80x128xf32, #tpu.memory_space<vmem>> -> memref<1x80x128xf32, #tpu.memory_space<vmem>>
    %dma_start3A_291 = tpu.memref_squeeze %dma_start3A_290 : memref<1x80x128xf32, #tpu.memory_space<vmem>> -> memref<80x128xf32, #tpu.memory_space<vmem>>
    %dma_start3A_292 = arith.constant 0 : i32
    %dma_start3A_293 = tpu.memref_slice %arg6[%dma_start3A_286, %dma_start3A_292] : memref<8x80xi32, #tpu.memory_space<vmem>> -> memref<1x80xi32, #tpu.memory_space<vmem>>
    %dma_start3A_294 = tpu.memref_squeeze %dma_start3A_293 : memref<1x80xi32, #tpu.memory_space<vmem>> -> memref<80xi32, #tpu.memory_space<vmem>>
    %dma_start3A_295 = arith.constant 0 : i32
    %dma_start3A_296 = arith.constant 0 : i32
    %dma_start3A_297 = tpu.memref_slice %arg2[%dma_start3A_295, %dma_start3A_296] : memref<10000x128xf32, #tpu.memory_space<hbm>> -> memref<10000x128xf32, #tpu.memory_space<hbm>>
    tpu.enqueue_indirect_dma source(%dma_start3A_297 : memref<10000x128xf32, #tpu.memory_space<hbm>>) target(%dma_start3A_291 : memref<80x128xf32, #tpu.memory_space<vmem>>) offsets(%dma_start3A_294 : memref<80xi32, #tpu.memory_space<vmem>>) semaphore(%arg14 : memref<!tpu.dma_semaphore, #tpu.memory_space<semaphore_mem>>)
    %dma_wait3A_298 = arith.constant 3 : i32
    %dma_wait3A_299 = arith.constant 0 : i32
    %dma_wait3A_300 = arith.constant 0 : i32
    %dma_wait3A_301 = tpu.memref_slice %arg8[%dma_wait3A_298, %dma_wait3A_299, %dma_wait3A_300] : memref<4x80x128xf32, #tpu.memory_space<vmem>> -> memref<1x80x128xf32, #tpu.memory_space<vmem>>
    %dma_wait3A_302 = tpu.memref_squeeze %dma_wait3A_301 : memref<1x80x128xf32, #tpu.memory_space<vmem>> -> memref<80x128xf32, #tpu.memory_space<vmem>>
    %dma_wait3A_303 = arith.constant 0 : i32
    %dma_wait3A_304 = tpu.memref_slice %arg21[%add3A_98, %dma_wait3A_303] : memref<10240x128xf32, #tpu.memory_space<vmem_shared>> -> memref<80x128xf32, #tpu.memory_space<vmem_shared>>
    %dma_wait3A_305 = arith.constant 0 : i32
    %dma_wait3A_306 = tpu.memref_slice %arg21[%add3A_98, %dma_wait3A_305] : memref<10240x128xf32, #tpu.memory_space<vmem_shared>> -> memref<80x128xf32, #tpu.memory_space<vmem_shared>>
    %dma_wait3A_307 = arith.constant 0 : i32
    %dma_wait3A_308 = arith.constant 0 : i32
    %dma_wait3A_309 = tpu.memref_slice %arg8[%dma_wait3A_298, %dma_wait3A_307, %dma_wait3A_308] : memref<4x80x128xf32, #tpu.memory_space<vmem>> -> memref<1x80x128xf32, #tpu.memory_space<vmem>>
    %dma_wait3A_310 = tpu.memref_squeeze %dma_wait3A_309 : memref<1x80x128xf32, #tpu.memory_space<vmem>> -> memref<80x128xf32, #tpu.memory_space<vmem>>
    tpu.wait_dma2 semaphore(%arg17 : memref<!tpu.dma_semaphore, #tpu.memory_space<semaphore_mem>>) src(%dma_wait3A_310 : memref<80x128xf32, #tpu.memory_space<vmem>>) dst(%dma_wait3A_306 : memref<80x128xf32, #tpu.memory_space<vmem_shared>>)
    %dma_wait3A_311 = arith.constant 3 : i32
    %dma_wait3A_312 = arith.constant 0 : i32
    %dma_wait3A_313 = arith.constant 0 : i32
    %dma_wait3A_314 = tpu.memref_slice %arg8[%dma_wait3A_311, %dma_wait3A_312, %dma_wait3A_313] : memref<4x80x128xf32, #tpu.memory_space<vmem>> -> memref<1x80x128xf32, #tpu.memory_space<vmem>>
    %dma_wait3A_315 = tpu.memref_squeeze %dma_wait3A_314 : memref<1x80x128xf32, #tpu.memory_space<vmem>> -> memref<80x128xf32, #tpu.memory_space<vmem>>
    %dma_wait3A_316 = arith.constant 0 : i32
    %dma_wait3A_317 = tpu.memref_slice %arg21[%add3A_115, %dma_wait3A_316] : memref<10240x128xf32, #tpu.memory_space<vmem_shared>> -> memref<80x128xf32, #tpu.memory_space<vmem_shared>>
    %dma_wait3A_318 = arith.constant 0 : i32
    %dma_wait3A_319 = tpu.memref_slice %arg21[%add3A_115, %dma_wait3A_318] : memref<10240x128xf32, #tpu.memory_space<vmem_shared>> -> memref<80x128xf32, #tpu.memory_space<vmem_shared>>
    %dma_wait3A_320 = arith.constant 0 : i32
    %dma_wait3A_321 = arith.constant 0 : i32
    %dma_wait3A_322 = tpu.memref_slice %arg8[%dma_wait3A_311, %dma_wait3A_320, %dma_wait3A_321] : memref<4x80x128xf32, #tpu.memory_space<vmem>> -> memref<1x80x128xf32, #tpu.memory_space<vmem>>
    %dma_wait3A_323 = tpu.memref_squeeze %dma_wait3A_322 : memref<1x80x128xf32, #tpu.memory_space<vmem>> -> memref<80x128xf32, #tpu.memory_space<vmem>>
    tpu.wait_dma2 semaphore(%arg18 : memref<!tpu.dma_semaphore, #tpu.memory_space<semaphore_mem>>) src(%dma_wait3A_323 : memref<80x128xf32, #tpu.memory_space<vmem>>) dst(%dma_wait3A_319 : memref<80x128xf32, #tpu.memory_space<vmem_shared>>)
    %dma_wait3A_324 = arith.constant 3 : i32
    %dma_wait3A_325 = arith.constant 0 : i32
    %dma_wait3A_326 = arith.constant 0 : i32
    %dma_wait3A_327 = tpu.memref_slice %arg8[%dma_wait3A_324, %dma_wait3A_325, %dma_wait3A_326] : memref<4x80x128xf32, #tpu.memory_space<vmem>> -> memref<1x80x128xf32, #tpu.memory_space<vmem>>
    %dma_wait3A_328 = tpu.memref_squeeze %dma_wait3A_327 : memref<1x80x128xf32, #tpu.memory_space<vmem>> -> memref<80x128xf32, #tpu.memory_space<vmem>>
    %dma_wait3A_329 = arith.constant 0 : i32
    %dma_wait3A_330 = tpu.memref_slice %arg21[%add3A_132, %dma_wait3A_329] : memref<10240x128xf32, #tpu.memory_space<vmem_shared>> -> memref<80x128xf32, #tpu.memory_space<vmem_shared>>
    %dma_wait3A_331 = arith.constant 0 : i32
    %dma_wait3A_332 = tpu.memref_slice %arg21[%add3A_132, %dma_wait3A_331] : memref<10240x128xf32, #tpu.memory_space<vmem_shared>> -> memref<80x128xf32, #tpu.memory_space<vmem_shared>>
    %dma_wait3A_333 = arith.constant 0 : i32
    %dma_wait3A_334 = arith.constant 0 : i32
    %dma_wait3A_335 = tpu.memref_slice %arg8[%dma_wait3A_324, %dma_wait3A_333, %dma_wait3A_334] : memref<4x80x128xf32, #tpu.memory_space<vmem>> -> memref<1x80x128xf32, #tpu.memory_space<vmem>>
    %dma_wait3A_336 = tpu.memref_squeeze %dma_wait3A_335 : memref<1x80x128xf32, #tpu.memory_space<vmem>> -> memref<80x128xf32, #tpu.memory_space<vmem>>
    tpu.wait_dma2 semaphore(%arg19 : memref<!tpu.dma_semaphore, #tpu.memory_space<semaphore_mem>>) src(%dma_wait3A_336 : memref<80x128xf32, #tpu.memory_space<vmem>>) dst(%dma_wait3A_332 : memref<80x128xf32, #tpu.memory_space<vmem_shared>>)
    %dma_wait3A_337 = arith.constant 3 : i32
    %dma_wait3A_338 = arith.constant 0 : i32
    %dma_wait3A_339 = arith.constant 0 : i32
    %dma_wait3A_340 = tpu.memref_slice %arg8[%dma_wait3A_337, %dma_wait3A_338, %dma_wait3A_339] : memref<4x80x128xf32, #tpu.memory_space<vmem>> -> memref<1x80x128xf32, #tpu.memory_space<vmem>>
    %dma_wait3A_341 = tpu.memref_squeeze %dma_wait3A_340 : memref<1x80x128xf32, #tpu.memory_space<vmem>> -> memref<80x128xf32, #tpu.memory_space<vmem>>
    %dma_wait3A_342 = arith.constant 0 : i32
    %dma_wait3A_343 = tpu.memref_slice %arg21[%add3A_149, %dma_wait3A_342] : memref<10240x128xf32, #tpu.memory_space<vmem_shared>> -> memref<80x128xf32, #tpu.memory_space<vmem_shared>>
    %dma_wait3A_344 = arith.constant 0 : i32
    %dma_wait3A_345 = tpu.memref_slice %arg21[%add3A_149, %dma_wait3A_344] : memref<10240x128xf32, #tpu.memory_space<vmem_shared>> -> memref<80x128xf32, #tpu.memory_space<vmem_shared>>
    %dma_wait3A_346 = arith.constant 0 : i32
    %dma_wait3A_347 = arith.constant 0 : i32
    %dma_wait3A_348 = tpu.memref_slice %arg8[%dma_wait3A_337, %dma_wait3A_346, %dma_wait3A_347] : memref<4x80x128xf32, #tpu.memory_space<vmem>> -> memref<1x80x128xf32, #tpu.memory_space<vmem>>
    %dma_wait3A_349 = tpu.memref_squeeze %dma_wait3A_348 : memref<1x80x128xf32, #tpu.memory_space<vmem>> -> memref<80x128xf32, #tpu.memory_space<vmem>>
    tpu.wait_dma2 semaphore(%arg20 : memref<!tpu.dma_semaphore, #tpu.memory_space<semaphore_mem>>) src(%dma_wait3A_349 : memref<80x128xf32, #tpu.memory_space<vmem>>) dst(%dma_wait3A_345 : memref<80x128xf32, #tpu.memory_space<vmem_shared>>)
    %dma_wait3A_350 = arith.constant 3 : i32
    %dma_wait3A_351 = arith.constant 0 : i32
    %dma_wait3A_352 = arith.constant 0 : i32
    %dma_wait3A_353 = tpu.memref_slice %arg8[%dma_wait3A_350, %dma_wait3A_351, %dma_wait3A_352] : memref<4x80x128xf32, #tpu.memory_space<vmem>> -> memref<1x80x128xf32, #tpu.memory_space<vmem>>
    %dma_wait3A_354 = tpu.memref_squeeze %dma_wait3A_353 : memref<1x80x128xf32, #tpu.memory_space<vmem>> -> memref<80x128xf32, #tpu.memory_space<vmem>>
    %dma_wait3A_355 = arith.constant 0 : i32
    %dma_wait3A_356 = tpu.memref_slice %arg21[%add3A_166, %dma_wait3A_355] : memref<10240x128xf32, #tpu.memory_space<vmem_shared>> -> memref<80x128xf32, #tpu.memory_space<vmem_shared>>
    %dma_wait3A_357 = arith.constant 0 : i32
    %dma_wait3A_358 = tpu.memref_slice %arg21[%add3A_166, %dma_wait3A_357] : memref<10240x128xf32, #tpu.memory_space<vmem_shared>> -> memref<80x128xf32, #tpu.memory_space<vmem_shared>>
    %dma_wait3A_359 = arith.constant 0 : i32
    %dma_wait3A_360 = arith.constant 0 : i32
    %dma_wait3A_361 = tpu.memref_slice %arg8[%dma_wait3A_350, %dma_wait3A_359, %dma_wait3A_360] : memref<4x80x128xf32, #tpu.memory_space<vmem>> -> memref<1x80x128xf32, #tpu.memory_space<vmem>>
    %dma_wait3A_362 = tpu.memref_squeeze %dma_wait3A_361 : memref<1x80x128xf32, #tpu.memory_space<vmem>> -> memref<80x128xf32, #tpu.memory_space<vmem>>
    tpu.wait_dma2 semaphore(%arg17 : memref<!tpu.dma_semaphore, #tpu.memory_space<semaphore_mem>>) src(%dma_wait3A_362 : memref<80x128xf32, #tpu.memory_space<vmem>>) dst(%dma_wait3A_358 : memref<80x128xf32, #tpu.memory_space<vmem_shared>>)
    %dma_wait3A_363 = arith.constant 3 : i32
    %dma_wait3A_364 = arith.constant 0 : i32
    %dma_wait3A_365 = arith.constant 0 : i32
    %dma_wait3A_366 = tpu.memref_slice %arg8[%dma_wait3A_363, %dma_wait3A_364, %dma_wait3A_365] : memref<4x80x128xf32, #tpu.memory_space<vmem>> -> memref<1x80x128xf32, #tpu.memory_space<vmem>>
    %dma_wait3A_367 = tpu.memref_squeeze %dma_wait3A_366 : memref<1x80x128xf32, #tpu.memory_space<vmem>> -> memref<80x128xf32, #tpu.memory_space<vmem>>
    %dma_wait3A_368 = arith.constant 0 : i32
    %dma_wait3A_369 = tpu.memref_slice %arg21[%add3A_183, %dma_wait3A_368] : memref<10240x128xf32, #tpu.memory_space<vmem_shared>> -> memref<80x128xf32, #tpu.memory_space<vmem_shared>>
    %dma_wait3A_370 = arith.constant 0 : i32
    %dma_wait3A_371 = tpu.memref_slice %arg21[%add3A_183, %dma_wait3A_370] : memref<10240x128xf32, #tpu.memory_space<vmem_shared>> -> memref<80x128xf32, #tpu.memory_space<vmem_shared>>
    %dma_wait3A_372 = arith.constant 0 : i32
    %dma_wait3A_373 = arith.constant 0 : i32
    %dma_wait3A_374 = tpu.memref_slice %arg8[%dma_wait3A_363, %dma_wait3A_372, %dma_wait3A_373] : memref<4x80x128xf32, #tpu.memory_space<vmem>> -> memref<1x80x128xf32, #tpu.memory_space<vmem>>
    %dma_wait3A_375 = tpu.memref_squeeze %dma_wait3A_374 : memref<1x80x128xf32, #tpu.memory_space<vmem>> -> memref<80x128xf32, #tpu.memory_space<vmem>>
    tpu.wait_dma2 semaphore(%arg18 : memref<!tpu.dma_semaphore, #tpu.memory_space<semaphore_mem>>) src(%dma_wait3A_375 : memref<80x128xf32, #tpu.memory_space<vmem>>) dst(%dma_wait3A_371 : memref<80x128xf32, #tpu.memory_space<vmem_shared>>)
    %dma_wait3A_376 = arith.constant 3 : i32
    %dma_wait3A_377 = arith.constant 0 : i32
    %dma_wait3A_378 = arith.constant 0 : i32
    %dma_wait3A_379 = tpu.memref_slice %arg8[%dma_wait3A_376, %dma_wait3A_377, %dma_wait3A_378] : memref<4x80x128xf32, #tpu.memory_space<vmem>> -> memref<1x80x128xf32, #tpu.memory_space<vmem>>
    %dma_wait3A_380 = tpu.memref_squeeze %dma_wait3A_379 : memref<1x80x128xf32, #tpu.memory_space<vmem>> -> memref<80x128xf32, #tpu.memory_space<vmem>>
    %dma_wait3A_381 = arith.constant 0 : i32
    %dma_wait3A_382 = tpu.memref_slice %arg21[%add3A_200, %dma_wait3A_381] : memref<10240x128xf32, #tpu.memory_space<vmem_shared>> -> memref<80x128xf32, #tpu.memory_space<vmem_shared>>
    %dma_wait3A_383 = arith.constant 0 : i32
    %dma_wait3A_384 = tpu.memref_slice %arg21[%add3A_200, %dma_wait3A_383] : memref<10240x128xf32, #tpu.memory_space<vmem_shared>> -> memref<80x128xf32, #tpu.memory_space<vmem_shared>>
    %dma_wait3A_385 = arith.constant 0 : i32
    %dma_wait3A_386 = arith.constant 0 : i32
    %dma_wait3A_387 = tpu.memref_slice %arg8[%dma_wait3A_376, %dma_wait3A_385, %dma_wait3A_386] : memref<4x80x128xf32, #tpu.memory_space<vmem>> -> memref<1x80x128xf32, #tpu.memory_space<vmem>>
    %dma_wait3A_388 = tpu.memref_squeeze %dma_wait3A_387 : memref<1x80x128xf32, #tpu.memory_space<vmem>> -> memref<80x128xf32, #tpu.memory_space<vmem>>
    tpu.wait_dma2 semaphore(%arg19 : memref<!tpu.dma_semaphore, #tpu.memory_space<semaphore_mem>>) src(%dma_wait3A_388 : memref<80x128xf32, #tpu.memory_space<vmem>>) dst(%dma_wait3A_384 : memref<80x128xf32, #tpu.memory_space<vmem_shared>>)
    %dma_wait3A_389 = arith.constant 3 : i32
    %dma_wait3A_390 = arith.constant 0 : i32
    %dma_wait3A_391 = arith.constant 0 : i32
    %dma_wait3A_392 = tpu.memref_slice %arg8[%dma_wait3A_389, %dma_wait3A_390, %dma_wait3A_391] : memref<4x80x128xf32, #tpu.memory_space<vmem>> -> memref<1x80x128xf32, #tpu.memory_space<vmem>>
    %dma_wait3A_393 = tpu.memref_squeeze %dma_wait3A_392 : memref<1x80x128xf32, #tpu.memory_space<vmem>> -> memref<80x128xf32, #tpu.memory_space<vmem>>
    %dma_wait3A_394 = arith.constant 0 : i32
    %dma_wait3A_395 = tpu.memref_slice %arg21[%add3A_217, %dma_wait3A_394] : memref<10240x128xf32, #tpu.memory_space<vmem_shared>> -> memref<80x128xf32, #tpu.memory_space<vmem_shared>>
    %dma_wait3A_396 = arith.constant 0 : i32
    %dma_wait3A_397 = tpu.memref_slice %arg21[%add3A_217, %dma_wait3A_396] : memref<10240x128xf32, #tpu.memory_space<vmem_shared>> -> memref<80x128xf32, #tpu.memory_space<vmem_shared>>
    %dma_wait3A_398 = arith.constant 0 : i32
    %dma_wait3A_399 = arith.constant 0 : i32
    %dma_wait3A_400 = tpu.memref_slice %arg8[%dma_wait3A_389, %dma_wait3A_398, %dma_wait3A_399] : memref<4x80x128xf32, #tpu.memory_space<vmem>> -> memref<1x80x128xf32, #tpu.memory_space<vmem>>
    %dma_wait3A_401 = tpu.memref_squeeze %dma_wait3A_400 : memref<1x80x128xf32, #tpu.memory_space<vmem>> -> memref<80x128xf32, #tpu.memory_space<vmem>>
    tpu.wait_dma2 semaphore(%arg20 : memref<!tpu.dma_semaphore, #tpu.memory_space<semaphore_mem>>) src(%dma_wait3A_401 : memref<80x128xf32, #tpu.memory_space<vmem>>) dst(%dma_wait3A_397 : memref<80x128xf32, #tpu.memory_space<vmem_shared>>)
    %barrier3A = arith.constant 0 : index
    tpu.barrier barrier_id(%barrier3A)
    %scan3A_402 = arith.constant 0 : i32
    %scan3A_403 = arith.constant 0 : i32
    %scan3A_404 = arith.constant 31 : i32
    %scan3A_405 = arith.addi %scan3A_403, %scan3A_404 : i32
    %scan3A_406 = arith.constant 1 : i32
    scf.for %scan3A_621 = %scan3A_403 to %scan3A_405 step %scan3A_406  : i32 {
      %mul3A_622 = arith.constant 4 : i32
      %mul3A_623 = arith.muli %scan3A_621, %mul3A_622 : i32
      %add3A_624 = arith.constant 0 : i32
      %add3A_625 = arith.addi %mul3A_623, %add3A_624 : i32
      %ge3A = arith.constant 2 : i32
      %ge3A_626 = arith.cmpi sge, %add3A_625, %ge3A : i32
      %convert_element_type3A = arith.extui %ge3A_626 : i1 to i32
      %cond3A = arith.constant 0 : i32
      %cond3A_627 = arith.cmpi ne, %convert_element_type3A, %cond3A : i32
      scf.if %cond3A_627 {
        %dma_wait3A_803 = arith.constant 0 : i32
        %dma_wait3A_804 = arith.constant 0 : i32
        %dma_wait3A_805 = arith.constant 0 : i32
        %dma_wait3A_806 = arith.constant 0 : i32
        %dma_wait3A_807 = tpu.memref_slice %arg8[%dma_wait3A_803, %dma_wait3A_805, %dma_wait3A_806] : memref<4x80x128xf32, #tpu.memory_space<vmem>> -> memref<1x80x128xf32, #tpu.memory_space<vmem>>
        %dma_wait3A_808 = tpu.memref_squeeze %dma_wait3A_807 : memref<1x80x128xf32, #tpu.memory_space<vmem>> -> memref<80x128xf32, #tpu.memory_space<vmem>>
        %dma_wait3A_809 = arith.constant 0 : i32
        %dma_wait3A_810 = tpu.memref_slice %arg7[%dma_wait3A_804, %dma_wait3A_809] : memref<8x80xi32, #tpu.memory_space<vmem>> -> memref<1x80xi32, #tpu.memory_space<vmem>>
        %dma_wait3A_811 = tpu.memref_squeeze %dma_wait3A_810 : memref<1x80xi32, #tpu.memory_space<vmem>> -> memref<80xi32, #tpu.memory_space<vmem>>
        %dma_wait3A_812 = arith.constant 0 : i32
        %dma_wait3A_813 = arith.constant 0 : i32
        %dma_wait3A_814 = tpu.memref_slice %arg21[%dma_wait3A_812, %dma_wait3A_813] : memref<10240x128xf32, #tpu.memory_space<vmem_shared>> -> memref<10240x128xf32, #tpu.memory_space<vmem_shared>>
        tpu.wait_indirect_dma semaphore(%arg19 : memref<!tpu.dma_semaphore, #tpu.memory_space<semaphore_mem>>) src(%dma_wait3A_808 : memref<80x128xf32, #tpu.memory_space<vmem>>) dst(%dma_wait3A_814 : memref<10240x128xf32, #tpu.memory_space<vmem_shared>>)
      } else {
      }
      %add3A_628 = arith.constant 4 : i32
      %add3A_629 = arith.addi %add3A_625, %add3A_628 : i32
      %lt3A = arith.constant 125 : i32
      %lt3A_630 = arith.cmpi slt, %add3A_629, %lt3A : i32
      %convert_element_type3A_631 = arith.extui %lt3A_630 : i1 to i32
      %cond3A_632 = arith.constant 0 : i32
      %cond3A_633 = arith.cmpi ne, %convert_element_type3A_631, %cond3A_632 : i32
      scf.if %cond3A_633 {
        %add3A_803 = arith.constant 4 : i32
        %add3A_804 = arith.addi %add3A_625, %add3A_803 : i32
        %rem3A_805 = arith.constant 8 : i32
        %rem3A_806 = arith.remsi %add3A_804, %rem3A_805 : i32
        %mul3A_807 = arith.constant 80 : i32
        %mul3A_808 = arith.muli %add3A_804, %mul3A_807 : i32
        %add3A_809 = arith.addi %mul3A_2, %mul3A_808 : i32
        %dma_start3A_810 = arith.constant 0 : i32
        %dma_start3A_811 = tpu.memref_slice %arg6[%rem3A_806, %dma_start3A_810] : memref<8x80xi32, #tpu.memory_space<vmem>> -> memref<1x80xi32, #tpu.memory_space<vmem>>
        %dma_start3A_812 = tpu.memref_squeeze %dma_start3A_811 : memref<1x80xi32, #tpu.memory_space<vmem>> -> memref<80xi32, #tpu.memory_space<vmem>>
        %dma_start3A_813 = tpu.memref_slice %arg3[%add3A_809] : memref<320000xi32, #tpu.memory_space<hbm>> -> memref<80xi32, #tpu.memory_space<hbm>>
        %dma_start3A_814 = arith.constant 0 : i32
        %dma_start3A_815 = tpu.memref_slice %arg6[%rem3A_806, %dma_start3A_814] : memref<8x80xi32, #tpu.memory_space<vmem>> -> memref<1x80xi32, #tpu.memory_space<vmem>>
        %dma_start3A_816 = tpu.memref_squeeze %dma_start3A_815 : memref<1x80xi32, #tpu.memory_space<vmem>> -> memref<80xi32, #tpu.memory_space<vmem>>
        %dma_start3A_817 = tpu.memref_slice %arg3[%add3A_809] : memref<320000xi32, #tpu.memory_space<hbm>> -> memref<80xi32, #tpu.memory_space<hbm>>
        tpu.enqueue_dma source(%dma_start3A_817 : memref<80xi32, #tpu.memory_space<hbm>>) target(%dma_start3A_816 : memref<80xi32, #tpu.memory_space<vmem>>) target_semaphore(%arg9 : memref<!tpu.dma_semaphore, #tpu.memory_space<semaphore_mem>>)
        %mul3A_818 = arith.constant 80 : i32
        %mul3A_819 = arith.muli %add3A_804, %mul3A_818 : i32
        %add3A_820 = arith.addi %mul3A_2, %mul3A_819 : i32
        %dma_start3A_821 = arith.constant 0 : i32
        %dma_start3A_822 = tpu.memref_slice %arg7[%rem3A_806, %dma_start3A_821] : memref<8x80xi32, #tpu.memory_space<vmem>> -> memref<1x80xi32, #tpu.memory_space<vmem>>
        %dma_start3A_823 = tpu.memref_squeeze %dma_start3A_822 : memref<1x80xi32, #tpu.memory_space<vmem>> -> memref<80xi32, #tpu.memory_space<vmem>>
        %dma_start3A_824 = tpu.memref_slice %arg4[%add3A_820] : memref<320000xi32, #tpu.memory_space<hbm>> -> memref<80xi32, #tpu.memory_space<hbm>>
        %dma_start3A_825 = arith.constant 0 : i32
        %dma_start3A_826 = tpu.memref_slice %arg7[%rem3A_806, %dma_start3A_825] : memref<8x80xi32, #tpu.memory_space<vmem>> -> memref<1x80xi32, #tpu.memory_space<vmem>>
        %dma_start3A_827 = tpu.memref_squeeze %dma_start3A_826 : memref<1x80xi32, #tpu.memory_space<vmem>> -> memref<80xi32, #tpu.memory_space<vmem>>
        %dma_start3A_828 = tpu.memref_slice %arg4[%add3A_820] : memref<320000xi32, #tpu.memory_space<hbm>> -> memref<80xi32, #tpu.memory_space<hbm>>
        tpu.enqueue_dma source(%dma_start3A_828 : memref<80xi32, #tpu.memory_space<hbm>>) target(%dma_start3A_827 : memref<80xi32, #tpu.memory_space<vmem>>) target_semaphore(%arg9 : memref<!tpu.dma_semaphore, #tpu.memory_space<semaphore_mem>>)
      } else {
      }
      %add3A_634 = arith.constant 2 : i32
      %add3A_635 = arith.addi %add3A_625, %add3A_634 : i32
      %lt3A_636 = arith.constant 125 : i32
      %lt3A_637 = arith.cmpi slt, %add3A_635, %lt3A_636 : i32
      %convert_element_type3A_638 = arith.extui %lt3A_637 : i1 to i32
      %cond3A_639 = arith.constant 0 : i32
      %cond3A_640 = arith.cmpi ne, %convert_element_type3A_638, %cond3A_639 : i32
      scf.if %cond3A_640 {
        %dma_wait3A_803 = arith.constant 0 : i32
        %dma_wait3A_804 = arith.constant 0 : i32
        %dma_wait3A_805 = tpu.memref_slice %arg6[%dma_wait3A_803, %dma_wait3A_804] : memref<8x80xi32, #tpu.memory_space<vmem>> -> memref<1x80xi32, #tpu.memory_space<vmem>>
        %dma_wait3A_806 = tpu.memref_squeeze %dma_wait3A_805 : memref<1x80xi32, #tpu.memory_space<vmem>> -> memref<80xi32, #tpu.memory_space<vmem>>
        %dma_wait3A_807 = arith.constant 0 : i32
        %dma_wait3A_808 = tpu.memref_slice %arg3[%dma_wait3A_807] : memref<320000xi32, #tpu.memory_space<hbm>> -> memref<80xi32, #tpu.memory_space<hbm>>
        %dma_wait3A_809 = arith.constant 0 : i32
        %dma_wait3A_810 = tpu.memref_slice %arg6[%dma_wait3A_803, %dma_wait3A_809] : memref<8x80xi32, #tpu.memory_space<vmem>> -> memref<1x80xi32, #tpu.memory_space<vmem>>
        %dma_wait3A_811 = tpu.memref_squeeze %dma_wait3A_810 : memref<1x80xi32, #tpu.memory_space<vmem>> -> memref<80xi32, #tpu.memory_space<vmem>>
        %dma_wait3A_812 = arith.constant 0 : i32
        %dma_wait3A_813 = tpu.memref_slice %arg3[%dma_wait3A_812] : memref<320000xi32, #tpu.memory_space<hbm>> -> memref<80xi32, #tpu.memory_space<hbm>>
        tpu.wait_dma2 semaphore(%arg11 : memref<!tpu.dma_semaphore, #tpu.memory_space<semaphore_mem>>) src(%dma_wait3A_813 : memref<80xi32, #tpu.memory_space<hbm>>) dst(%dma_wait3A_811 : memref<80xi32, #tpu.memory_space<vmem>>)
        %dma_wait3A_814 = arith.constant 0 : i32
        %dma_wait3A_815 = arith.constant 0 : i32
        %dma_wait3A_816 = tpu.memref_slice %arg7[%dma_wait3A_814, %dma_wait3A_815] : memref<8x80xi32, #tpu.memory_space<vmem>> -> memref<1x80xi32, #tpu.memory_space<vmem>>
        %dma_wait3A_817 = tpu.memref_squeeze %dma_wait3A_816 : memref<1x80xi32, #tpu.memory_space<vmem>> -> memref<80xi32, #tpu.memory_space<vmem>>
        %dma_wait3A_818 = arith.constant 0 : i32
        %dma_wait3A_819 = tpu.memref_slice %arg4[%dma_wait3A_818] : memref<320000xi32, #tpu.memory_space<hbm>> -> memref<80xi32, #tpu.memory_space<hbm>>
        %dma_wait3A_820 = arith.constant 0 : i32
        %dma_wait3A_821 = tpu.memref_slice %arg7[%dma_wait3A_814, %dma_wait3A_820] : memref<8x80xi32, #tpu.memory_space<vmem>> -> memref<1x80xi32, #tpu.memory_space<vmem>>
        %dma_wait3A_822 = tpu.memref_squeeze %dma_wait3A_821 : memref<1x80xi32, #tpu.memory_space<vmem>> -> memref<80xi32, #tpu.memory_space<vmem>>
        %dma_wait3A_823 = arith.constant 0 : i32
        %dma_wait3A_824 = tpu.memref_slice %arg4[%dma_wait3A_823] : memref<320000xi32, #tpu.memory_space<hbm>> -> memref<80xi32, #tpu.memory_space<hbm>>
        tpu.wait_dma2 semaphore(%arg11 : memref<!tpu.dma_semaphore, #tpu.memory_space<semaphore_mem>>) src(%dma_wait3A_824 : memref<80xi32, #tpu.memory_space<hbm>>) dst(%dma_wait3A_822 : memref<80xi32, #tpu.memory_space<vmem>>)
        %add3A_825 = arith.constant 2 : i32
        %add3A_826 = arith.addi %add3A_625, %add3A_825 : i32
        %rem3A_827 = arith.constant 8 : i32
        %rem3A_828 = arith.remsi %add3A_826, %rem3A_827 : i32
        %dma_start3A_829 = arith.constant 2 : i32
        %dma_start3A_830 = arith.constant 0 : i32
        %dma_start3A_831 = arith.constant 0 : i32
        %dma_start3A_832 = tpu.memref_slice %arg8[%dma_start3A_829, %dma_start3A_830, %dma_start3A_831] : memref<4x80x128xf32, #tpu.memory_space<vmem>> -> memref<1x80x128xf32, #tpu.memory_space<vmem>>
        %dma_start3A_833 = tpu.memref_squeeze %dma_start3A_832 : memref<1x80x128xf32, #tpu.memory_space<vmem>> -> memref<80x128xf32, #tpu.memory_space<vmem>>
        %dma_start3A_834 = arith.constant 0 : i32
        %dma_start3A_835 = tpu.memref_slice %arg6[%rem3A_828, %dma_start3A_834] : memref<8x80xi32, #tpu.memory_space<vmem>> -> memref<1x80xi32, #tpu.memory_space<vmem>>
        %dma_start3A_836 = tpu.memref_squeeze %dma_start3A_835 : memref<1x80xi32, #tpu.memory_space<vmem>> -> memref<80xi32, #tpu.memory_space<vmem>>
        %dma_start3A_837 = arith.constant 0 : i32
        %dma_start3A_838 = arith.constant 0 : i32
        %dma_start3A_839 = tpu.memref_slice %arg2[%dma_start3A_837, %dma_start3A_838] : memref<10000x128xf32, #tpu.memory_space<hbm>> -> memref<10000x128xf32, #tpu.memory_space<hbm>>
        tpu.enqueue_indirect_dma source(%dma_start3A_839 : memref<10000x128xf32, #tpu.memory_space<hbm>>) target(%dma_start3A_833 : memref<80x128xf32, #tpu.memory_space<vmem>>) offsets(%dma_start3A_836 : memref<80xi32, #tpu.memory_space<vmem>>) semaphore(%arg15 : memref<!tpu.dma_semaphore, #tpu.memory_space<semaphore_mem>>)
      } else {
      }
      %dma_wait3A_641 = arith.constant 0 : i32
      %dma_wait3A_642 = arith.constant 0 : i32
      %dma_wait3A_643 = arith.constant 0 : i32
      %dma_wait3A_644 = arith.constant 0 : i32
      %dma_wait3A_645 = tpu.memref_slice %arg8[%dma_wait3A_642, %dma_wait3A_643, %dma_wait3A_644] : memref<4x80x128xf32, #tpu.memory_space<vmem>> -> memref<1x80x128xf32, #tpu.memory_space<vmem>>
      %dma_wait3A_646 = tpu.memref_squeeze %dma_wait3A_645 : memref<1x80x128xf32, #tpu.memory_space<vmem>> -> memref<80x128xf32, #tpu.memory_space<vmem>>
      %dma_wait3A_647 = arith.constant 0 : i32
      %dma_wait3A_648 = tpu.memref_slice %arg6[%dma_wait3A_641, %dma_wait3A_647] : memref<8x80xi32, #tpu.memory_space<vmem>> -> memref<1x80xi32, #tpu.memory_space<vmem>>
      %dma_wait3A_649 = tpu.memref_squeeze %dma_wait3A_648 : memref<1x80xi32, #tpu.memory_space<vmem>> -> memref<80xi32, #tpu.memory_space<vmem>>
      %dma_wait3A_650 = arith.constant 0 : i32
      %dma_wait3A_651 = arith.constant 0 : i32
      %dma_wait3A_652 = tpu.memref_slice %arg2[%dma_wait3A_650, %dma_wait3A_651] : memref<10000x128xf32, #tpu.memory_space<hbm>> -> memref<10000x128xf32, #tpu.memory_space<hbm>>
      tpu.wait_indirect_dma semaphore(%arg13 : memref<!tpu.dma_semaphore, #tpu.memory_space<semaphore_mem>>) src(%dma_wait3A_652 : memref<10000x128xf32, #tpu.memory_space<hbm>>) dst(%dma_wait3A_646 : memref<80x128xf32, #tpu.memory_space<vmem>>)
      %rem3A = arith.constant 8 : i32
      %rem3A_653 = arith.remsi %add3A_625, %rem3A : i32
      %dma_start3A_654 = arith.constant 0 : i32
      %dma_start3A_655 = arith.constant 0 : i32
      %dma_start3A_656 = arith.constant 0 : i32
      %dma_start3A_657 = tpu.memref_slice %arg8[%dma_start3A_654, %dma_start3A_655, %dma_start3A_656] : memref<4x80x128xf32, #tpu.memory_space<vmem>> -> memref<1x80x128xf32, #tpu.memory_space<vmem>>
      %dma_start3A_658 = tpu.memref_squeeze %dma_start3A_657 : memref<1x80x128xf32, #tpu.memory_space<vmem>> -> memref<80x128xf32, #tpu.memory_space<vmem>>
      %dma_start3A_659 = arith.constant 0 : i32
      %dma_start3A_660 = tpu.memref_slice %arg7[%rem3A_653, %dma_start3A_659] : memref<8x80xi32, #tpu.memory_space<vmem>> -> memref<1x80xi32, #tpu.memory_space<vmem>>
      %dma_start3A_661 = tpu.memref_squeeze %dma_start3A_660 : memref<1x80xi32, #tpu.memory_space<vmem>> -> memref<80xi32, #tpu.memory_space<vmem>>
      %dma_start3A_662 = arith.constant 0 : i32
      %dma_start3A_663 = arith.constant 0 : i32
      %dma_start3A_664 = tpu.memref_slice %arg21[%dma_start3A_662, %dma_start3A_663] : memref<10240x128xf32, #tpu.memory_space<vmem_shared>> -> memref<10240x128xf32, #tpu.memory_space<vmem_shared>>
      tpu.enqueue_indirect_dma source(%dma_start3A_658 : memref<80x128xf32, #tpu.memory_space<vmem>>) target(%dma_start3A_664 : memref<10240x128xf32, #tpu.memory_space<vmem_shared>>) offsets(%dma_start3A_661 : memref<80xi32, #tpu.memory_space<vmem>>) semaphore(%arg17 : memref<!tpu.dma_semaphore, #tpu.memory_space<semaphore_mem>>) {add = true}
      %add3A_665 = arith.constant 1 : i32
      %add3A_666 = arith.addi %mul3A_623, %add3A_665 : i32
      %ge3A_667 = arith.constant 2 : i32
      %ge3A_668 = arith.cmpi sge, %add3A_666, %ge3A_667 : i32
      %convert_element_type3A_669 = arith.extui %ge3A_668 : i1 to i32
      %cond3A_670 = arith.constant 0 : i32
      %cond3A_671 = arith.cmpi ne, %convert_element_type3A_669, %cond3A_670 : i32
      scf.if %cond3A_671 {
        %dma_wait3A_803 = arith.constant 0 : i32
        %dma_wait3A_804 = arith.constant 0 : i32
        %dma_wait3A_805 = arith.constant 0 : i32
        %dma_wait3A_806 = arith.constant 0 : i32
        %dma_wait3A_807 = tpu.memref_slice %arg8[%dma_wait3A_803, %dma_wait3A_805, %dma_wait3A_806] : memref<4x80x128xf32, #tpu.memory_space<vmem>> -> memref<1x80x128xf32, #tpu.memory_space<vmem>>
        %dma_wait3A_808 = tpu.memref_squeeze %dma_wait3A_807 : memref<1x80x128xf32, #tpu.memory_space<vmem>> -> memref<80x128xf32, #tpu.memory_space<vmem>>
        %dma_wait3A_809 = arith.constant 0 : i32
        %dma_wait3A_810 = tpu.memref_slice %arg7[%dma_wait3A_804, %dma_wait3A_809] : memref<8x80xi32, #tpu.memory_space<vmem>> -> memref<1x80xi32, #tpu.memory_space<vmem>>
        %dma_wait3A_811 = tpu.memref_squeeze %dma_wait3A_810 : memref<1x80xi32, #tpu.memory_space<vmem>> -> memref<80xi32, #tpu.memory_space<vmem>>
        %dma_wait3A_812 = arith.constant 0 : i32
        %dma_wait3A_813 = arith.constant 0 : i32
        %dma_wait3A_814 = tpu.memref_slice %arg21[%dma_wait3A_812, %dma_wait3A_813] : memref<10240x128xf32, #tpu.memory_space<vmem_shared>> -> memref<10240x128xf32, #tpu.memory_space<vmem_shared>>
        tpu.wait_indirect_dma semaphore(%arg20 : memref<!tpu.dma_semaphore, #tpu.memory_space<semaphore_mem>>) src(%dma_wait3A_808 : memref<80x128xf32, #tpu.memory_space<vmem>>) dst(%dma_wait3A_814 : memref<10240x128xf32, #tpu.memory_space<vmem_shared>>)
      } else {
      }
      %add3A_672 = arith.constant 4 : i32
      %add3A_673 = arith.addi %add3A_666, %add3A_672 : i32
      %lt3A_674 = arith.constant 125 : i32
      %lt3A_675 = arith.cmpi slt, %add3A_673, %lt3A_674 : i32
      %convert_element_type3A_676 = arith.extui %lt3A_675 : i1 to i32
      %cond3A_677 = arith.constant 0 : i32
      %cond3A_678 = arith.cmpi ne, %convert_element_type3A_676, %cond3A_677 : i32
      scf.if %cond3A_678 {
        %add3A_803 = arith.constant 4 : i32
        %add3A_804 = arith.addi %add3A_666, %add3A_803 : i32
        %rem3A_805 = arith.constant 8 : i32
        %rem3A_806 = arith.remsi %add3A_804, %rem3A_805 : i32
        %mul3A_807 = arith.constant 80 : i32
        %mul3A_808 = arith.muli %add3A_804, %mul3A_807 : i32
        %add3A_809 = arith.addi %mul3A_2, %mul3A_808 : i32
        %dma_start3A_810 = arith.constant 0 : i32
        %dma_start3A_811 = tpu.memref_slice %arg6[%rem3A_806, %dma_start3A_810] : memref<8x80xi32, #tpu.memory_space<vmem>> -> memref<1x80xi32, #tpu.memory_space<vmem>>
        %dma_start3A_812 = tpu.memref_squeeze %dma_start3A_811 : memref<1x80xi32, #tpu.memory_space<vmem>> -> memref<80xi32, #tpu.memory_space<vmem>>
        %dma_start3A_813 = tpu.memref_slice %arg3[%add3A_809] : memref<320000xi32, #tpu.memory_space<hbm>> -> memref<80xi32, #tpu.memory_space<hbm>>
        %dma_start3A_814 = arith.constant 0 : i32
        %dma_start3A_815 = tpu.memref_slice %arg6[%rem3A_806, %dma_start3A_814] : memref<8x80xi32, #tpu.memory_space<vmem>> -> memref<1x80xi32, #tpu.memory_space<vmem>>
        %dma_start3A_816 = tpu.memref_squeeze %dma_start3A_815 : memref<1x80xi32, #tpu.memory_space<vmem>> -> memref<80xi32, #tpu.memory_space<vmem>>
        %dma_start3A_817 = tpu.memref_slice %arg3[%add3A_809] : memref<320000xi32, #tpu.memory_space<hbm>> -> memref<80xi32, #tpu.memory_space<hbm>>
        tpu.enqueue_dma source(%dma_start3A_817 : memref<80xi32, #tpu.memory_space<hbm>>) target(%dma_start3A_816 : memref<80xi32, #tpu.memory_space<vmem>>) target_semaphore(%arg10 : memref<!tpu.dma_semaphore, #tpu.memory_space<semaphore_mem>>)
        %mul3A_818 = arith.constant 80 : i32
        %mul3A_819 = arith.muli %add3A_804, %mul3A_818 : i32
        %add3A_820 = arith.addi %mul3A_2, %mul3A_819 : i32
        %dma_start3A_821 = arith.constant 0 : i32
        %dma_start3A_822 = tpu.memref_slice %arg7[%rem3A_806, %dma_start3A_821] : memref<8x80xi32, #tpu.memory_space<vmem>> -> memref<1x80xi32, #tpu.memory_space<vmem>>
        %dma_start3A_823 = tpu.memref_squeeze %dma_start3A_822 : memref<1x80xi32, #tpu.memory_space<vmem>> -> memref<80xi32, #tpu.memory_space<vmem>>
        %dma_start3A_824 = tpu.memref_slice %arg4[%add3A_820] : memref<320000xi32, #tpu.memory_space<hbm>> -> memref<80xi32, #tpu.memory_space<hbm>>
        %dma_start3A_825 = arith.constant 0 : i32
        %dma_start3A_826 = tpu.memref_slice %arg7[%rem3A_806, %dma_start3A_825] : memref<8x80xi32, #tpu.memory_space<vmem>> -> memref<1x80xi32, #tpu.memory_space<vmem>>
        %dma_start3A_827 = tpu.memref_squeeze %dma_start3A_826 : memref<1x80xi32, #tpu.memory_space<vmem>> -> memref<80xi32, #tpu.memory_space<vmem>>
        %dma_start3A_828 = tpu.memref_slice %arg4[%add3A_820] : memref<320000xi32, #tpu.memory_space<hbm>> -> memref<80xi32, #tpu.memory_space<hbm>>
        tpu.enqueue_dma source(%dma_start3A_828 : memref<80xi32, #tpu.memory_space<hbm>>) target(%dma_start3A_827 : memref<80xi32, #tpu.memory_space<vmem>>) target_semaphore(%arg10 : memref<!tpu.dma_semaphore, #tpu.memory_space<semaphore_mem>>)
      } else {
      }
      %add3A_679 = arith.constant 2 : i32
      %add3A_680 = arith.addi %add3A_666, %add3A_679 : i32
      %lt3A_681 = arith.constant 125 : i32
      %lt3A_682 = arith.cmpi slt, %add3A_680, %lt3A_681 : i32
      %convert_element_type3A_683 = arith.extui %lt3A_682 : i1 to i32
      %cond3A_684 = arith.constant 0 : i32
      %cond3A_685 = arith.cmpi ne, %convert_element_type3A_683, %cond3A_684 : i32
      scf.if %cond3A_685 {
        %dma_wait3A_803 = arith.constant 0 : i32
        %dma_wait3A_804 = arith.constant 0 : i32
        %dma_wait3A_805 = tpu.memref_slice %arg6[%dma_wait3A_803, %dma_wait3A_804] : memref<8x80xi32, #tpu.memory_space<vmem>> -> memref<1x80xi32, #tpu.memory_space<vmem>>
        %dma_wait3A_806 = tpu.memref_squeeze %dma_wait3A_805 : memref<1x80xi32, #tpu.memory_space<vmem>> -> memref<80xi32, #tpu.memory_space<vmem>>
        %dma_wait3A_807 = arith.constant 0 : i32
        %dma_wait3A_808 = tpu.memref_slice %arg3[%dma_wait3A_807] : memref<320000xi32, #tpu.memory_space<hbm>> -> memref<80xi32, #tpu.memory_space<hbm>>
        %dma_wait3A_809 = arith.constant 0 : i32
        %dma_wait3A_810 = tpu.memref_slice %arg6[%dma_wait3A_803, %dma_wait3A_809] : memref<8x80xi32, #tpu.memory_space<vmem>> -> memref<1x80xi32, #tpu.memory_space<vmem>>
        %dma_wait3A_811 = tpu.memref_squeeze %dma_wait3A_810 : memref<1x80xi32, #tpu.memory_space<vmem>> -> memref<80xi32, #tpu.memory_space<vmem>>
        %dma_wait3A_812 = arith.constant 0 : i32
        %dma_wait3A_813 = tpu.memref_slice %arg3[%dma_wait3A_812] : memref<320000xi32, #tpu.memory_space<hbm>> -> memref<80xi32, #tpu.memory_space<hbm>>
        tpu.wait_dma2 semaphore(%arg12 : memref<!tpu.dma_semaphore, #tpu.memory_space<semaphore_mem>>) src(%dma_wait3A_813 : memref<80xi32, #tpu.memory_space<hbm>>) dst(%dma_wait3A_811 : memref<80xi32, #tpu.memory_space<vmem>>)
        %dma_wait3A_814 = arith.constant 0 : i32
        %dma_wait3A_815 = arith.constant 0 : i32
        %dma_wait3A_816 = tpu.memref_slice %arg7[%dma_wait3A_814, %dma_wait3A_815] : memref<8x80xi32, #tpu.memory_space<vmem>> -> memref<1x80xi32, #tpu.memory_space<vmem>>
        %dma_wait3A_817 = tpu.memref_squeeze %dma_wait3A_816 : memref<1x80xi32, #tpu.memory_space<vmem>> -> memref<80xi32, #tpu.memory_space<vmem>>
        %dma_wait3A_818 = arith.constant 0 : i32
        %dma_wait3A_819 = tpu.memref_slice %arg4[%dma_wait3A_818] : memref<320000xi32, #tpu.memory_space<hbm>> -> memref<80xi32, #tpu.memory_space<hbm>>
        %dma_wait3A_820 = arith.constant 0 : i32
        %dma_wait3A_821 = tpu.memref_slice %arg7[%dma_wait3A_814, %dma_wait3A_820] : memref<8x80xi32, #tpu.memory_space<vmem>> -> memref<1x80xi32, #tpu.memory_space<vmem>>
        %dma_wait3A_822 = tpu.memref_squeeze %dma_wait3A_821 : memref<1x80xi32, #tpu.memory_space<vmem>> -> memref<80xi32, #tpu.memory_space<vmem>>
        %dma_wait3A_823 = arith.constant 0 : i32
        %dma_wait3A_824 = tpu.memref_slice %arg4[%dma_wait3A_823] : memref<320000xi32, #tpu.memory_space<hbm>> -> memref<80xi32, #tpu.memory_space<hbm>>
        tpu.wait_dma2 semaphore(%arg12 : memref<!tpu.dma_semaphore, #tpu.memory_space<semaphore_mem>>) src(%dma_wait3A_824 : memref<80xi32, #tpu.memory_space<hbm>>) dst(%dma_wait3A_822 : memref<80xi32, #tpu.memory_space<vmem>>)
        %add3A_825 = arith.constant 2 : i32
        %add3A_826 = arith.addi %add3A_666, %add3A_825 : i32
        %rem3A_827 = arith.constant 8 : i32
        %rem3A_828 = arith.remsi %add3A_826, %rem3A_827 : i32
        %dma_start3A_829 = arith.constant 3 : i32
        %dma_start3A_830 = arith.constant 0 : i32
        %dma_start3A_831 = arith.constant 0 : i32
        %dma_start3A_832 = tpu.memref_slice %arg8[%dma_start3A_829, %dma_start3A_830, %dma_start3A_831] : memref<4x80x128xf32, #tpu.memory_space<vmem>> -> memref<1x80x128xf32, #tpu.memory_space<vmem>>
        %dma_start3A_833 = tpu.memref_squeeze %dma_start3A_832 : memref<1x80x128xf32, #tpu.memory_space<vmem>> -> memref<80x128xf32, #tpu.memory_space<vmem>>
        %dma_start3A_834 = arith.constant 0 : i32
        %dma_start3A_835 = tpu.memref_slice %arg6[%rem3A_828, %dma_start3A_834] : memref<8x80xi32, #tpu.memory_space<vmem>> -> memref<1x80xi32, #tpu.memory_space<vmem>>
        %dma_start3A_836 = tpu.memref_squeeze %dma_start3A_835 : memref<1x80xi32, #tpu.memory_space<vmem>> -> memref<80xi32, #tpu.memory_space<vmem>>
        %dma_start3A_837 = arith.constant 0 : i32
        %dma_start3A_838 = arith.constant 0 : i32
        %dma_start3A_839 = tpu.memref_slice %arg2[%dma_start3A_837, %dma_start3A_838] : memref<10000x128xf32, #tpu.memory_space<hbm>> -> memref<10000x128xf32, #tpu.memory_space<hbm>>
        tpu.enqueue_indirect_dma source(%dma_start3A_839 : memref<10000x128xf32, #tpu.memory_space<hbm>>) target(%dma_start3A_833 : memref<80x128xf32, #tpu.memory_space<vmem>>) offsets(%dma_start3A_836 : memref<80xi32, #tpu.memory_space<vmem>>) semaphore(%arg16 : memref<!tpu.dma_semaphore, #tpu.memory_space<semaphore_mem>>)
      } else {
      }
      %dma_wait3A_686 = arith.constant 0 : i32
      %dma_wait3A_687 = arith.constant 0 : i32
      %dma_wait3A_688 = arith.constant 0 : i32
      %dma_wait3A_689 = arith.constant 0 : i32
      %dma_wait3A_690 = tpu.memref_slice %arg8[%dma_wait3A_687, %dma_wait3A_688, %dma_wait3A_689] : memref<4x80x128xf32, #tpu.memory_space<vmem>> -> memref<1x80x128xf32, #tpu.memory_space<vmem>>
      %dma_wait3A_691 = tpu.memref_squeeze %dma_wait3A_690 : memref<1x80x128xf32, #tpu.memory_space<vmem>> -> memref<80x128xf32, #tpu.memory_space<vmem>>
      %dma_wait3A_692 = arith.constant 0 : i32
      %dma_wait3A_693 = tpu.memref_slice %arg6[%dma_wait3A_686, %dma_wait3A_692] : memref<8x80xi32, #tpu.memory_space<vmem>> -> memref<1x80xi32, #tpu.memory_space<vmem>>
      %dma_wait3A_694 = tpu.memref_squeeze %dma_wait3A_693 : memref<1x80xi32, #tpu.memory_space<vmem>> -> memref<80xi32, #tpu.memory_space<vmem>>
      %dma_wait3A_695 = arith.constant 0 : i32
      %dma_wait3A_696 = arith.constant 0 : i32
      %dma_wait3A_697 = tpu.memref_slice %arg2[%dma_wait3A_695, %dma_wait3A_696] : memref<10000x128xf32, #tpu.memory_space<hbm>> -> memref<10000x128xf32, #tpu.memory_space<hbm>>
      tpu.wait_indirect_dma semaphore(%arg14 : memref<!tpu.dma_semaphore, #tpu.memory_space<semaphore_mem>>) src(%dma_wait3A_697 : memref<10000x128xf32, #tpu.memory_space<hbm>>) dst(%dma_wait3A_691 : memref<80x128xf32, #tpu.memory_space<vmem>>)
      %rem3A_698 = arith.constant 8 : i32
      %rem3A_699 = arith.remsi %add3A_666, %rem3A_698 : i32
      %dma_start3A_700 = arith.constant 1 : i32
      %dma_start3A_701 = arith.constant 0 : i32
      %dma_start3A_702 = arith.constant 0 : i32
      %dma_start3A_703 = tpu.memref_slice %arg8[%dma_start3A_700, %dma_start3A_701, %dma_start3A_702] : memref<4x80x128xf32, #tpu.memory_space<vmem>> -> memref<1x80x128xf32, #tpu.memory_space<vmem>>
      %dma_start3A_704 = tpu.memref_squeeze %dma_start3A_703 : memref<1x80x128xf32, #tpu.memory_space<vmem>> -> memref<80x128xf32, #tpu.memory_space<vmem>>
      %dma_start3A_705 = arith.constant 0 : i32
      %dma_start3A_706 = tpu.memref_slice %arg7[%rem3A_699, %dma_start3A_705] : memref<8x80xi32, #tpu.memory_space<vmem>> -> memref<1x80xi32, #tpu.memory_space<vmem>>
      %dma_start3A_707 = tpu.memref_squeeze %dma_start3A_706 : memref<1x80xi32, #tpu.memory_space<vmem>> -> memref<80xi32, #tpu.memory_space<vmem>>
      %dma_start3A_708 = arith.constant 0 : i32
      %dma_start3A_709 = arith.constant 0 : i32
      %dma_start3A_710 = tpu.memref_slice %arg21[%dma_start3A_708, %dma_start3A_709] : memref<10240x128xf32, #tpu.memory_space<vmem_shared>> -> memref<10240x128xf32, #tpu.memory_space<vmem_shared>>
      tpu.enqueue_indirect_dma source(%dma_start3A_704 : memref<80x128xf32, #tpu.memory_space<vmem>>) target(%dma_start3A_710 : memref<10240x128xf32, #tpu.memory_space<vmem_shared>>) offsets(%dma_start3A_707 : memref<80xi32, #tpu.memory_space<vmem>>) semaphore(%arg18 : memref<!tpu.dma_semaphore, #tpu.memory_space<semaphore_mem>>) {add = true}
      %add3A_711 = arith.constant 2 : i32
      %add3A_712 = arith.addi %mul3A_623, %add3A_711 : i32
      %ge3A_713 = arith.constant 2 : i32
      %ge3A_714 = arith.cmpi sge, %add3A_712, %ge3A_713 : i32
      %convert_element_type3A_715 = arith.extui %ge3A_714 : i1 to i32
      %cond3A_716 = arith.constant 0 : i32
      %cond3A_717 = arith.cmpi ne, %convert_element_type3A_715, %cond3A_716 : i32
      scf.if %cond3A_717 {
        %dma_wait3A_803 = arith.constant 0 : i32
        %dma_wait3A_804 = arith.constant 0 : i32
        %dma_wait3A_805 = arith.constant 0 : i32
        %dma_wait3A_806 = arith.constant 0 : i32
        %dma_wait3A_807 = tpu.memref_slice %arg8[%dma_wait3A_803, %dma_wait3A_805, %dma_wait3A_806] : memref<4x80x128xf32, #tpu.memory_space<vmem>> -> memref<1x80x128xf32, #tpu.memory_space<vmem>>
        %dma_wait3A_808 = tpu.memref_squeeze %dma_wait3A_807 : memref<1x80x128xf32, #tpu.memory_space<vmem>> -> memref<80x128xf32, #tpu.memory_space<vmem>>
        %dma_wait3A_809 = arith.constant 0 : i32
        %dma_wait3A_810 = tpu.memref_slice %arg7[%dma_wait3A_804, %dma_wait3A_809] : memref<8x80xi32, #tpu.memory_space<vmem>> -> memref<1x80xi32, #tpu.memory_space<vmem>>
        %dma_wait3A_811 = tpu.memref_squeeze %dma_wait3A_810 : memref<1x80xi32, #tpu.memory_space<vmem>> -> memref<80xi32, #tpu.memory_space<vmem>>
        %dma_wait3A_812 = arith.constant 0 : i32
        %dma_wait3A_813 = arith.constant 0 : i32
        %dma_wait3A_814 = tpu.memref_slice %arg21[%dma_wait3A_812, %dma_wait3A_813] : memref<10240x128xf32, #tpu.memory_space<vmem_shared>> -> memref<10240x128xf32, #tpu.memory_space<vmem_shared>>
        tpu.wait_indirect_dma semaphore(%arg17 : memref<!tpu.dma_semaphore, #tpu.memory_space<semaphore_mem>>) src(%dma_wait3A_808 : memref<80x128xf32, #tpu.memory_space<vmem>>) dst(%dma_wait3A_814 : memref<10240x128xf32, #tpu.memory_space<vmem_shared>>)
      } else {
      }
      %add3A_718 = arith.constant 4 : i32
      %add3A_719 = arith.addi %add3A_712, %add3A_718 : i32
      %lt3A_720 = arith.constant 125 : i32
      %lt3A_721 = arith.cmpi slt, %add3A_719, %lt3A_720 : i32
      %convert_element_type3A_722 = arith.extui %lt3A_721 : i1 to i32
      %cond3A_723 = arith.constant 0 : i32
      %cond3A_724 = arith.cmpi ne, %convert_element_type3A_722, %cond3A_723 : i32
      scf.if %cond3A_724 {
        %add3A_803 = arith.constant 4 : i32
        %add3A_804 = arith.addi %add3A_712, %add3A_803 : i32
        %rem3A_805 = arith.constant 8 : i32
        %rem3A_806 = arith.remsi %add3A_804, %rem3A_805 : i32
        %mul3A_807 = arith.constant 80 : i32
        %mul3A_808 = arith.muli %add3A_804, %mul3A_807 : i32
        %add3A_809 = arith.addi %mul3A_2, %mul3A_808 : i32
        %dma_start3A_810 = arith.constant 0 : i32
        %dma_start3A_811 = tpu.memref_slice %arg6[%rem3A_806, %dma_start3A_810] : memref<8x80xi32, #tpu.memory_space<vmem>> -> memref<1x80xi32, #tpu.memory_space<vmem>>
        %dma_start3A_812 = tpu.memref_squeeze %dma_start3A_811 : memref<1x80xi32, #tpu.memory_space<vmem>> -> memref<80xi32, #tpu.memory_space<vmem>>
        %dma_start3A_813 = tpu.memref_slice %arg3[%add3A_809] : memref<320000xi32, #tpu.memory_space<hbm>> -> memref<80xi32, #tpu.memory_space<hbm>>
        %dma_start3A_814 = arith.constant 0 : i32
        %dma_start3A_815 = tpu.memref_slice %arg6[%rem3A_806, %dma_start3A_814] : memref<8x80xi32, #tpu.memory_space<vmem>> -> memref<1x80xi32, #tpu.memory_space<vmem>>
        %dma_start3A_816 = tpu.memref_squeeze %dma_start3A_815 : memref<1x80xi32, #tpu.memory_space<vmem>> -> memref<80xi32, #tpu.memory_space<vmem>>
        %dma_start3A_817 = tpu.memref_slice %arg3[%add3A_809] : memref<320000xi32, #tpu.memory_space<hbm>> -> memref<80xi32, #tpu.memory_space<hbm>>
        tpu.enqueue_dma source(%dma_start3A_817 : memref<80xi32, #tpu.memory_space<hbm>>) target(%dma_start3A_816 : memref<80xi32, #tpu.memory_space<vmem>>) target_semaphore(%arg11 : memref<!tpu.dma_semaphore, #tpu.memory_space<semaphore_mem>>)
        %mul3A_818 = arith.constant 80 : i32
        %mul3A_819 = arith.muli %add3A_804, %mul3A_818 : i32
        %add3A_820 = arith.addi %mul3A_2, %mul3A_819 : i32
        %dma_start3A_821 = arith.constant 0 : i32
        %dma_start3A_822 = tpu.memref_slice %arg7[%rem3A_806, %dma_start3A_821] : memref<8x80xi32, #tpu.memory_space<vmem>> -> memref<1x80xi32, #tpu.memory_space<vmem>>
        %dma_start3A_823 = tpu.memref_squeeze %dma_start3A_822 : memref<1x80xi32, #tpu.memory_space<vmem>> -> memref<80xi32, #tpu.memory_space<vmem>>
        %dma_start3A_824 = tpu.memref_slice %arg4[%add3A_820] : memref<320000xi32, #tpu.memory_space<hbm>> -> memref<80xi32, #tpu.memory_space<hbm>>
        %dma_start3A_825 = arith.constant 0 : i32
        %dma_start3A_826 = tpu.memref_slice %arg7[%rem3A_806, %dma_start3A_825] : memref<8x80xi32, #tpu.memory_space<vmem>> -> memref<1x80xi32, #tpu.memory_space<vmem>>
        %dma_start3A_827 = tpu.memref_squeeze %dma_start3A_826 : memref<1x80xi32, #tpu.memory_space<vmem>> -> memref<80xi32, #tpu.memory_space<vmem>>
        %dma_start3A_828 = tpu.memref_slice %arg4[%add3A_820] : memref<320000xi32, #tpu.memory_space<hbm>> -> memref<80xi32, #tpu.memory_space<hbm>>
        tpu.enqueue_dma source(%dma_start3A_828 : memref<80xi32, #tpu.memory_space<hbm>>) target(%dma_start3A_827 : memref<80xi32, #tpu.memory_space<vmem>>) target_semaphore(%arg11 : memref<!tpu.dma_semaphore, #tpu.memory_space<semaphore_mem>>)
      } else {
      }
      %add3A_725 = arith.constant 2 : i32
      %add3A_726 = arith.addi %add3A_712, %add3A_725 : i32
      %lt3A_727 = arith.constant 125 : i32
      %lt3A_728 = arith.cmpi slt, %add3A_726, %lt3A_727 : i32
      %convert_element_type3A_729 = arith.extui %lt3A_728 : i1 to i32
      %cond3A_730 = arith.constant 0 : i32
      %cond3A_731 = arith.cmpi ne, %convert_element_type3A_729, %cond3A_730 : i32
      scf.if %cond3A_731 {
        %dma_wait3A_803 = arith.constant 0 : i32
        %dma_wait3A_804 = arith.constant 0 : i32
        %dma_wait3A_805 = tpu.memref_slice %arg6[%dma_wait3A_803, %dma_wait3A_804] : memref<8x80xi32, #tpu.memory_space<vmem>> -> memref<1x80xi32, #tpu.memory_space<vmem>>
        %dma_wait3A_806 = tpu.memref_squeeze %dma_wait3A_805 : memref<1x80xi32, #tpu.memory_space<vmem>> -> memref<80xi32, #tpu.memory_space<vmem>>
        %dma_wait3A_807 = arith.constant 0 : i32
        %dma_wait3A_808 = tpu.memref_slice %arg3[%dma_wait3A_807] : memref<320000xi32, #tpu.memory_space<hbm>> -> memref<80xi32, #tpu.memory_space<hbm>>
        %dma_wait3A_809 = arith.constant 0 : i32
        %dma_wait3A_810 = tpu.memref_slice %arg6[%dma_wait3A_803, %dma_wait3A_809] : memref<8x80xi32, #tpu.memory_space<vmem>> -> memref<1x80xi32, #tpu.memory_space<vmem>>
        %dma_wait3A_811 = tpu.memref_squeeze %dma_wait3A_810 : memref<1x80xi32, #tpu.memory_space<vmem>> -> memref<80xi32, #tpu.memory_space<vmem>>
        %dma_wait3A_812 = arith.constant 0 : i32
        %dma_wait3A_813 = tpu.memref_slice %arg3[%dma_wait3A_812] : memref<320000xi32, #tpu.memory_space<hbm>> -> memref<80xi32, #tpu.memory_space<hbm>>
        tpu.wait_dma2 semaphore(%arg9 : memref<!tpu.dma_semaphore, #tpu.memory_space<semaphore_mem>>) src(%dma_wait3A_813 : memref<80xi32, #tpu.memory_space<hbm>>) dst(%dma_wait3A_811 : memref<80xi32, #tpu.memory_space<vmem>>)
        %dma_wait3A_814 = arith.constant 0 : i32
        %dma_wait3A_815 = arith.constant 0 : i32
        %dma_wait3A_816 = tpu.memref_slice %arg7[%dma_wait3A_814, %dma_wait3A_815] : memref<8x80xi32, #tpu.memory_space<vmem>> -> memref<1x80xi32, #tpu.memory_space<vmem>>
        %dma_wait3A_817 = tpu.memref_squeeze %dma_wait3A_816 : memref<1x80xi32, #tpu.memory_space<vmem>> -> memref<80xi32, #tpu.memory_space<vmem>>
        %dma_wait3A_818 = arith.constant 0 : i32
        %dma_wait3A_819 = tpu.memref_slice %arg4[%dma_wait3A_818] : memref<320000xi32, #tpu.memory_space<hbm>> -> memref<80xi32, #tpu.memory_space<hbm>>
        %dma_wait3A_820 = arith.constant 0 : i32
        %dma_wait3A_821 = tpu.memref_slice %arg7[%dma_wait3A_814, %dma_wait3A_820] : memref<8x80xi32, #tpu.memory_space<vmem>> -> memref<1x80xi32, #tpu.memory_space<vmem>>
        %dma_wait3A_822 = tpu.memref_squeeze %dma_wait3A_821 : memref<1x80xi32, #tpu.memory_space<vmem>> -> memref<80xi32, #tpu.memory_space<vmem>>
        %dma_wait3A_823 = arith.constant 0 : i32
        %dma_wait3A_824 = tpu.memref_slice %arg4[%dma_wait3A_823] : memref<320000xi32, #tpu.memory_space<hbm>> -> memref<80xi32, #tpu.memory_space<hbm>>
        tpu.wait_dma2 semaphore(%arg9 : memref<!tpu.dma_semaphore, #tpu.memory_space<semaphore_mem>>) src(%dma_wait3A_824 : memref<80xi32, #tpu.memory_space<hbm>>) dst(%dma_wait3A_822 : memref<80xi32, #tpu.memory_space<vmem>>)
        %add3A_825 = arith.constant 2 : i32
        %add3A_826 = arith.addi %add3A_712, %add3A_825 : i32
        %rem3A_827 = arith.constant 8 : i32
        %rem3A_828 = arith.remsi %add3A_826, %rem3A_827 : i32
        %dma_start3A_829 = arith.constant 0 : i32
        %dma_start3A_830 = arith.constant 0 : i32
        %dma_start3A_831 = arith.constant 0 : i32
        %dma_start3A_832 = tpu.memref_slice %arg8[%dma_start3A_829, %dma_start3A_830, %dma_start3A_831] : memref<4x80x128xf32, #tpu.memory_space<vmem>> -> memref<1x80x128xf32, #tpu.memory_space<vmem>>
        %dma_start3A_833 = tpu.memref_squeeze %dma_start3A_832 : memref<1x80x128xf32, #tpu.memory_space<vmem>> -> memref<80x128xf32, #tpu.memory_space<vmem>>
        %dma_start3A_834 = arith.constant 0 : i32
        %dma_start3A_835 = tpu.memref_slice %arg6[%rem3A_828, %dma_start3A_834] : memref<8x80xi32, #tpu.memory_space<vmem>> -> memref<1x80xi32, #tpu.memory_space<vmem>>
        %dma_start3A_836 = tpu.memref_squeeze %dma_start3A_835 : memref<1x80xi32, #tpu.memory_space<vmem>> -> memref<80xi32, #tpu.memory_space<vmem>>
        %dma_start3A_837 = arith.constant 0 : i32
        %dma_start3A_838 = arith.constant 0 : i32
        %dma_start3A_839 = tpu.memref_slice %arg2[%dma_start3A_837, %dma_start3A_838] : memref<10000x128xf32, #tpu.memory_space<hbm>> -> memref<10000x128xf32, #tpu.memory_space<hbm>>
        tpu.enqueue_indirect_dma source(%dma_start3A_839 : memref<10000x128xf32, #tpu.memory_space<hbm>>) target(%dma_start3A_833 : memref<80x128xf32, #tpu.memory_space<vmem>>) offsets(%dma_start3A_836 : memref<80xi32, #tpu.memory_space<vmem>>) semaphore(%arg13 : memref<!tpu.dma_semaphore, #tpu.memory_space<semaphore_mem>>)
      } else {
      }
      %dma_wait3A_732 = arith.constant 0 : i32
      %dma_wait3A_733 = arith.constant 0 : i32
      %dma_wait3A_734 = arith.constant 0 : i32
      %dma_wait3A_735 = arith.constant 0 : i32
      %dma_wait3A_736 = tpu.memref_slice %arg8[%dma_wait3A_733, %dma_wait3A_734, %dma_wait3A_735] : memref<4x80x128xf32, #tpu.memory_space<vmem>> -> memref<1x80x128xf32, #tpu.memory_space<vmem>>
      %dma_wait3A_737 = tpu.memref_squeeze %dma_wait3A_736 : memref<1x80x128xf32, #tpu.memory_space<vmem>> -> memref<80x128xf32, #tpu.memory_space<vmem>>
      %dma_wait3A_738 = arith.constant 0 : i32
      %dma_wait3A_739 = tpu.memref_slice %arg6[%dma_wait3A_732, %dma_wait3A_738] : memref<8x80xi32, #tpu.memory_space<vmem>> -> memref<1x80xi32, #tpu.memory_space<vmem>>
      %dma_wait3A_740 = tpu.memref_squeeze %dma_wait3A_739 : memref<1x80xi32, #tpu.memory_space<vmem>> -> memref<80xi32, #tpu.memory_space<vmem>>
      %dma_wait3A_741 = arith.constant 0 : i32
      %dma_wait3A_742 = arith.constant 0 : i32
      %dma_wait3A_743 = tpu.memref_slice %arg2[%dma_wait3A_741, %dma_wait3A_742] : memref<10000x128xf32, #tpu.memory_space<hbm>> -> memref<10000x128xf32, #tpu.memory_space<hbm>>
      tpu.wait_indirect_dma semaphore(%arg15 : memref<!tpu.dma_semaphore, #tpu.memory_space<semaphore_mem>>) src(%dma_wait3A_743 : memref<10000x128xf32, #tpu.memory_space<hbm>>) dst(%dma_wait3A_737 : memref<80x128xf32, #tpu.memory_space<vmem>>)
      %rem3A_744 = arith.constant 8 : i32
      %rem3A_745 = arith.remsi %add3A_712, %rem3A_744 : i32
      %dma_start3A_746 = arith.constant 2 : i32
      %dma_start3A_747 = arith.constant 0 : i32
      %dma_start3A_748 = arith.constant 0 : i32
      %dma_start3A_749 = tpu.memref_slice %arg8[%dma_start3A_746, %dma_start3A_747, %dma_start3A_748] : memref<4x80x128xf32, #tpu.memory_space<vmem>> -> memref<1x80x128xf32, #tpu.memory_space<vmem>>
      %dma_start3A_750 = tpu.memref_squeeze %dma_start3A_749 : memref<1x80x128xf32, #tpu.memory_space<vmem>> -> memref<80x128xf32, #tpu.memory_space<vmem>>
      %dma_start3A_751 = arith.constant 0 : i32
      %dma_start3A_752 = tpu.memref_slice %arg7[%rem3A_745, %dma_start3A_751] : memref<8x80xi32, #tpu.memory_space<vmem>> -> memref<1x80xi32, #tpu.memory_space<vmem>>
      %dma_start3A_753 = tpu.memref_squeeze %dma_start3A_752 : memref<1x80xi32, #tpu.memory_space<vmem>> -> memref<80xi32, #tpu.memory_space<vmem>>
      %dma_start3A_754 = arith.constant 0 : i32
      %dma_start3A_755 = arith.constant 0 : i32
      %dma_start3A_756 = tpu.memref_slice %arg21[%dma_start3A_754, %dma_start3A_755] : memref<10240x128xf32, #tpu.memory_space<vmem_shared>> -> memref<10240x128xf32, #tpu.memory_space<vmem_shared>>
      tpu.enqueue_indirect_dma source(%dma_start3A_750 : memref<80x128xf32, #tpu.memory_space<vmem>>) target(%dma_start3A_756 : memref<10240x128xf32, #tpu.memory_space<vmem_shared>>) offsets(%dma_start3A_753 : memref<80xi32, #tpu.memory_space<vmem>>) semaphore(%arg19 : memref<!tpu.dma_semaphore, #tpu.memory_space<semaphore_mem>>) {add = true}
      %add3A_757 = arith.constant 3 : i32
      %add3A_758 = arith.addi %mul3A_623, %add3A_757 : i32
      %ge3A_759 = arith.constant 2 : i32
      %ge3A_760 = arith.cmpi sge, %add3A_758, %ge3A_759 : i32
      %convert_element_type3A_761 = arith.extui %ge3A_760 : i1 to i32
      %cond3A_762 = arith.constant 0 : i32
      %cond3A_763 = arith.cmpi ne, %convert_element_type3A_761, %cond3A_762 : i32
      scf.if %cond3A_763 {
        %dma_wait3A_803 = arith.constant 0 : i32
        %dma_wait3A_804 = arith.constant 0 : i32
        %dma_wait3A_805 = arith.constant 0 : i32
        %dma_wait3A_806 = arith.constant 0 : i32
        %dma_wait3A_807 = tpu.memref_slice %arg8[%dma_wait3A_803, %dma_wait3A_805, %dma_wait3A_806] : memref<4x80x128xf32, #tpu.memory_space<vmem>> -> memref<1x80x128xf32, #tpu.memory_space<vmem>>
        %dma_wait3A_808 = tpu.memref_squeeze %dma_wait3A_807 : memref<1x80x128xf32, #tpu.memory_space<vmem>> -> memref<80x128xf32, #tpu.memory_space<vmem>>
        %dma_wait3A_809 = arith.constant 0 : i32
        %dma_wait3A_810 = tpu.memref_slice %arg7[%dma_wait3A_804, %dma_wait3A_809] : memref<8x80xi32, #tpu.memory_space<vmem>> -> memref<1x80xi32, #tpu.memory_space<vmem>>
        %dma_wait3A_811 = tpu.memref_squeeze %dma_wait3A_810 : memref<1x80xi32, #tpu.memory_space<vmem>> -> memref<80xi32, #tpu.memory_space<vmem>>
        %dma_wait3A_812 = arith.constant 0 : i32
        %dma_wait3A_813 = arith.constant 0 : i32
        %dma_wait3A_814 = tpu.memref_slice %arg21[%dma_wait3A_812, %dma_wait3A_813] : memref<10240x128xf32, #tpu.memory_space<vmem_shared>> -> memref<10240x128xf32, #tpu.memory_space<vmem_shared>>
        tpu.wait_indirect_dma semaphore(%arg18 : memref<!tpu.dma_semaphore, #tpu.memory_space<semaphore_mem>>) src(%dma_wait3A_808 : memref<80x128xf32, #tpu.memory_space<vmem>>) dst(%dma_wait3A_814 : memref<10240x128xf32, #tpu.memory_space<vmem_shared>>)
      } else {
      }
      %add3A_764 = arith.constant 4 : i32
      %add3A_765 = arith.addi %add3A_758, %add3A_764 : i32
      %lt3A_766 = arith.constant 125 : i32
      %lt3A_767 = arith.cmpi slt, %add3A_765, %lt3A_766 : i32
      %convert_element_type3A_768 = arith.extui %lt3A_767 : i1 to i32
      %cond3A_769 = arith.constant 0 : i32
      %cond3A_770 = arith.cmpi ne, %convert_element_type3A_768, %cond3A_769 : i32
      scf.if %cond3A_770 {
        %add3A_803 = arith.constant 4 : i32
        %add3A_804 = arith.addi %add3A_758, %add3A_803 : i32
        %rem3A_805 = arith.constant 8 : i32
        %rem3A_806 = arith.remsi %add3A_804, %rem3A_805 : i32
        %mul3A_807 = arith.constant 80 : i32
        %mul3A_808 = arith.muli %add3A_804, %mul3A_807 : i32
        %add3A_809 = arith.addi %mul3A_2, %mul3A_808 : i32
        %dma_start3A_810 = arith.constant 0 : i32
        %dma_start3A_811 = tpu.memref_slice %arg6[%rem3A_806, %dma_start3A_810] : memref<8x80xi32, #tpu.memory_space<vmem>> -> memref<1x80xi32, #tpu.memory_space<vmem>>
        %dma_start3A_812 = tpu.memref_squeeze %dma_start3A_811 : memref<1x80xi32, #tpu.memory_space<vmem>> -> memref<80xi32, #tpu.memory_space<vmem>>
        %dma_start3A_813 = tpu.memref_slice %arg3[%add3A_809] : memref<320000xi32, #tpu.memory_space<hbm>> -> memref<80xi32, #tpu.memory_space<hbm>>
        %dma_start3A_814 = arith.constant 0 : i32
        %dma_start3A_815 = tpu.memref_slice %arg6[%rem3A_806, %dma_start3A_814] : memref<8x80xi32, #tpu.memory_space<vmem>> -> memref<1x80xi32, #tpu.memory_space<vmem>>
        %dma_start3A_816 = tpu.memref_squeeze %dma_start3A_815 : memref<1x80xi32, #tpu.memory_space<vmem>> -> memref<80xi32, #tpu.memory_space<vmem>>
        %dma_start3A_817 = tpu.memref_slice %arg3[%add3A_809] : memref<320000xi32, #tpu.memory_space<hbm>> -> memref<80xi32, #tpu.memory_space<hbm>>
        tpu.enqueue_dma source(%dma_start3A_817 : memref<80xi32, #tpu.memory_space<hbm>>) target(%dma_start3A_816 : memref<80xi32, #tpu.memory_space<vmem>>) target_semaphore(%arg12 : memref<!tpu.dma_semaphore, #tpu.memory_space<semaphore_mem>>)
        %mul3A_818 = arith.constant 80 : i32
        %mul3A_819 = arith.muli %add3A_804, %mul3A_818 : i32
        %add3A_820 = arith.addi %mul3A_2, %mul3A_819 : i32
        %dma_start3A_821 = arith.constant 0 : i32
        %dma_start3A_822 = tpu.memref_slice %arg7[%rem3A_806, %dma_start3A_821] : memref<8x80xi32, #tpu.memory_space<vmem>> -> memref<1x80xi32, #tpu.memory_space<vmem>>
        %dma_start3A_823 = tpu.memref_squeeze %dma_start3A_822 : memref<1x80xi32, #tpu.memory_space<vmem>> -> memref<80xi32, #tpu.memory_space<vmem>>
        %dma_start3A_824 = tpu.memref_slice %arg4[%add3A_820] : memref<320000xi32, #tpu.memory_space<hbm>> -> memref<80xi32, #tpu.memory_space<hbm>>
        %dma_start3A_825 = arith.constant 0 : i32
        %dma_start3A_826 = tpu.memref_slice %arg7[%rem3A_806, %dma_start3A_825] : memref<8x80xi32, #tpu.memory_space<vmem>> -> memref<1x80xi32, #tpu.memory_space<vmem>>
        %dma_start3A_827 = tpu.memref_squeeze %dma_start3A_826 : memref<1x80xi32, #tpu.memory_space<vmem>> -> memref<80xi32, #tpu.memory_space<vmem>>
        %dma_start3A_828 = tpu.memref_slice %arg4[%add3A_820] : memref<320000xi32, #tpu.memory_space<hbm>> -> memref<80xi32, #tpu.memory_space<hbm>>
        tpu.enqueue_dma source(%dma_start3A_828 : memref<80xi32, #tpu.memory_space<hbm>>) target(%dma_start3A_827 : memref<80xi32, #tpu.memory_space<vmem>>) target_semaphore(%arg12 : memref<!tpu.dma_semaphore, #tpu.memory_space<semaphore_mem>>)
      } else {
      }
      %add3A_771 = arith.constant 2 : i32
      %add3A_772 = arith.addi %add3A_758, %add3A_771 : i32
      %lt3A_773 = arith.constant 125 : i32
      %lt3A_774 = arith.cmpi slt, %add3A_772, %lt3A_773 : i32
      %convert_element_type3A_775 = arith.extui %lt3A_774 : i1 to i32
      %cond3A_776 = arith.constant 0 : i32
      %cond3A_777 = arith.cmpi ne, %convert_element_type3A_775, %cond3A_776 : i32
      scf.if %cond3A_777 {
        %dma_wait3A_803 = arith.constant 0 : i32
        %dma_wait3A_804 = arith.constant 0 : i32
        %dma_wait3A_805 = tpu.memref_slice %arg6[%dma_wait3A_803, %dma_wait3A_804] : memref<8x80xi32, #tpu.memory_space<vmem>> -> memref<1x80xi32, #tpu.memory_space<vmem>>
        %dma_wait3A_806 = tpu.memref_squeeze %dma_wait3A_805 : memref<1x80xi32, #tpu.memory_space<vmem>> -> memref<80xi32, #tpu.memory_space<vmem>>
        %dma_wait3A_807 = arith.constant 0 : i32
        %dma_wait3A_808 = tpu.memref_slice %arg3[%dma_wait3A_807] : memref<320000xi32, #tpu.memory_space<hbm>> -> memref<80xi32, #tpu.memory_space<hbm>>
        %dma_wait3A_809 = arith.constant 0 : i32
        %dma_wait3A_810 = tpu.memref_slice %arg6[%dma_wait3A_803, %dma_wait3A_809] : memref<8x80xi32, #tpu.memory_space<vmem>> -> memref<1x80xi32, #tpu.memory_space<vmem>>
        %dma_wait3A_811 = tpu.memref_squeeze %dma_wait3A_810 : memref<1x80xi32, #tpu.memory_space<vmem>> -> memref<80xi32, #tpu.memory_space<vmem>>
        %dma_wait3A_812 = arith.constant 0 : i32
        %dma_wait3A_813 = tpu.memref_slice %arg3[%dma_wait3A_812] : memref<320000xi32, #tpu.memory_space<hbm>> -> memref<80xi32, #tpu.memory_space<hbm>>
        tpu.wait_dma2 semaphore(%arg10 : memref<!tpu.dma_semaphore, #tpu.memory_space<semaphore_mem>>) src(%dma_wait3A_813 : memref<80xi32, #tpu.memory_space<hbm>>) dst(%dma_wait3A_811 : memref<80xi32, #tpu.memory_space<vmem>>)
        %dma_wait3A_814 = arith.constant 0 : i32
        %dma_wait3A_815 = arith.constant 0 : i32
        %dma_wait3A_816 = tpu.memref_slice %arg7[%dma_wait3A_814, %dma_wait3A_815] : memref<8x80xi32, #tpu.memory_space<vmem>> -> memref<1x80xi32, #tpu.memory_space<vmem>>
        %dma_wait3A_817 = tpu.memref_squeeze %dma_wait3A_816 : memref<1x80xi32, #tpu.memory_space<vmem>> -> memref<80xi32, #tpu.memory_space<vmem>>
        %dma_wait3A_818 = arith.constant 0 : i32
        %dma_wait3A_819 = tpu.memref_slice %arg4[%dma_wait3A_818] : memref<320000xi32, #tpu.memory_space<hbm>> -> memref<80xi32, #tpu.memory_space<hbm>>
        %dma_wait3A_820 = arith.constant 0 : i32
        %dma_wait3A_821 = tpu.memref_slice %arg7[%dma_wait3A_814, %dma_wait3A_820] : memref<8x80xi32, #tpu.memory_space<vmem>> -> memref<1x80xi32, #tpu.memory_space<vmem>>
        %dma_wait3A_822 = tpu.memref_squeeze %dma_wait3A_821 : memref<1x80xi32, #tpu.memory_space<vmem>> -> memref<80xi32, #tpu.memory_space<vmem>>
        %dma_wait3A_823 = arith.constant 0 : i32
        %dma_wait3A_824 = tpu.memref_slice %arg4[%dma_wait3A_823] : memref<320000xi32, #tpu.memory_space<hbm>> -> memref<80xi32, #tpu.memory_space<hbm>>
        tpu.wait_dma2 semaphore(%arg10 : memref<!tpu.dma_semaphore, #tpu.memory_space<semaphore_mem>>) src(%dma_wait3A_824 : memref<80xi32, #tpu.memory_space<hbm>>) dst(%dma_wait3A_822 : memref<80xi32, #tpu.memory_space<vmem>>)
        %add3A_825 = arith.constant 2 : i32
        %add3A_826 = arith.addi %add3A_758, %add3A_825 : i32
        %rem3A_827 = arith.constant 8 : i32
        %rem3A_828 = arith.remsi %add3A_826, %rem3A_827 : i32
        %dma_start3A_829 = arith.constant 1 : i32
        %dma_start3A_830 = arith.constant 0 : i32
        %dma_start3A_831 = arith.constant 0 : i32
        %dma_start3A_832 = tpu.memref_slice %arg8[%dma_start3A_829, %dma_start3A_830, %dma_start3A_831] : memref<4x80x128xf32, #tpu.memory_space<vmem>> -> memref<1x80x128xf32, #tpu.memory_space<vmem>>
        %dma_start3A_833 = tpu.memref_squeeze %dma_start3A_832 : memref<1x80x128xf32, #tpu.memory_space<vmem>> -> memref<80x128xf32, #tpu.memory_space<vmem>>
        %dma_start3A_834 = arith.constant 0 : i32
        %dma_start3A_835 = tpu.memref_slice %arg6[%rem3A_828, %dma_start3A_834] : memref<8x80xi32, #tpu.memory_space<vmem>> -> memref<1x80xi32, #tpu.memory_space<vmem>>
        %dma_start3A_836 = tpu.memref_squeeze %dma_start3A_835 : memref<1x80xi32, #tpu.memory_space<vmem>> -> memref<80xi32, #tpu.memory_space<vmem>>
        %dma_start3A_837 = arith.constant 0 : i32
        %dma_start3A_838 = arith.constant 0 : i32
        %dma_start3A_839 = tpu.memref_slice %arg2[%dma_start3A_837, %dma_start3A_838] : memref<10000x128xf32, #tpu.memory_space<hbm>> -> memref<10000x128xf32, #tpu.memory_space<hbm>>
        tpu.enqueue_indirect_dma source(%dma_start3A_839 : memref<10000x128xf32, #tpu.memory_space<hbm>>) target(%dma_start3A_833 : memref<80x128xf32, #tpu.memory_space<vmem>>) offsets(%dma_start3A_836 : memref<80xi32, #tpu.memory_space<vmem>>) semaphore(%arg14 : memref<!tpu.dma_semaphore, #tpu.memory_space<semaphore_mem>>)
      } else {
      }
      %dma_wait3A_778 = arith.constant 0 : i32
      %dma_wait3A_779 = arith.constant 0 : i32
      %dma_wait3A_780 = arith.constant 0 : i32
      %dma_wait3A_781 = arith.constant 0 : i32
      %dma_wait3A_782 = tpu.memref_slice %arg8[%dma_wait3A_779, %dma_wait3A_780, %dma_wait3A_781] : memref<4x80x128xf32, #tpu.memory_space<vmem>> -> memref<1x80x128xf32, #tpu.memory_space<vmem>>
      %dma_wait3A_783 = tpu.memref_squeeze %dma_wait3A_782 : memref<1x80x128xf32, #tpu.memory_space<vmem>> -> memref<80x128xf32, #tpu.memory_space<vmem>>
      %dma_wait3A_784 = arith.constant 0 : i32
      %dma_wait3A_785 = tpu.memref_slice %arg6[%dma_wait3A_778, %dma_wait3A_784] : memref<8x80xi32, #tpu.memory_space<vmem>> -> memref<1x80xi32, #tpu.memory_space<vmem>>
      %dma_wait3A_786 = tpu.memref_squeeze %dma_wait3A_785 : memref<1x80xi32, #tpu.memory_space<vmem>> -> memref<80xi32, #tpu.memory_space<vmem>>
      %dma_wait3A_787 = arith.constant 0 : i32
      %dma_wait3A_788 = arith.constant 0 : i32
      %dma_wait3A_789 = tpu.memref_slice %arg2[%dma_wait3A_787, %dma_wait3A_788] : memref<10000x128xf32, #tpu.memory_space<hbm>> -> memref<10000x128xf32, #tpu.memory_space<hbm>>
      tpu.wait_indirect_dma semaphore(%arg16 : memref<!tpu.dma_semaphore, #tpu.memory_space<semaphore_mem>>) src(%dma_wait3A_789 : memref<10000x128xf32, #tpu.memory_space<hbm>>) dst(%dma_wait3A_783 : memref<80x128xf32, #tpu.memory_space<vmem>>)
      %rem3A_790 = arith.constant 8 : i32
      %rem3A_791 = arith.remsi %add3A_758, %rem3A_790 : i32
      %dma_start3A_792 = arith.constant 3 : i32
      %dma_start3A_793 = arith.constant 0 : i32
      %dma_start3A_794 = arith.constant 0 : i32
      %dma_start3A_795 = tpu.memref_slice %arg8[%dma_start3A_792, %dma_start3A_793, %dma_start3A_794] : memref<4x80x128xf32, #tpu.memory_space<vmem>> -> memref<1x80x128xf32, #tpu.memory_space<vmem>>
      %dma_start3A_796 = tpu.memref_squeeze %dma_start3A_795 : memref<1x80x128xf32, #tpu.memory_space<vmem>> -> memref<80x128xf32, #tpu.memory_space<vmem>>
      %dma_start3A_797 = arith.constant 0 : i32
      %dma_start3A_798 = tpu.memref_slice %arg7[%rem3A_791, %dma_start3A_797] : memref<8x80xi32, #tpu.memory_space<vmem>> -> memref<1x80xi32, #tpu.memory_space<vmem>>
      %dma_start3A_799 = tpu.memref_squeeze %dma_start3A_798 : memref<1x80xi32, #tpu.memory_space<vmem>> -> memref<80xi32, #tpu.memory_space<vmem>>
      %dma_start3A_800 = arith.constant 0 : i32
      %dma_start3A_801 = arith.constant 0 : i32
      %dma_start3A_802 = tpu.memref_slice %arg21[%dma_start3A_800, %dma_start3A_801] : memref<10240x128xf32, #tpu.memory_space<vmem_shared>> -> memref<10240x128xf32, #tpu.memory_space<vmem_shared>>
      tpu.enqueue_indirect_dma source(%dma_start3A_796 : memref<80x128xf32, #tpu.memory_space<vmem>>) target(%dma_start3A_802 : memref<10240x128xf32, #tpu.memory_space<vmem_shared>>) offsets(%dma_start3A_799 : memref<80xi32, #tpu.memory_space<vmem>>) semaphore(%arg20 : memref<!tpu.dma_semaphore, #tpu.memory_space<semaphore_mem>>) {add = true}
    }
    %scan3A_407 = arith.constant 31 : i32
    %dma_wait3A_408 = arith.constant 0 : i32
    %dma_wait3A_409 = arith.constant 0 : i32
    %dma_wait3A_410 = arith.constant 0 : i32
    %dma_wait3A_411 = arith.constant 0 : i32
    %dma_wait3A_412 = tpu.memref_slice %arg8[%dma_wait3A_408, %dma_wait3A_410, %dma_wait3A_411] : memref<4x80x128xf32, #tpu.memory_space<vmem>> -> memref<1x80x128xf32, #tpu.memory_space<vmem>>
    %dma_wait3A_413 = tpu.memref_squeeze %dma_wait3A_412 : memref<1x80x128xf32, #tpu.memory_space<vmem>> -> memref<80x128xf32, #tpu.memory_space<vmem>>
    %dma_wait3A_414 = arith.constant 0 : i32
    %dma_wait3A_415 = tpu.memref_slice %arg7[%dma_wait3A_409, %dma_wait3A_414] : memref<8x80xi32, #tpu.memory_space<vmem>> -> memref<1x80xi32, #tpu.memory_space<vmem>>
    %dma_wait3A_416 = tpu.memref_squeeze %dma_wait3A_415 : memref<1x80xi32, #tpu.memory_space<vmem>> -> memref<80xi32, #tpu.memory_space<vmem>>
    %dma_wait3A_417 = arith.constant 0 : i32
    %dma_wait3A_418 = arith.constant 0 : i32
    %dma_wait3A_419 = tpu.memref_slice %arg21[%dma_wait3A_417, %dma_wait3A_418] : memref<10240x128xf32, #tpu.memory_space<vmem_shared>> -> memref<10240x128xf32, #tpu.memory_space<vmem_shared>>
    tpu.wait_indirect_dma semaphore(%arg19 : memref<!tpu.dma_semaphore, #tpu.memory_space<semaphore_mem>>) src(%dma_wait3A_413 : memref<80x128xf32, #tpu.memory_space<vmem>>) dst(%dma_wait3A_419 : memref<10240x128xf32, #tpu.memory_space<vmem_shared>>)
    %dma_wait3A_420 = arith.constant 0 : i32
    %dma_wait3A_421 = arith.constant 0 : i32
    %dma_wait3A_422 = arith.constant 0 : i32
    %dma_wait3A_423 = arith.constant 0 : i32
    %dma_wait3A_424 = tpu.memref_slice %arg8[%dma_wait3A_421, %dma_wait3A_422, %dma_wait3A_423] : memref<4x80x128xf32, #tpu.memory_space<vmem>> -> memref<1x80x128xf32, #tpu.memory_space<vmem>>
    %dma_wait3A_425 = tpu.memref_squeeze %dma_wait3A_424 : memref<1x80x128xf32, #tpu.memory_space<vmem>> -> memref<80x128xf32, #tpu.memory_space<vmem>>
    %dma_wait3A_426 = arith.constant 0 : i32
    %dma_wait3A_427 = tpu.memref_slice %arg6[%dma_wait3A_420, %dma_wait3A_426] : memref<8x80xi32, #tpu.memory_space<vmem>> -> memref<1x80xi32, #tpu.memory_space<vmem>>
    %dma_wait3A_428 = tpu.memref_squeeze %dma_wait3A_427 : memref<1x80xi32, #tpu.memory_space<vmem>> -> memref<80xi32, #tpu.memory_space<vmem>>
    %dma_wait3A_429 = arith.constant 0 : i32
    %dma_wait3A_430 = arith.constant 0 : i32
    %dma_wait3A_431 = tpu.memref_slice %arg2[%dma_wait3A_429, %dma_wait3A_430] : memref<10000x128xf32, #tpu.memory_space<hbm>> -> memref<10000x128xf32, #tpu.memory_space<hbm>>
    tpu.wait_indirect_dma semaphore(%arg13 : memref<!tpu.dma_semaphore, #tpu.memory_space<semaphore_mem>>) src(%dma_wait3A_431 : memref<10000x128xf32, #tpu.memory_space<hbm>>) dst(%dma_wait3A_425 : memref<80x128xf32, #tpu.memory_space<vmem>>)
    %dma_start3A_432 = arith.constant 0 : i32
    %dma_start3A_433 = arith.constant 4 : i32
    %dma_start3A_434 = arith.constant 0 : i32
    %dma_start3A_435 = arith.constant 0 : i32
    %dma_start3A_436 = tpu.memref_slice %arg8[%dma_start3A_432, %dma_start3A_434, %dma_start3A_435] : memref<4x80x128xf32, #tpu.memory_space<vmem>> -> memref<1x80x128xf32, #tpu.memory_space<vmem>>
    %dma_start3A_437 = tpu.memref_squeeze %dma_start3A_436 : memref<1x80x128xf32, #tpu.memory_space<vmem>> -> memref<80x128xf32, #tpu.memory_space<vmem>>
    %dma_start3A_438 = arith.constant 0 : i32
    %dma_start3A_439 = tpu.memref_slice %arg7[%dma_start3A_433, %dma_start3A_438] : memref<8x80xi32, #tpu.memory_space<vmem>> -> memref<1x80xi32, #tpu.memory_space<vmem>>
    %dma_start3A_440 = tpu.memref_squeeze %dma_start3A_439 : memref<1x80xi32, #tpu.memory_space<vmem>> -> memref<80xi32, #tpu.memory_space<vmem>>
    %dma_start3A_441 = arith.constant 0 : i32
    %dma_start3A_442 = arith.constant 0 : i32
    %dma_start3A_443 = tpu.memref_slice %arg21[%dma_start3A_441, %dma_start3A_442] : memref<10240x128xf32, #tpu.memory_space<vmem_shared>> -> memref<10240x128xf32, #tpu.memory_space<vmem_shared>>
    tpu.enqueue_indirect_dma source(%dma_start3A_437 : memref<80x128xf32, #tpu.memory_space<vmem>>) target(%dma_start3A_443 : memref<10240x128xf32, #tpu.memory_space<vmem_shared>>) offsets(%dma_start3A_440 : memref<80xi32, #tpu.memory_space<vmem>>) semaphore(%arg17 : memref<!tpu.dma_semaphore, #tpu.memory_space<semaphore_mem>>) {add = true}
    %dma_wait3A_444 = arith.constant 0 : i32
    %dma_wait3A_445 = arith.constant 0 : i32
    %dma_wait3A_446 = arith.constant 0 : i32
    %dma_wait3A_447 = arith.constant 0 : i32
    %dma_wait3A_448 = tpu.memref_slice %arg8[%dma_wait3A_444, %dma_wait3A_446, %dma_wait3A_447] : memref<4x80x128xf32, #tpu.memory_space<vmem>> -> memref<1x80x128xf32, #tpu.memory_space<vmem>>
    %dma_wait3A_449 = tpu.memref_squeeze %dma_wait3A_448 : memref<1x80x128xf32, #tpu.memory_space<vmem>> -> memref<80x128xf32, #tpu.memory_space<vmem>>
    %dma_wait3A_450 = arith.constant 0 : i32
    %dma_wait3A_451 = tpu.memref_slice %arg7[%dma_wait3A_445, %dma_wait3A_450] : memref<8x80xi32, #tpu.memory_space<vmem>> -> memref<1x80xi32, #tpu.memory_space<vmem>>
    %dma_wait3A_452 = tpu.memref_squeeze %dma_wait3A_451 : memref<1x80xi32, #tpu.memory_space<vmem>> -> memref<80xi32, #tpu.memory_space<vmem>>
    %dma_wait3A_453 = arith.constant 0 : i32
    %dma_wait3A_454 = arith.constant 0 : i32
    %dma_wait3A_455 = tpu.memref_slice %arg21[%dma_wait3A_453, %dma_wait3A_454] : memref<10240x128xf32, #tpu.memory_space<vmem_shared>> -> memref<10240x128xf32, #tpu.memory_space<vmem_shared>>
    tpu.wait_indirect_dma semaphore(%arg20 : memref<!tpu.dma_semaphore, #tpu.memory_space<semaphore_mem>>) src(%dma_wait3A_449 : memref<80x128xf32, #tpu.memory_space<vmem>>) dst(%dma_wait3A_455 : memref<10240x128xf32, #tpu.memory_space<vmem_shared>>)
    %dma_wait3A_456 = arith.constant 0 : i32
    %dma_wait3A_457 = arith.constant 0 : i32
    %dma_wait3A_458 = arith.constant 0 : i32
    %dma_wait3A_459 = arith.constant 0 : i32
    %dma_wait3A_460 = tpu.memref_slice %arg8[%dma_wait3A_456, %dma_wait3A_458, %dma_wait3A_459] : memref<4x80x128xf32, #tpu.memory_space<vmem>> -> memref<1x80x128xf32, #tpu.memory_space<vmem>>
    %dma_wait3A_461 = tpu.memref_squeeze %dma_wait3A_460 : memref<1x80x128xf32, #tpu.memory_space<vmem>> -> memref<80x128xf32, #tpu.memory_space<vmem>>
    %dma_wait3A_462 = arith.constant 0 : i32
    %dma_wait3A_463 = tpu.memref_slice %arg7[%dma_wait3A_457, %dma_wait3A_462] : memref<8x80xi32, #tpu.memory_space<vmem>> -> memref<1x80xi32, #tpu.memory_space<vmem>>
    %dma_wait3A_464 = tpu.memref_squeeze %dma_wait3A_463 : memref<1x80xi32, #tpu.memory_space<vmem>> -> memref<80xi32, #tpu.memory_space<vmem>>
    %dma_wait3A_465 = arith.constant 0 : i32
    %dma_wait3A_466 = arith.constant 0 : i32
    %dma_wait3A_467 = tpu.memref_slice %arg21[%dma_wait3A_465, %dma_wait3A_466] : memref<10240x128xf32, #tpu.memory_space<vmem_shared>> -> memref<10240x128xf32, #tpu.memory_space<vmem_shared>>
    tpu.wait_indirect_dma semaphore(%arg17 : memref<!tpu.dma_semaphore, #tpu.memory_space<semaphore_mem>>) src(%dma_wait3A_461 : memref<80x128xf32, #tpu.memory_space<vmem>>) dst(%dma_wait3A_467 : memref<10240x128xf32, #tpu.memory_space<vmem_shared>>)
    %barrier3A_468 = arith.constant 0 : index
    tpu.barrier barrier_id(%barrier3A_468)
    %mul3A_469 = arith.constant 640 : i32
    %mul3A_470 = arith.muli %arg1, %mul3A_469 : i32
    %add3A_471 = arith.constant 0 : i32
    %add3A_472 = arith.addi %mul3A_470, %add3A_471 : i32
    %mul3A_473 = arith.constant 10240 : i32
    %mul3A_474 = arith.muli %arg0, %mul3A_473 : i32
    %mul3A_475 = arith.constant 640 : i32
    %mul3A_476 = arith.muli %arg1, %mul3A_475 : i32
    %add3A_477 = arith.addi %mul3A_474, %mul3A_476 : i32
    %add3A_478 = arith.constant 0 : i32
    %add3A_479 = arith.addi %add3A_477, %add3A_478 : i32
    %dma_start3A_480 = arith.constant 0 : i32
    %dma_start3A_481 = tpu.memref_slice %arg5[%add3A_479, %dma_start3A_480] : memref<20480x128xf32, #tpu.memory_space<hbm>> -> memref<80x128xf32, #tpu.memory_space<hbm>>
    %dma_start3A_482 = arith.constant 0 : i32
    %dma_start3A_483 = tpu.memref_slice %arg21[%add3A_472, %dma_start3A_482] : memref<10240x128xf32, #tpu.memory_space<vmem_shared>> -> memref<80x128xf32, #tpu.memory_space<vmem_shared>>
    tpu.enqueue_dma source(%dma_start3A_483 : memref<80x128xf32, #tpu.memory_space<vmem_shared>>) target(%dma_start3A_481 : memref<80x128xf32, #tpu.memory_space<hbm>>) target_semaphore(%arg17 : memref<!tpu.dma_semaphore, #tpu.memory_space<semaphore_mem>>)
    %mul3A_484 = arith.constant 640 : i32
    %mul3A_485 = arith.muli %arg1, %mul3A_484 : i32
    %add3A_486 = arith.constant 80 : i32
    %add3A_487 = arith.addi %mul3A_485, %add3A_486 : i32
    %mul3A_488 = arith.constant 10240 : i32
    %mul3A_489 = arith.muli %arg0, %mul3A_488 : i32
    %mul3A_490 = arith.constant 640 : i32
    %mul3A_491 = arith.muli %arg1, %mul3A_490 : i32
    %add3A_492 = arith.addi %mul3A_489, %mul3A_491 : i32
    %add3A_493 = arith.constant 80 : i32
    %add3A_494 = arith.addi %add3A_492, %add3A_493 : i32
    %dma_start3A_495 = arith.constant 0 : i32
    %dma_start3A_496 = tpu.memref_slice %arg5[%add3A_494, %dma_start3A_495] : memref<20480x128xf32, #tpu.memory_space<hbm>> -> memref<80x128xf32, #tpu.memory_space<hbm>>
    %dma_start3A_497 = arith.constant 0 : i32
    %dma_start3A_498 = tpu.memref_slice %arg21[%add3A_487, %dma_start3A_497] : memref<10240x128xf32, #tpu.memory_space<vmem_shared>> -> memref<80x128xf32, #tpu.memory_space<vmem_shared>>
    tpu.enqueue_dma source(%dma_start3A_498 : memref<80x128xf32, #tpu.memory_space<vmem_shared>>) target(%dma_start3A_496 : memref<80x128xf32, #tpu.memory_space<hbm>>) target_semaphore(%arg18 : memref<!tpu.dma_semaphore, #tpu.memory_space<semaphore_mem>>)
    %mul3A_499 = arith.constant 640 : i32
    %mul3A_500 = arith.muli %arg1, %mul3A_499 : i32
    %add3A_501 = arith.constant 160 : i32
    %add3A_502 = arith.addi %mul3A_500, %add3A_501 : i32
    %mul3A_503 = arith.constant 10240 : i32
    %mul3A_504 = arith.muli %arg0, %mul3A_503 : i32
    %mul3A_505 = arith.constant 640 : i32
    %mul3A_506 = arith.muli %arg1, %mul3A_505 : i32
    %add3A_507 = arith.addi %mul3A_504, %mul3A_506 : i32
    %add3A_508 = arith.constant 160 : i32
    %add3A_509 = arith.addi %add3A_507, %add3A_508 : i32
    %dma_start3A_510 = arith.constant 0 : i32
    %dma_start3A_511 = tpu.memref_slice %arg5[%add3A_509, %dma_start3A_510] : memref<20480x128xf32, #tpu.memory_space<hbm>> -> memref<80x128xf32, #tpu.memory_space<hbm>>
    %dma_start3A_512 = arith.constant 0 : i32
    %dma_start3A_513 = tpu.memref_slice %arg21[%add3A_502, %dma_start3A_512] : memref<10240x128xf32, #tpu.memory_space<vmem_shared>> -> memref<80x128xf32, #tpu.memory_space<vmem_shared>>
    tpu.enqueue_dma source(%dma_start3A_513 : memref<80x128xf32, #tpu.memory_space<vmem_shared>>) target(%dma_start3A_511 : memref<80x128xf32, #tpu.memory_space<hbm>>) target_semaphore(%arg19 : memref<!tpu.dma_semaphore, #tpu.memory_space<semaphore_mem>>)
    %mul3A_514 = arith.constant 640 : i32
    %mul3A_515 = arith.muli %arg1, %mul3A_514 : i32
    %add3A_516 = arith.constant 240 : i32
    %add3A_517 = arith.addi %mul3A_515, %add3A_516 : i32
    %mul3A_518 = arith.constant 10240 : i32
    %mul3A_519 = arith.muli %arg0, %mul3A_518 : i32
    %mul3A_520 = arith.constant 640 : i32
    %mul3A_521 = arith.muli %arg1, %mul3A_520 : i32
    %add3A_522 = arith.addi %mul3A_519, %mul3A_521 : i32
    %add3A_523 = arith.constant 240 : i32
    %add3A_524 = arith.addi %add3A_522, %add3A_523 : i32
    %dma_start3A_525 = arith.constant 0 : i32
    %dma_start3A_526 = tpu.memref_slice %arg5[%add3A_524, %dma_start3A_525] : memref<20480x128xf32, #tpu.memory_space<hbm>> -> memref<80x128xf32, #tpu.memory_space<hbm>>
    %dma_start3A_527 = arith.constant 0 : i32
    %dma_start3A_528 = tpu.memref_slice %arg21[%add3A_517, %dma_start3A_527] : memref<10240x128xf32, #tpu.memory_space<vmem_shared>> -> memref<80x128xf32, #tpu.memory_space<vmem_shared>>
    tpu.enqueue_dma source(%dma_start3A_528 : memref<80x128xf32, #tpu.memory_space<vmem_shared>>) target(%dma_start3A_526 : memref<80x128xf32, #tpu.memory_space<hbm>>) target_semaphore(%arg20 : memref<!tpu.dma_semaphore, #tpu.memory_space<semaphore_mem>>)
    %mul3A_529 = arith.constant 640 : i32
    %mul3A_530 = arith.muli %arg1, %mul3A_529 : i32
    %add3A_531 = arith.constant 320 : i32
    %add3A_532 = arith.addi %mul3A_530, %add3A_531 : i32
    %mul3A_533 = arith.constant 10240 : i32
    %mul3A_534 = arith.muli %arg0, %mul3A_533 : i32
    %mul3A_535 = arith.constant 640 : i32
    %mul3A_536 = arith.muli %arg1, %mul3A_535 : i32
    %add3A_537 = arith.addi %mul3A_534, %mul3A_536 : i32
    %add3A_538 = arith.constant 320 : i32
    %add3A_539 = arith.addi %add3A_537, %add3A_538 : i32
    %dma_start3A_540 = arith.constant 0 : i32
    %dma_start3A_541 = tpu.memref_slice %arg5[%add3A_539, %dma_start3A_540] : memref<20480x128xf32, #tpu.memory_space<hbm>> -> memref<80x128xf32, #tpu.memory_space<hbm>>
    %dma_start3A_542 = arith.constant 0 : i32
    %dma_start3A_543 = tpu.memref_slice %arg21[%add3A_532, %dma_start3A_542] : memref<10240x128xf32, #tpu.memory_space<vmem_shared>> -> memref<80x128xf32, #tpu.memory_space<vmem_shared>>
    tpu.enqueue_dma source(%dma_start3A_543 : memref<80x128xf32, #tpu.memory_space<vmem_shared>>) target(%dma_start3A_541 : memref<80x128xf32, #tpu.memory_space<hbm>>) target_semaphore(%arg17 : memref<!tpu.dma_semaphore, #tpu.memory_space<semaphore_mem>>)
    %mul3A_544 = arith.constant 640 : i32
    %mul3A_545 = arith.muli %arg1, %mul3A_544 : i32
    %add3A_546 = arith.constant 400 : i32
    %add3A_547 = arith.addi %mul3A_545, %add3A_546 : i32
    %mul3A_548 = arith.constant 10240 : i32
    %mul3A_549 = arith.muli %arg0, %mul3A_548 : i32
    %mul3A_550 = arith.constant 640 : i32
    %mul3A_551 = arith.muli %arg1, %mul3A_550 : i32
    %add3A_552 = arith.addi %mul3A_549, %mul3A_551 : i32
    %add3A_553 = arith.constant 400 : i32
    %add3A_554 = arith.addi %add3A_552, %add3A_553 : i32
    %dma_start3A_555 = arith.constant 0 : i32
    %dma_start3A_556 = tpu.memref_slice %arg5[%add3A_554, %dma_start3A_555] : memref<20480x128xf32, #tpu.memory_space<hbm>> -> memref<80x128xf32, #tpu.memory_space<hbm>>
    %dma_start3A_557 = arith.constant 0 : i32
    %dma_start3A_558 = tpu.memref_slice %arg21[%add3A_547, %dma_start3A_557] : memref<10240x128xf32, #tpu.memory_space<vmem_shared>> -> memref<80x128xf32, #tpu.memory_space<vmem_shared>>
    tpu.enqueue_dma source(%dma_start3A_558 : memref<80x128xf32, #tpu.memory_space<vmem_shared>>) target(%dma_start3A_556 : memref<80x128xf32, #tpu.memory_space<hbm>>) target_semaphore(%arg18 : memref<!tpu.dma_semaphore, #tpu.memory_space<semaphore_mem>>)
    %mul3A_559 = arith.constant 640 : i32
    %mul3A_560 = arith.muli %arg1, %mul3A_559 : i32
    %add3A_561 = arith.constant 480 : i32
    %add3A_562 = arith.addi %mul3A_560, %add3A_561 : i32
    %mul3A_563 = arith.constant 10240 : i32
    %mul3A_564 = arith.muli %arg0, %mul3A_563 : i32
    %mul3A_565 = arith.constant 640 : i32
    %mul3A_566 = arith.muli %arg1, %mul3A_565 : i32
    %add3A_567 = arith.addi %mul3A_564, %mul3A_566 : i32
    %add3A_568 = arith.constant 480 : i32
    %add3A_569 = arith.addi %add3A_567, %add3A_568 : i32
    %dma_start3A_570 = arith.constant 0 : i32
    %dma_start3A_571 = tpu.memref_slice %arg5[%add3A_569, %dma_start3A_570] : memref<20480x128xf32, #tpu.memory_space<hbm>> -> memref<80x128xf32, #tpu.memory_space<hbm>>
    %dma_start3A_572 = arith.constant 0 : i32
    %dma_start3A_573 = tpu.memref_slice %arg21[%add3A_562, %dma_start3A_572] : memref<10240x128xf32, #tpu.memory_space<vmem_shared>> -> memref<80x128xf32, #tpu.memory_space<vmem_shared>>
    tpu.enqueue_dma source(%dma_start3A_573 : memref<80x128xf32, #tpu.memory_space<vmem_shared>>) target(%dma_start3A_571 : memref<80x128xf32, #tpu.memory_space<hbm>>) target_semaphore(%arg19 : memref<!tpu.dma_semaphore, #tpu.memory_space<semaphore_mem>>)
    %mul3A_574 = arith.constant 640 : i32
    %mul3A_575 = arith.muli %arg1, %mul3A_574 : i32
    %add3A_576 = arith.constant 560 : i32
    %add3A_577 = arith.addi %mul3A_575, %add3A_576 : i32
    %mul3A_578 = arith.constant 10240 : i32
    %mul3A_579 = arith.muli %arg0, %mul3A_578 : i32
    %mul3A_580 = arith.constant 640 : i32
    %mul3A_581 = arith.muli %arg1, %mul3A_580 : i32
    %add3A_582 = arith.addi %mul3A_579, %mul3A_581 : i32
    %add3A_583 = arith.constant 560 : i32
    %add3A_584 = arith.addi %add3A_582, %add3A_583 : i32
    %dma_start3A_585 = arith.constant 0 : i32
    %dma_start3A_586 = tpu.memref_slice %arg5[%add3A_584, %dma_start3A_585] : memref<20480x128xf32, #tpu.memory_space<hbm>> -> memref<80x128xf32, #tpu.memory_space<hbm>>
    %dma_start3A_587 = arith.constant 0 : i32
    %dma_start3A_588 = tpu.memref_slice %arg21[%add3A_577, %dma_start3A_587] : memref<10240x128xf32, #tpu.memory_space<vmem_shared>> -> memref<80x128xf32, #tpu.memory_space<vmem_shared>>
    tpu.enqueue_dma source(%dma_start3A_588 : memref<80x128xf32, #tpu.memory_space<vmem_shared>>) target(%dma_start3A_586 : memref<80x128xf32, #tpu.memory_space<hbm>>) target_semaphore(%arg20 : memref<!tpu.dma_semaphore, #tpu.memory_space<semaphore_mem>>)
    %dma_wait3A_589 = arith.constant 0 : i32
    %dma_wait3A_590 = tpu.memref_slice %arg5[%add3A_479, %dma_wait3A_589] : memref<20480x128xf32, #tpu.memory_space<hbm>> -> memref<80x128xf32, #tpu.memory_space<hbm>>
    %dma_wait3A_591 = arith.constant 0 : i32
    %dma_wait3A_592 = tpu.memref_slice %arg21[%add3A_472, %dma_wait3A_591] : memref<10240x128xf32, #tpu.memory_space<vmem_shared>> -> memref<80x128xf32, #tpu.memory_space<vmem_shared>>
    tpu.wait_dma2 semaphore(%arg17 : memref<!tpu.dma_semaphore, #tpu.memory_space<semaphore_mem>>) src(%dma_wait3A_592 : memref<80x128xf32, #tpu.memory_space<vmem_shared>>) dst(%dma_wait3A_590 : memref<80x128xf32, #tpu.memory_space<hbm>>)
    %dma_wait3A_593 = arith.constant 0 : i32
    %dma_wait3A_594 = tpu.memref_slice %arg5[%add3A_494, %dma_wait3A_593] : memref<20480x128xf32, #tpu.memory_space<hbm>> -> memref<80x128xf32, #tpu.memory_space<hbm>>
    %dma_wait3A_595 = arith.constant 0 : i32
    %dma_wait3A_596 = tpu.memref_slice %arg21[%add3A_487, %dma_wait3A_595] : memref<10240x128xf32, #tpu.memory_space<vmem_shared>> -> memref<80x128xf32, #tpu.memory_space<vmem_shared>>
    tpu.wait_dma2 semaphore(%arg18 : memref<!tpu.dma_semaphore, #tpu.memory_space<semaphore_mem>>) src(%dma_wait3A_596 : memref<80x128xf32, #tpu.memory_space<vmem_shared>>) dst(%dma_wait3A_594 : memref<80x128xf32, #tpu.memory_space<hbm>>)
    %dma_wait3A_597 = arith.constant 0 : i32
    %dma_wait3A_598 = tpu.memref_slice %arg5[%add3A_509, %dma_wait3A_597] : memref<20480x128xf32, #tpu.memory_space<hbm>> -> memref<80x128xf32, #tpu.memory_space<hbm>>
    %dma_wait3A_599 = arith.constant 0 : i32
    %dma_wait3A_600 = tpu.memref_slice %arg21[%add3A_502, %dma_wait3A_599] : memref<10240x128xf32, #tpu.memory_space<vmem_shared>> -> memref<80x128xf32, #tpu.memory_space<vmem_shared>>
    tpu.wait_dma2 semaphore(%arg19 : memref<!tpu.dma_semaphore, #tpu.memory_space<semaphore_mem>>) src(%dma_wait3A_600 : memref<80x128xf32, #tpu.memory_space<vmem_shared>>) dst(%dma_wait3A_598 : memref<80x128xf32, #tpu.memory_space<hbm>>)
    %dma_wait3A_601 = arith.constant 0 : i32
    %dma_wait3A_602 = tpu.memref_slice %arg5[%add3A_524, %dma_wait3A_601] : memref<20480x128xf32, #tpu.memory_space<hbm>> -> memref<80x128xf32, #tpu.memory_space<hbm>>
    %dma_wait3A_603 = arith.constant 0 : i32
    %dma_wait3A_604 = tpu.memref_slice %arg21[%add3A_517, %dma_wait3A_603] : memref<10240x128xf32, #tpu.memory_space<vmem_shared>> -> memref<80x128xf32, #tpu.memory_space<vmem_shared>>
    tpu.wait_dma2 semaphore(%arg20 : memref<!tpu.dma_semaphore, #tpu.memory_space<semaphore_mem>>) src(%dma_wait3A_604 : memref<80x128xf32, #tpu.memory_space<vmem_shared>>) dst(%dma_wait3A_602 : memref<80x128xf32, #tpu.memory_space<hbm>>)
    %dma_wait3A_605 = arith.constant 0 : i32
    %dma_wait3A_606 = tpu.memref_slice %arg5[%add3A_539, %dma_wait3A_605] : memref<20480x128xf32, #tpu.memory_space<hbm>> -> memref<80x128xf32, #tpu.memory_space<hbm>>
    %dma_wait3A_607 = arith.constant 0 : i32
    %dma_wait3A_608 = tpu.memref_slice %arg21[%add3A_532, %dma_wait3A_607] : memref<10240x128xf32, #tpu.memory_space<vmem_shared>> -> memref<80x128xf32, #tpu.memory_space<vmem_shared>>
    tpu.wait_dma2 semaphore(%arg17 : memref<!tpu.dma_semaphore, #tpu.memory_space<semaphore_mem>>) src(%dma_wait3A_608 : memref<80x128xf32, #tpu.memory_space<vmem_shared>>) dst(%dma_wait3A_606 : memref<80x128xf32, #tpu.memory_space<hbm>>)
    %dma_wait3A_609 = arith.constant 0 : i32
    %dma_wait3A_610 = tpu.memref_slice %arg5[%add3A_554, %dma_wait3A_609] : memref<20480x128xf32, #tpu.memory_space<hbm>> -> memref<80x128xf32, #tpu.memory_space<hbm>>
    %dma_wait3A_611 = arith.constant 0 : i32
    %dma_wait3A_612 = tpu.memref_slice %arg21[%add3A_547, %dma_wait3A_611] : memref<10240x128xf32, #tpu.memory_space<vmem_shared>> -> memref<80x128xf32, #tpu.memory_space<vmem_shared>>
    tpu.wait_dma2 semaphore(%arg18 : memref<!tpu.dma_semaphore, #tpu.memory_space<semaphore_mem>>) src(%dma_wait3A_612 : memref<80x128xf32, #tpu.memory_space<vmem_shared>>) dst(%dma_wait3A_610 : memref<80x128xf32, #tpu.memory_space<hbm>>)
    %dma_wait3A_613 = arith.constant 0 : i32
    %dma_wait3A_614 = tpu.memref_slice %arg5[%add3A_569, %dma_wait3A_613] : memref<20480x128xf32, #tpu.memory_space<hbm>> -> memref<80x128xf32, #tpu.memory_space<hbm>>
    %dma_wait3A_615 = arith.constant 0 : i32
    %dma_wait3A_616 = tpu.memref_slice %arg21[%add3A_562, %dma_wait3A_615] : memref<10240x128xf32, #tpu.memory_space<vmem_shared>> -> memref<80x128xf32, #tpu.memory_space<vmem_shared>>
    tpu.wait_dma2 semaphore(%arg19 : memref<!tpu.dma_semaphore, #tpu.memory_space<semaphore_mem>>) src(%dma_wait3A_616 : memref<80x128xf32, #tpu.memory_space<vmem_shared>>) dst(%dma_wait3A_614 : memref<80x128xf32, #tpu.memory_space<hbm>>)
    %dma_wait3A_617 = arith.constant 0 : i32
    %dma_wait3A_618 = tpu.memref_slice %arg5[%add3A_584, %dma_wait3A_617] : memref<20480x128xf32, #tpu.memory_space<hbm>> -> memref<80x128xf32, #tpu.memory_space<hbm>>
    %dma_wait3A_619 = arith.constant 0 : i32
    %dma_wait3A_620 = tpu.memref_slice %arg21[%add3A_577, %dma_wait3A_619] : memref<10240x128xf32, #tpu.memory_space<vmem_shared>> -> memref<80x128xf32, #tpu.memory_space<vmem_shared>>
    tpu.wait_dma2 semaphore(%arg20 : memref<!tpu.dma_semaphore, #tpu.memory_space<semaphore_mem>>) src(%dma_wait3A_620 : memref<80x128xf32, #tpu.memory_space<vmem_shared>>) dst(%dma_wait3A_618 : memref<80x128xf32, #tpu.memory_space<hbm>>)
    return
  }
}

#map = affine_map<(d0, d1) -> (0, 0)>
#map1 = affine_map<(d0, d1) -> (0)>
module attributes {stable_mosaic.version = 14 : i64} {
  func.func @_agg_sc_body(%arg0: i32, %arg1: i32, %arg2: memref<10000x128xf32, #tpu.memory_space<hbm>>, %arg3: memref<320000xi32, #tpu.memory_space<hbm>>, %arg4: memref<320000xi32, #tpu.memory_space<hbm>>, %arg5: memref<20480x128xf32, #tpu.memory_space<hbm>>, %arg6: memref<8x80xi32, #tpu.memory_space<vmem>>, %arg7: memref<8x80xi32, #tpu.memory_space<vmem>>, %arg8: memref<4x80x128xf32, #tpu.memory_space<vmem>>, %arg9: memref<!tpu.dma_semaphore, #tpu.memory_space<semaphore_mem>>, %arg10: memref<!tpu.dma_semaphore, #tpu.memory_space<semaphore_mem>>, %arg11: memref<!tpu.dma_semaphore, #tpu.memory_space<semaphore_mem>>, %arg12: memref<!tpu.dma_semaphore, #tpu.memory_space<semaphore_mem>>, %arg13: memref<!tpu.dma_semaphore, #tpu.memory_space<semaphore_mem>>, %arg14: memref<!tpu.dma_semaphore, #tpu.memory_space<semaphore_mem>>, %arg15: memref<!tpu.dma_semaphore, #tpu.memory_space<semaphore_mem>>, %arg16: memref<!tpu.dma_semaphore, #tpu.memory_space<semaphore_mem>>, %arg17: memref<!tpu.dma_semaphore, #tpu.memory_space<semaphore_mem>>, %arg18: memref<!tpu.dma_semaphore, #tpu.memory_space<semaphore_mem>>, %arg19: memref<!tpu.dma_semaphore, #tpu.memory_space<semaphore_mem>>, %arg20: memref<!tpu.dma_semaphore, #tpu.memory_space<semaphore_mem>>, %arg21: memref<10240x128xf32, #tpu.memory_space<vmem_shared>>) attributes {dimension_semantics = [#tpu.dimension_semantics<core_parallel>, #tpu.dimension_semantics<subcore_parallel>], iteration_bounds = array<i64: 2, 16>, scalar_prefetch = 0 : i64, scratch_operands = 16 : i64, tpu.core_type = #tpu.core_type<sc_vector_subcore>, window_params = [{transform_indices = #map}, {transform_indices = #map1}, {transform_indices = #map1}, {transform_indices = #map}]} {
    %mul3A = arith.constant 16 : i32
    %mul3A_0 = arith.muli %arg0, %mul3A : i32
    %add3A = arith.addi %mul3A_0, %arg1 : i32
    %mul3A_1 = arith.constant 10000 : i32
    %mul3A_2 = arith.muli %add3A, %mul3A_1 : i32
    %add3A_3 = arith.constant 0 : i32
    %add3A_4 = arith.addi %mul3A_2, %add3A_3 : i32
    %dma_start3A = arith.constant 0 : i32
    %dma_start3A_5 = arith.constant 0 : i32
    %dma_start3A_6 = tpu.memref_slice %arg6[%dma_start3A, %dma_start3A_5] : memref<8x80xi32, #tpu.memory_space<vmem>> -> memref<1x80xi32, #tpu.memory_space<vmem>>
    %dma_start3A_7 = tpu.memref_squeeze %dma_start3A_6 : memref<1x80xi32, #tpu.memory_space<vmem>> -> memref<80xi32, #tpu.memory_space<vmem>>
    %dma_start3A_8 = tpu.memref_slice %arg3[%add3A_4] : memref<320000xi32, #tpu.memory_space<hbm>> -> memref<80xi32, #tpu.memory_space<hbm>>
    %dma_start3A_9 = arith.constant 0 : i32
    %dma_start3A_10 = tpu.memref_slice %arg6[%dma_start3A, %dma_start3A_9] : memref<8x80xi32, #tpu.memory_space<vmem>> -> memref<1x80xi32, #tpu.memory_space<vmem>>
    %dma_start3A_11 = tpu.memref_squeeze %dma_start3A_10 : memref<1x80xi32, #tpu.memory_space<vmem>> -> memref<80xi32, #tpu.memory_space<vmem>>
    %dma_start3A_12 = tpu.memref_slice %arg3[%add3A_4] : memref<320000xi32, #tpu.memory_space<hbm>> -> memref<80xi32, #tpu.memory_space<hbm>>
    tpu.enqueue_dma source(%dma_start3A_12 : memref<80xi32, #tpu.memory_space<hbm>>) target(%dma_start3A_11 : memref<80xi32, #tpu.memory_space<vmem>>) target_semaphore(%arg9 : memref<!tpu.dma_semaphore, #tpu.memory_space<semaphore_mem>>)
    %add3A_13 = arith.constant 0 : i32
    %add3A_14 = arith.addi %mul3A_2, %add3A_13 : i32
    %dma_start3A_15 = arith.constant 0 : i32
    %dma_start3A_16 = arith.constant 0 : i32
    %dma_start3A_17 = tpu.memref_slice %arg7[%dma_start3A_15, %dma_start3A_16] : memref<8x80xi32, #tpu.memory_space<vmem>> -> memref<1x80xi32, #tpu.memory_space<vmem>>
    %dma_start3A_18 = tpu.memref_squeeze %dma_start3A_17 : memref<1x80xi32, #tpu.memory_space<vmem>> -> memref<80xi32, #tpu.memory_space<vmem>>
    %dma_start3A_19 = tpu.memref_slice %arg4[%add3A_14] : memref<320000xi32, #tpu.memory_space<hbm>> -> memref<80xi32, #tpu.memory_space<hbm>>
    %dma_start3A_20 = arith.constant 0 : i32
    %dma_start3A_21 = tpu.memref_slice %arg7[%dma_start3A_15, %dma_start3A_20] : memref<8x80xi32, #tpu.memory_space<vmem>> -> memref<1x80xi32, #tpu.memory_space<vmem>>
    %dma_start3A_22 = tpu.memref_squeeze %dma_start3A_21 : memref<1x80xi32, #tpu.memory_space<vmem>> -> memref<80xi32, #tpu.memory_space<vmem>>
    %dma_start3A_23 = tpu.memref_slice %arg4[%add3A_14] : memref<320000xi32, #tpu.memory_space<hbm>> -> memref<80xi32, #tpu.memory_space<hbm>>
    tpu.enqueue_dma source(%dma_start3A_23 : memref<80xi32, #tpu.memory_space<hbm>>) target(%dma_start3A_22 : memref<80xi32, #tpu.memory_space<vmem>>) target_semaphore(%arg9 : memref<!tpu.dma_semaphore, #tpu.memory_space<semaphore_mem>>)
    %add3A_24 = arith.constant 80 : i32
    %add3A_25 = arith.addi %mul3A_2, %add3A_24 : i32
    %dma_start3A_26 = arith.constant 1 : i32
    %dma_start3A_27 = arith.constant 0 : i32
    %dma_start3A_28 = tpu.memref_slice %arg6[%dma_start3A_26, %dma_start3A_27] : memref<8x80xi32, #tpu.memory_space<vmem>> -> memref<1x80xi32, #tpu.memory_space<vmem>>
    %dma_start3A_29 = tpu.memref_squeeze %dma_start3A_28 : memref<1x80xi32, #tpu.memory_space<vmem>> -> memref<80xi32, #tpu.memory_space<vmem>>
    %dma_start3A_30 = tpu.memref_slice %arg3[%add3A_25] : memref<320000xi32, #tpu.memory_space<hbm>> -> memref<80xi32, #tpu.memory_space<hbm>>
    %dma_start3A_31 = arith.constant 0 : i32
    %dma_start3A_32 = tpu.memref_slice %arg6[%dma_start3A_26, %dma_start3A_31] : memref<8x80xi32, #tpu.memory_space<vmem>> -> memref<1x80xi32, #tpu.memory_space<vmem>>
    %dma_start3A_33 = tpu.memref_squeeze %dma_start3A_32 : memref<1x80xi32, #tpu.memory_space<vmem>> -> memref<80xi32, #tpu.memory_space<vmem>>
    %dma_start3A_34 = tpu.memref_slice %arg3[%add3A_25] : memref<320000xi32, #tpu.memory_space<hbm>> -> memref<80xi32, #tpu.memory_space<hbm>>
    tpu.enqueue_dma source(%dma_start3A_34 : memref<80xi32, #tpu.memory_space<hbm>>) target(%dma_start3A_33 : memref<80xi32, #tpu.memory_space<vmem>>) target_semaphore(%arg10 : memref<!tpu.dma_semaphore, #tpu.memory_space<semaphore_mem>>)
    %add3A_35 = arith.constant 80 : i32
    %add3A_36 = arith.addi %mul3A_2, %add3A_35 : i32
    %dma_start3A_37 = arith.constant 1 : i32
    %dma_start3A_38 = arith.constant 0 : i32
    %dma_start3A_39 = tpu.memref_slice %arg7[%dma_start3A_37, %dma_start3A_38] : memref<8x80xi32, #tpu.memory_space<vmem>> -> memref<1x80xi32, #tpu.memory_space<vmem>>
    %dma_start3A_40 = tpu.memref_squeeze %dma_start3A_39 : memref<1x80xi32, #tpu.memory_space<vmem>> -> memref<80xi32, #tpu.memory_space<vmem>>
    %dma_start3A_41 = tpu.memref_slice %arg4[%add3A_36] : memref<320000xi32, #tpu.memory_space<hbm>> -> memref<80xi32, #tpu.memory_space<hbm>>
    %dma_start3A_42 = arith.constant 0 : i32
    %dma_start3A_43 = tpu.memref_slice %arg7[%dma_start3A_37, %dma_start3A_42] : memref<8x80xi32, #tpu.memory_space<vmem>> -> memref<1x80xi32, #tpu.memory_space<vmem>>
    %dma_start3A_44 = tpu.memref_squeeze %dma_start3A_43 : memref<1x80xi32, #tpu.memory_space<vmem>> -> memref<80xi32, #tpu.memory_space<vmem>>
    %dma_start3A_45 = tpu.memref_slice %arg4[%add3A_36] : memref<320000xi32, #tpu.memory_space<hbm>> -> memref<80xi32, #tpu.memory_space<hbm>>
    tpu.enqueue_dma source(%dma_start3A_45 : memref<80xi32, #tpu.memory_space<hbm>>) target(%dma_start3A_44 : memref<80xi32, #tpu.memory_space<vmem>>) target_semaphore(%arg10 : memref<!tpu.dma_semaphore, #tpu.memory_space<semaphore_mem>>)
    %add3A_46 = arith.constant 160 : i32
    %add3A_47 = arith.addi %mul3A_2, %add3A_46 : i32
    %dma_start3A_48 = arith.constant 2 : i32
    %dma_start3A_49 = arith.constant 0 : i32
    %dma_start3A_50 = tpu.memref_slice %arg6[%dma_start3A_48, %dma_start3A_49] : memref<8x80xi32, #tpu.memory_space<vmem>> -> memref<1x80xi32, #tpu.memory_space<vmem>>
    %dma_start3A_51 = tpu.memref_squeeze %dma_start3A_50 : memref<1x80xi32, #tpu.memory_space<vmem>> -> memref<80xi32, #tpu.memory_space<vmem>>
    %dma_start3A_52 = tpu.memref_slice %arg3[%add3A_47] : memref<320000xi32, #tpu.memory_space<hbm>> -> memref<80xi32, #tpu.memory_space<hbm>>
    %dma_start3A_53 = arith.constant 0 : i32
    %dma_start3A_54 = tpu.memref_slice %arg6[%dma_start3A_48, %dma_start3A_53] : memref<8x80xi32, #tpu.memory_space<vmem>> -> memref<1x80xi32, #tpu.memory_space<vmem>>
    %dma_start3A_55 = tpu.memref_squeeze %dma_start3A_54 : memref<1x80xi32, #tpu.memory_space<vmem>> -> memref<80xi32, #tpu.memory_space<vmem>>
    %dma_start3A_56 = tpu.memref_slice %arg3[%add3A_47] : memref<320000xi32, #tpu.memory_space<hbm>> -> memref<80xi32, #tpu.memory_space<hbm>>
    tpu.enqueue_dma source(%dma_start3A_56 : memref<80xi32, #tpu.memory_space<hbm>>) target(%dma_start3A_55 : memref<80xi32, #tpu.memory_space<vmem>>) target_semaphore(%arg11 : memref<!tpu.dma_semaphore, #tpu.memory_space<semaphore_mem>>)
    %add3A_57 = arith.constant 160 : i32
    %add3A_58 = arith.addi %mul3A_2, %add3A_57 : i32
    %dma_start3A_59 = arith.constant 2 : i32
    %dma_start3A_60 = arith.constant 0 : i32
    %dma_start3A_61 = tpu.memref_slice %arg7[%dma_start3A_59, %dma_start3A_60] : memref<8x80xi32, #tpu.memory_space<vmem>> -> memref<1x80xi32, #tpu.memory_space<vmem>>
    %dma_start3A_62 = tpu.memref_squeeze %dma_start3A_61 : memref<1x80xi32, #tpu.memory_space<vmem>> -> memref<80xi32, #tpu.memory_space<vmem>>
    %dma_start3A_63 = tpu.memref_slice %arg4[%add3A_58] : memref<320000xi32, #tpu.memory_space<hbm>> -> memref<80xi32, #tpu.memory_space<hbm>>
    %dma_start3A_64 = arith.constant 0 : i32
    %dma_start3A_65 = tpu.memref_slice %arg7[%dma_start3A_59, %dma_start3A_64] : memref<8x80xi32, #tpu.memory_space<vmem>> -> memref<1x80xi32, #tpu.memory_space<vmem>>
    %dma_start3A_66 = tpu.memref_squeeze %dma_start3A_65 : memref<1x80xi32, #tpu.memory_space<vmem>> -> memref<80xi32, #tpu.memory_space<vmem>>
    %dma_start3A_67 = tpu.memref_slice %arg4[%add3A_58] : memref<320000xi32, #tpu.memory_space<hbm>> -> memref<80xi32, #tpu.memory_space<hbm>>
    tpu.enqueue_dma source(%dma_start3A_67 : memref<80xi32, #tpu.memory_space<hbm>>) target(%dma_start3A_66 : memref<80xi32, #tpu.memory_space<vmem>>) target_semaphore(%arg11 : memref<!tpu.dma_semaphore, #tpu.memory_space<semaphore_mem>>)
    %add3A_68 = arith.constant 240 : i32
    %add3A_69 = arith.addi %mul3A_2, %add3A_68 : i32
    %dma_start3A_70 = arith.constant 3 : i32
    %dma_start3A_71 = arith.constant 0 : i32
    %dma_start3A_72 = tpu.memref_slice %arg6[%dma_start3A_70, %dma_start3A_71] : memref<8x80xi32, #tpu.memory_space<vmem>> -> memref<1x80xi32, #tpu.memory_space<vmem>>
    %dma_start3A_73 = tpu.memref_squeeze %dma_start3A_72 : memref<1x80xi32, #tpu.memory_space<vmem>> -> memref<80xi32, #tpu.memory_space<vmem>>
    %dma_start3A_74 = tpu.memref_slice %arg3[%add3A_69] : memref<320000xi32, #tpu.memory_space<hbm>> -> memref<80xi32, #tpu.memory_space<hbm>>
    %dma_start3A_75 = arith.constant 0 : i32
    %dma_start3A_76 = tpu.memref_slice %arg6[%dma_start3A_70, %dma_start3A_75] : memref<8x80xi32, #tpu.memory_space<vmem>> -> memref<1x80xi32, #tpu.memory_space<vmem>>
    %dma_start3A_77 = tpu.memref_squeeze %dma_start3A_76 : memref<1x80xi32, #tpu.memory_space<vmem>> -> memref<80xi32, #tpu.memory_space<vmem>>
    %dma_start3A_78 = tpu.memref_slice %arg3[%add3A_69] : memref<320000xi32, #tpu.memory_space<hbm>> -> memref<80xi32, #tpu.memory_space<hbm>>
    tpu.enqueue_dma source(%dma_start3A_78 : memref<80xi32, #tpu.memory_space<hbm>>) target(%dma_start3A_77 : memref<80xi32, #tpu.memory_space<vmem>>) target_semaphore(%arg12 : memref<!tpu.dma_semaphore, #tpu.memory_space<semaphore_mem>>)
    %add3A_79 = arith.constant 240 : i32
    %add3A_80 = arith.addi %mul3A_2, %add3A_79 : i32
    %dma_start3A_81 = arith.constant 3 : i32
    %dma_start3A_82 = arith.constant 0 : i32
    %dma_start3A_83 = tpu.memref_slice %arg7[%dma_start3A_81, %dma_start3A_82] : memref<8x80xi32, #tpu.memory_space<vmem>> -> memref<1x80xi32, #tpu.memory_space<vmem>>
    %dma_start3A_84 = tpu.memref_squeeze %dma_start3A_83 : memref<1x80xi32, #tpu.memory_space<vmem>> -> memref<80xi32, #tpu.memory_space<vmem>>
    %dma_start3A_85 = tpu.memref_slice %arg4[%add3A_80] : memref<320000xi32, #tpu.memory_space<hbm>> -> memref<80xi32, #tpu.memory_space<hbm>>
    %dma_start3A_86 = arith.constant 0 : i32
    %dma_start3A_87 = tpu.memref_slice %arg7[%dma_start3A_81, %dma_start3A_86] : memref<8x80xi32, #tpu.memory_space<vmem>> -> memref<1x80xi32, #tpu.memory_space<vmem>>
    %dma_start3A_88 = tpu.memref_squeeze %dma_start3A_87 : memref<1x80xi32, #tpu.memory_space<vmem>> -> memref<80xi32, #tpu.memory_space<vmem>>
    %dma_start3A_89 = tpu.memref_slice %arg4[%add3A_80] : memref<320000xi32, #tpu.memory_space<hbm>> -> memref<80xi32, #tpu.memory_space<hbm>>
    tpu.enqueue_dma source(%dma_start3A_89 : memref<80xi32, #tpu.memory_space<hbm>>) target(%dma_start3A_88 : memref<80xi32, #tpu.memory_space<vmem>>) target_semaphore(%arg12 : memref<!tpu.dma_semaphore, #tpu.memory_space<semaphore_mem>>)
    %scan3A = arith.constant 0 : i32
    %scan3A_90 = arith.constant 0 : i32
    %scan3A_91 = arith.constant 80 : i32
    %scan3A_92 = arith.addi %scan3A_90, %scan3A_91 : i32
    %scan3A_93 = arith.constant 1 : i32
    scf.for %scan3A_621 = %scan3A_90 to %scan3A_92 step %scan3A_93  : i32 {
      %broadcast_in_dim3A = arith.constant 0.000000e+00 : f32
      %broadcast_in_dim3A_622 = vector.broadcast %broadcast_in_dim3A : f32 to vector<16xf32>
      %swap3A = arith.constant 3 : i32
      %swap3A_623 = arith.index_cast %swap3A : i32 to index
      %swap3A_624 = arith.index_cast %scan3A_621 : i32 to index
      %swap3A_625 = arith.constant 0 : index
      %swap3A_626 = tpu.vector_load %arg8[%swap3A_623, %swap3A_624, %swap3A_625] {strides = array<i32>} : memref<4x80x128xf32, #tpu.memory_space<vmem>>, vector<1x1x16xf32>,
      %swap3A_627 = vector.shape_cast %swap3A_626 : vector<1x1x16xf32> to vector<16xf32>
      %swap3A_628 = vector.shape_cast %broadcast_in_dim3A_622 : vector<16xf32> to vector<1x1x16xf32>
      tpu.vector_store %arg8[%swap3A_623, %swap3A_624, %swap3A_625], %swap3A_628 {strides = array<i32>} : memref<4x80x128xf32, #tpu.memory_space<vmem>>, vector<1x1x16xf32>,
      %broadcast_in_dim3A_629 = arith.constant 0.000000e+00 : f32
      %broadcast_in_dim3A_630 = vector.broadcast %broadcast_in_dim3A_629 : f32 to vector<16xf32>
      %swap3A_631 = arith.constant 3 : i32
      %swap3A_632 = arith.index_cast %swap3A_631 : i32 to index
      %swap3A_633 = arith.index_cast %scan3A_621 : i32 to index
      %swap3A_634 = arith.constant 16 : index
      %swap3A_635 = tpu.vector_load %arg8[%swap3A_632, %swap3A_633, %swap3A_634] {strides = array<i32>} : memref<4x80x128xf32, #tpu.memory_space<vmem>>, vector<1x1x16xf32>,
      %swap3A_636 = vector.shape_cast %swap3A_635 : vector<1x1x16xf32> to vector<16xf32>
      %swap3A_637 = vector.shape_cast %broadcast_in_dim3A_630 : vector<16xf32> to vector<1x1x16xf32>
      tpu.vector_store %arg8[%swap3A_632, %swap3A_633, %swap3A_634], %swap3A_637 {strides = array<i32>} : memref<4x80x128xf32, #tpu.memory_space<vmem>>, vector<1x1x16xf32>,
      %broadcast_in_dim3A_638 = arith.constant 0.000000e+00 : f32
      %broadcast_in_dim3A_639 = vector.broadcast %broadcast_in_dim3A_638 : f32 to vector<16xf32>
      %swap3A_640 = arith.constant 3 : i32
      %swap3A_641 = arith.index_cast %swap3A_640 : i32 to index
      %swap3A_642 = arith.index_cast %scan3A_621 : i32 to index
      %swap3A_643 = arith.constant 32 : index
      %swap3A_644 = tpu.vector_load %arg8[%swap3A_641, %swap3A_642, %swap3A_643] {strides = array<i32>} : memref<4x80x128xf32, #tpu.memory_space<vmem>>, vector<1x1x16xf32>,
      %swap3A_645 = vector.shape_cast %swap3A_644 : vector<1x1x16xf32> to vector<16xf32>
      %swap3A_646 = vector.shape_cast %broadcast_in_dim3A_639 : vector<16xf32> to vector<1x1x16xf32>
      tpu.vector_store %arg8[%swap3A_641, %swap3A_642, %swap3A_643], %swap3A_646 {strides = array<i32>} : memref<4x80x128xf32, #tpu.memory_space<vmem>>, vector<1x1x16xf32>,
      %broadcast_in_dim3A_647 = arith.constant 0.000000e+00 : f32
      %broadcast_in_dim3A_648 = vector.broadcast %broadcast_in_dim3A_647 : f32 to vector<16xf32>
      %swap3A_649 = arith.constant 3 : i32
      %swap3A_650 = arith.index_cast %swap3A_649 : i32 to index
      %swap3A_651 = arith.index_cast %scan3A_621 : i32 to index
      %swap3A_652 = arith.constant 48 : index
      %swap3A_653 = tpu.vector_load %arg8[%swap3A_650, %swap3A_651, %swap3A_652] {strides = array<i32>} : memref<4x80x128xf32, #tpu.memory_space<vmem>>, vector<1x1x16xf32>,
      %swap3A_654 = vector.shape_cast %swap3A_653 : vector<1x1x16xf32> to vector<16xf32>
      %swap3A_655 = vector.shape_cast %broadcast_in_dim3A_648 : vector<16xf32> to vector<1x1x16xf32>
      tpu.vector_store %arg8[%swap3A_650, %swap3A_651, %swap3A_652], %swap3A_655 {strides = array<i32>} : memref<4x80x128xf32, #tpu.memory_space<vmem>>, vector<1x1x16xf32>,
      %broadcast_in_dim3A_656 = arith.constant 0.000000e+00 : f32
      %broadcast_in_dim3A_657 = vector.broadcast %broadcast_in_dim3A_656 : f32 to vector<16xf32>
      %swap3A_658 = arith.constant 3 : i32
      %swap3A_659 = arith.index_cast %swap3A_658 : i32 to index
      %swap3A_660 = arith.index_cast %scan3A_621 : i32 to index
      %swap3A_661 = arith.constant 64 : index
      %swap3A_662 = tpu.vector_load %arg8[%swap3A_659, %swap3A_660, %swap3A_661] {strides = array<i32>} : memref<4x80x128xf32, #tpu.memory_space<vmem>>, vector<1x1x16xf32>,
      %swap3A_663 = vector.shape_cast %swap3A_662 : vector<1x1x16xf32> to vector<16xf32>
      %swap3A_664 = vector.shape_cast %broadcast_in_dim3A_657 : vector<16xf32> to vector<1x1x16xf32>
      tpu.vector_store %arg8[%swap3A_659, %swap3A_660, %swap3A_661], %swap3A_664 {strides = array<i32>} : memref<4x80x128xf32, #tpu.memory_space<vmem>>, vector<1x1x16xf32>,
      %broadcast_in_dim3A_665 = arith.constant 0.000000e+00 : f32
      %broadcast_in_dim3A_666 = vector.broadcast %broadcast_in_dim3A_665 : f32 to vector<16xf32>
      %swap3A_667 = arith.constant 3 : i32
      %swap3A_668 = arith.index_cast %swap3A_667 : i32 to index
      %swap3A_669 = arith.index_cast %scan3A_621 : i32 to index
      %swap3A_670 = arith.constant 80 : index
      %swap3A_671 = tpu.vector_load %arg8[%swap3A_668, %swap3A_669, %swap3A_670] {strides = array<i32>} : memref<4x80x128xf32, #tpu.memory_space<vmem>>, vector<1x1x16xf32>,
      %swap3A_672 = vector.shape_cast %swap3A_671 : vector<1x1x16xf32> to vector<16xf32>
      %swap3A_673 = vector.shape_cast %broadcast_in_dim3A_666 : vector<16xf32> to vector<1x1x16xf32>
      tpu.vector_store %arg8[%swap3A_668, %swap3A_669, %swap3A_670], %swap3A_673 {strides = array<i32>} : memref<4x80x128xf32, #tpu.memory_space<vmem>>, vector<1x1x16xf32>,
      %broadcast_in_dim3A_674 = arith.constant 0.000000e+00 : f32
      %broadcast_in_dim3A_675 = vector.broadcast %broadcast_in_dim3A_674 : f32 to vector<16xf32>
      %swap3A_676 = arith.constant 3 : i32
      %swap3A_677 = arith.index_cast %swap3A_676 : i32 to index
      %swap3A_678 = arith.index_cast %scan3A_621 : i32 to index
      %swap3A_679 = arith.constant 96 : index
      %swap3A_680 = tpu.vector_load %arg8[%swap3A_677, %swap3A_678, %swap3A_679] {strides = array<i32>} : memref<4x80x128xf32, #tpu.memory_space<vmem>>, vector<1x1x16xf32>,
      %swap3A_681 = vector.shape_cast %swap3A_680 : vector<1x1x16xf32> to vector<16xf32>
      %swap3A_682 = vector.shape_cast %broadcast_in_dim3A_675 : vector<16xf32> to vector<1x1x16xf32>
      tpu.vector_store %arg8[%swap3A_677, %swap3A_678, %swap3A_679], %swap3A_682 {strides = array<i32>} : memref<4x80x128xf32, #tpu.memory_space<vmem>>, vector<1x1x16xf32>,
      %broadcast_in_dim3A_683 = arith.constant 0.000000e+00 : f32
      %broadcast_in_dim3A_684 = vector.broadcast %broadcast_in_dim3A_683 : f32 to vector<16xf32>
      %swap3A_685 = arith.constant 3 : i32
      %swap3A_686 = arith.index_cast %swap3A_685 : i32 to index
      %swap3A_687 = arith.index_cast %scan3A_621 : i32 to index
      %swap3A_688 = arith.constant 112 : index
      %swap3A_689 = tpu.vector_load %arg8[%swap3A_686, %swap3A_687, %swap3A_688] {strides = array<i32>} : memref<4x80x128xf32, #tpu.memory_space<vmem>>, vector<1x1x16xf32>,
      %swap3A_690 = vector.shape_cast %swap3A_689 : vector<1x1x16xf32> to vector<16xf32>
      %swap3A_691 = vector.shape_cast %broadcast_in_dim3A_684 : vector<16xf32> to vector<1x1x16xf32>
      tpu.vector_store %arg8[%swap3A_686, %swap3A_687, %swap3A_688], %swap3A_691 {strides = array<i32>} : memref<4x80x128xf32, #tpu.memory_space<vmem>>, vector<1x1x16xf32>,
    }
    %scan3A_94 = arith.constant 80 : i32
    %mul3A_95 = arith.constant 640 : i32
    %mul3A_96 = arith.muli %arg1, %mul3A_95 : i32
    %add3A_97 = arith.constant 0 : i32
    %add3A_98 = arith.addi %mul3A_96, %add3A_97 : i32
    %dma_start3A_99 = arith.constant 3 : i32
    %dma_start3A_100 = arith.constant 0 : i32
    %dma_start3A_101 = arith.constant 0 : i32
    %dma_start3A_102 = tpu.memref_slice %arg8[%dma_start3A_99, %dma_start3A_100, %dma_start3A_101] : memref<4x80x128xf32, #tpu.memory_space<vmem>> -> memref<1x80x128xf32, #tpu.memory_space<vmem>>
    %dma_start3A_103 = tpu.memref_squeeze %dma_start3A_102 : memref<1x80x128xf32, #tpu.memory_space<vmem>> -> memref<80x128xf32, #tpu.memory_space<vmem>>
    %dma_start3A_104 = arith.constant 0 : i32
    %dma_start3A_105 = tpu.memref_slice %arg21[%add3A_98, %dma_start3A_104] : memref<10240x128xf32, #tpu.memory_space<vmem_shared>> -> memref<80x128xf32, #tpu.memory_space<vmem_shared>>
    %dma_start3A_106 = arith.constant 0 : i32
    %dma_start3A_107 = tpu.memref_slice %arg21[%add3A_98, %dma_start3A_106] : memref<10240x128xf32, #tpu.memory_space<vmem_shared>> -> memref<80x128xf32, #tpu.memory_space<vmem_shared>>
    %dma_start3A_108 = arith.constant 0 : i32
    %dma_start3A_109 = arith.constant 0 : i32
    %dma_start3A_110 = tpu.memref_slice %arg8[%dma_start3A_99, %dma_start3A_108, %dma_start3A_109] : memref<4x80x128xf32, #tpu.memory_space<vmem>> -> memref<1x80x128xf32, #tpu.memory_space<vmem>>
    %dma_start3A_111 = tpu.memref_squeeze %dma_start3A_110 : memref<1x80x128xf32, #tpu.memory_space<vmem>> -> memref<80x128xf32, #tpu.memory_space<vmem>>
    tpu.enqueue_dma source(%dma_start3A_111 : memref<80x128xf32, #tpu.memory_space<vmem>>) target(%dma_start3A_107 : memref<80x128xf32, #tpu.memory_space<vmem_shared>>) target_semaphore(%arg17 : memref<!tpu.dma_semaphore, #tpu.memory_space<semaphore_mem>>)
    %mul3A_112 = arith.constant 640 : i32
    %mul3A_113 = arith.muli %arg1, %mul3A_112 : i32
    %add3A_114 = arith.constant 80 : i32
    %add3A_115 = arith.addi %mul3A_113, %add3A_114 : i32
    %dma_start3A_116 = arith.constant 3 : i32
    %dma_start3A_117 = arith.constant 0 : i32
    %dma_start3A_118 = arith.constant 0 : i32
    %dma_start3A_119 = tpu.memref_slice %arg8[%dma_start3A_116, %dma_start3A_117, %dma_start3A_118] : memref<4x80x128xf32, #tpu.memory_space<vmem>> -> memref<1x80x128xf32, #tpu.memory_space<vmem>>
    %dma_start3A_120 = tpu.memref_squeeze %dma_start3A_119 : memref<1x80x128xf32, #tpu.memory_space<vmem>> -> memref<80x128xf32, #tpu.memory_space<vmem>>
    %dma_start3A_121 = arith.constant 0 : i32
    %dma_start3A_122 = tpu.memref_slice %arg21[%add3A_115, %dma_start3A_121] : memref<10240x128xf32, #tpu.memory_space<vmem_shared>> -> memref<80x128xf32, #tpu.memory_space<vmem_shared>>
    %dma_start3A_123 = arith.constant 0 : i32
    %dma_start3A_124 = tpu.memref_slice %arg21[%add3A_115, %dma_start3A_123] : memref<10240x128xf32, #tpu.memory_space<vmem_shared>> -> memref<80x128xf32, #tpu.memory_space<vmem_shared>>
    %dma_start3A_125 = arith.constant 0 : i32
    %dma_start3A_126 = arith.constant 0 : i32
    %dma_start3A_127 = tpu.memref_slice %arg8[%dma_start3A_116, %dma_start3A_125, %dma_start3A_126] : memref<4x80x128xf32, #tpu.memory_space<vmem>> -> memref<1x80x128xf32, #tpu.memory_space<vmem>>
    %dma_start3A_128 = tpu.memref_squeeze %dma_start3A_127 : memref<1x80x128xf32, #tpu.memory_space<vmem>> -> memref<80x128xf32, #tpu.memory_space<vmem>>
    tpu.enqueue_dma source(%dma_start3A_128 : memref<80x128xf32, #tpu.memory_space<vmem>>) target(%dma_start3A_124 : memref<80x128xf32, #tpu.memory_space<vmem_shared>>) target_semaphore(%arg18 : memref<!tpu.dma_semaphore, #tpu.memory_space<semaphore_mem>>)
    %mul3A_129 = arith.constant 640 : i32
    %mul3A_130 = arith.muli %arg1, %mul3A_129 : i32
    %add3A_131 = arith.constant 160 : i32
    %add3A_132 = arith.addi %mul3A_130, %add3A_131 : i32
    %dma_start3A_133 = arith.constant 3 : i32
    %dma_start3A_134 = arith.constant 0 : i32
    %dma_start3A_135 = arith.constant 0 : i32
    %dma_start3A_136 = tpu.memref_slice %arg8[%dma_start3A_133, %dma_start3A_134, %dma_start3A_135] : memref<4x80x128xf32, #tpu.memory_space<vmem>> -> memref<1x80x128xf32, #tpu.memory_space<vmem>>
    %dma_start3A_137 = tpu.memref_squeeze %dma_start3A_136 : memref<1x80x128xf32, #tpu.memory_space<vmem>> -> memref<80x128xf32, #tpu.memory_space<vmem>>
    %dma_start3A_138 = arith.constant 0 : i32
    %dma_start3A_139 = tpu.memref_slice %arg21[%add3A_132, %dma_start3A_138] : memref<10240x128xf32, #tpu.memory_space<vmem_shared>> -> memref<80x128xf32, #tpu.memory_space<vmem_shared>>
    %dma_start3A_140 = arith.constant 0 : i32
    %dma_start3A_141 = tpu.memref_slice %arg21[%add3A_132, %dma_start3A_140] : memref<10240x128xf32, #tpu.memory_space<vmem_shared>> -> memref<80x128xf32, #tpu.memory_space<vmem_shared>>
    %dma_start3A_142 = arith.constant 0 : i32
    %dma_start3A_143 = arith.constant 0 : i32
    %dma_start3A_144 = tpu.memref_slice %arg8[%dma_start3A_133, %dma_start3A_142, %dma_start3A_143] : memref<4x80x128xf32, #tpu.memory_space<vmem>> -> memref<1x80x128xf32, #tpu.memory_space<vmem>>
    %dma_start3A_145 = tpu.memref_squeeze %dma_start3A_144 : memref<1x80x128xf32, #tpu.memory_space<vmem>> -> memref<80x128xf32, #tpu.memory_space<vmem>>
    tpu.enqueue_dma source(%dma_start3A_145 : memref<80x128xf32, #tpu.memory_space<vmem>>) target(%dma_start3A_141 : memref<80x128xf32, #tpu.memory_space<vmem_shared>>) target_semaphore(%arg19 : memref<!tpu.dma_semaphore, #tpu.memory_space<semaphore_mem>>)
    %mul3A_146 = arith.constant 640 : i32
    %mul3A_147 = arith.muli %arg1, %mul3A_146 : i32
    %add3A_148 = arith.constant 240 : i32
    %add3A_149 = arith.addi %mul3A_147, %add3A_148 : i32
    %dma_start3A_150 = arith.constant 3 : i32
    %dma_start3A_151 = arith.constant 0 : i32
    %dma_start3A_152 = arith.constant 0 : i32
    %dma_start3A_153 = tpu.memref_slice %arg8[%dma_start3A_150, %dma_start3A_151, %dma_start3A_152] : memref<4x80x128xf32, #tpu.memory_space<vmem>> -> memref<1x80x128xf32, #tpu.memory_space<vmem>>
    %dma_start3A_154 = tpu.memref_squeeze %dma_start3A_153 : memref<1x80x128xf32, #tpu.memory_space<vmem>> -> memref<80x128xf32, #tpu.memory_space<vmem>>
    %dma_start3A_155 = arith.constant 0 : i32
    %dma_start3A_156 = tpu.memref_slice %arg21[%add3A_149, %dma_start3A_155] : memref<10240x128xf32, #tpu.memory_space<vmem_shared>> -> memref<80x128xf32, #tpu.memory_space<vmem_shared>>
    %dma_start3A_157 = arith.constant 0 : i32
    %dma_start3A_158 = tpu.memref_slice %arg21[%add3A_149, %dma_start3A_157] : memref<10240x128xf32, #tpu.memory_space<vmem_shared>> -> memref<80x128xf32, #tpu.memory_space<vmem_shared>>
    %dma_start3A_159 = arith.constant 0 : i32
    %dma_start3A_160 = arith.constant 0 : i32
    %dma_start3A_161 = tpu.memref_slice %arg8[%dma_start3A_150, %dma_start3A_159, %dma_start3A_160] : memref<4x80x128xf32, #tpu.memory_space<vmem>> -> memref<1x80x128xf32, #tpu.memory_space<vmem>>
    %dma_start3A_162 = tpu.memref_squeeze %dma_start3A_161 : memref<1x80x128xf32, #tpu.memory_space<vmem>> -> memref<80x128xf32, #tpu.memory_space<vmem>>
    tpu.enqueue_dma source(%dma_start3A_162 : memref<80x128xf32, #tpu.memory_space<vmem>>) target(%dma_start3A_158 : memref<80x128xf32, #tpu.memory_space<vmem_shared>>) target_semaphore(%arg20 : memref<!tpu.dma_semaphore, #tpu.memory_space<semaphore_mem>>)
    %mul3A_163 = arith.constant 640 : i32
    %mul3A_164 = arith.muli %arg1, %mul3A_163 : i32
    %add3A_165 = arith.constant 320 : i32
    %add3A_166 = arith.addi %mul3A_164, %add3A_165 : i32
    %dma_start3A_167 = arith.constant 3 : i32
    %dma_start3A_168 = arith.constant 0 : i32
    %dma_start3A_169 = arith.constant 0 : i32
    %dma_start3A_170 = tpu.memref_slice %arg8[%dma_start3A_167, %dma_start3A_168, %dma_start3A_169] : memref<4x80x128xf32, #tpu.memory_space<vmem>> -> memref<1x80x128xf32, #tpu.memory_space<vmem>>
    %dma_start3A_171 = tpu.memref_squeeze %dma_start3A_170 : memref<1x80x128xf32, #tpu.memory_space<vmem>> -> memref<80x128xf32, #tpu.memory_space<vmem>>
    %dma_start3A_172 = arith.constant 0 : i32
    %dma_start3A_173 = tpu.memref_slice %arg21[%add3A_166, %dma_start3A_172] : memref<10240x128xf32, #tpu.memory_space<vmem_shared>> -> memref<80x128xf32, #tpu.memory_space<vmem_shared>>
    %dma_start3A_174 = arith.constant 0 : i32
    %dma_start3A_175 = tpu.memref_slice %arg21[%add3A_166, %dma_start3A_174] : memref<10240x128xf32, #tpu.memory_space<vmem_shared>> -> memref<80x128xf32, #tpu.memory_space<vmem_shared>>
    %dma_start3A_176 = arith.constant 0 : i32
    %dma_start3A_177 = arith.constant 0 : i32
    %dma_start3A_178 = tpu.memref_slice %arg8[%dma_start3A_167, %dma_start3A_176, %dma_start3A_177] : memref<4x80x128xf32, #tpu.memory_space<vmem>> -> memref<1x80x128xf32, #tpu.memory_space<vmem>>
    %dma_start3A_179 = tpu.memref_squeeze %dma_start3A_178 : memref<1x80x128xf32, #tpu.memory_space<vmem>> -> memref<80x128xf32, #tpu.memory_space<vmem>>
    tpu.enqueue_dma source(%dma_start3A_179 : memref<80x128xf32, #tpu.memory_space<vmem>>) target(%dma_start3A_175 : memref<80x128xf32, #tpu.memory_space<vmem_shared>>) target_semaphore(%arg17 : memref<!tpu.dma_semaphore, #tpu.memory_space<semaphore_mem>>)
    %mul3A_180 = arith.constant 640 : i32
    %mul3A_181 = arith.muli %arg1, %mul3A_180 : i32
    %add3A_182 = arith.constant 400 : i32
    %add3A_183 = arith.addi %mul3A_181, %add3A_182 : i32
    %dma_start3A_184 = arith.constant 3 : i32
    %dma_start3A_185 = arith.constant 0 : i32
    %dma_start3A_186 = arith.constant 0 : i32
    %dma_start3A_187 = tpu.memref_slice %arg8[%dma_start3A_184, %dma_start3A_185, %dma_start3A_186] : memref<4x80x128xf32, #tpu.memory_space<vmem>> -> memref<1x80x128xf32, #tpu.memory_space<vmem>>
    %dma_start3A_188 = tpu.memref_squeeze %dma_start3A_187 : memref<1x80x128xf32, #tpu.memory_space<vmem>> -> memref<80x128xf32, #tpu.memory_space<vmem>>
    %dma_start3A_189 = arith.constant 0 : i32
    %dma_start3A_190 = tpu.memref_slice %arg21[%add3A_183, %dma_start3A_189] : memref<10240x128xf32, #tpu.memory_space<vmem_shared>> -> memref<80x128xf32, #tpu.memory_space<vmem_shared>>
    %dma_start3A_191 = arith.constant 0 : i32
    %dma_start3A_192 = tpu.memref_slice %arg21[%add3A_183, %dma_start3A_191] : memref<10240x128xf32, #tpu.memory_space<vmem_shared>> -> memref<80x128xf32, #tpu.memory_space<vmem_shared>>
    %dma_start3A_193 = arith.constant 0 : i32
    %dma_start3A_194 = arith.constant 0 : i32
    %dma_start3A_195 = tpu.memref_slice %arg8[%dma_start3A_184, %dma_start3A_193, %dma_start3A_194] : memref<4x80x128xf32, #tpu.memory_space<vmem>> -> memref<1x80x128xf32, #tpu.memory_space<vmem>>
    %dma_start3A_196 = tpu.memref_squeeze %dma_start3A_195 : memref<1x80x128xf32, #tpu.memory_space<vmem>> -> memref<80x128xf32, #tpu.memory_space<vmem>>
    tpu.enqueue_dma source(%dma_start3A_196 : memref<80x128xf32, #tpu.memory_space<vmem>>) target(%dma_start3A_192 : memref<80x128xf32, #tpu.memory_space<vmem_shared>>) target_semaphore(%arg18 : memref<!tpu.dma_semaphore, #tpu.memory_space<semaphore_mem>>)
    %mul3A_197 = arith.constant 640 : i32
    %mul3A_198 = arith.muli %arg1, %mul3A_197 : i32
    %add3A_199 = arith.constant 480 : i32
    %add3A_200 = arith.addi %mul3A_198, %add3A_199 : i32
    %dma_start3A_201 = arith.constant 3 : i32
    %dma_start3A_202 = arith.constant 0 : i32
    %dma_start3A_203 = arith.constant 0 : i32
    %dma_start3A_204 = tpu.memref_slice %arg8[%dma_start3A_201, %dma_start3A_202, %dma_start3A_203] : memref<4x80x128xf32, #tpu.memory_space<vmem>> -> memref<1x80x128xf32, #tpu.memory_space<vmem>>
    %dma_start3A_205 = tpu.memref_squeeze %dma_start3A_204 : memref<1x80x128xf32, #tpu.memory_space<vmem>> -> memref<80x128xf32, #tpu.memory_space<vmem>>
    %dma_start3A_206 = arith.constant 0 : i32
    %dma_start3A_207 = tpu.memref_slice %arg21[%add3A_200, %dma_start3A_206] : memref<10240x128xf32, #tpu.memory_space<vmem_shared>> -> memref<80x128xf32, #tpu.memory_space<vmem_shared>>
    %dma_start3A_208 = arith.constant 0 : i32
    %dma_start3A_209 = tpu.memref_slice %arg21[%add3A_200, %dma_start3A_208] : memref<10240x128xf32, #tpu.memory_space<vmem_shared>> -> memref<80x128xf32, #tpu.memory_space<vmem_shared>>
    %dma_start3A_210 = arith.constant 0 : i32
    %dma_start3A_211 = arith.constant 0 : i32
    %dma_start3A_212 = tpu.memref_slice %arg8[%dma_start3A_201, %dma_start3A_210, %dma_start3A_211] : memref<4x80x128xf32, #tpu.memory_space<vmem>> -> memref<1x80x128xf32, #tpu.memory_space<vmem>>
    %dma_start3A_213 = tpu.memref_squeeze %dma_start3A_212 : memref<1x80x128xf32, #tpu.memory_space<vmem>> -> memref<80x128xf32, #tpu.memory_space<vmem>>
    tpu.enqueue_dma source(%dma_start3A_213 : memref<80x128xf32, #tpu.memory_space<vmem>>) target(%dma_start3A_209 : memref<80x128xf32, #tpu.memory_space<vmem_shared>>) target_semaphore(%arg19 : memref<!tpu.dma_semaphore, #tpu.memory_space<semaphore_mem>>)
    %mul3A_214 = arith.constant 640 : i32
    %mul3A_215 = arith.muli %arg1, %mul3A_214 : i32
    %add3A_216 = arith.constant 560 : i32
    %add3A_217 = arith.addi %mul3A_215, %add3A_216 : i32
    %dma_start3A_218 = arith.constant 3 : i32
    %dma_start3A_219 = arith.constant 0 : i32
    %dma_start3A_220 = arith.constant 0 : i32
    %dma_start3A_221 = tpu.memref_slice %arg8[%dma_start3A_218, %dma_start3A_219, %dma_start3A_220] : memref<4x80x128xf32, #tpu.memory_space<vmem>> -> memref<1x80x128xf32, #tpu.memory_space<vmem>>
    %dma_start3A_222 = tpu.memref_squeeze %dma_start3A_221 : memref<1x80x128xf32, #tpu.memory_space<vmem>> -> memref<80x128xf32, #tpu.memory_space<vmem>>
    %dma_start3A_223 = arith.constant 0 : i32
    %dma_start3A_224 = tpu.memref_slice %arg21[%add3A_217, %dma_start3A_223] : memref<10240x128xf32, #tpu.memory_space<vmem_shared>> -> memref<80x128xf32, #tpu.memory_space<vmem_shared>>
    %dma_start3A_225 = arith.constant 0 : i32
    %dma_start3A_226 = tpu.memref_slice %arg21[%add3A_217, %dma_start3A_225] : memref<10240x128xf32, #tpu.memory_space<vmem_shared>> -> memref<80x128xf32, #tpu.memory_space<vmem_shared>>
    %dma_start3A_227 = arith.constant 0 : i32
    %dma_start3A_228 = arith.constant 0 : i32
    %dma_start3A_229 = tpu.memref_slice %arg8[%dma_start3A_218, %dma_start3A_227, %dma_start3A_228] : memref<4x80x128xf32, #tpu.memory_space<vmem>> -> memref<1x80x128xf32, #tpu.memory_space<vmem>>
    %dma_start3A_230 = tpu.memref_squeeze %dma_start3A_229 : memref<1x80x128xf32, #tpu.memory_space<vmem>> -> memref<80x128xf32, #tpu.memory_space<vmem>>
    tpu.enqueue_dma source(%dma_start3A_230 : memref<80x128xf32, #tpu.memory_space<vmem>>) target(%dma_start3A_226 : memref<80x128xf32, #tpu.memory_space<vmem_shared>>) target_semaphore(%arg20 : memref<!tpu.dma_semaphore, #tpu.memory_space<semaphore_mem>>)
    %dma_wait3A = arith.constant 0 : i32
    %dma_wait3A_231 = arith.constant 0 : i32
    %dma_wait3A_232 = tpu.memref_slice %arg6[%dma_wait3A, %dma_wait3A_231] : memref<8x80xi32, #tpu.memory_space<vmem>> -> memref<1x80xi32, #tpu.memory_space<vmem>>
    %dma_wait3A_233 = tpu.memref_squeeze %dma_wait3A_232 : memref<1x80xi32, #tpu.memory_space<vmem>> -> memref<80xi32, #tpu.memory_space<vmem>>
    %dma_wait3A_234 = arith.constant 0 : i32
    %dma_wait3A_235 = tpu.memref_slice %arg3[%dma_wait3A_234] : memref<320000xi32, #tpu.memory_space<hbm>> -> memref<80xi32, #tpu.memory_space<hbm>>
    %dma_wait3A_236 = arith.constant 0 : i32
    %dma_wait3A_237 = tpu.memref_slice %arg6[%dma_wait3A, %dma_wait3A_236] : memref<8x80xi32, #tpu.memory_space<vmem>> -> memref<1x80xi32, #tpu.memory_space<vmem>>
    %dma_wait3A_238 = tpu.memref_squeeze %dma_wait3A_237 : memref<1x80xi32, #tpu.memory_space<vmem>> -> memref<80xi32, #tpu.memory_space<vmem>>
    %dma_wait3A_239 = arith.constant 0 : i32
    %dma_wait3A_240 = tpu.memref_slice %arg3[%dma_wait3A_239] : memref<320000xi32, #tpu.memory_space<hbm>> -> memref<80xi32, #tpu.memory_space<hbm>>
    tpu.wait_dma2 semaphore(%arg9 : memref<!tpu.dma_semaphore, #tpu.memory_space<semaphore_mem>>) src(%dma_wait3A_240 : memref<80xi32, #tpu.memory_space<hbm>>) dst(%dma_wait3A_238 : memref<80xi32, #tpu.memory_space<vmem>>)
    %dma_wait3A_241 = arith.constant 0 : i32
    %dma_wait3A_242 = arith.constant 0 : i32
    %dma_wait3A_243 = tpu.memref_slice %arg7[%dma_wait3A_241, %dma_wait3A_242] : memref<8x80xi32, #tpu.memory_space<vmem>> -> memref<1x80xi32, #tpu.memory_space<vmem>>
    %dma_wait3A_244 = tpu.memref_squeeze %dma_wait3A_243 : memref<1x80xi32, #tpu.memory_space<vmem>> -> memref<80xi32, #tpu.memory_space<vmem>>
    %dma_wait3A_245 = arith.constant 0 : i32
    %dma_wait3A_246 = tpu.memref_slice %arg4[%dma_wait3A_245] : memref<320000xi32, #tpu.memory_space<hbm>> -> memref<80xi32, #tpu.memory_space<hbm>>
    %dma_wait3A_247 = arith.constant 0 : i32
    %dma_wait3A_248 = tpu.memref_slice %arg7[%dma_wait3A_241, %dma_wait3A_247] : memref<8x80xi32, #tpu.memory_space<vmem>> -> memref<1x80xi32, #tpu.memory_space<vmem>>
    %dma_wait3A_249 = tpu.memref_squeeze %dma_wait3A_248 : memref<1x80xi32, #tpu.memory_space<vmem>> -> memref<80xi32, #tpu.memory_space<vmem>>
    %dma_wait3A_250 = arith.constant 0 : i32
    %dma_wait3A_251 = tpu.memref_slice %arg4[%dma_wait3A_250] : memref<320000xi32, #tpu.memory_space<hbm>> -> memref<80xi32, #tpu.memory_space<hbm>>
    tpu.wait_dma2 semaphore(%arg9 : memref<!tpu.dma_semaphore, #tpu.memory_space<semaphore_mem>>) src(%dma_wait3A_251 : memref<80xi32, #tpu.memory_space<hbm>>) dst(%dma_wait3A_249 : memref<80xi32, #tpu.memory_space<vmem>>)
    %dma_start3A_252 = arith.constant 0 : i32
    %dma_start3A_253 = arith.constant 0 : i32
    %dma_start3A_254 = arith.constant 0 : i32
    %dma_start3A_255 = arith.constant 0 : i32
    %dma_start3A_256 = tpu.memref_slice %arg8[%dma_start3A_253, %dma_start3A_254, %dma_start3A_255] : memref<4x80x128xf32, #tpu.memory_space<vmem>> -> memref<1x80x128xf32, #tpu.memory_space<vmem>>
    %dma_start3A_257 = tpu.memref_squeeze %dma_start3A_256 : memref<1x80x128xf32, #tpu.memory_space<vmem>> -> memref<80x128xf32, #tpu.memory_space<vmem>>
    %dma_start3A_258 = arith.constant 0 : i32
    %dma_start3A_259 = tpu.memref_slice %arg6[%dma_start3A_252, %dma_start3A_258] : memref<8x80xi32, #tpu.memory_space<vmem>> -> memref<1x80xi32, #tpu.memory_space<vmem>>
    %dma_start3A_260 = tpu.memref_squeeze %dma_start3A_259 : memref<1x80xi32, #tpu.memory_space<vmem>> -> memref<80xi32, #tpu.memory_space<vmem>>
    %dma_start3A_261 = arith.constant 0 : i32
    %dma_start3A_262 = arith.constant 0 : i32
    %dma_start3A_263 = tpu.memref_slice %arg2[%dma_start3A_261, %dma_start3A_262] : memref<10000x128xf32, #tpu.memory_space<hbm>> -> memref<10000x128xf32, #tpu.memory_space<hbm>>
    tpu.enqueue_indirect_dma source(%dma_start3A_263 : memref<10000x128xf32, #tpu.memory_space<hbm>>) target(%dma_start3A_257 : memref<80x128xf32, #tpu.memory_space<vmem>>) offsets(%dma_start3A_260 : memref<80xi32, #tpu.memory_space<vmem>>) semaphore(%arg13 : memref<!tpu.dma_semaphore, #tpu.memory_space<semaphore_mem>>)
    %dma_wait3A_264 = arith.constant 0 : i32
    %dma_wait3A_265 = arith.constant 0 : i32
    %dma_wait3A_266 = tpu.memref_slice %arg6[%dma_wait3A_264, %dma_wait3A_265] : memref<8x80xi32, #tpu.memory_space<vmem>> -> memref<1x80xi32, #tpu.memory_space<vmem>>
    %dma_wait3A_267 = tpu.memref_squeeze %dma_wait3A_266 : memref<1x80xi32, #tpu.memory_space<vmem>> -> memref<80xi32, #tpu.memory_space<vmem>>
    %dma_wait3A_268 = arith.constant 0 : i32
    %dma_wait3A_269 = tpu.memref_slice %arg3[%dma_wait3A_268] : memref<320000xi32, #tpu.memory_space<hbm>> -> memref<80xi32, #tpu.memory_space<hbm>>
    %dma_wait3A_270 = arith.constant 0 : i32
    %dma_wait3A_271 = tpu.memref_slice %arg6[%dma_wait3A_264, %dma_wait3A_270] : memref<8x80xi32, #tpu.memory_space<vmem>> -> memref<1x80xi32, #tpu.memory_space<vmem>>
    %dma_wait3A_272 = tpu.memref_squeeze %dma_wait3A_271 : memref<1x80xi32, #tpu.memory_space<vmem>> -> memref<80xi32, #tpu.memory_space<vmem>>
    %dma_wait3A_273 = arith.constant 0 : i32
    %dma_wait3A_274 = tpu.memref_slice %arg3[%dma_wait3A_273] : memref<320000xi32, #tpu.memory_space<hbm>> -> memref<80xi32, #tpu.memory_space<hbm>>
    tpu.wait_dma2 semaphore(%arg10 : memref<!tpu.dma_semaphore, #tpu.memory_space<semaphore_mem>>) src(%dma_wait3A_274 : memref<80xi32, #tpu.memory_space<hbm>>) dst(%dma_wait3A_272 : memref<80xi32, #tpu.memory_space<vmem>>)
    %dma_wait3A_275 = arith.constant 0 : i32
    %dma_wait3A_276 = arith.constant 0 : i32
    %dma_wait3A_277 = tpu.memref_slice %arg7[%dma_wait3A_275, %dma_wait3A_276] : memref<8x80xi32, #tpu.memory_space<vmem>> -> memref<1x80xi32, #tpu.memory_space<vmem>>
    %dma_wait3A_278 = tpu.memref_squeeze %dma_wait3A_277 : memref<1x80xi32, #tpu.memory_space<vmem>> -> memref<80xi32, #tpu.memory_space<vmem>>
    %dma_wait3A_279 = arith.constant 0 : i32
    %dma_wait3A_280 = tpu.memref_slice %arg4[%dma_wait3A_279] : memref<320000xi32, #tpu.memory_space<hbm>> -> memref<80xi32, #tpu.memory_space<hbm>>
    %dma_wait3A_281 = arith.constant 0 : i32
    %dma_wait3A_282 = tpu.memref_slice %arg7[%dma_wait3A_275, %dma_wait3A_281] : memref<8x80xi32, #tpu.memory_space<vmem>> -> memref<1x80xi32, #tpu.memory_space<vmem>>
    %dma_wait3A_283 = tpu.memref_squeeze %dma_wait3A_282 : memref<1x80xi32, #tpu.memory_space<vmem>> -> memref<80xi32, #tpu.memory_space<vmem>>
    %dma_wait3A_284 = arith.constant 0 : i32
    %dma_wait3A_285 = tpu.memref_slice %arg4[%dma_wait3A_284] : memref<320000xi32, #tpu.memory_space<hbm>> -> memref<80xi32, #tpu.memory_space<hbm>>
    tpu.wait_dma2 semaphore(%arg10 : memref<!tpu.dma_semaphore, #tpu.memory_space<semaphore_mem>>) src(%dma_wait3A_285 : memref<80xi32, #tpu.memory_space<hbm>>) dst(%dma_wait3A_283 : memref<80xi32, #tpu.memory_space<vmem>>)
    %dma_start3A_286 = arith.constant 1 : i32
    %dma_start3A_287 = arith.constant 1 : i32
    %dma_start3A_288 = arith.constant 0 : i32
    %dma_start3A_289 = arith.constant 0 : i32
    %dma_start3A_290 = tpu.memref_slice %arg8[%dma_start3A_287, %dma_start3A_288, %dma_start3A_289] : memref<4x80x128xf32, #tpu.memory_space<vmem>> -> memref<1x80x128xf32, #tpu.memory_space<vmem>>
    %dma_start3A_291 = tpu.memref_squeeze %dma_start3A_290 : memref<1x80x128xf32, #tpu.memory_space<vmem>> -> memref<80x128xf32, #tpu.memory_space<vmem>>
    %dma_start3A_292 = arith.constant 0 : i32
    %dma_start3A_293 = tpu.memref_slice %arg6[%dma_start3A_286, %dma_start3A_292] : memref<8x80xi32, #tpu.memory_space<vmem>> -> memref<1x80xi32, #tpu.memory_space<vmem>>
    %dma_start3A_294 = tpu.memref_squeeze %dma_start3A_293 : memref<1x80xi32, #tpu.memory_space<vmem>> -> memref<80xi32, #tpu.memory_space<vmem>>
    %dma_start3A_295 = arith.constant 0 : i32
    %dma_start3A_296 = arith.constant 0 : i32
    %dma_start3A_297 = tpu.memref_slice %arg2[%dma_start3A_295, %dma_start3A_296] : memref<10000x128xf32, #tpu.memory_space<hbm>> -> memref<10000x128xf32, #tpu.memory_space<hbm>>
    tpu.enqueue_indirect_dma source(%dma_start3A_297 : memref<10000x128xf32, #tpu.memory_space<hbm>>) target(%dma_start3A_291 : memref<80x128xf32, #tpu.memory_space<vmem>>) offsets(%dma_start3A_294 : memref<80xi32, #tpu.memory_space<vmem>>) semaphore(%arg14 : memref<!tpu.dma_semaphore, #tpu.memory_space<semaphore_mem>>)
    %dma_wait3A_298 = arith.constant 3 : i32
    %dma_wait3A_299 = arith.constant 0 : i32
    %dma_wait3A_300 = arith.constant 0 : i32
    %dma_wait3A_301 = tpu.memref_slice %arg8[%dma_wait3A_298, %dma_wait3A_299, %dma_wait3A_300] : memref<4x80x128xf32, #tpu.memory_space<vmem>> -> memref<1x80x128xf32, #tpu.memory_space<vmem>>
    %dma_wait3A_302 = tpu.memref_squeeze %dma_wait3A_301 : memref<1x80x128xf32, #tpu.memory_space<vmem>> -> memref<80x128xf32, #tpu.memory_space<vmem>>
    %dma_wait3A_303 = arith.constant 0 : i32
    %dma_wait3A_304 = tpu.memref_slice %arg21[%add3A_98, %dma_wait3A_303] : memref<10240x128xf32, #tpu.memory_space<vmem_shared>> -> memref<80x128xf32, #tpu.memory_space<vmem_shared>>
    %dma_wait3A_305 = arith.constant 0 : i32
    %dma_wait3A_306 = tpu.memref_slice %arg21[%add3A_98, %dma_wait3A_305] : memref<10240x128xf32, #tpu.memory_space<vmem_shared>> -> memref<80x128xf32, #tpu.memory_space<vmem_shared>>
    %dma_wait3A_307 = arith.constant 0 : i32
    %dma_wait3A_308 = arith.constant 0 : i32
    %dma_wait3A_309 = tpu.memref_slice %arg8[%dma_wait3A_298, %dma_wait3A_307, %dma_wait3A_308] : memref<4x80x128xf32, #tpu.memory_space<vmem>> -> memref<1x80x128xf32, #tpu.memory_space<vmem>>
    %dma_wait3A_310 = tpu.memref_squeeze %dma_wait3A_309 : memref<1x80x128xf32, #tpu.memory_space<vmem>> -> memref<80x128xf32, #tpu.memory_space<vmem>>
    tpu.wait_dma2 semaphore(%arg17 : memref<!tpu.dma_semaphore, #tpu.memory_space<semaphore_mem>>) src(%dma_wait3A_310 : memref<80x128xf32, #tpu.memory_space<vmem>>) dst(%dma_wait3A_306 : memref<80x128xf32, #tpu.memory_space<vmem_shared>>)
    %dma_wait3A_311 = arith.constant 3 : i32
    %dma_wait3A_312 = arith.constant 0 : i32
    %dma_wait3A_313 = arith.constant 0 : i32
    %dma_wait3A_314 = tpu.memref_slice %arg8[%dma_wait3A_311, %dma_wait3A_312, %dma_wait3A_313] : memref<4x80x128xf32, #tpu.memory_space<vmem>> -> memref<1x80x128xf32, #tpu.memory_space<vmem>>
    %dma_wait3A_315 = tpu.memref_squeeze %dma_wait3A_314 : memref<1x80x128xf32, #tpu.memory_space<vmem>> -> memref<80x128xf32, #tpu.memory_space<vmem>>
    %dma_wait3A_316 = arith.constant 0 : i32
    %dma_wait3A_317 = tpu.memref_slice %arg21[%add3A_115, %dma_wait3A_316] : memref<10240x128xf32, #tpu.memory_space<vmem_shared>> -> memref<80x128xf32, #tpu.memory_space<vmem_shared>>
    %dma_wait3A_318 = arith.constant 0 : i32
    %dma_wait3A_319 = tpu.memref_slice %arg21[%add3A_115, %dma_wait3A_318] : memref<10240x128xf32, #tpu.memory_space<vmem_shared>> -> memref<80x128xf32, #tpu.memory_space<vmem_shared>>
    %dma_wait3A_320 = arith.constant 0 : i32
    %dma_wait3A_321 = arith.constant 0 : i32
    %dma_wait3A_322 = tpu.memref_slice %arg8[%dma_wait3A_311, %dma_wait3A_320, %dma_wait3A_321] : memref<4x80x128xf32, #tpu.memory_space<vmem>> -> memref<1x80x128xf32, #tpu.memory_space<vmem>>
    %dma_wait3A_323 = tpu.memref_squeeze %dma_wait3A_322 : memref<1x80x128xf32, #tpu.memory_space<vmem>> -> memref<80x128xf32, #tpu.memory_space<vmem>>
    tpu.wait_dma2 semaphore(%arg18 : memref<!tpu.dma_semaphore, #tpu.memory_space<semaphore_mem>>) src(%dma_wait3A_323 : memref<80x128xf32, #tpu.memory_space<vmem>>) dst(%dma_wait3A_319 : memref<80x128xf32, #tpu.memory_space<vmem_shared>>)
    %dma_wait3A_324 = arith.constant 3 : i32
    %dma_wait3A_325 = arith.constant 0 : i32
    %dma_wait3A_326 = arith.constant 0 : i32
    %dma_wait3A_327 = tpu.memref_slice %arg8[%dma_wait3A_324, %dma_wait3A_325, %dma_wait3A_326] : memref<4x80x128xf32, #tpu.memory_space<vmem>> -> memref<1x80x128xf32, #tpu.memory_space<vmem>>
    %dma_wait3A_328 = tpu.memref_squeeze %dma_wait3A_327 : memref<1x80x128xf32, #tpu.memory_space<vmem>> -> memref<80x128xf32, #tpu.memory_space<vmem>>
    %dma_wait3A_329 = arith.constant 0 : i32
    %dma_wait3A_330 = tpu.memref_slice %arg21[%add3A_132, %dma_wait3A_329] : memref<10240x128xf32, #tpu.memory_space<vmem_shared>> -> memref<80x128xf32, #tpu.memory_space<vmem_shared>>
    %dma_wait3A_331 = arith.constant 0 : i32
    %dma_wait3A_332 = tpu.memref_slice %arg21[%add3A_132, %dma_wait3A_331] : memref<10240x128xf32, #tpu.memory_space<vmem_shared>> -> memref<80x128xf32, #tpu.memory_space<vmem_shared>>
    %dma_wait3A_333 = arith.constant 0 : i32
    %dma_wait3A_334 = arith.constant 0 : i32
    %dma_wait3A_335 = tpu.memref_slice %arg8[%dma_wait3A_324, %dma_wait3A_333, %dma_wait3A_334] : memref<4x80x128xf32, #tpu.memory_space<vmem>> -> memref<1x80x128xf32, #tpu.memory_space<vmem>>
    %dma_wait3A_336 = tpu.memref_squeeze %dma_wait3A_335 : memref<1x80x128xf32, #tpu.memory_space<vmem>> -> memref<80x128xf32, #tpu.memory_space<vmem>>
    tpu.wait_dma2 semaphore(%arg19 : memref<!tpu.dma_semaphore, #tpu.memory_space<semaphore_mem>>) src(%dma_wait3A_336 : memref<80x128xf32, #tpu.memory_space<vmem>>) dst(%dma_wait3A_332 : memref<80x128xf32, #tpu.memory_space<vmem_shared>>)
    %dma_wait3A_337 = arith.constant 3 : i32
    %dma_wait3A_338 = arith.constant 0 : i32
    %dma_wait3A_339 = arith.constant 0 : i32
    %dma_wait3A_340 = tpu.memref_slice %arg8[%dma_wait3A_337, %dma_wait3A_338, %dma_wait3A_339] : memref<4x80x128xf32, #tpu.memory_space<vmem>> -> memref<1x80x128xf32, #tpu.memory_space<vmem>>
    %dma_wait3A_341 = tpu.memref_squeeze %dma_wait3A_340 : memref<1x80x128xf32, #tpu.memory_space<vmem>> -> memref<80x128xf32, #tpu.memory_space<vmem>>
    %dma_wait3A_342 = arith.constant 0 : i32
    %dma_wait3A_343 = tpu.memref_slice %arg21[%add3A_149, %dma_wait3A_342] : memref<10240x128xf32, #tpu.memory_space<vmem_shared>> -> memref<80x128xf32, #tpu.memory_space<vmem_shared>>
    %dma_wait3A_344 = arith.constant 0 : i32
    %dma_wait3A_345 = tpu.memref_slice %arg21[%add3A_149, %dma_wait3A_344] : memref<10240x128xf32, #tpu.memory_space<vmem_shared>> -> memref<80x128xf32, #tpu.memory_space<vmem_shared>>
    %dma_wait3A_346 = arith.constant 0 : i32
    %dma_wait3A_347 = arith.constant 0 : i32
    %dma_wait3A_348 = tpu.memref_slice %arg8[%dma_wait3A_337, %dma_wait3A_346, %dma_wait3A_347] : memref<4x80x128xf32, #tpu.memory_space<vmem>> -> memref<1x80x128xf32, #tpu.memory_space<vmem>>
    %dma_wait3A_349 = tpu.memref_squeeze %dma_wait3A_348 : memref<1x80x128xf32, #tpu.memory_space<vmem>> -> memref<80x128xf32, #tpu.memory_space<vmem>>
    tpu.wait_dma2 semaphore(%arg20 : memref<!tpu.dma_semaphore, #tpu.memory_space<semaphore_mem>>) src(%dma_wait3A_349 : memref<80x128xf32, #tpu.memory_space<vmem>>) dst(%dma_wait3A_345 : memref<80x128xf32, #tpu.memory_space<vmem_shared>>)
    %dma_wait3A_350 = arith.constant 3 : i32
    %dma_wait3A_351 = arith.constant 0 : i32
    %dma_wait3A_352 = arith.constant 0 : i32
    %dma_wait3A_353 = tpu.memref_slice %arg8[%dma_wait3A_350, %dma_wait3A_351, %dma_wait3A_352] : memref<4x80x128xf32, #tpu.memory_space<vmem>> -> memref<1x80x128xf32, #tpu.memory_space<vmem>>
    %dma_wait3A_354 = tpu.memref_squeeze %dma_wait3A_353 : memref<1x80x128xf32, #tpu.memory_space<vmem>> -> memref<80x128xf32, #tpu.memory_space<vmem>>
    %dma_wait3A_355 = arith.constant 0 : i32
    %dma_wait3A_356 = tpu.memref_slice %arg21[%add3A_166, %dma_wait3A_355] : memref<10240x128xf32, #tpu.memory_space<vmem_shared>> -> memref<80x128xf32, #tpu.memory_space<vmem_shared>>
    %dma_wait3A_357 = arith.constant 0 : i32
    %dma_wait3A_358 = tpu.memref_slice %arg21[%add3A_166, %dma_wait3A_357] : memref<10240x128xf32, #tpu.memory_space<vmem_shared>> -> memref<80x128xf32, #tpu.memory_space<vmem_shared>>
    %dma_wait3A_359 = arith.constant 0 : i32
    %dma_wait3A_360 = arith.constant 0 : i32
    %dma_wait3A_361 = tpu.memref_slice %arg8[%dma_wait3A_350, %dma_wait3A_359, %dma_wait3A_360] : memref<4x80x128xf32, #tpu.memory_space<vmem>> -> memref<1x80x128xf32, #tpu.memory_space<vmem>>
    %dma_wait3A_362 = tpu.memref_squeeze %dma_wait3A_361 : memref<1x80x128xf32, #tpu.memory_space<vmem>> -> memref<80x128xf32, #tpu.memory_space<vmem>>
    tpu.wait_dma2 semaphore(%arg17 : memref<!tpu.dma_semaphore, #tpu.memory_space<semaphore_mem>>) src(%dma_wait3A_362 : memref<80x128xf32, #tpu.memory_space<vmem>>) dst(%dma_wait3A_358 : memref<80x128xf32, #tpu.memory_space<vmem_shared>>)
    %dma_wait3A_363 = arith.constant 3 : i32
    %dma_wait3A_364 = arith.constant 0 : i32
    %dma_wait3A_365 = arith.constant 0 : i32
    %dma_wait3A_366 = tpu.memref_slice %arg8[%dma_wait3A_363, %dma_wait3A_364, %dma_wait3A_365] : memref<4x80x128xf32, #tpu.memory_space<vmem>> -> memref<1x80x128xf32, #tpu.memory_space<vmem>>
    %dma_wait3A_367 = tpu.memref_squeeze %dma_wait3A_366 : memref<1x80x128xf32, #tpu.memory_space<vmem>> -> memref<80x128xf32, #tpu.memory_space<vmem>>
    %dma_wait3A_368 = arith.constant 0 : i32
    %dma_wait3A_369 = tpu.memref_slice %arg21[%add3A_183, %dma_wait3A_368] : memref<10240x128xf32, #tpu.memory_space<vmem_shared>> -> memref<80x128xf32, #tpu.memory_space<vmem_shared>>
    %dma_wait3A_370 = arith.constant 0 : i32
    %dma_wait3A_371 = tpu.memref_slice %arg21[%add3A_183, %dma_wait3A_370] : memref<10240x128xf32, #tpu.memory_space<vmem_shared>> -> memref<80x128xf32, #tpu.memory_space<vmem_shared>>
    %dma_wait3A_372 = arith.constant 0 : i32
    %dma_wait3A_373 = arith.constant 0 : i32
    %dma_wait3A_374 = tpu.memref_slice %arg8[%dma_wait3A_363, %dma_wait3A_372, %dma_wait3A_373] : memref<4x80x128xf32, #tpu.memory_space<vmem>> -> memref<1x80x128xf32, #tpu.memory_space<vmem>>
    %dma_wait3A_375 = tpu.memref_squeeze %dma_wait3A_374 : memref<1x80x128xf32, #tpu.memory_space<vmem>> -> memref<80x128xf32, #tpu.memory_space<vmem>>
    tpu.wait_dma2 semaphore(%arg18 : memref<!tpu.dma_semaphore, #tpu.memory_space<semaphore_mem>>) src(%dma_wait3A_375 : memref<80x128xf32, #tpu.memory_space<vmem>>) dst(%dma_wait3A_371 : memref<80x128xf32, #tpu.memory_space<vmem_shared>>)
    %dma_wait3A_376 = arith.constant 3 : i32
    %dma_wait3A_377 = arith.constant 0 : i32
    %dma_wait3A_378 = arith.constant 0 : i32
    %dma_wait3A_379 = tpu.memref_slice %arg8[%dma_wait3A_376, %dma_wait3A_377, %dma_wait3A_378] : memref<4x80x128xf32, #tpu.memory_space<vmem>> -> memref<1x80x128xf32, #tpu.memory_space<vmem>>
    %dma_wait3A_380 = tpu.memref_squeeze %dma_wait3A_379 : memref<1x80x128xf32, #tpu.memory_space<vmem>> -> memref<80x128xf32, #tpu.memory_space<vmem>>
    %dma_wait3A_381 = arith.constant 0 : i32
    %dma_wait3A_382 = tpu.memref_slice %arg21[%add3A_200, %dma_wait3A_381] : memref<10240x128xf32, #tpu.memory_space<vmem_shared>> -> memref<80x128xf32, #tpu.memory_space<vmem_shared>>
    %dma_wait3A_383 = arith.constant 0 : i32
    %dma_wait3A_384 = tpu.memref_slice %arg21[%add3A_200, %dma_wait3A_383] : memref<10240x128xf32, #tpu.memory_space<vmem_shared>> -> memref<80x128xf32, #tpu.memory_space<vmem_shared>>
    %dma_wait3A_385 = arith.constant 0 : i32
    %dma_wait3A_386 = arith.constant 0 : i32
    %dma_wait3A_387 = tpu.memref_slice %arg8[%dma_wait3A_376, %dma_wait3A_385, %dma_wait3A_386] : memref<4x80x128xf32, #tpu.memory_space<vmem>> -> memref<1x80x128xf32, #tpu.memory_space<vmem>>
    %dma_wait3A_388 = tpu.memref_squeeze %dma_wait3A_387 : memref<1x80x128xf32, #tpu.memory_space<vmem>> -> memref<80x128xf32, #tpu.memory_space<vmem>>
    tpu.wait_dma2 semaphore(%arg19 : memref<!tpu.dma_semaphore, #tpu.memory_space<semaphore_mem>>) src(%dma_wait3A_388 : memref<80x128xf32, #tpu.memory_space<vmem>>) dst(%dma_wait3A_384 : memref<80x128xf32, #tpu.memory_space<vmem_shared>>)
    %dma_wait3A_389 = arith.constant 3 : i32
    %dma_wait3A_390 = arith.constant 0 : i32
    %dma_wait3A_391 = arith.constant 0 : i32
    %dma_wait3A_392 = tpu.memref_slice %arg8[%dma_wait3A_389, %dma_wait3A_390, %dma_wait3A_391] : memref<4x80x128xf32, #tpu.memory_space<vmem>> -> memref<1x80x128xf32, #tpu.memory_space<vmem>>
    %dma_wait3A_393 = tpu.memref_squeeze %dma_wait3A_392 : memref<1x80x128xf32, #tpu.memory_space<vmem>> -> memref<80x128xf32, #tpu.memory_space<vmem>>
    %dma_wait3A_394 = arith.constant 0 : i32
    %dma_wait3A_395 = tpu.memref_slice %arg21[%add3A_217, %dma_wait3A_394] : memref<10240x128xf32, #tpu.memory_space<vmem_shared>> -> memref<80x128xf32, #tpu.memory_space<vmem_shared>>
    %dma_wait3A_396 = arith.constant 0 : i32
    %dma_wait3A_397 = tpu.memref_slice %arg21[%add3A_217, %dma_wait3A_396] : memref<10240x128xf32, #tpu.memory_space<vmem_shared>> -> memref<80x128xf32, #tpu.memory_space<vmem_shared>>
    %dma_wait3A_398 = arith.constant 0 : i32
    %dma_wait3A_399 = arith.constant 0 : i32
    %dma_wait3A_400 = tpu.memref_slice %arg8[%dma_wait3A_389, %dma_wait3A_398, %dma_wait3A_399] : memref<4x80x128xf32, #tpu.memory_space<vmem>> -> memref<1x80x128xf32, #tpu.memory_space<vmem>>
    %dma_wait3A_401 = tpu.memref_squeeze %dma_wait3A_400 : memref<1x80x128xf32, #tpu.memory_space<vmem>> -> memref<80x128xf32, #tpu.memory_space<vmem>>
    tpu.wait_dma2 semaphore(%arg20 : memref<!tpu.dma_semaphore, #tpu.memory_space<semaphore_mem>>) src(%dma_wait3A_401 : memref<80x128xf32, #tpu.memory_space<vmem>>) dst(%dma_wait3A_397 : memref<80x128xf32, #tpu.memory_space<vmem_shared>>)
    %barrier3A = arith.constant 0 : index
    tpu.barrier barrier_id(%barrier3A)
    %scan3A_402 = arith.constant 0 : i32
    %scan3A_403 = arith.constant 0 : i32
    %scan3A_404 = arith.constant 31 : i32
    %scan3A_405 = arith.addi %scan3A_403, %scan3A_404 : i32
    %scan3A_406 = arith.constant 1 : i32
    scf.for %scan3A_621 = %scan3A_403 to %scan3A_405 step %scan3A_406  : i32 {
      %mul3A_622 = arith.constant 4 : i32
      %mul3A_623 = arith.muli %scan3A_621, %mul3A_622 : i32
      %add3A_624 = arith.constant 0 : i32
      %add3A_625 = arith.addi %mul3A_623, %add3A_624 : i32
      %ge3A = arith.constant 2 : i32
      %ge3A_626 = arith.cmpi sge, %add3A_625, %ge3A : i32
      %convert_element_type3A = arith.extui %ge3A_626 : i1 to i32
      %cond3A = arith.constant 0 : i32
      %cond3A_627 = arith.cmpi ne, %convert_element_type3A, %cond3A : i32
      scf.if %cond3A_627 {
        %dma_wait3A_803 = arith.constant 0 : i32
        %dma_wait3A_804 = arith.constant 0 : i32
        %dma_wait3A_805 = arith.constant 0 : i32
        %dma_wait3A_806 = arith.constant 0 : i32
        %dma_wait3A_807 = tpu.memref_slice %arg8[%dma_wait3A_803, %dma_wait3A_805, %dma_wait3A_806] : memref<4x80x128xf32, #tpu.memory_space<vmem>> -> memref<1x80x128xf32, #tpu.memory_space<vmem>>
        %dma_wait3A_808 = tpu.memref_squeeze %dma_wait3A_807 : memref<1x80x128xf32, #tpu.memory_space<vmem>> -> memref<80x128xf32, #tpu.memory_space<vmem>>
        %dma_wait3A_809 = arith.constant 0 : i32
        %dma_wait3A_810 = tpu.memref_slice %arg7[%dma_wait3A_804, %dma_wait3A_809] : memref<8x80xi32, #tpu.memory_space<vmem>> -> memref<1x80xi32, #tpu.memory_space<vmem>>
        %dma_wait3A_811 = tpu.memref_squeeze %dma_wait3A_810 : memref<1x80xi32, #tpu.memory_space<vmem>> -> memref<80xi32, #tpu.memory_space<vmem>>
        %dma_wait3A_812 = arith.constant 0 : i32
        %dma_wait3A_813 = arith.constant 0 : i32
        %dma_wait3A_814 = tpu.memref_slice %arg21[%dma_wait3A_812, %dma_wait3A_813] : memref<10240x128xf32, #tpu.memory_space<vmem_shared>> -> memref<10240x128xf32, #tpu.memory_space<vmem_shared>>
        tpu.wait_indirect_dma semaphore(%arg19 : memref<!tpu.dma_semaphore, #tpu.memory_space<semaphore_mem>>) src(%dma_wait3A_808 : memref<80x128xf32, #tpu.memory_space<vmem>>) dst(%dma_wait3A_814 : memref<10240x128xf32, #tpu.memory_space<vmem_shared>>)
      } else {
      }
      %add3A_628 = arith.constant 4 : i32
      %add3A_629 = arith.addi %add3A_625, %add3A_628 : i32
      %lt3A = arith.constant 125 : i32
      %lt3A_630 = arith.cmpi slt, %add3A_629, %lt3A : i32
      %convert_element_type3A_631 = arith.extui %lt3A_630 : i1 to i32
      %cond3A_632 = arith.constant 0 : i32
      %cond3A_633 = arith.cmpi ne, %convert_element_type3A_631, %cond3A_632 : i32
      scf.if %cond3A_633 {
        %add3A_803 = arith.constant 4 : i32
        %add3A_804 = arith.addi %add3A_625, %add3A_803 : i32
        %rem3A_805 = arith.constant 8 : i32
        %rem3A_806 = arith.remsi %add3A_804, %rem3A_805 : i32
        %mul3A_807 = arith.constant 80 : i32
        %mul3A_808 = arith.muli %add3A_804, %mul3A_807 : i32
        %add3A_809 = arith.addi %mul3A_2, %mul3A_808 : i32
        %dma_start3A_810 = arith.constant 0 : i32
        %dma_start3A_811 = tpu.memref_slice %arg6[%rem3A_806, %dma_start3A_810] : memref<8x80xi32, #tpu.memory_space<vmem>> -> memref<1x80xi32, #tpu.memory_space<vmem>>
        %dma_start3A_812 = tpu.memref_squeeze %dma_start3A_811 : memref<1x80xi32, #tpu.memory_space<vmem>> -> memref<80xi32, #tpu.memory_space<vmem>>
        %dma_start3A_813 = tpu.memref_slice %arg3[%add3A_809] : memref<320000xi32, #tpu.memory_space<hbm>> -> memref<80xi32, #tpu.memory_space<hbm>>
        %dma_start3A_814 = arith.constant 0 : i32
        %dma_start3A_815 = tpu.memref_slice %arg6[%rem3A_806, %dma_start3A_814] : memref<8x80xi32, #tpu.memory_space<vmem>> -> memref<1x80xi32, #tpu.memory_space<vmem>>
        %dma_start3A_816 = tpu.memref_squeeze %dma_start3A_815 : memref<1x80xi32, #tpu.memory_space<vmem>> -> memref<80xi32, #tpu.memory_space<vmem>>
        %dma_start3A_817 = tpu.memref_slice %arg3[%add3A_809] : memref<320000xi32, #tpu.memory_space<hbm>> -> memref<80xi32, #tpu.memory_space<hbm>>
        tpu.enqueue_dma source(%dma_start3A_817 : memref<80xi32, #tpu.memory_space<hbm>>) target(%dma_start3A_816 : memref<80xi32, #tpu.memory_space<vmem>>) target_semaphore(%arg9 : memref<!tpu.dma_semaphore, #tpu.memory_space<semaphore_mem>>)
        %mul3A_818 = arith.constant 80 : i32
        %mul3A_819 = arith.muli %add3A_804, %mul3A_818 : i32
        %add3A_820 = arith.addi %mul3A_2, %mul3A_819 : i32
        %dma_start3A_821 = arith.constant 0 : i32
        %dma_start3A_822 = tpu.memref_slice %arg7[%rem3A_806, %dma_start3A_821] : memref<8x80xi32, #tpu.memory_space<vmem>> -> memref<1x80xi32, #tpu.memory_space<vmem>>
        %dma_start3A_823 = tpu.memref_squeeze %dma_start3A_822 : memref<1x80xi32, #tpu.memory_space<vmem>> -> memref<80xi32, #tpu.memory_space<vmem>>
        %dma_start3A_824 = tpu.memref_slice %arg4[%add3A_820] : memref<320000xi32, #tpu.memory_space<hbm>> -> memref<80xi32, #tpu.memory_space<hbm>>
        %dma_start3A_825 = arith.constant 0 : i32
        %dma_start3A_826 = tpu.memref_slice %arg7[%rem3A_806, %dma_start3A_825] : memref<8x80xi32, #tpu.memory_space<vmem>> -> memref<1x80xi32, #tpu.memory_space<vmem>>
        %dma_start3A_827 = tpu.memref_squeeze %dma_start3A_826 : memref<1x80xi32, #tpu.memory_space<vmem>> -> memref<80xi32, #tpu.memory_space<vmem>>
        %dma_start3A_828 = tpu.memref_slice %arg4[%add3A_820] : memref<320000xi32, #tpu.memory_space<hbm>> -> memref<80xi32, #tpu.memory_space<hbm>>
        tpu.enqueue_dma source(%dma_start3A_828 : memref<80xi32, #tpu.memory_space<hbm>>) target(%dma_start3A_827 : memref<80xi32, #tpu.memory_space<vmem>>) target_semaphore(%arg9 : memref<!tpu.dma_semaphore, #tpu.memory_space<semaphore_mem>>)
      } else {
      }
      %add3A_634 = arith.constant 2 : i32
      %add3A_635 = arith.addi %add3A_625, %add3A_634 : i32
      %lt3A_636 = arith.constant 125 : i32
      %lt3A_637 = arith.cmpi slt, %add3A_635, %lt3A_636 : i32
      %convert_element_type3A_638 = arith.extui %lt3A_637 : i1 to i32
      %cond3A_639 = arith.constant 0 : i32
      %cond3A_640 = arith.cmpi ne, %convert_element_type3A_638, %cond3A_639 : i32
      scf.if %cond3A_640 {
        %dma_wait3A_803 = arith.constant 0 : i32
        %dma_wait3A_804 = arith.constant 0 : i32
        %dma_wait3A_805 = tpu.memref_slice %arg6[%dma_wait3A_803, %dma_wait3A_804] : memref<8x80xi32, #tpu.memory_space<vmem>> -> memref<1x80xi32, #tpu.memory_space<vmem>>
        %dma_wait3A_806 = tpu.memref_squeeze %dma_wait3A_805 : memref<1x80xi32, #tpu.memory_space<vmem>> -> memref<80xi32, #tpu.memory_space<vmem>>
        %dma_wait3A_807 = arith.constant 0 : i32
        %dma_wait3A_808 = tpu.memref_slice %arg3[%dma_wait3A_807] : memref<320000xi32, #tpu.memory_space<hbm>> -> memref<80xi32, #tpu.memory_space<hbm>>
        %dma_wait3A_809 = arith.constant 0 : i32
        %dma_wait3A_810 = tpu.memref_slice %arg6[%dma_wait3A_803, %dma_wait3A_809] : memref<8x80xi32, #tpu.memory_space<vmem>> -> memref<1x80xi32, #tpu.memory_space<vmem>>
        %dma_wait3A_811 = tpu.memref_squeeze %dma_wait3A_810 : memref<1x80xi32, #tpu.memory_space<vmem>> -> memref<80xi32, #tpu.memory_space<vmem>>
        %dma_wait3A_812 = arith.constant 0 : i32
        %dma_wait3A_813 = tpu.memref_slice %arg3[%dma_wait3A_812] : memref<320000xi32, #tpu.memory_space<hbm>> -> memref<80xi32, #tpu.memory_space<hbm>>
        tpu.wait_dma2 semaphore(%arg11 : memref<!tpu.dma_semaphore, #tpu.memory_space<semaphore_mem>>) src(%dma_wait3A_813 : memref<80xi32, #tpu.memory_space<hbm>>) dst(%dma_wait3A_811 : memref<80xi32, #tpu.memory_space<vmem>>)
        %dma_wait3A_814 = arith.constant 0 : i32
        %dma_wait3A_815 = arith.constant 0 : i32
        %dma_wait3A_816 = tpu.memref_slice %arg7[%dma_wait3A_814, %dma_wait3A_815] : memref<8x80xi32, #tpu.memory_space<vmem>> -> memref<1x80xi32, #tpu.memory_space<vmem>>
        %dma_wait3A_817 = tpu.memref_squeeze %dma_wait3A_816 : memref<1x80xi32, #tpu.memory_space<vmem>> -> memref<80xi32, #tpu.memory_space<vmem>>
        %dma_wait3A_818 = arith.constant 0 : i32
        %dma_wait3A_819 = tpu.memref_slice %arg4[%dma_wait3A_818] : memref<320000xi32, #tpu.memory_space<hbm>> -> memref<80xi32, #tpu.memory_space<hbm>>
        %dma_wait3A_820 = arith.constant 0 : i32
        %dma_wait3A_821 = tpu.memref_slice %arg7[%dma_wait3A_814, %dma_wait3A_820] : memref<8x80xi32, #tpu.memory_space<vmem>> -> memref<1x80xi32, #tpu.memory_space<vmem>>
        %dma_wait3A_822 = tpu.memref_squeeze %dma_wait3A_821 : memref<1x80xi32, #tpu.memory_space<vmem>> -> memref<80xi32, #tpu.memory_space<vmem>>
        %dma_wait3A_823 = arith.constant 0 : i32
        %dma_wait3A_824 = tpu.memref_slice %arg4[%dma_wait3A_823] : memref<320000xi32, #tpu.memory_space<hbm>> -> memref<80xi32, #tpu.memory_space<hbm>>
        tpu.wait_dma2 semaphore(%arg11 : memref<!tpu.dma_semaphore, #tpu.memory_space<semaphore_mem>>) src(%dma_wait3A_824 : memref<80xi32, #tpu.memory_space<hbm>>) dst(%dma_wait3A_822 : memref<80xi32, #tpu.memory_space<vmem>>)
        %add3A_825 = arith.constant 2 : i32
        %add3A_826 = arith.addi %add3A_625, %add3A_825 : i32
        %rem3A_827 = arith.constant 8 : i32
        %rem3A_828 = arith.remsi %add3A_826, %rem3A_827 : i32
        %dma_start3A_829 = arith.constant 2 : i32
        %dma_start3A_830 = arith.constant 0 : i32
        %dma_start3A_831 = arith.constant 0 : i32
        %dma_start3A_832 = tpu.memref_slice %arg8[%dma_start3A_829, %dma_start3A_830, %dma_start3A_831] : memref<4x80x128xf32, #tpu.memory_space<vmem>> -> memref<1x80x128xf32, #tpu.memory_space<vmem>>
        %dma_start3A_833 = tpu.memref_squeeze %dma_start3A_832 : memref<1x80x128xf32, #tpu.memory_space<vmem>> -> memref<80x128xf32, #tpu.memory_space<vmem>>
        %dma_start3A_834 = arith.constant 0 : i32
        %dma_start3A_835 = tpu.memref_slice %arg6[%rem3A_828, %dma_start3A_834] : memref<8x80xi32, #tpu.memory_space<vmem>> -> memref<1x80xi32, #tpu.memory_space<vmem>>
        %dma_start3A_836 = tpu.memref_squeeze %dma_start3A_835 : memref<1x80xi32, #tpu.memory_space<vmem>> -> memref<80xi32, #tpu.memory_space<vmem>>
        %dma_start3A_837 = arith.constant 0 : i32
        %dma_start3A_838 = arith.constant 0 : i32
        %dma_start3A_839 = tpu.memref_slice %arg2[%dma_start3A_837, %dma_start3A_838] : memref<10000x128xf32, #tpu.memory_space<hbm>> -> memref<10000x128xf32, #tpu.memory_space<hbm>>
        tpu.enqueue_indirect_dma source(%dma_start3A_839 : memref<10000x128xf32, #tpu.memory_space<hbm>>) target(%dma_start3A_833 : memref<80x128xf32, #tpu.memory_space<vmem>>) offsets(%dma_start3A_836 : memref<80xi32, #tpu.memory_space<vmem>>) semaphore(%arg15 : memref<!tpu.dma_semaphore, #tpu.memory_space<semaphore_mem>>)
      } else {
      }
      %dma_wait3A_641 = arith.constant 0 : i32
      %dma_wait3A_642 = arith.constant 0 : i32
      %dma_wait3A_643 = arith.constant 0 : i32
      %dma_wait3A_644 = arith.constant 0 : i32
      %dma_wait3A_645 = tpu.memref_slice %arg8[%dma_wait3A_642, %dma_wait3A_643, %dma_wait3A_644] : memref<4x80x128xf32, #tpu.memory_space<vmem>> -> memref<1x80x128xf32, #tpu.memory_space<vmem>>
      %dma_wait3A_646 = tpu.memref_squeeze %dma_wait3A_645 : memref<1x80x128xf32, #tpu.memory_space<vmem>> -> memref<80x128xf32, #tpu.memory_space<vmem>>
      %dma_wait3A_647 = arith.constant 0 : i32
      %dma_wait3A_648 = tpu.memref_slice %arg6[%dma_wait3A_641, %dma_wait3A_647] : memref<8x80xi32, #tpu.memory_space<vmem>> -> memref<1x80xi32, #tpu.memory_space<vmem>>
      %dma_wait3A_649 = tpu.memref_squeeze %dma_wait3A_648 : memref<1x80xi32, #tpu.memory_space<vmem>> -> memref<80xi32, #tpu.memory_space<vmem>>
      %dma_wait3A_650 = arith.constant 0 : i32
      %dma_wait3A_651 = arith.constant 0 : i32
      %dma_wait3A_652 = tpu.memref_slice %arg2[%dma_wait3A_650, %dma_wait3A_651] : memref<10000x128xf32, #tpu.memory_space<hbm>> -> memref<10000x128xf32, #tpu.memory_space<hbm>>
      tpu.wait_indirect_dma semaphore(%arg13 : memref<!tpu.dma_semaphore, #tpu.memory_space<semaphore_mem>>) src(%dma_wait3A_652 : memref<10000x128xf32, #tpu.memory_space<hbm>>) dst(%dma_wait3A_646 : memref<80x128xf32, #tpu.memory_space<vmem>>)
      %rem3A = arith.constant 8 : i32
      %rem3A_653 = arith.remsi %add3A_625, %rem3A : i32
      %dma_start3A_654 = arith.constant 0 : i32
      %dma_start3A_655 = arith.constant 0 : i32
      %dma_start3A_656 = arith.constant 0 : i32
      %dma_start3A_657 = tpu.memref_slice %arg8[%dma_start3A_654, %dma_start3A_655, %dma_start3A_656] : memref<4x80x128xf32, #tpu.memory_space<vmem>> -> memref<1x80x128xf32, #tpu.memory_space<vmem>>
      %dma_start3A_658 = tpu.memref_squeeze %dma_start3A_657 : memref<1x80x128xf32, #tpu.memory_space<vmem>> -> memref<80x128xf32, #tpu.memory_space<vmem>>
      %dma_start3A_659 = arith.constant 0 : i32
      %dma_start3A_660 = tpu.memref_slice %arg7[%rem3A_653, %dma_start3A_659] : memref<8x80xi32, #tpu.memory_space<vmem>> -> memref<1x80xi32, #tpu.memory_space<vmem>>
      %dma_start3A_661 = tpu.memref_squeeze %dma_start3A_660 : memref<1x80xi32, #tpu.memory_space<vmem>> -> memref<80xi32, #tpu.memory_space<vmem>>
      %dma_start3A_662 = arith.constant 0 : i32
      %dma_start3A_663 = arith.constant 0 : i32
      %dma_start3A_664 = tpu.memref_slice %arg21[%dma_start3A_662, %dma_start3A_663] : memref<10240x128xf32, #tpu.memory_space<vmem_shared>> -> memref<10240x128xf32, #tpu.memory_space<vmem_shared>>
      tpu.enqueue_indirect_dma source(%dma_start3A_658 : memref<80x128xf32, #tpu.memory_space<vmem>>) target(%dma_start3A_664 : memref<10240x128xf32, #tpu.memory_space<vmem_shared>>) offsets(%dma_start3A_661 : memref<80xi32, #tpu.memory_space<vmem>>) semaphore(%arg17 : memref<!tpu.dma_semaphore, #tpu.memory_space<semaphore_mem>>) {add = true}
      %add3A_665 = arith.constant 1 : i32
      %add3A_666 = arith.addi %mul3A_623, %add3A_665 : i32
      %ge3A_667 = arith.constant 2 : i32
      %ge3A_668 = arith.cmpi sge, %add3A_666, %ge3A_667 : i32
      %convert_element_type3A_669 = arith.extui %ge3A_668 : i1 to i32
      %cond3A_670 = arith.constant 0 : i32
      %cond3A_671 = arith.cmpi ne, %convert_element_type3A_669, %cond3A_670 : i32
      scf.if %cond3A_671 {
        %dma_wait3A_803 = arith.constant 0 : i32
        %dma_wait3A_804 = arith.constant 0 : i32
        %dma_wait3A_805 = arith.constant 0 : i32
        %dma_wait3A_806 = arith.constant 0 : i32
        %dma_wait3A_807 = tpu.memref_slice %arg8[%dma_wait3A_803, %dma_wait3A_805, %dma_wait3A_806] : memref<4x80x128xf32, #tpu.memory_space<vmem>> -> memref<1x80x128xf32, #tpu.memory_space<vmem>>
        %dma_wait3A_808 = tpu.memref_squeeze %dma_wait3A_807 : memref<1x80x128xf32, #tpu.memory_space<vmem>> -> memref<80x128xf32, #tpu.memory_space<vmem>>
        %dma_wait3A_809 = arith.constant 0 : i32
        %dma_wait3A_810 = tpu.memref_slice %arg7[%dma_wait3A_804, %dma_wait3A_809] : memref<8x80xi32, #tpu.memory_space<vmem>> -> memref<1x80xi32, #tpu.memory_space<vmem>>
        %dma_wait3A_811 = tpu.memref_squeeze %dma_wait3A_810 : memref<1x80xi32, #tpu.memory_space<vmem>> -> memref<80xi32, #tpu.memory_space<vmem>>
        %dma_wait3A_812 = arith.constant 0 : i32
        %dma_wait3A_813 = arith.constant 0 : i32
        %dma_wait3A_814 = tpu.memref_slice %arg21[%dma_wait3A_812, %dma_wait3A_813] : memref<10240x128xf32, #tpu.memory_space<vmem_shared>> -> memref<10240x128xf32, #tpu.memory_space<vmem_shared>>
        tpu.wait_indirect_dma semaphore(%arg20 : memref<!tpu.dma_semaphore, #tpu.memory_space<semaphore_mem>>) src(%dma_wait3A_808 : memref<80x128xf32, #tpu.memory_space<vmem>>) dst(%dma_wait3A_814 : memref<10240x128xf32, #tpu.memory_space<vmem_shared>>)
      } else {
      }
      %add3A_672 = arith.constant 4 : i32
      %add3A_673 = arith.addi %add3A_666, %add3A_672 : i32
      %lt3A_674 = arith.constant 125 : i32
      %lt3A_675 = arith.cmpi slt, %add3A_673, %lt3A_674 : i32
      %convert_element_type3A_676 = arith.extui %lt3A_675 : i1 to i32
      %cond3A_677 = arith.constant 0 : i32
      %cond3A_678 = arith.cmpi ne, %convert_element_type3A_676, %cond3A_677 : i32
      scf.if %cond3A_678 {
        %add3A_803 = arith.constant 4 : i32
        %add3A_804 = arith.addi %add3A_666, %add3A_803 : i32
        %rem3A_805 = arith.constant 8 : i32
        %rem3A_806 = arith.remsi %add3A_804, %rem3A_805 : i32
        %mul3A_807 = arith.constant 80 : i32
        %mul3A_808 = arith.muli %add3A_804, %mul3A_807 : i32
        %add3A_809 = arith.addi %mul3A_2, %mul3A_808 : i32
        %dma_start3A_810 = arith.constant 0 : i32
        %dma_start3A_811 = tpu.memref_slice %arg6[%rem3A_806, %dma_start3A_810] : memref<8x80xi32, #tpu.memory_space<vmem>> -> memref<1x80xi32, #tpu.memory_space<vmem>>
        %dma_start3A_812 = tpu.memref_squeeze %dma_start3A_811 : memref<1x80xi32, #tpu.memory_space<vmem>> -> memref<80xi32, #tpu.memory_space<vmem>>
        %dma_start3A_813 = tpu.memref_slice %arg3[%add3A_809] : memref<320000xi32, #tpu.memory_space<hbm>> -> memref<80xi32, #tpu.memory_space<hbm>>
        %dma_start3A_814 = arith.constant 0 : i32
        %dma_start3A_815 = tpu.memref_slice %arg6[%rem3A_806, %dma_start3A_814] : memref<8x80xi32, #tpu.memory_space<vmem>> -> memref<1x80xi32, #tpu.memory_space<vmem>>
        %dma_start3A_816 = tpu.memref_squeeze %dma_start3A_815 : memref<1x80xi32, #tpu.memory_space<vmem>> -> memref<80xi32, #tpu.memory_space<vmem>>
        %dma_start3A_817 = tpu.memref_slice %arg3[%add3A_809] : memref<320000xi32, #tpu.memory_space<hbm>> -> memref<80xi32, #tpu.memory_space<hbm>>
        tpu.enqueue_dma source(%dma_start3A_817 : memref<80xi32, #tpu.memory_space<hbm>>) target(%dma_start3A_816 : memref<80xi32, #tpu.memory_space<vmem>>) target_semaphore(%arg10 : memref<!tpu.dma_semaphore, #tpu.memory_space<semaphore_mem>>)
        %mul3A_818 = arith.constant 80 : i32
        %mul3A_819 = arith.muli %add3A_804, %mul3A_818 : i32
        %add3A_820 = arith.addi %mul3A_2, %mul3A_819 : i32
        %dma_start3A_821 = arith.constant 0 : i32
        %dma_start3A_822 = tpu.memref_slice %arg7[%rem3A_806, %dma_start3A_821] : memref<8x80xi32, #tpu.memory_space<vmem>> -> memref<1x80xi32, #tpu.memory_space<vmem>>
        %dma_start3A_823 = tpu.memref_squeeze %dma_start3A_822 : memref<1x80xi32, #tpu.memory_space<vmem>> -> memref<80xi32, #tpu.memory_space<vmem>>
        %dma_start3A_824 = tpu.memref_slice %arg4[%add3A_820] : memref<320000xi32, #tpu.memory_space<hbm>> -> memref<80xi32, #tpu.memory_space<hbm>>
        %dma_start3A_825 = arith.constant 0 : i32
        %dma_start3A_826 = tpu.memref_slice %arg7[%rem3A_806, %dma_start3A_825] : memref<8x80xi32, #tpu.memory_space<vmem>> -> memref<1x80xi32, #tpu.memory_space<vmem>>
        %dma_start3A_827 = tpu.memref_squeeze %dma_start3A_826 : memref<1x80xi32, #tpu.memory_space<vmem>> -> memref<80xi32, #tpu.memory_space<vmem>>
        %dma_start3A_828 = tpu.memref_slice %arg4[%add3A_820] : memref<320000xi32, #tpu.memory_space<hbm>> -> memref<80xi32, #tpu.memory_space<hbm>>
        tpu.enqueue_dma source(%dma_start3A_828 : memref<80xi32, #tpu.memory_space<hbm>>) target(%dma_start3A_827 : memref<80xi32, #tpu.memory_space<vmem>>) target_semaphore(%arg10 : memref<!tpu.dma_semaphore, #tpu.memory_space<semaphore_mem>>)
      } else {
      }
      %add3A_679 = arith.constant 2 : i32
      %add3A_680 = arith.addi %add3A_666, %add3A_679 : i32
      %lt3A_681 = arith.constant 125 : i32
      %lt3A_682 = arith.cmpi slt, %add3A_680, %lt3A_681 : i32
      %convert_element_type3A_683 = arith.extui %lt3A_682 : i1 to i32
      %cond3A_684 = arith.constant 0 : i32
      %cond3A_685 = arith.cmpi ne, %convert_element_type3A_683, %cond3A_684 : i32
      scf.if %cond3A_685 {
        %dma_wait3A_803 = arith.constant 0 : i32
        %dma_wait3A_804 = arith.constant 0 : i32
        %dma_wait3A_805 = tpu.memref_slice %arg6[%dma_wait3A_803, %dma_wait3A_804] : memref<8x80xi32, #tpu.memory_space<vmem>> -> memref<1x80xi32, #tpu.memory_space<vmem>>
        %dma_wait3A_806 = tpu.memref_squeeze %dma_wait3A_805 : memref<1x80xi32, #tpu.memory_space<vmem>> -> memref<80xi32, #tpu.memory_space<vmem>>
        %dma_wait3A_807 = arith.constant 0 : i32
        %dma_wait3A_808 = tpu.memref_slice %arg3[%dma_wait3A_807] : memref<320000xi32, #tpu.memory_space<hbm>> -> memref<80xi32, #tpu.memory_space<hbm>>
        %dma_wait3A_809 = arith.constant 0 : i32
        %dma_wait3A_810 = tpu.memref_slice %arg6[%dma_wait3A_803, %dma_wait3A_809] : memref<8x80xi32, #tpu.memory_space<vmem>> -> memref<1x80xi32, #tpu.memory_space<vmem>>
        %dma_wait3A_811 = tpu.memref_squeeze %dma_wait3A_810 : memref<1x80xi32, #tpu.memory_space<vmem>> -> memref<80xi32, #tpu.memory_space<vmem>>
        %dma_wait3A_812 = arith.constant 0 : i32
        %dma_wait3A_813 = tpu.memref_slice %arg3[%dma_wait3A_812] : memref<320000xi32, #tpu.memory_space<hbm>> -> memref<80xi32, #tpu.memory_space<hbm>>
        tpu.wait_dma2 semaphore(%arg12 : memref<!tpu.dma_semaphore, #tpu.memory_space<semaphore_mem>>) src(%dma_wait3A_813 : memref<80xi32, #tpu.memory_space<hbm>>) dst(%dma_wait3A_811 : memref<80xi32, #tpu.memory_space<vmem>>)
        %dma_wait3A_814 = arith.constant 0 : i32
        %dma_wait3A_815 = arith.constant 0 : i32
        %dma_wait3A_816 = tpu.memref_slice %arg7[%dma_wait3A_814, %dma_wait3A_815] : memref<8x80xi32, #tpu.memory_space<vmem>> -> memref<1x80xi32, #tpu.memory_space<vmem>>
        %dma_wait3A_817 = tpu.memref_squeeze %dma_wait3A_816 : memref<1x80xi32, #tpu.memory_space<vmem>> -> memref<80xi32, #tpu.memory_space<vmem>>
        %dma_wait3A_818 = arith.constant 0 : i32
        %dma_wait3A_819 = tpu.memref_slice %arg4[%dma_wait3A_818] : memref<320000xi32, #tpu.memory_space<hbm>> -> memref<80xi32, #tpu.memory_space<hbm>>
        %dma_wait3A_820 = arith.constant 0 : i32
        %dma_wait3A_821 = tpu.memref_slice %arg7[%dma_wait3A_814, %dma_wait3A_820] : memref<8x80xi32, #tpu.memory_space<vmem>> -> memref<1x80xi32, #tpu.memory_space<vmem>>
        %dma_wait3A_822 = tpu.memref_squeeze %dma_wait3A_821 : memref<1x80xi32, #tpu.memory_space<vmem>> -> memref<80xi32, #tpu.memory_space<vmem>>
        %dma_wait3A_823 = arith.constant 0 : i32
        %dma_wait3A_824 = tpu.memref_slice %arg4[%dma_wait3A_823] : memref<320000xi32, #tpu.memory_space<hbm>> -> memref<80xi32, #tpu.memory_space<hbm>>
        tpu.wait_dma2 semaphore(%arg12 : memref<!tpu.dma_semaphore, #tpu.memory_space<semaphore_mem>>) src(%dma_wait3A_824 : memref<80xi32, #tpu.memory_space<hbm>>) dst(%dma_wait3A_822 : memref<80xi32, #tpu.memory_space<vmem>>)
        %add3A_825 = arith.constant 2 : i32
        %add3A_826 = arith.addi %add3A_666, %add3A_825 : i32
        %rem3A_827 = arith.constant 8 : i32
        %rem3A_828 = arith.remsi %add3A_826, %rem3A_827 : i32
        %dma_start3A_829 = arith.constant 3 : i32
        %dma_start3A_830 = arith.constant 0 : i32
        %dma_start3A_831 = arith.constant 0 : i32
        %dma_start3A_832 = tpu.memref_slice %arg8[%dma_start3A_829, %dma_start3A_830, %dma_start3A_831] : memref<4x80x128xf32, #tpu.memory_space<vmem>> -> memref<1x80x128xf32, #tpu.memory_space<vmem>>
        %dma_start3A_833 = tpu.memref_squeeze %dma_start3A_832 : memref<1x80x128xf32, #tpu.memory_space<vmem>> -> memref<80x128xf32, #tpu.memory_space<vmem>>
        %dma_start3A_834 = arith.constant 0 : i32
        %dma_start3A_835 = tpu.memref_slice %arg6[%rem3A_828, %dma_start3A_834] : memref<8x80xi32, #tpu.memory_space<vmem>> -> memref<1x80xi32, #tpu.memory_space<vmem>>
        %dma_start3A_836 = tpu.memref_squeeze %dma_start3A_835 : memref<1x80xi32, #tpu.memory_space<vmem>> -> memref<80xi32, #tpu.memory_space<vmem>>
        %dma_start3A_837 = arith.constant 0 : i32
        %dma_start3A_838 = arith.constant 0 : i32
        %dma_start3A_839 = tpu.memref_slice %arg2[%dma_start3A_837, %dma_start3A_838] : memref<10000x128xf32, #tpu.memory_space<hbm>> -> memref<10000x128xf32, #tpu.memory_space<hbm>>
        tpu.enqueue_indirect_dma source(%dma_start3A_839 : memref<10000x128xf32, #tpu.memory_space<hbm>>) target(%dma_start3A_833 : memref<80x128xf32, #tpu.memory_space<vmem>>) offsets(%dma_start3A_836 : memref<80xi32, #tpu.memory_space<vmem>>) semaphore(%arg16 : memref<!tpu.dma_semaphore, #tpu.memory_space<semaphore_mem>>)
      } else {
      }
      %dma_wait3A_686 = arith.constant 0 : i32
      %dma_wait3A_687 = arith.constant 0 : i32
      %dma_wait3A_688 = arith.constant 0 : i32
      %dma_wait3A_689 = arith.constant 0 : i32
      %dma_wait3A_690 = tpu.memref_slice %arg8[%dma_wait3A_687, %dma_wait3A_688, %dma_wait3A_689] : memref<4x80x128xf32, #tpu.memory_space<vmem>> -> memref<1x80x128xf32, #tpu.memory_space<vmem>>
      %dma_wait3A_691 = tpu.memref_squeeze %dma_wait3A_690 : memref<1x80x128xf32, #tpu.memory_space<vmem>> -> memref<80x128xf32, #tpu.memory_space<vmem>>
      %dma_wait3A_692 = arith.constant 0 : i32
      %dma_wait3A_693 = tpu.memref_slice %arg6[%dma_wait3A_686, %dma_wait3A_692] : memref<8x80xi32, #tpu.memory_space<vmem>> -> memref<1x80xi32, #tpu.memory_space<vmem>>
      %dma_wait3A_694 = tpu.memref_squeeze %dma_wait3A_693 : memref<1x80xi32, #tpu.memory_space<vmem>> -> memref<80xi32, #tpu.memory_space<vmem>>
      %dma_wait3A_695 = arith.constant 0 : i32
      %dma_wait3A_696 = arith.constant 0 : i32
      %dma_wait3A_697 = tpu.memref_slice %arg2[%dma_wait3A_695, %dma_wait3A_696] : memref<10000x128xf32, #tpu.memory_space<hbm>> -> memref<10000x128xf32, #tpu.memory_space<hbm>>
      tpu.wait_indirect_dma semaphore(%arg14 : memref<!tpu.dma_semaphore, #tpu.memory_space<semaphore_mem>>) src(%dma_wait3A_697 : memref<10000x128xf32, #tpu.memory_space<hbm>>) dst(%dma_wait3A_691 : memref<80x128xf32, #tpu.memory_space<vmem>>)
      %rem3A_698 = arith.constant 8 : i32
      %rem3A_699 = arith.remsi %add3A_666, %rem3A_698 : i32
      %dma_start3A_700 = arith.constant 1 : i32
      %dma_start3A_701 = arith.constant 0 : i32
      %dma_start3A_702 = arith.constant 0 : i32
      %dma_start3A_703 = tpu.memref_slice %arg8[%dma_start3A_700, %dma_start3A_701, %dma_start3A_702] : memref<4x80x128xf32, #tpu.memory_space<vmem>> -> memref<1x80x128xf32, #tpu.memory_space<vmem>>
      %dma_start3A_704 = tpu.memref_squeeze %dma_start3A_703 : memref<1x80x128xf32, #tpu.memory_space<vmem>> -> memref<80x128xf32, #tpu.memory_space<vmem>>
      %dma_start3A_705 = arith.constant 0 : i32
      %dma_start3A_706 = tpu.memref_slice %arg7[%rem3A_699, %dma_start3A_705] : memref<8x80xi32, #tpu.memory_space<vmem>> -> memref<1x80xi32, #tpu.memory_space<vmem>>
      %dma_start3A_707 = tpu.memref_squeeze %dma_start3A_706 : memref<1x80xi32, #tpu.memory_space<vmem>> -> memref<80xi32, #tpu.memory_space<vmem>>
      %dma_start3A_708 = arith.constant 0 : i32
      %dma_start3A_709 = arith.constant 0 : i32
      %dma_start3A_710 = tpu.memref_slice %arg21[%dma_start3A_708, %dma_start3A_709] : memref<10240x128xf32, #tpu.memory_space<vmem_shared>> -> memref<10240x128xf32, #tpu.memory_space<vmem_shared>>
      tpu.enqueue_indirect_dma source(%dma_start3A_704 : memref<80x128xf32, #tpu.memory_space<vmem>>) target(%dma_start3A_710 : memref<10240x128xf32, #tpu.memory_space<vmem_shared>>) offsets(%dma_start3A_707 : memref<80xi32, #tpu.memory_space<vmem>>) semaphore(%arg18 : memref<!tpu.dma_semaphore, #tpu.memory_space<semaphore_mem>>) {add = true}
      %add3A_711 = arith.constant 2 : i32
      %add3A_712 = arith.addi %mul3A_623, %add3A_711 : i32
      %ge3A_713 = arith.constant 2 : i32
      %ge3A_714 = arith.cmpi sge, %add3A_712, %ge3A_713 : i32
      %convert_element_type3A_715 = arith.extui %ge3A_714 : i1 to i32
      %cond3A_716 = arith.constant 0 : i32
      %cond3A_717 = arith.cmpi ne, %convert_element_type3A_715, %cond3A_716 : i32
      scf.if %cond3A_717 {
        %dma_wait3A_803 = arith.constant 0 : i32
        %dma_wait3A_804 = arith.constant 0 : i32
        %dma_wait3A_805 = arith.constant 0 : i32
        %dma_wait3A_806 = arith.constant 0 : i32
        %dma_wait3A_807 = tpu.memref_slice %arg8[%dma_wait3A_803, %dma_wait3A_805, %dma_wait3A_806] : memref<4x80x128xf32, #tpu.memory_space<vmem>> -> memref<1x80x128xf32, #tpu.memory_space<vmem>>
        %dma_wait3A_808 = tpu.memref_squeeze %dma_wait3A_807 : memref<1x80x128xf32, #tpu.memory_space<vmem>> -> memref<80x128xf32, #tpu.memory_space<vmem>>
        %dma_wait3A_809 = arith.constant 0 : i32
        %dma_wait3A_810 = tpu.memref_slice %arg7[%dma_wait3A_804, %dma_wait3A_809] : memref<8x80xi32, #tpu.memory_space<vmem>> -> memref<1x80xi32, #tpu.memory_space<vmem>>
        %dma_wait3A_811 = tpu.memref_squeeze %dma_wait3A_810 : memref<1x80xi32, #tpu.memory_space<vmem>> -> memref<80xi32, #tpu.memory_space<vmem>>
        %dma_wait3A_812 = arith.constant 0 : i32
        %dma_wait3A_813 = arith.constant 0 : i32
        %dma_wait3A_814 = tpu.memref_slice %arg21[%dma_wait3A_812, %dma_wait3A_813] : memref<10240x128xf32, #tpu.memory_space<vmem_shared>> -> memref<10240x128xf32, #tpu.memory_space<vmem_shared>>
        tpu.wait_indirect_dma semaphore(%arg17 : memref<!tpu.dma_semaphore, #tpu.memory_space<semaphore_mem>>) src(%dma_wait3A_808 : memref<80x128xf32, #tpu.memory_space<vmem>>) dst(%dma_wait3A_814 : memref<10240x128xf32, #tpu.memory_space<vmem_shared>>)
      } else {
      }
      %add3A_718 = arith.constant 4 : i32
      %add3A_719 = arith.addi %add3A_712, %add3A_718 : i32
      %lt3A_720 = arith.constant 125 : i32
      %lt3A_721 = arith.cmpi slt, %add3A_719, %lt3A_720 : i32
      %convert_element_type3A_722 = arith.extui %lt3A_721 : i1 to i32
      %cond3A_723 = arith.constant 0 : i32
      %cond3A_724 = arith.cmpi ne, %convert_element_type3A_722, %cond3A_723 : i32
      scf.if %cond3A_724 {
        %add3A_803 = arith.constant 4 : i32
        %add3A_804 = arith.addi %add3A_712, %add3A_803 : i32
        %rem3A_805 = arith.constant 8 : i32
        %rem3A_806 = arith.remsi %add3A_804, %rem3A_805 : i32
        %mul3A_807 = arith.constant 80 : i32
        %mul3A_808 = arith.muli %add3A_804, %mul3A_807 : i32
        %add3A_809 = arith.addi %mul3A_2, %mul3A_808 : i32
        %dma_start3A_810 = arith.constant 0 : i32
        %dma_start3A_811 = tpu.memref_slice %arg6[%rem3A_806, %dma_start3A_810] : memref<8x80xi32, #tpu.memory_space<vmem>> -> memref<1x80xi32, #tpu.memory_space<vmem>>
        %dma_start3A_812 = tpu.memref_squeeze %dma_start3A_811 : memref<1x80xi32, #tpu.memory_space<vmem>> -> memref<80xi32, #tpu.memory_space<vmem>>
        %dma_start3A_813 = tpu.memref_slice %arg3[%add3A_809] : memref<320000xi32, #tpu.memory_space<hbm>> -> memref<80xi32, #tpu.memory_space<hbm>>
        %dma_start3A_814 = arith.constant 0 : i32
        %dma_start3A_815 = tpu.memref_slice %arg6[%rem3A_806, %dma_start3A_814] : memref<8x80xi32, #tpu.memory_space<vmem>> -> memref<1x80xi32, #tpu.memory_space<vmem>>
        %dma_start3A_816 = tpu.memref_squeeze %dma_start3A_815 : memref<1x80xi32, #tpu.memory_space<vmem>> -> memref<80xi32, #tpu.memory_space<vmem>>
        %dma_start3A_817 = tpu.memref_slice %arg3[%add3A_809] : memref<320000xi32, #tpu.memory_space<hbm>> -> memref<80xi32, #tpu.memory_space<hbm>>
        tpu.enqueue_dma source(%dma_start3A_817 : memref<80xi32, #tpu.memory_space<hbm>>) target(%dma_start3A_816 : memref<80xi32, #tpu.memory_space<vmem>>) target_semaphore(%arg11 : memref<!tpu.dma_semaphore, #tpu.memory_space<semaphore_mem>>)
        %mul3A_818 = arith.constant 80 : i32
        %mul3A_819 = arith.muli %add3A_804, %mul3A_818 : i32
        %add3A_820 = arith.addi %mul3A_2, %mul3A_819 : i32
        %dma_start3A_821 = arith.constant 0 : i32
        %dma_start3A_822 = tpu.memref_slice %arg7[%rem3A_806, %dma_start3A_821] : memref<8x80xi32, #tpu.memory_space<vmem>> -> memref<1x80xi32, #tpu.memory_space<vmem>>
        %dma_start3A_823 = tpu.memref_squeeze %dma_start3A_822 : memref<1x80xi32, #tpu.memory_space<vmem>> -> memref<80xi32, #tpu.memory_space<vmem>>
        %dma_start3A_824 = tpu.memref_slice %arg4[%add3A_820] : memref<320000xi32, #tpu.memory_space<hbm>> -> memref<80xi32, #tpu.memory_space<hbm>>
        %dma_start3A_825 = arith.constant 0 : i32
        %dma_start3A_826 = tpu.memref_slice %arg7[%rem3A_806, %dma_start3A_825] : memref<8x80xi32, #tpu.memory_space<vmem>> -> memref<1x80xi32, #tpu.memory_space<vmem>>
        %dma_start3A_827 = tpu.memref_squeeze %dma_start3A_826 : memref<1x80xi32, #tpu.memory_space<vmem>> -> memref<80xi32, #tpu.memory_space<vmem>>
        %dma_start3A_828 = tpu.memref_slice %arg4[%add3A_820] : memref<320000xi32, #tpu.memory_space<hbm>> -> memref<80xi32, #tpu.memory_space<hbm>>
        tpu.enqueue_dma source(%dma_start3A_828 : memref<80xi32, #tpu.memory_space<hbm>>) target(%dma_start3A_827 : memref<80xi32, #tpu.memory_space<vmem>>) target_semaphore(%arg11 : memref<!tpu.dma_semaphore, #tpu.memory_space<semaphore_mem>>)
      } else {
      }
      %add3A_725 = arith.constant 2 : i32
      %add3A_726 = arith.addi %add3A_712, %add3A_725 : i32
      %lt3A_727 = arith.constant 125 : i32
      %lt3A_728 = arith.cmpi slt, %add3A_726, %lt3A_727 : i32
      %convert_element_type3A_729 = arith.extui %lt3A_728 : i1 to i32
      %cond3A_730 = arith.constant 0 : i32
      %cond3A_731 = arith.cmpi ne, %convert_element_type3A_729, %cond3A_730 : i32
      scf.if %cond3A_731 {
        %dma_wait3A_803 = arith.constant 0 : i32
        %dma_wait3A_804 = arith.constant 0 : i32
        %dma_wait3A_805 = tpu.memref_slice %arg6[%dma_wait3A_803, %dma_wait3A_804] : memref<8x80xi32, #tpu.memory_space<vmem>> -> memref<1x80xi32, #tpu.memory_space<vmem>>
        %dma_wait3A_806 = tpu.memref_squeeze %dma_wait3A_805 : memref<1x80xi32, #tpu.memory_space<vmem>> -> memref<80xi32, #tpu.memory_space<vmem>>
        %dma_wait3A_807 = arith.constant 0 : i32
        %dma_wait3A_808 = tpu.memref_slice %arg3[%dma_wait3A_807] : memref<320000xi32, #tpu.memory_space<hbm>> -> memref<80xi32, #tpu.memory_space<hbm>>
        %dma_wait3A_809 = arith.constant 0 : i32
        %dma_wait3A_810 = tpu.memref_slice %arg6[%dma_wait3A_803, %dma_wait3A_809] : memref<8x80xi32, #tpu.memory_space<vmem>> -> memref<1x80xi32, #tpu.memory_space<vmem>>
        %dma_wait3A_811 = tpu.memref_squeeze %dma_wait3A_810 : memref<1x80xi32, #tpu.memory_space<vmem>> -> memref<80xi32, #tpu.memory_space<vmem>>
        %dma_wait3A_812 = arith.constant 0 : i32
        %dma_wait3A_813 = tpu.memref_slice %arg3[%dma_wait3A_812] : memref<320000xi32, #tpu.memory_space<hbm>> -> memref<80xi32, #tpu.memory_space<hbm>>
        tpu.wait_dma2 semaphore(%arg9 : memref<!tpu.dma_semaphore, #tpu.memory_space<semaphore_mem>>) src(%dma_wait3A_813 : memref<80xi32, #tpu.memory_space<hbm>>) dst(%dma_wait3A_811 : memref<80xi32, #tpu.memory_space<vmem>>)
        %dma_wait3A_814 = arith.constant 0 : i32
        %dma_wait3A_815 = arith.constant 0 : i32
        %dma_wait3A_816 = tpu.memref_slice %arg7[%dma_wait3A_814, %dma_wait3A_815] : memref<8x80xi32, #tpu.memory_space<vmem>> -> memref<1x80xi32, #tpu.memory_space<vmem>>
        %dma_wait3A_817 = tpu.memref_squeeze %dma_wait3A_816 : memref<1x80xi32, #tpu.memory_space<vmem>> -> memref<80xi32, #tpu.memory_space<vmem>>
        %dma_wait3A_818 = arith.constant 0 : i32
        %dma_wait3A_819 = tpu.memref_slice %arg4[%dma_wait3A_818] : memref<320000xi32, #tpu.memory_space<hbm>> -> memref<80xi32, #tpu.memory_space<hbm>>
        %dma_wait3A_820 = arith.constant 0 : i32
        %dma_wait3A_821 = tpu.memref_slice %arg7[%dma_wait3A_814, %dma_wait3A_820] : memref<8x80xi32, #tpu.memory_space<vmem>> -> memref<1x80xi32, #tpu.memory_space<vmem>>
        %dma_wait3A_822 = tpu.memref_squeeze %dma_wait3A_821 : memref<1x80xi32, #tpu.memory_space<vmem>> -> memref<80xi32, #tpu.memory_space<vmem>>
        %dma_wait3A_823 = arith.constant 0 : i32
        %dma_wait3A_824 = tpu.memref_slice %arg4[%dma_wait3A_823] : memref<320000xi32, #tpu.memory_space<hbm>> -> memref<80xi32, #tpu.memory_space<hbm>>
        tpu.wait_dma2 semaphore(%arg9 : memref<!tpu.dma_semaphore, #tpu.memory_space<semaphore_mem>>) src(%dma_wait3A_824 : memref<80xi32, #tpu.memory_space<hbm>>) dst(%dma_wait3A_822 : memref<80xi32, #tpu.memory_space<vmem>>)
        %add3A_825 = arith.constant 2 : i32
        %add3A_826 = arith.addi %add3A_712, %add3A_825 : i32
        %rem3A_827 = arith.constant 8 : i32
        %rem3A_828 = arith.remsi %add3A_826, %rem3A_827 : i32
        %dma_start3A_829 = arith.constant 0 : i32
        %dma_start3A_830 = arith.constant 0 : i32
        %dma_start3A_831 = arith.constant 0 : i32
        %dma_start3A_832 = tpu.memref_slice %arg8[%dma_start3A_829, %dma_start3A_830, %dma_start3A_831] : memref<4x80x128xf32, #tpu.memory_space<vmem>> -> memref<1x80x128xf32, #tpu.memory_space<vmem>>
        %dma_start3A_833 = tpu.memref_squeeze %dma_start3A_832 : memref<1x80x128xf32, #tpu.memory_space<vmem>> -> memref<80x128xf32, #tpu.memory_space<vmem>>
        %dma_start3A_834 = arith.constant 0 : i32
        %dma_start3A_835 = tpu.memref_slice %arg6[%rem3A_828, %dma_start3A_834] : memref<8x80xi32, #tpu.memory_space<vmem>> -> memref<1x80xi32, #tpu.memory_space<vmem>>
        %dma_start3A_836 = tpu.memref_squeeze %dma_start3A_835 : memref<1x80xi32, #tpu.memory_space<vmem>> -> memref<80xi32, #tpu.memory_space<vmem>>
        %dma_start3A_837 = arith.constant 0 : i32
        %dma_start3A_838 = arith.constant 0 : i32
        %dma_start3A_839 = tpu.memref_slice %arg2[%dma_start3A_837, %dma_start3A_838] : memref<10000x128xf32, #tpu.memory_space<hbm>> -> memref<10000x128xf32, #tpu.memory_space<hbm>>
        tpu.enqueue_indirect_dma source(%dma_start3A_839 : memref<10000x128xf32, #tpu.memory_space<hbm>>) target(%dma_start3A_833 : memref<80x128xf32, #tpu.memory_space<vmem>>) offsets(%dma_start3A_836 : memref<80xi32, #tpu.memory_space<vmem>>) semaphore(%arg13 : memref<!tpu.dma_semaphore, #tpu.memory_space<semaphore_mem>>)
      } else {
      }
      %dma_wait3A_732 = arith.constant 0 : i32
      %dma_wait3A_733 = arith.constant 0 : i32
      %dma_wait3A_734 = arith.constant 0 : i32
      %dma_wait3A_735 = arith.constant 0 : i32
      %dma_wait3A_736 = tpu.memref_slice %arg8[%dma_wait3A_733, %dma_wait3A_734, %dma_wait3A_735] : memref<4x80x128xf32, #tpu.memory_space<vmem>> -> memref<1x80x128xf32, #tpu.memory_space<vmem>>
      %dma_wait3A_737 = tpu.memref_squeeze %dma_wait3A_736 : memref<1x80x128xf32, #tpu.memory_space<vmem>> -> memref<80x128xf32, #tpu.memory_space<vmem>>
      %dma_wait3A_738 = arith.constant 0 : i32
      %dma_wait3A_739 = tpu.memref_slice %arg6[%dma_wait3A_732, %dma_wait3A_738] : memref<8x80xi32, #tpu.memory_space<vmem>> -> memref<1x80xi32, #tpu.memory_space<vmem>>
      %dma_wait3A_740 = tpu.memref_squeeze %dma_wait3A_739 : memref<1x80xi32, #tpu.memory_space<vmem>> -> memref<80xi32, #tpu.memory_space<vmem>>
      %dma_wait3A_741 = arith.constant 0 : i32
      %dma_wait3A_742 = arith.constant 0 : i32
      %dma_wait3A_743 = tpu.memref_slice %arg2[%dma_wait3A_741, %dma_wait3A_742] : memref<10000x128xf32, #tpu.memory_space<hbm>> -> memref<10000x128xf32, #tpu.memory_space<hbm>>
      tpu.wait_indirect_dma semaphore(%arg15 : memref<!tpu.dma_semaphore, #tpu.memory_space<semaphore_mem>>) src(%dma_wait3A_743 : memref<10000x128xf32, #tpu.memory_space<hbm>>) dst(%dma_wait3A_737 : memref<80x128xf32, #tpu.memory_space<vmem>>)
      %rem3A_744 = arith.constant 8 : i32
      %rem3A_745 = arith.remsi %add3A_712, %rem3A_744 : i32
      %dma_start3A_746 = arith.constant 2 : i32
      %dma_start3A_747 = arith.constant 0 : i32
      %dma_start3A_748 = arith.constant 0 : i32
      %dma_start3A_749 = tpu.memref_slice %arg8[%dma_start3A_746, %dma_start3A_747, %dma_start3A_748] : memref<4x80x128xf32, #tpu.memory_space<vmem>> -> memref<1x80x128xf32, #tpu.memory_space<vmem>>
      %dma_start3A_750 = tpu.memref_squeeze %dma_start3A_749 : memref<1x80x128xf32, #tpu.memory_space<vmem>> -> memref<80x128xf32, #tpu.memory_space<vmem>>
      %dma_start3A_751 = arith.constant 0 : i32
      %dma_start3A_752 = tpu.memref_slice %arg7[%rem3A_745, %dma_start3A_751] : memref<8x80xi32, #tpu.memory_space<vmem>> -> memref<1x80xi32, #tpu.memory_space<vmem>>
      %dma_start3A_753 = tpu.memref_squeeze %dma_start3A_752 : memref<1x80xi32, #tpu.memory_space<vmem>> -> memref<80xi32, #tpu.memory_space<vmem>>
      %dma_start3A_754 = arith.constant 0 : i32
      %dma_start3A_755 = arith.constant 0 : i32
      %dma_start3A_756 = tpu.memref_slice %arg21[%dma_start3A_754, %dma_start3A_755] : memref<10240x128xf32, #tpu.memory_space<vmem_shared>> -> memref<10240x128xf32, #tpu.memory_space<vmem_shared>>
      tpu.enqueue_indirect_dma source(%dma_start3A_750 : memref<80x128xf32, #tpu.memory_space<vmem>>) target(%dma_start3A_756 : memref<10240x128xf32, #tpu.memory_space<vmem_shared>>) offsets(%dma_start3A_753 : memref<80xi32, #tpu.memory_space<vmem>>) semaphore(%arg19 : memref<!tpu.dma_semaphore, #tpu.memory_space<semaphore_mem>>) {add = true}
      %add3A_757 = arith.constant 3 : i32
      %add3A_758 = arith.addi %mul3A_623, %add3A_757 : i32
      %ge3A_759 = arith.constant 2 : i32
      %ge3A_760 = arith.cmpi sge, %add3A_758, %ge3A_759 : i32
      %convert_element_type3A_761 = arith.extui %ge3A_760 : i1 to i32
      %cond3A_762 = arith.constant 0 : i32
      %cond3A_763 = arith.cmpi ne, %convert_element_type3A_761, %cond3A_762 : i32
      scf.if %cond3A_763 {
        %dma_wait3A_803 = arith.constant 0 : i32
        %dma_wait3A_804 = arith.constant 0 : i32
        %dma_wait3A_805 = arith.constant 0 : i32
        %dma_wait3A_806 = arith.constant 0 : i32
        %dma_wait3A_807 = tpu.memref_slice %arg8[%dma_wait3A_803, %dma_wait3A_805, %dma_wait3A_806] : memref<4x80x128xf32, #tpu.memory_space<vmem>> -> memref<1x80x128xf32, #tpu.memory_space<vmem>>
        %dma_wait3A_808 = tpu.memref_squeeze %dma_wait3A_807 : memref<1x80x128xf32, #tpu.memory_space<vmem>> -> memref<80x128xf32, #tpu.memory_space<vmem>>
        %dma_wait3A_809 = arith.constant 0 : i32
        %dma_wait3A_810 = tpu.memref_slice %arg7[%dma_wait3A_804, %dma_wait3A_809] : memref<8x80xi32, #tpu.memory_space<vmem>> -> memref<1x80xi32, #tpu.memory_space<vmem>>
        %dma_wait3A_811 = tpu.memref_squeeze %dma_wait3A_810 : memref<1x80xi32, #tpu.memory_space<vmem>> -> memref<80xi32, #tpu.memory_space<vmem>>
        %dma_wait3A_812 = arith.constant 0 : i32
        %dma_wait3A_813 = arith.constant 0 : i32
        %dma_wait3A_814 = tpu.memref_slice %arg21[%dma_wait3A_812, %dma_wait3A_813] : memref<10240x128xf32, #tpu.memory_space<vmem_shared>> -> memref<10240x128xf32, #tpu.memory_space<vmem_shared>>
        tpu.wait_indirect_dma semaphore(%arg18 : memref<!tpu.dma_semaphore, #tpu.memory_space<semaphore_mem>>) src(%dma_wait3A_808 : memref<80x128xf32, #tpu.memory_space<vmem>>) dst(%dma_wait3A_814 : memref<10240x128xf32, #tpu.memory_space<vmem_shared>>)
      } else {
      }
      %add3A_764 = arith.constant 4 : i32
      %add3A_765 = arith.addi %add3A_758, %add3A_764 : i32
      %lt3A_766 = arith.constant 125 : i32
      %lt3A_767 = arith.cmpi slt, %add3A_765, %lt3A_766 : i32
      %convert_element_type3A_768 = arith.extui %lt3A_767 : i1 to i32
      %cond3A_769 = arith.constant 0 : i32
      %cond3A_770 = arith.cmpi ne, %convert_element_type3A_768, %cond3A_769 : i32
      scf.if %cond3A_770 {
        %add3A_803 = arith.constant 4 : i32
        %add3A_804 = arith.addi %add3A_758, %add3A_803 : i32
        %rem3A_805 = arith.constant 8 : i32
        %rem3A_806 = arith.remsi %add3A_804, %rem3A_805 : i32
        %mul3A_807 = arith.constant 80 : i32
        %mul3A_808 = arith.muli %add3A_804, %mul3A_807 : i32
        %add3A_809 = arith.addi %mul3A_2, %mul3A_808 : i32
        %dma_start3A_810 = arith.constant 0 : i32
        %dma_start3A_811 = tpu.memref_slice %arg6[%rem3A_806, %dma_start3A_810] : memref<8x80xi32, #tpu.memory_space<vmem>> -> memref<1x80xi32, #tpu.memory_space<vmem>>
        %dma_start3A_812 = tpu.memref_squeeze %dma_start3A_811 : memref<1x80xi32, #tpu.memory_space<vmem>> -> memref<80xi32, #tpu.memory_space<vmem>>
        %dma_start3A_813 = tpu.memref_slice %arg3[%add3A_809] : memref<320000xi32, #tpu.memory_space<hbm>> -> memref<80xi32, #tpu.memory_space<hbm>>
        %dma_start3A_814 = arith.constant 0 : i32
        %dma_start3A_815 = tpu.memref_slice %arg6[%rem3A_806, %dma_start3A_814] : memref<8x80xi32, #tpu.memory_space<vmem>> -> memref<1x80xi32, #tpu.memory_space<vmem>>
        %dma_start3A_816 = tpu.memref_squeeze %dma_start3A_815 : memref<1x80xi32, #tpu.memory_space<vmem>> -> memref<80xi32, #tpu.memory_space<vmem>>
        %dma_start3A_817 = tpu.memref_slice %arg3[%add3A_809] : memref<320000xi32, #tpu.memory_space<hbm>> -> memref<80xi32, #tpu.memory_space<hbm>>
        tpu.enqueue_dma source(%dma_start3A_817 : memref<80xi32, #tpu.memory_space<hbm>>) target(%dma_start3A_816 : memref<80xi32, #tpu.memory_space<vmem>>) target_semaphore(%arg12 : memref<!tpu.dma_semaphore, #tpu.memory_space<semaphore_mem>>)
        %mul3A_818 = arith.constant 80 : i32
        %mul3A_819 = arith.muli %add3A_804, %mul3A_818 : i32
        %add3A_820 = arith.addi %mul3A_2, %mul3A_819 : i32
        %dma_start3A_821 = arith.constant 0 : i32
        %dma_start3A_822 = tpu.memref_slice %arg7[%rem3A_806, %dma_start3A_821] : memref<8x80xi32, #tpu.memory_space<vmem>> -> memref<1x80xi32, #tpu.memory_space<vmem>>
        %dma_start3A_823 = tpu.memref_squeeze %dma_start3A_822 : memref<1x80xi32, #tpu.memory_space<vmem>> -> memref<80xi32, #tpu.memory_space<vmem>>
        %dma_start3A_824 = tpu.memref_slice %arg4[%add3A_820] : memref<320000xi32, #tpu.memory_space<hbm>> -> memref<80xi32, #tpu.memory_space<hbm>>
        %dma_start3A_825 = arith.constant 0 : i32
        %dma_start3A_826 = tpu.memref_slice %arg7[%rem3A_806, %dma_start3A_825] : memref<8x80xi32, #tpu.memory_space<vmem>> -> memref<1x80xi32, #tpu.memory_space<vmem>>
        %dma_start3A_827 = tpu.memref_squeeze %dma_start3A_826 : memref<1x80xi32, #tpu.memory_space<vmem>> -> memref<80xi32, #tpu.memory_space<vmem>>
        %dma_start3A_828 = tpu.memref_slice %arg4[%add3A_820] : memref<320000xi32, #tpu.memory_space<hbm>> -> memref<80xi32, #tpu.memory_space<hbm>>
        tpu.enqueue_dma source(%dma_start3A_828 : memref<80xi32, #tpu.memory_space<hbm>>) target(%dma_start3A_827 : memref<80xi32, #tpu.memory_space<vmem>>) target_semaphore(%arg12 : memref<!tpu.dma_semaphore, #tpu.memory_space<semaphore_mem>>)
      } else {
      }
      %add3A_771 = arith.constant 2 : i32
      %add3A_772 = arith.addi %add3A_758, %add3A_771 : i32
      %lt3A_773 = arith.constant 125 : i32
      %lt3A_774 = arith.cmpi slt, %add3A_772, %lt3A_773 : i32
      %convert_element_type3A_775 = arith.extui %lt3A_774 : i1 to i32
      %cond3A_776 = arith.constant 0 : i32
      %cond3A_777 = arith.cmpi ne, %convert_element_type3A_775, %cond3A_776 : i32
      scf.if %cond3A_777 {
        %dma_wait3A_803 = arith.constant 0 : i32
        %dma_wait3A_804 = arith.constant 0 : i32
        %dma_wait3A_805 = tpu.memref_slice %arg6[%dma_wait3A_803, %dma_wait3A_804] : memref<8x80xi32, #tpu.memory_space<vmem>> -> memref<1x80xi32, #tpu.memory_space<vmem>>
        %dma_wait3A_806 = tpu.memref_squeeze %dma_wait3A_805 : memref<1x80xi32, #tpu.memory_space<vmem>> -> memref<80xi32, #tpu.memory_space<vmem>>
        %dma_wait3A_807 = arith.constant 0 : i32
        %dma_wait3A_808 = tpu.memref_slice %arg3[%dma_wait3A_807] : memref<320000xi32, #tpu.memory_space<hbm>> -> memref<80xi32, #tpu.memory_space<hbm>>
        %dma_wait3A_809 = arith.constant 0 : i32
        %dma_wait3A_810 = tpu.memref_slice %arg6[%dma_wait3A_803, %dma_wait3A_809] : memref<8x80xi32, #tpu.memory_space<vmem>> -> memref<1x80xi32, #tpu.memory_space<vmem>>
        %dma_wait3A_811 = tpu.memref_squeeze %dma_wait3A_810 : memref<1x80xi32, #tpu.memory_space<vmem>> -> memref<80xi32, #tpu.memory_space<vmem>>
        %dma_wait3A_812 = arith.constant 0 : i32
        %dma_wait3A_813 = tpu.memref_slice %arg3[%dma_wait3A_812] : memref<320000xi32, #tpu.memory_space<hbm>> -> memref<80xi32, #tpu.memory_space<hbm>>
        tpu.wait_dma2 semaphore(%arg10 : memref<!tpu.dma_semaphore, #tpu.memory_space<semaphore_mem>>) src(%dma_wait3A_813 : memref<80xi32, #tpu.memory_space<hbm>>) dst(%dma_wait3A_811 : memref<80xi32, #tpu.memory_space<vmem>>)
        %dma_wait3A_814 = arith.constant 0 : i32
        %dma_wait3A_815 = arith.constant 0 : i32
        %dma_wait3A_816 = tpu.memref_slice %arg7[%dma_wait3A_814, %dma_wait3A_815] : memref<8x80xi32, #tpu.memory_space<vmem>> -> memref<1x80xi32, #tpu.memory_space<vmem>>
        %dma_wait3A_817 = tpu.memref_squeeze %dma_wait3A_816 : memref<1x80xi32, #tpu.memory_space<vmem>> -> memref<80xi32, #tpu.memory_space<vmem>>
        %dma_wait3A_818 = arith.constant 0 : i32
        %dma_wait3A_819 = tpu.memref_slice %arg4[%dma_wait3A_818] : memref<320000xi32, #tpu.memory_space<hbm>> -> memref<80xi32, #tpu.memory_space<hbm>>
        %dma_wait3A_820 = arith.constant 0 : i32
        %dma_wait3A_821 = tpu.memref_slice %arg7[%dma_wait3A_814, %dma_wait3A_820] : memref<8x80xi32, #tpu.memory_space<vmem>> -> memref<1x80xi32, #tpu.memory_space<vmem>>
        %dma_wait3A_822 = tpu.memref_squeeze %dma_wait3A_821 : memref<1x80xi32, #tpu.memory_space<vmem>> -> memref<80xi32, #tpu.memory_space<vmem>>
        %dma_wait3A_823 = arith.constant 0 : i32
        %dma_wait3A_824 = tpu.memref_slice %arg4[%dma_wait3A_823] : memref<320000xi32, #tpu.memory_space<hbm>> -> memref<80xi32, #tpu.memory_space<hbm>>
        tpu.wait_dma2 semaphore(%arg10 : memref<!tpu.dma_semaphore, #tpu.memory_space<semaphore_mem>>) src(%dma_wait3A_824 : memref<80xi32, #tpu.memory_space<hbm>>) dst(%dma_wait3A_822 : memref<80xi32, #tpu.memory_space<vmem>>)
        %add3A_825 = arith.constant 2 : i32
        %add3A_826 = arith.addi %add3A_758, %add3A_825 : i32
        %rem3A_827 = arith.constant 8 : i32
        %rem3A_828 = arith.remsi %add3A_826, %rem3A_827 : i32
        %dma_start3A_829 = arith.constant 1 : i32
        %dma_start3A_830 = arith.constant 0 : i32
        %dma_start3A_831 = arith.constant 0 : i32
        %dma_start3A_832 = tpu.memref_slice %arg8[%dma_start3A_829, %dma_start3A_830, %dma_start3A_831] : memref<4x80x128xf32, #tpu.memory_space<vmem>> -> memref<1x80x128xf32, #tpu.memory_space<vmem>>
        %dma_start3A_833 = tpu.memref_squeeze %dma_start3A_832 : memref<1x80x128xf32, #tpu.memory_space<vmem>> -> memref<80x128xf32, #tpu.memory_space<vmem>>
        %dma_start3A_834 = arith.constant 0 : i32
        %dma_start3A_835 = tpu.memref_slice %arg6[%rem3A_828, %dma_start3A_834] : memref<8x80xi32, #tpu.memory_space<vmem>> -> memref<1x80xi32, #tpu.memory_space<vmem>>
        %dma_start3A_836 = tpu.memref_squeeze %dma_start3A_835 : memref<1x80xi32, #tpu.memory_space<vmem>> -> memref<80xi32, #tpu.memory_space<vmem>>
        %dma_start3A_837 = arith.constant 0 : i32
        %dma_start3A_838 = arith.constant 0 : i32
        %dma_start3A_839 = tpu.memref_slice %arg2[%dma_start3A_837, %dma_start3A_838] : memref<10000x128xf32, #tpu.memory_space<hbm>> -> memref<10000x128xf32, #tpu.memory_space<hbm>>
        tpu.enqueue_indirect_dma source(%dma_start3A_839 : memref<10000x128xf32, #tpu.memory_space<hbm>>) target(%dma_start3A_833 : memref<80x128xf32, #tpu.memory_space<vmem>>) offsets(%dma_start3A_836 : memref<80xi32, #tpu.memory_space<vmem>>) semaphore(%arg14 : memref<!tpu.dma_semaphore, #tpu.memory_space<semaphore_mem>>)
      } else {
      }
      %dma_wait3A_778 = arith.constant 0 : i32
      %dma_wait3A_779 = arith.constant 0 : i32
      %dma_wait3A_780 = arith.constant 0 : i32
      %dma_wait3A_781 = arith.constant 0 : i32
      %dma_wait3A_782 = tpu.memref_slice %arg8[%dma_wait3A_779, %dma_wait3A_780, %dma_wait3A_781] : memref<4x80x128xf32, #tpu.memory_space<vmem>> -> memref<1x80x128xf32, #tpu.memory_space<vmem>>
      %dma_wait3A_783 = tpu.memref_squeeze %dma_wait3A_782 : memref<1x80x128xf32, #tpu.memory_space<vmem>> -> memref<80x128xf32, #tpu.memory_space<vmem>>
      %dma_wait3A_784 = arith.constant 0 : i32
      %dma_wait3A_785 = tpu.memref_slice %arg6[%dma_wait3A_778, %dma_wait3A_784] : memref<8x80xi32, #tpu.memory_space<vmem>> -> memref<1x80xi32, #tpu.memory_space<vmem>>
      %dma_wait3A_786 = tpu.memref_squeeze %dma_wait3A_785 : memref<1x80xi32, #tpu.memory_space<vmem>> -> memref<80xi32, #tpu.memory_space<vmem>>
      %dma_wait3A_787 = arith.constant 0 : i32
      %dma_wait3A_788 = arith.constant 0 : i32
      %dma_wait3A_789 = tpu.memref_slice %arg2[%dma_wait3A_787, %dma_wait3A_788] : memref<10000x128xf32, #tpu.memory_space<hbm>> -> memref<10000x128xf32, #tpu.memory_space<hbm>>
      tpu.wait_indirect_dma semaphore(%arg16 : memref<!tpu.dma_semaphore, #tpu.memory_space<semaphore_mem>>) src(%dma_wait3A_789 : memref<10000x128xf32, #tpu.memory_space<hbm>>) dst(%dma_wait3A_783 : memref<80x128xf32, #tpu.memory_space<vmem>>)
      %rem3A_790 = arith.constant 8 : i32
      %rem3A_791 = arith.remsi %add3A_758, %rem3A_790 : i32
      %dma_start3A_792 = arith.constant 3 : i32
      %dma_start3A_793 = arith.constant 0 : i32
      %dma_start3A_794 = arith.constant 0 : i32
      %dma_start3A_795 = tpu.memref_slice %arg8[%dma_start3A_792, %dma_start3A_793, %dma_start3A_794] : memref<4x80x128xf32, #tpu.memory_space<vmem>> -> memref<1x80x128xf32, #tpu.memory_space<vmem>>
      %dma_start3A_796 = tpu.memref_squeeze %dma_start3A_795 : memref<1x80x128xf32, #tpu.memory_space<vmem>> -> memref<80x128xf32, #tpu.memory_space<vmem>>
      %dma_start3A_797 = arith.constant 0 : i32
      %dma_start3A_798 = tpu.memref_slice %arg7[%rem3A_791, %dma_start3A_797] : memref<8x80xi32, #tpu.memory_space<vmem>> -> memref<1x80xi32, #tpu.memory_space<vmem>>
      %dma_start3A_799 = tpu.memref_squeeze %dma_start3A_798 : memref<1x80xi32, #tpu.memory_space<vmem>> -> memref<80xi32, #tpu.memory_space<vmem>>
      %dma_start3A_800 = arith.constant 0 : i32
      %dma_start3A_801 = arith.constant 0 : i32
      %dma_start3A_802 = tpu.memref_slice %arg21[%dma_start3A_800, %dma_start3A_801] : memref<10240x128xf32, #tpu.memory_space<vmem_shared>> -> memref<10240x128xf32, #tpu.memory_space<vmem_shared>>
      tpu.enqueue_indirect_dma source(%dma_start3A_796 : memref<80x128xf32, #tpu.memory_space<vmem>>) target(%dma_start3A_802 : memref<10240x128xf32, #tpu.memory_space<vmem_shared>>) offsets(%dma_start3A_799 : memref<80xi32, #tpu.memory_space<vmem>>) semaphore(%arg20 : memref<!tpu.dma_semaphore, #tpu.memory_space<semaphore_mem>>) {add = true}
    }
    %scan3A_407 = arith.constant 31 : i32
    %dma_wait3A_408 = arith.constant 0 : i32
    %dma_wait3A_409 = arith.constant 0 : i32
    %dma_wait3A_410 = arith.constant 0 : i32
    %dma_wait3A_411 = arith.constant 0 : i32
    %dma_wait3A_412 = tpu.memref_slice %arg8[%dma_wait3A_408, %dma_wait3A_410, %dma_wait3A_411] : memref<4x80x128xf32, #tpu.memory_space<vmem>> -> memref<1x80x128xf32, #tpu.memory_space<vmem>>
    %dma_wait3A_413 = tpu.memref_squeeze %dma_wait3A_412 : memref<1x80x128xf32, #tpu.memory_space<vmem>> -> memref<80x128xf32, #tpu.memory_space<vmem>>
    %dma_wait3A_414 = arith.constant 0 : i32
    %dma_wait3A_415 = tpu.memref_slice %arg7[%dma_wait3A_409, %dma_wait3A_414] : memref<8x80xi32, #tpu.memory_space<vmem>> -> memref<1x80xi32, #tpu.memory_space<vmem>>
    %dma_wait3A_416 = tpu.memref_squeeze %dma_wait3A_415 : memref<1x80xi32, #tpu.memory_space<vmem>> -> memref<80xi32, #tpu.memory_space<vmem>>
    %dma_wait3A_417 = arith.constant 0 : i32
    %dma_wait3A_418 = arith.constant 0 : i32
    %dma_wait3A_419 = tpu.memref_slice %arg21[%dma_wait3A_417, %dma_wait3A_418] : memref<10240x128xf32, #tpu.memory_space<vmem_shared>> -> memref<10240x128xf32, #tpu.memory_space<vmem_shared>>
    tpu.wait_indirect_dma semaphore(%arg19 : memref<!tpu.dma_semaphore, #tpu.memory_space<semaphore_mem>>) src(%dma_wait3A_413 : memref<80x128xf32, #tpu.memory_space<vmem>>) dst(%dma_wait3A_419 : memref<10240x128xf32, #tpu.memory_space<vmem_shared>>)
    %dma_wait3A_420 = arith.constant 0 : i32
    %dma_wait3A_421 = arith.constant 0 : i32
    %dma_wait3A_422 = arith.constant 0 : i32
    %dma_wait3A_423 = arith.constant 0 : i32
    %dma_wait3A_424 = tpu.memref_slice %arg8[%dma_wait3A_421, %dma_wait3A_422, %dma_wait3A_423] : memref<4x80x128xf32, #tpu.memory_space<vmem>> -> memref<1x80x128xf32, #tpu.memory_space<vmem>>
    %dma_wait3A_425 = tpu.memref_squeeze %dma_wait3A_424 : memref<1x80x128xf32, #tpu.memory_space<vmem>> -> memref<80x128xf32, #tpu.memory_space<vmem>>
    %dma_wait3A_426 = arith.constant 0 : i32
    %dma_wait3A_427 = tpu.memref_slice %arg6[%dma_wait3A_420, %dma_wait3A_426] : memref<8x80xi32, #tpu.memory_space<vmem>> -> memref<1x80xi32, #tpu.memory_space<vmem>>
    %dma_wait3A_428 = tpu.memref_squeeze %dma_wait3A_427 : memref<1x80xi32, #tpu.memory_space<vmem>> -> memref<80xi32, #tpu.memory_space<vmem>>
    %dma_wait3A_429 = arith.constant 0 : i32
    %dma_wait3A_430 = arith.constant 0 : i32
    %dma_wait3A_431 = tpu.memref_slice %arg2[%dma_wait3A_429, %dma_wait3A_430] : memref<10000x128xf32, #tpu.memory_space<hbm>> -> memref<10000x128xf32, #tpu.memory_space<hbm>>
    tpu.wait_indirect_dma semaphore(%arg13 : memref<!tpu.dma_semaphore, #tpu.memory_space<semaphore_mem>>) src(%dma_wait3A_431 : memref<10000x128xf32, #tpu.memory_space<hbm>>) dst(%dma_wait3A_425 : memref<80x128xf32, #tpu.memory_space<vmem>>)
    %dma_start3A_432 = arith.constant 0 : i32
    %dma_start3A_433 = arith.constant 4 : i32
    %dma_start3A_434 = arith.constant 0 : i32
    %dma_start3A_435 = arith.constant 0 : i32
    %dma_start3A_436 = tpu.memref_slice %arg8[%dma_start3A_432, %dma_start3A_434, %dma_start3A_435] : memref<4x80x128xf32, #tpu.memory_space<vmem>> -> memref<1x80x128xf32, #tpu.memory_space<vmem>>
    %dma_start3A_437 = tpu.memref_squeeze %dma_start3A_436 : memref<1x80x128xf32, #tpu.memory_space<vmem>> -> memref<80x128xf32, #tpu.memory_space<vmem>>
    %dma_start3A_438 = arith.constant 0 : i32
    %dma_start3A_439 = tpu.memref_slice %arg7[%dma_start3A_433, %dma_start3A_438] : memref<8x80xi32, #tpu.memory_space<vmem>> -> memref<1x80xi32, #tpu.memory_space<vmem>>
    %dma_start3A_440 = tpu.memref_squeeze %dma_start3A_439 : memref<1x80xi32, #tpu.memory_space<vmem>> -> memref<80xi32, #tpu.memory_space<vmem>>
    %dma_start3A_441 = arith.constant 0 : i32
    %dma_start3A_442 = arith.constant 0 : i32
    %dma_start3A_443 = tpu.memref_slice %arg21[%dma_start3A_441, %dma_start3A_442] : memref<10240x128xf32, #tpu.memory_space<vmem_shared>> -> memref<10240x128xf32, #tpu.memory_space<vmem_shared>>
    tpu.enqueue_indirect_dma source(%dma_start3A_437 : memref<80x128xf32, #tpu.memory_space<vmem>>) target(%dma_start3A_443 : memref<10240x128xf32, #tpu.memory_space<vmem_shared>>) offsets(%dma_start3A_440 : memref<80xi32, #tpu.memory_space<vmem>>) semaphore(%arg17 : memref<!tpu.dma_semaphore, #tpu.memory_space<semaphore_mem>>) {add = true}
    %dma_wait3A_444 = arith.constant 0 : i32
    %dma_wait3A_445 = arith.constant 0 : i32
    %dma_wait3A_446 = arith.constant 0 : i32
    %dma_wait3A_447 = arith.constant 0 : i32
    %dma_wait3A_448 = tpu.memref_slice %arg8[%dma_wait3A_444, %dma_wait3A_446, %dma_wait3A_447] : memref<4x80x128xf32, #tpu.memory_space<vmem>> -> memref<1x80x128xf32, #tpu.memory_space<vmem>>
    %dma_wait3A_449 = tpu.memref_squeeze %dma_wait3A_448 : memref<1x80x128xf32, #tpu.memory_space<vmem>> -> memref<80x128xf32, #tpu.memory_space<vmem>>
    %dma_wait3A_450 = arith.constant 0 : i32
    %dma_wait3A_451 = tpu.memref_slice %arg7[%dma_wait3A_445, %dma_wait3A_450] : memref<8x80xi32, #tpu.memory_space<vmem>> -> memref<1x80xi32, #tpu.memory_space<vmem>>
    %dma_wait3A_452 = tpu.memref_squeeze %dma_wait3A_451 : memref<1x80xi32, #tpu.memory_space<vmem>> -> memref<80xi32, #tpu.memory_space<vmem>>
    %dma_wait3A_453 = arith.constant 0 : i32
    %dma_wait3A_454 = arith.constant 0 : i32
    %dma_wait3A_455 = tpu.memref_slice %arg21[%dma_wait3A_453, %dma_wait3A_454] : memref<10240x128xf32, #tpu.memory_space<vmem_shared>> -> memref<10240x128xf32, #tpu.memory_space<vmem_shared>>
    tpu.wait_indirect_dma semaphore(%arg20 : memref<!tpu.dma_semaphore, #tpu.memory_space<semaphore_mem>>) src(%dma_wait3A_449 : memref<80x128xf32, #tpu.memory_space<vmem>>) dst(%dma_wait3A_455 : memref<10240x128xf32, #tpu.memory_space<vmem_shared>>)
    %dma_wait3A_456 = arith.constant 0 : i32
    %dma_wait3A_457 = arith.constant 0 : i32
    %dma_wait3A_458 = arith.constant 0 : i32
    %dma_wait3A_459 = arith.constant 0 : i32
    %dma_wait3A_460 = tpu.memref_slice %arg8[%dma_wait3A_456, %dma_wait3A_458, %dma_wait3A_459] : memref<4x80x128xf32, #tpu.memory_space<vmem>> -> memref<1x80x128xf32, #tpu.memory_space<vmem>>
    %dma_wait3A_461 = tpu.memref_squeeze %dma_wait3A_460 : memref<1x80x128xf32, #tpu.memory_space<vmem>> -> memref<80x128xf32, #tpu.memory_space<vmem>>
    %dma_wait3A_462 = arith.constant 0 : i32
    %dma_wait3A_463 = tpu.memref_slice %arg7[%dma_wait3A_457, %dma_wait3A_462] : memref<8x80xi32, #tpu.memory_space<vmem>> -> memref<1x80xi32, #tpu.memory_space<vmem>>
    %dma_wait3A_464 = tpu.memref_squeeze %dma_wait3A_463 : memref<1x80xi32, #tpu.memory_space<vmem>> -> memref<80xi32, #tpu.memory_space<vmem>>
    %dma_wait3A_465 = arith.constant 0 : i32
    %dma_wait3A_466 = arith.constant 0 : i32
    %dma_wait3A_467 = tpu.memref_slice %arg21[%dma_wait3A_465, %dma_wait3A_466] : memref<10240x128xf32, #tpu.memory_space<vmem_shared>> -> memref<10240x128xf32, #tpu.memory_space<vmem_shared>>
    tpu.wait_indirect_dma semaphore(%arg17 : memref<!tpu.dma_semaphore, #tpu.memory_space<semaphore_mem>>) src(%dma_wait3A_461 : memref<80x128xf32, #tpu.memory_space<vmem>>) dst(%dma_wait3A_467 : memref<10240x128xf32, #tpu.memory_space<vmem_shared>>)
    %barrier3A_468 = arith.constant 0 : index
    tpu.barrier barrier_id(%barrier3A_468)
    %mul3A_469 = arith.constant 640 : i32
    %mul3A_470 = arith.muli %arg1, %mul3A_469 : i32
    %add3A_471 = arith.constant 0 : i32
    %add3A_472 = arith.addi %mul3A_470, %add3A_471 : i32
    %mul3A_473 = arith.constant 10240 : i32
    %mul3A_474 = arith.muli %arg0, %mul3A_473 : i32
    %mul3A_475 = arith.constant 640 : i32
    %mul3A_476 = arith.muli %arg1, %mul3A_475 : i32
    %add3A_477 = arith.addi %mul3A_474, %mul3A_476 : i32
    %add3A_478 = arith.constant 0 : i32
    %add3A_479 = arith.addi %add3A_477, %add3A_478 : i32
    %dma_start3A_480 = arith.constant 0 : i32
    %dma_start3A_481 = tpu.memref_slice %arg5[%add3A_479, %dma_start3A_480] : memref<20480x128xf32, #tpu.memory_space<hbm>> -> memref<80x128xf32, #tpu.memory_space<hbm>>
    %dma_start3A_482 = arith.constant 0 : i32
    %dma_start3A_483 = tpu.memref_slice %arg21[%add3A_472, %dma_start3A_482] : memref<10240x128xf32, #tpu.memory_space<vmem_shared>> -> memref<80x128xf32, #tpu.memory_space<vmem_shared>>
    tpu.enqueue_dma source(%dma_start3A_483 : memref<80x128xf32, #tpu.memory_space<vmem_shared>>) target(%dma_start3A_481 : memref<80x128xf32, #tpu.memory_space<hbm>>) target_semaphore(%arg17 : memref<!tpu.dma_semaphore, #tpu.memory_space<semaphore_mem>>)
    %mul3A_484 = arith.constant 640 : i32
    %mul3A_485 = arith.muli %arg1, %mul3A_484 : i32
    %add3A_486 = arith.constant 80 : i32
    %add3A_487 = arith.addi %mul3A_485, %add3A_486 : i32
    %mul3A_488 = arith.constant 10240 : i32
    %mul3A_489 = arith.muli %arg0, %mul3A_488 : i32
    %mul3A_490 = arith.constant 640 : i32
    %mul3A_491 = arith.muli %arg1, %mul3A_490 : i32
    %add3A_492 = arith.addi %mul3A_489, %mul3A_491 : i32
    %add3A_493 = arith.constant 80 : i32
    %add3A_494 = arith.addi %add3A_492, %add3A_493 : i32
    %dma_start3A_495 = arith.constant 0 : i32
    %dma_start3A_496 = tpu.memref_slice %arg5[%add3A_494, %dma_start3A_495] : memref<20480x128xf32, #tpu.memory_space<hbm>> -> memref<80x128xf32, #tpu.memory_space<hbm>>
    %dma_start3A_497 = arith.constant 0 : i32
    %dma_start3A_498 = tpu.memref_slice %arg21[%add3A_487, %dma_start3A_497] : memref<10240x128xf32, #tpu.memory_space<vmem_shared>> -> memref<80x128xf32, #tpu.memory_space<vmem_shared>>
    tpu.enqueue_dma source(%dma_start3A_498 : memref<80x128xf32, #tpu.memory_space<vmem_shared>>) target(%dma_start3A_496 : memref<80x128xf32, #tpu.memory_space<hbm>>) target_semaphore(%arg18 : memref<!tpu.dma_semaphore, #tpu.memory_space<semaphore_mem>>)
    %mul3A_499 = arith.constant 640 : i32
    %mul3A_500 = arith.muli %arg1, %mul3A_499 : i32
    %add3A_501 = arith.constant 160 : i32
    %add3A_502 = arith.addi %mul3A_500, %add3A_501 : i32
    %mul3A_503 = arith.constant 10240 : i32
    %mul3A_504 = arith.muli %arg0, %mul3A_503 : i32
    %mul3A_505 = arith.constant 640 : i32
    %mul3A_506 = arith.muli %arg1, %mul3A_505 : i32
    %add3A_507 = arith.addi %mul3A_504, %mul3A_506 : i32
    %add3A_508 = arith.constant 160 : i32
    %add3A_509 = arith.addi %add3A_507, %add3A_508 : i32
    %dma_start3A_510 = arith.constant 0 : i32
    %dma_start3A_511 = tpu.memref_slice %arg5[%add3A_509, %dma_start3A_510] : memref<20480x128xf32, #tpu.memory_space<hbm>> -> memref<80x128xf32, #tpu.memory_space<hbm>>
    %dma_start3A_512 = arith.constant 0 : i32
    %dma_start3A_513 = tpu.memref_slice %arg21[%add3A_502, %dma_start3A_512] : memref<10240x128xf32, #tpu.memory_space<vmem_shared>> -> memref<80x128xf32, #tpu.memory_space<vmem_shared>>
    tpu.enqueue_dma source(%dma_start3A_513 : memref<80x128xf32, #tpu.memory_space<vmem_shared>>) target(%dma_start3A_511 : memref<80x128xf32, #tpu.memory_space<hbm>>) target_semaphore(%arg19 : memref<!tpu.dma_semaphore, #tpu.memory_space<semaphore_mem>>)
    %mul3A_514 = arith.constant 640 : i32
    %mul3A_515 = arith.muli %arg1, %mul3A_514 : i32
    %add3A_516 = arith.constant 240 : i32
    %add3A_517 = arith.addi %mul3A_515, %add3A_516 : i32
    %mul3A_518 = arith.constant 10240 : i32
    %mul3A_519 = arith.muli %arg0, %mul3A_518 : i32
    %mul3A_520 = arith.constant 640 : i32
    %mul3A_521 = arith.muli %arg1, %mul3A_520 : i32
    %add3A_522 = arith.addi %mul3A_519, %mul3A_521 : i32
    %add3A_523 = arith.constant 240 : i32
    %add3A_524 = arith.addi %add3A_522, %add3A_523 : i32
    %dma_start3A_525 = arith.constant 0 : i32
    %dma_start3A_526 = tpu.memref_slice %arg5[%add3A_524, %dma_start3A_525] : memref<20480x128xf32, #tpu.memory_space<hbm>> -> memref<80x128xf32, #tpu.memory_space<hbm>>
    %dma_start3A_527 = arith.constant 0 : i32
    %dma_start3A_528 = tpu.memref_slice %arg21[%add3A_517, %dma_start3A_527] : memref<10240x128xf32, #tpu.memory_space<vmem_shared>> -> memref<80x128xf32, #tpu.memory_space<vmem_shared>>
    tpu.enqueue_dma source(%dma_start3A_528 : memref<80x128xf32, #tpu.memory_space<vmem_shared>>) target(%dma_start3A_526 : memref<80x128xf32, #tpu.memory_space<hbm>>) target_semaphore(%arg20 : memref<!tpu.dma_semaphore, #tpu.memory_space<semaphore_mem>>)
    %mul3A_529 = arith.constant 640 : i32
    %mul3A_530 = arith.muli %arg1, %mul3A_529 : i32
    %add3A_531 = arith.constant 320 : i32
    %add3A_532 = arith.addi %mul3A_530, %add3A_531 : i32
    %mul3A_533 = arith.constant 10240 : i32
    %mul3A_534 = arith.muli %arg0, %mul3A_533 : i32
    %mul3A_535 = arith.constant 640 : i32
    %mul3A_536 = arith.muli %arg1, %mul3A_535 : i32
    %add3A_537 = arith.addi %mul3A_534, %mul3A_536 : i32
    %add3A_538 = arith.constant 320 : i32
    %add3A_539 = arith.addi %add3A_537, %add3A_538 : i32
    %dma_start3A_540 = arith.constant 0 : i32
    %dma_start3A_541 = tpu.memref_slice %arg5[%add3A_539, %dma_start3A_540] : memref<20480x128xf32, #tpu.memory_space<hbm>> -> memref<80x128xf32, #tpu.memory_space<hbm>>
    %dma_start3A_542 = arith.constant 0 : i32
    %dma_start3A_543 = tpu.memref_slice %arg21[%add3A_532, %dma_start3A_542] : memref<10240x128xf32, #tpu.memory_space<vmem_shared>> -> memref<80x128xf32, #tpu.memory_space<vmem_shared>>
    tpu.enqueue_dma source(%dma_start3A_543 : memref<80x128xf32, #tpu.memory_space<vmem_shared>>) target(%dma_start3A_541 : memref<80x128xf32, #tpu.memory_space<hbm>>) target_semaphore(%arg17 : memref<!tpu.dma_semaphore, #tpu.memory_space<semaphore_mem>>)
    %mul3A_544 = arith.constant 640 : i32
    %mul3A_545 = arith.muli %arg1, %mul3A_544 : i32
    %add3A_546 = arith.constant 400 : i32
    %add3A_547 = arith.addi %mul3A_545, %add3A_546 : i32
    %mul3A_548 = arith.constant 10240 : i32
    %mul3A_549 = arith.muli %arg0, %mul3A_548 : i32
    %mul3A_550 = arith.constant 640 : i32
    %mul3A_551 = arith.muli %arg1, %mul3A_550 : i32
    %add3A_552 = arith.addi %mul3A_549, %mul3A_551 : i32
    %add3A_553 = arith.constant 400 : i32
    %add3A_554 = arith.addi %add3A_552, %add3A_553 : i32
    %dma_start3A_555 = arith.constant 0 : i32
    %dma_start3A_556 = tpu.memref_slice %arg5[%add3A_554, %dma_start3A_555] : memref<20480x128xf32, #tpu.memory_space<hbm>> -> memref<80x128xf32, #tpu.memory_space<hbm>>
    %dma_start3A_557 = arith.constant 0 : i32
    %dma_start3A_558 = tpu.memref_slice %arg21[%add3A_547, %dma_start3A_557] : memref<10240x128xf32, #tpu.memory_space<vmem_shared>> -> memref<80x128xf32, #tpu.memory_space<vmem_shared>>
    tpu.enqueue_dma source(%dma_start3A_558 : memref<80x128xf32, #tpu.memory_space<vmem_shared>>) target(%dma_start3A_556 : memref<80x128xf32, #tpu.memory_space<hbm>>) target_semaphore(%arg18 : memref<!tpu.dma_semaphore, #tpu.memory_space<semaphore_mem>>)
    %mul3A_559 = arith.constant 640 : i32
    %mul3A_560 = arith.muli %arg1, %mul3A_559 : i32
    %add3A_561 = arith.constant 480 : i32
    %add3A_562 = arith.addi %mul3A_560, %add3A_561 : i32
    %mul3A_563 = arith.constant 10240 : i32
    %mul3A_564 = arith.muli %arg0, %mul3A_563 : i32
    %mul3A_565 = arith.constant 640 : i32
    %mul3A_566 = arith.muli %arg1, %mul3A_565 : i32
    %add3A_567 = arith.addi %mul3A_564, %mul3A_566 : i32
    %add3A_568 = arith.constant 480 : i32
    %add3A_569 = arith.addi %add3A_567, %add3A_568 : i32
    %dma_start3A_570 = arith.constant 0 : i32
    %dma_start3A_571 = tpu.memref_slice %arg5[%add3A_569, %dma_start3A_570] : memref<20480x128xf32, #tpu.memory_space<hbm>> -> memref<80x128xf32, #tpu.memory_space<hbm>>
    %dma_start3A_572 = arith.constant 0 : i32
    %dma_start3A_573 = tpu.memref_slice %arg21[%add3A_562, %dma_start3A_572] : memref<10240x128xf32, #tpu.memory_space<vmem_shared>> -> memref<80x128xf32, #tpu.memory_space<vmem_shared>>
    tpu.enqueue_dma source(%dma_start3A_573 : memref<80x128xf32, #tpu.memory_space<vmem_shared>>) target(%dma_start3A_571 : memref<80x128xf32, #tpu.memory_space<hbm>>) target_semaphore(%arg19 : memref<!tpu.dma_semaphore, #tpu.memory_space<semaphore_mem>>)
    %mul3A_574 = arith.constant 640 : i32
    %mul3A_575 = arith.muli %arg1, %mul3A_574 : i32
    %add3A_576 = arith.constant 560 : i32
    %add3A_577 = arith.addi %mul3A_575, %add3A_576 : i32
    %mul3A_578 = arith.constant 10240 : i32
    %mul3A_579 = arith.muli %arg0, %mul3A_578 : i32
    %mul3A_580 = arith.constant 640 : i32
    %mul3A_581 = arith.muli %arg1, %mul3A_580 : i32
    %add3A_582 = arith.addi %mul3A_579, %mul3A_581 : i32
    %add3A_583 = arith.constant 560 : i32
    %add3A_584 = arith.addi %add3A_582, %add3A_583 : i32
    %dma_start3A_585 = arith.constant 0 : i32
    %dma_start3A_586 = tpu.memref_slice %arg5[%add3A_584, %dma_start3A_585] : memref<20480x128xf32, #tpu.memory_space<hbm>> -> memref<80x128xf32, #tpu.memory_space<hbm>>
    %dma_start3A_587 = arith.constant 0 : i32
    %dma_start3A_588 = tpu.memref_slice %arg21[%add3A_577, %dma_start3A_587] : memref<10240x128xf32, #tpu.memory_space<vmem_shared>> -> memref<80x128xf32, #tpu.memory_space<vmem_shared>>
    tpu.enqueue_dma source(%dma_start3A_588 : memref<80x128xf32, #tpu.memory_space<vmem_shared>>) target(%dma_start3A_586 : memref<80x128xf32, #tpu.memory_space<hbm>>) target_semaphore(%arg20 : memref<!tpu.dma_semaphore, #tpu.memory_space<semaphore_mem>>)
    %dma_wait3A_589 = arith.constant 0 : i32
    %dma_wait3A_590 = tpu.memref_slice %arg5[%add3A_479, %dma_wait3A_589] : memref<20480x128xf32, #tpu.memory_space<hbm>> -> memref<80x128xf32, #tpu.memory_space<hbm>>
    %dma_wait3A_591 = arith.constant 0 : i32
    %dma_wait3A_592 = tpu.memref_slice %arg21[%add3A_472, %dma_wait3A_591] : memref<10240x128xf32, #tpu.memory_space<vmem_shared>> -> memref<80x128xf32, #tpu.memory_space<vmem_shared>>
    tpu.wait_dma2 semaphore(%arg17 : memref<!tpu.dma_semaphore, #tpu.memory_space<semaphore_mem>>) src(%dma_wait3A_592 : memref<80x128xf32, #tpu.memory_space<vmem_shared>>) dst(%dma_wait3A_590 : memref<80x128xf32, #tpu.memory_space<hbm>>)
    %dma_wait3A_593 = arith.constant 0 : i32
    %dma_wait3A_594 = tpu.memref_slice %arg5[%add3A_494, %dma_wait3A_593] : memref<20480x128xf32, #tpu.memory_space<hbm>> -> memref<80x128xf32, #tpu.memory_space<hbm>>
    %dma_wait3A_595 = arith.constant 0 : i32
    %dma_wait3A_596 = tpu.memref_slice %arg21[%add3A_487, %dma_wait3A_595] : memref<10240x128xf32, #tpu.memory_space<vmem_shared>> -> memref<80x128xf32, #tpu.memory_space<vmem_shared>>
    tpu.wait_dma2 semaphore(%arg18 : memref<!tpu.dma_semaphore, #tpu.memory_space<semaphore_mem>>) src(%dma_wait3A_596 : memref<80x128xf32, #tpu.memory_space<vmem_shared>>) dst(%dma_wait3A_594 : memref<80x128xf32, #tpu.memory_space<hbm>>)
    %dma_wait3A_597 = arith.constant 0 : i32
    %dma_wait3A_598 = tpu.memref_slice %arg5[%add3A_509, %dma_wait3A_597] : memref<20480x128xf32, #tpu.memory_space<hbm>> -> memref<80x128xf32, #tpu.memory_space<hbm>>
    %dma_wait3A_599 = arith.constant 0 : i32
    %dma_wait3A_600 = tpu.memref_slice %arg21[%add3A_502, %dma_wait3A_599] : memref<10240x128xf32, #tpu.memory_space<vmem_shared>> -> memref<80x128xf32, #tpu.memory_space<vmem_shared>>
    tpu.wait_dma2 semaphore(%arg19 : memref<!tpu.dma_semaphore, #tpu.memory_space<semaphore_mem>>) src(%dma_wait3A_600 : memref<80x128xf32, #tpu.memory_space<vmem_shared>>) dst(%dma_wait3A_598 : memref<80x128xf32, #tpu.memory_space<hbm>>)
    %dma_wait3A_601 = arith.constant 0 : i32
    %dma_wait3A_602 = tpu.memref_slice %arg5[%add3A_524, %dma_wait3A_601] : memref<20480x128xf32, #tpu.memory_space<hbm>> -> memref<80x128xf32, #tpu.memory_space<hbm>>
    %dma_wait3A_603 = arith.constant 0 : i32
    %dma_wait3A_604 = tpu.memref_slice %arg21[%add3A_517, %dma_wait3A_603] : memref<10240x128xf32, #tpu.memory_space<vmem_shared>> -> memref<80x128xf32, #tpu.memory_space<vmem_shared>>
    tpu.wait_dma2 semaphore(%arg20 : memref<!tpu.dma_semaphore, #tpu.memory_space<semaphore_mem>>) src(%dma_wait3A_604 : memref<80x128xf32, #tpu.memory_space<vmem_shared>>) dst(%dma_wait3A_602 : memref<80x128xf32, #tpu.memory_space<hbm>>)
    %dma_wait3A_605 = arith.constant 0 : i32
    %dma_wait3A_606 = tpu.memref_slice %arg5[%add3A_539, %dma_wait3A_605] : memref<20480x128xf32, #tpu.memory_space<hbm>> -> memref<80x128xf32, #tpu.memory_space<hbm>>
    %dma_wait3A_607 = arith.constant 0 : i32
    %dma_wait3A_608 = tpu.memref_slice %arg21[%add3A_532, %dma_wait3A_607] : memref<10240x128xf32, #tpu.memory_space<vmem_shared>> -> memref<80x128xf32, #tpu.memory_space<vmem_shared>>
    tpu.wait_dma2 semaphore(%arg17 : memref<!tpu.dma_semaphore, #tpu.memory_space<semaphore_mem>>) src(%dma_wait3A_608 : memref<80x128xf32, #tpu.memory_space<vmem_shared>>) dst(%dma_wait3A_606 : memref<80x128xf32, #tpu.memory_space<hbm>>)
    %dma_wait3A_609 = arith.constant 0 : i32
    %dma_wait3A_610 = tpu.memref_slice %arg5[%add3A_554, %dma_wait3A_609] : memref<20480x128xf32, #tpu.memory_space<hbm>> -> memref<80x128xf32, #tpu.memory_space<hbm>>
    %dma_wait3A_611 = arith.constant 0 : i32
    %dma_wait3A_612 = tpu.memref_slice %arg21[%add3A_547, %dma_wait3A_611] : memref<10240x128xf32, #tpu.memory_space<vmem_shared>> -> memref<80x128xf32, #tpu.memory_space<vmem_shared>>
    tpu.wait_dma2 semaphore(%arg18 : memref<!tpu.dma_semaphore, #tpu.memory_space<semaphore_mem>>) src(%dma_wait3A_612 : memref<80x128xf32, #tpu.memory_space<vmem_shared>>) dst(%dma_wait3A_610 : memref<80x128xf32, #tpu.memory_space<hbm>>)
    %dma_wait3A_613 = arith.constant 0 : i32
    %dma_wait3A_614 = tpu.memref_slice %arg5[%add3A_569, %dma_wait3A_613] : memref<20480x128xf32, #tpu.memory_space<hbm>> -> memref<80x128xf32, #tpu.memory_space<hbm>>
    %dma_wait3A_615 = arith.constant 0 : i32
    %dma_wait3A_616 = tpu.memref_slice %arg21[%add3A_562, %dma_wait3A_615] : memref<10240x128xf32, #tpu.memory_space<vmem_shared>> -> memref<80x128xf32, #tpu.memory_space<vmem_shared>>
    tpu.wait_dma2 semaphore(%arg19 : memref<!tpu.dma_semaphore, #tpu.memory_space<semaphore_mem>>) src(%dma_wait3A_616 : memref<80x128xf32, #tpu.memory_space<vmem_shared>>) dst(%dma_wait3A_614 : memref<80x128xf32, #tpu.memory_space<hbm>>)
    %dma_wait3A_617 = arith.constant 0 : i32
    %dma_wait3A_618 = tpu.memref_slice %arg5[%add3A_584, %dma_wait3A_617] : memref<20480x128xf32, #tpu.memory_space<hbm>> -> memref<80x128xf32, #tpu.memory_space<hbm>>
    %dma_wait3A_619 = arith.constant 0 : i32
    %dma_wait3A_620 = tpu.memref_slice %arg21[%add3A_577, %dma_wait3A_619] : memref<10240x128xf32, #tpu.memory_space<vmem_shared>> -> memref<80x128xf32, #tpu.memory_space<vmem_shared>>
    tpu.wait_dma2 semaphore(%arg20 : memref<!tpu.dma_semaphore, #tpu.memory_space<semaphore_mem>>) src(%dma_wait3A_620 : memref<80x128xf32, #tpu.memory_space<vmem_shared>>) dst(%dma_wait3A_618 : memref<80x128xf32, #tpu.memory_space<hbm>>)
    return
  }
}

#map = affine_map<(d0, d1) -> (0, 0, 0)>
#map1 = affine_map<(d0, d1) -> (0)>
module attributes {stable_mosaic.version = 14 : i64} {
  func.func @_deg_sc_body(%arg0: i32, %arg1: i32, %arg2: memref<32x125x80xi32, #tpu.memory_space<hbm>>, %arg3: memref<20480xf32, #tpu.memory_space<hbm>>, %arg4: memref<640xf32, #tpu.memory_space<vmem>>, %arg5: memref<80xf32, #tpu.memory_space<vmem>>, %arg6: memref<125x80xi32, #tpu.memory_space<vmem>>, %arg7: memref<!tpu.dma_semaphore, #tpu.memory_space<semaphore_mem>>, %arg8: memref<10240xf32, #tpu.memory_space<vmem_shared>>) attributes {dimension_semantics = [#tpu.dimension_semantics<core_parallel>, #tpu.dimension_semantics<subcore_parallel>], iteration_bounds = array<i64: 2, 16>, scalar_prefetch = 0 : i64, scratch_operands = 5 : i64, tpu.core_type = #tpu.core_type<sc_vector_subcore>, window_params = [{transform_indices = #map}, {transform_indices = #map1}]} {
    %mul3A = arith.constant 16 : i32
    %mul3A_0 = arith.muli %arg0, %mul3A : i32
    %add3A = arith.addi %mul3A_0, %arg1 : i32
    %dma_start3A = arith.constant 0 : i32
    %dma_start3A_1 = arith.constant 0 : i32
    %dma_start3A_2 = tpu.memref_slice %arg2[%add3A, %dma_start3A, %dma_start3A_1] : memref<32x125x80xi32, #tpu.memory_space<hbm>> -> memref<1x125x80xi32, #tpu.memory_space<hbm>>
    %dma_start3A_3 = tpu.memref_squeeze %dma_start3A_2 : memref<1x125x80xi32, #tpu.memory_space<hbm>> -> memref<125x80xi32, #tpu.memory_space<hbm>>
    %dma_start3A_4 = arith.constant 0 : i32
    %dma_start3A_5 = arith.constant 0 : i32
    %dma_start3A_6 = tpu.memref_slice %arg2[%add3A, %dma_start3A_4, %dma_start3A_5] : memref<32x125x80xi32, #tpu.memory_space<hbm>> -> memref<1x125x80xi32, #tpu.memory_space<hbm>>
    %dma_start3A_7 = tpu.memref_squeeze %dma_start3A_6 : memref<1x125x80xi32, #tpu.memory_space<hbm>> -> memref<125x80xi32, #tpu.memory_space<hbm>>
    tpu.enqueue_dma source(%dma_start3A_7 : memref<125x80xi32, #tpu.memory_space<hbm>>) target(%arg6 : memref<125x80xi32, #tpu.memory_space<vmem>>) target_semaphore(%arg7 : memref<!tpu.dma_semaphore, #tpu.memory_space<semaphore_mem>>)
    %scan3A = arith.constant 0 : i32
    %scan3A_8 = arith.constant 0 : i32
    %scan3A_9 = arith.constant 40 : i32
    %scan3A_10 = arith.addi %scan3A_8, %scan3A_9 : i32
    %scan3A_11 = arith.constant 1 : i32
    scf.for %scan3A_112 = %scan3A_8 to %scan3A_10 step %scan3A_11  : i32 {
      %broadcast_in_dim3A_113 = arith.constant 0.000000e+00 : f32
      %broadcast_in_dim3A_114 = vector.broadcast %broadcast_in_dim3A_113 : f32 to vector<16xf32>
      %mul3A_115 = arith.constant 16 : i32
      %mul3A_116 = arith.muli %scan3A_112, %mul3A_115 : i32
      %swap3A_117 = arith.index_cast %mul3A_116 : i32 to index
      %swap3A_118 = tpu.vector_load %arg4[%swap3A_117] {strides = array<i32>} : memref<640xf32, #tpu.memory_space<vmem>>, vector<16xf32>,
      %swap3A_119 = vector.shape_cast %swap3A_118 : vector<16xf32> to vector<16xf32>
      %swap3A_120 = vector.shape_cast %broadcast_in_dim3A_114 : vector<16xf32> to vector<16xf32>
      tpu.vector_store %arg4[%swap3A_117], %swap3A_120 {strides = array<i32>} : memref<640xf32, #tpu.memory_space<vmem>>, vector<16xf32>,
    }
    %scan3A_12 = arith.constant 40 : i32
    %broadcast_in_dim3A = arith.constant 1.000000e+00 : f32
    %broadcast_in_dim3A_13 = vector.broadcast %broadcast_in_dim3A : f32 to vector<16xf32>
    %swap3A = arith.constant 0 : index
    %swap3A_14 = tpu.vector_load %arg5[%swap3A] {strides = array<i32>} : memref<80xf32, #tpu.memory_space<vmem>>, vector<16xf32>,
    %swap3A_15 = vector.shape_cast %swap3A_14 : vector<16xf32> to vector<16xf32>
    %swap3A_16 = vector.shape_cast %broadcast_in_dim3A_13 : vector<16xf32> to vector<16xf32>
    tpu.vector_store %arg5[%swap3A], %swap3A_16 {strides = array<i32>} : memref<80xf32, #tpu.memory_space<vmem>>, vector<16xf32>,
    %broadcast_in_dim3A_17 = arith.constant 1.000000e+00 : f32
    %broadcast_in_dim3A_18 = vector.broadcast %broadcast_in_dim3A_17 : f32 to vector<16xf32>
    %swap3A_19 = arith.constant 16 : index
    %swap3A_20 = tpu.vector_load %arg5[%swap3A_19] {strides = array<i32>} : memref<80xf32, #tpu.memory_space<vmem>>, vector<16xf32>,
    %swap3A_21 = vector.shape_cast %swap3A_20 : vector<16xf32> to vector<16xf32>
    %swap3A_22 = vector.shape_cast %broadcast_in_dim3A_18 : vector<16xf32> to vector<16xf32>
    tpu.vector_store %arg5[%swap3A_19], %swap3A_22 {strides = array<i32>} : memref<80xf32, #tpu.memory_space<vmem>>, vector<16xf32>,
    %broadcast_in_dim3A_23 = arith.constant 1.000000e+00 : f32
    %broadcast_in_dim3A_24 = vector.broadcast %broadcast_in_dim3A_23 : f32 to vector<16xf32>
    %swap3A_25 = arith.constant 32 : index
    %swap3A_26 = tpu.vector_load %arg5[%swap3A_25] {strides = array<i32>} : memref<80xf32, #tpu.memory_space<vmem>>, vector<16xf32>,
    %swap3A_27 = vector.shape_cast %swap3A_26 : vector<16xf32> to vector<16xf32>
    %swap3A_28 = vector.shape_cast %broadcast_in_dim3A_24 : vector<16xf32> to vector<16xf32>
    tpu.vector_store %arg5[%swap3A_25], %swap3A_28 {strides = array<i32>} : memref<80xf32, #tpu.memory_space<vmem>>, vector<16xf32>,
    %broadcast_in_dim3A_29 = arith.constant 1.000000e+00 : f32
    %broadcast_in_dim3A_30 = vector.broadcast %broadcast_in_dim3A_29 : f32 to vector<16xf32>
    %swap3A_31 = arith.constant 48 : index
    %swap3A_32 = tpu.vector_load %arg5[%swap3A_31] {strides = array<i32>} : memref<80xf32, #tpu.memory_space<vmem>>, vector<16xf32>,
    %swap3A_33 = vector.shape_cast %swap3A_32 : vector<16xf32> to vector<16xf32>
    %swap3A_34 = vector.shape_cast %broadcast_in_dim3A_30 : vector<16xf32> to vector<16xf32>
    tpu.vector_store %arg5[%swap3A_31], %swap3A_34 {strides = array<i32>} : memref<80xf32, #tpu.memory_space<vmem>>, vector<16xf32>,
    %broadcast_in_dim3A_35 = arith.constant 1.000000e+00 : f32
    %broadcast_in_dim3A_36 = vector.broadcast %broadcast_in_dim3A_35 : f32 to vector<16xf32>
    %swap3A_37 = arith.constant 64 : index
    %swap3A_38 = tpu.vector_load %arg5[%swap3A_37] {strides = array<i32>} : memref<80xf32, #tpu.memory_space<vmem>>, vector<16xf32>,
    %swap3A_39 = vector.shape_cast %swap3A_38 : vector<16xf32> to vector<16xf32>
    %swap3A_40 = vector.shape_cast %broadcast_in_dim3A_36 : vector<16xf32> to vector<16xf32>
    tpu.vector_store %arg5[%swap3A_37], %swap3A_40 {strides = array<i32>} : memref<80xf32, #tpu.memory_space<vmem>>, vector<16xf32>,
    %mul3A_41 = arith.constant 640 : i32
    %mul3A_42 = arith.muli %arg1, %mul3A_41 : i32
    "tpu.region"() ({
      %run_scoped3A = tpu.sem_alloc : memref<!tpu.dma_semaphore, #tpu.memory_space<semaphore_mem>>
      %dma_start3A_112 = tpu.memref_slice %arg8[%mul3A_42] : memref<10240xf32, #tpu.memory_space<vmem_shared>> -> memref<640xf32, #tpu.memory_space<vmem_shared>>
      %dma_start3A_113 = tpu.memref_slice %arg8[%mul3A_42] : memref<10240xf32, #tpu.memory_space<vmem_shared>> -> memref<640xf32, #tpu.memory_space<vmem_shared>>
      tpu.enqueue_dma source(%arg4 : memref<640xf32, #tpu.memory_space<vmem>>) target(%dma_start3A_113 : memref<640xf32, #tpu.memory_space<vmem_shared>>) target_semaphore(%run_scoped3A : memref<!tpu.dma_semaphore, #tpu.memory_space<semaphore_mem>>)
      %dma_wait3A_114 = tpu.memref_slice %arg8[%mul3A_42] : memref<10240xf32, #tpu.memory_space<vmem_shared>> -> memref<640xf32, #tpu.memory_space<vmem_shared>>
      %dma_wait3A_115 = tpu.memref_slice %arg8[%mul3A_42] : memref<10240xf32, #tpu.memory_space<vmem_shared>> -> memref<640xf32, #tpu.memory_space<vmem_shared>>
      tpu.wait_dma2 semaphore(%run_scoped3A : memref<!tpu.dma_semaphore, #tpu.memory_space<semaphore_mem>>) src(%arg4 : memref<640xf32, #tpu.memory_space<vmem>>) dst(%dma_wait3A_115 : memref<640xf32, #tpu.memory_space<vmem_shared>>)
      tpu.yield
    }) : () -> ()
    %dma_wait3A = arith.constant 0 : i32
    %dma_wait3A_43 = arith.constant 0 : i32
    %dma_wait3A_44 = tpu.memref_slice %arg2[%add3A, %dma_wait3A, %dma_wait3A_43] : memref<32x125x80xi32, #tpu.memory_space<hbm>> -> memref<1x125x80xi32, #tpu.memory_space<hbm>>
    %dma_wait3A_45 = tpu.memref_squeeze %dma_wait3A_44 : memref<1x125x80xi32, #tpu.memory_space<hbm>> -> memref<125x80xi32, #tpu.memory_space<hbm>>
    %dma_wait3A_46 = arith.constant 0 : i32
    %dma_wait3A_47 = arith.constant 0 : i32
    %dma_wait3A_48 = tpu.memref_slice %arg2[%add3A, %dma_wait3A_46, %dma_wait3A_47] : memref<32x125x80xi32, #tpu.memory_space<hbm>> -> memref<1x125x80xi32, #tpu.memory_space<hbm>>
    %dma_wait3A_49 = tpu.memref_squeeze %dma_wait3A_48 : memref<1x125x80xi32, #tpu.memory_space<hbm>> -> memref<125x80xi32, #tpu.memory_space<hbm>>
    tpu.wait_dma2 semaphore(%arg7 : memref<!tpu.dma_semaphore, #tpu.memory_space<semaphore_mem>>) src(%dma_wait3A_49 : memref<125x80xi32, #tpu.memory_space<hbm>>) dst(%arg6 : memref<125x80xi32, #tpu.memory_space<vmem>>)
    %barrier3A = arith.constant 0 : index
    tpu.barrier barrier_id(%barrier3A)
    %scan3A_50 = arith.constant 0 : i32
    %scan3A_51 = arith.constant 0 : i32
    %scan3A_52 = arith.constant 125 : i32
    %scan3A_53 = arith.addi %scan3A_51, %scan3A_52 : i32
    %scan3A_54 = arith.constant 1 : i32
    scf.for %scan3A_112 = %scan3A_51 to %scan3A_53 step %scan3A_54  : i32 {
      %dma_start3A_113 = arith.constant 0 : i32
      %dma_start3A_114 = tpu.memref_slice %arg6[%scan3A_112, %dma_start3A_113] : memref<125x80xi32, #tpu.memory_space<vmem>> -> memref<1x80xi32, #tpu.memory_space<vmem>>
      %dma_start3A_115 = tpu.memref_squeeze %dma_start3A_114 : memref<1x80xi32, #tpu.memory_space<vmem>> -> memref<80xi32, #tpu.memory_space<vmem>>
      %dma_start3A_116 = arith.constant 0 : i32
      %dma_start3A_117 = tpu.memref_slice %arg8[%dma_start3A_116] : memref<10240xf32, #tpu.memory_space<vmem_shared>> -> memref<10240xf32, #tpu.memory_space<vmem_shared>>
      tpu.enqueue_indirect_dma source(%arg5 : memref<80xf32, #tpu.memory_space<vmem>>) target(%dma_start3A_117 : memref<10240xf32, #tpu.memory_space<vmem_shared>>) offsets(%dma_start3A_115 : memref<80xi32, #tpu.memory_space<vmem>>) semaphore(%arg7 : memref<!tpu.dma_semaphore, #tpu.memory_space<semaphore_mem>>) {add = true}
      %ge3A = arith.constant 8 : i32
      %ge3A_118 = arith.cmpi sge, %scan3A_112, %ge3A : i32
      %convert_element_type3A = arith.extui %ge3A_118 : i1 to i32
      %cond3A = arith.constant 0 : i32
      %cond3A_119 = arith.cmpi ne, %convert_element_type3A, %cond3A : i32
      scf.if %cond3A_119 {
        %dma_wait3A_120 = arith.constant 0 : i32
        %dma_wait3A_121 = arith.constant 0 : i32
        %dma_wait3A_122 = tpu.memref_slice %arg6[%dma_wait3A_120, %dma_wait3A_121] : memref<125x80xi32, #tpu.memory_space<vmem>> -> memref<1x80xi32, #tpu.memory_space<vmem>>
        %dma_wait3A_123 = tpu.memref_squeeze %dma_wait3A_122 : memref<1x80xi32, #tpu.memory_space<vmem>> -> memref<80xi32, #tpu.memory_space<vmem>>
        %dma_wait3A_124 = arith.constant 0 : i32
        %dma_wait3A_125 = tpu.memref_slice %arg8[%dma_wait3A_124] : memref<10240xf32, #tpu.memory_space<vmem_shared>> -> memref<10240xf32, #tpu.memory_space<vmem_shared>>
        tpu.wait_indirect_dma semaphore(%arg7 : memref<!tpu.dma_semaphore, #tpu.memory_space<semaphore_mem>>) src(%arg5 : memref<80xf32, #tpu.memory_space<vmem>>) dst(%dma_wait3A_125 : memref<10240xf32, #tpu.memory_space<vmem_shared>>)
      } else {
      }
    }
    %scan3A_55 = arith.constant 125 : i32
    %dma_wait3A_56 = arith.constant 0 : i32
    %dma_wait3A_57 = arith.constant 0 : i32
    %dma_wait3A_58 = tpu.memref_slice %arg6[%dma_wait3A_56, %dma_wait3A_57] : memref<125x80xi32, #tpu.memory_space<vmem>> -> memref<1x80xi32, #tpu.memory_space<vmem>>
    %dma_wait3A_59 = tpu.memref_squeeze %dma_wait3A_58 : memref<1x80xi32, #tpu.memory_space<vmem>> -> memref<80xi32, #tpu.memory_space<vmem>>
    %dma_wait3A_60 = arith.constant 0 : i32
    %dma_wait3A_61 = tpu.memref_slice %arg8[%dma_wait3A_60] : memref<10240xf32, #tpu.memory_space<vmem_shared>> -> memref<10240xf32, #tpu.memory_space<vmem_shared>>
    tpu.wait_indirect_dma semaphore(%arg7 : memref<!tpu.dma_semaphore, #tpu.memory_space<semaphore_mem>>) src(%arg5 : memref<80xf32, #tpu.memory_space<vmem>>) dst(%dma_wait3A_61 : memref<10240xf32, #tpu.memory_space<vmem_shared>>)
    %dma_wait3A_62 = arith.constant 0 : i32
    %dma_wait3A_63 = arith.constant 0 : i32
    %dma_wait3A_64 = tpu.memref_slice %arg6[%dma_wait3A_62, %dma_wait3A_63] : memref<125x80xi32, #tpu.memory_space<vmem>> -> memref<1x80xi32, #tpu.memory_space<vmem>>
    %dma_wait3A_65 = tpu.memref_squeeze %dma_wait3A_64 : memref<1x80xi32, #tpu.memory_space<vmem>> -> memref<80xi32, #tpu.memory_space<vmem>>
    %dma_wait3A_66 = arith.constant 0 : i32
    %dma_wait3A_67 = tpu.memref_slice %arg8[%dma_wait3A_66] : memref<10240xf32, #tpu.memory_space<vmem_shared>> -> memref<10240xf32, #tpu.memory_space<vmem_shared>>
    tpu.wait_indirect_dma semaphore(%arg7 : memref<!tpu.dma_semaphore, #tpu.memory_space<semaphore_mem>>) src(%arg5 : memref<80xf32, #tpu.memory_space<vmem>>) dst(%dma_wait3A_67 : memref<10240xf32, #tpu.memory_space<vmem_shared>>)
    %dma_wait3A_68 = arith.constant 0 : i32
    %dma_wait3A_69 = arith.constant 0 : i32
    %dma_wait3A_70 = tpu.memref_slice %arg6[%dma_wait3A_68, %dma_wait3A_69] : memref<125x80xi32, #tpu.memory_space<vmem>> -> memref<1x80xi32, #tpu.memory_space<vmem>>
    %dma_wait3A_71 = tpu.memref_squeeze %dma_wait3A_70 : memref<1x80xi32, #tpu.memory_space<vmem>> -> memref<80xi32, #tpu.memory_space<vmem>>
    %dma_wait3A_72 = arith.constant 0 : i32
    %dma_wait3A_73 = tpu.memref_slice %arg8[%dma_wait3A_72] : memref<10240xf32, #tpu.memory_space<vmem_shared>> -> memref<10240xf32, #tpu.memory_space<vmem_shared>>
    tpu.wait_indirect_dma semaphore(%arg7 : memref<!tpu.dma_semaphore, #tpu.memory_space<semaphore_mem>>) src(%arg5 : memref<80xf32, #tpu.memory_space<vmem>>) dst(%dma_wait3A_73 : memref<10240xf32, #tpu.memory_space<vmem_shared>>)
    %dma_wait3A_74 = arith.constant 0 : i32
    %dma_wait3A_75 = arith.constant 0 : i32
    %dma_wait3A_76 = tpu.memref_slice %arg6[%dma_wait3A_74, %dma_wait3A_75] : memref<125x80xi32, #tpu.memory_space<vmem>> -> memref<1x80xi32, #tpu.memory_space<vmem>>
    %dma_wait3A_77 = tpu.memref_squeeze %dma_wait3A_76 : memref<1x80xi32, #tpu.memory_space<vmem>> -> memref<80xi32, #tpu.memory_space<vmem>>
    %dma_wait3A_78 = arith.constant 0 : i32
    %dma_wait3A_79 = tpu.memref_slice %arg8[%dma_wait3A_78] : memref<10240xf32, #tpu.memory_space<vmem_shared>> -> memref<10240xf32, #tpu.memory_space<vmem_shared>>
    tpu.wait_indirect_dma semaphore(%arg7 : memref<!tpu.dma_semaphore, #tpu.memory_space<semaphore_mem>>) src(%arg5 : memref<80xf32, #tpu.memory_space<vmem>>) dst(%dma_wait3A_79 : memref<10240xf32, #tpu.memory_space<vmem_shared>>)
    %dma_wait3A_80 = arith.constant 0 : i32
    %dma_wait3A_81 = arith.constant 0 : i32
    %dma_wait3A_82 = tpu.memref_slice %arg6[%dma_wait3A_80, %dma_wait3A_81] : memref<125x80xi32, #tpu.memory_space<vmem>> -> memref<1x80xi32, #tpu.memory_space<vmem>>
    %dma_wait3A_83 = tpu.memref_squeeze %dma_wait3A_82 : memref<1x80xi32, #tpu.memory_space<vmem>> -> memref<80xi32, #tpu.memory_space<vmem>>
    %dma_wait3A_84 = arith.constant 0 : i32
    %dma_wait3A_85 = tpu.memref_slice %arg8[%dma_wait3A_84] : memref<10240xf32, #tpu.memory_space<vmem_shared>> -> memref<10240xf32, #tpu.memory_space<vmem_shared>>
    tpu.wait_indirect_dma semaphore(%arg7 : memref<!tpu.dma_semaphore, #tpu.memory_space<semaphore_mem>>) src(%arg5 : memref<80xf32, #tpu.memory_space<vmem>>) dst(%dma_wait3A_85 : memref<10240xf32, #tpu.memory_space<vmem_shared>>)
    %dma_wait3A_86 = arith.constant 0 : i32
    %dma_wait3A_87 = arith.constant 0 : i32
    %dma_wait3A_88 = tpu.memref_slice %arg6[%dma_wait3A_86, %dma_wait3A_87] : memref<125x80xi32, #tpu.memory_space<vmem>> -> memref<1x80xi32, #tpu.memory_space<vmem>>
    %dma_wait3A_89 = tpu.memref_squeeze %dma_wait3A_88 : memref<1x80xi32, #tpu.memory_space<vmem>> -> memref<80xi32, #tpu.memory_space<vmem>>
    %dma_wait3A_90 = arith.constant 0 : i32
    %dma_wait3A_91 = tpu.memref_slice %arg8[%dma_wait3A_90] : memref<10240xf32, #tpu.memory_space<vmem_shared>> -> memref<10240xf32, #tpu.memory_space<vmem_shared>>
    tpu.wait_indirect_dma semaphore(%arg7 : memref<!tpu.dma_semaphore, #tpu.memory_space<semaphore_mem>>) src(%arg5 : memref<80xf32, #tpu.memory_space<vmem>>) dst(%dma_wait3A_91 : memref<10240xf32, #tpu.memory_space<vmem_shared>>)
    %dma_wait3A_92 = arith.constant 0 : i32
    %dma_wait3A_93 = arith.constant 0 : i32
    %dma_wait3A_94 = tpu.memref_slice %arg6[%dma_wait3A_92, %dma_wait3A_93] : memref<125x80xi32, #tpu.memory_space<vmem>> -> memref<1x80xi32, #tpu.memory_space<vmem>>
    %dma_wait3A_95 = tpu.memref_squeeze %dma_wait3A_94 : memref<1x80xi32, #tpu.memory_space<vmem>> -> memref<80xi32, #tpu.memory_space<vmem>>
    %dma_wait3A_96 = arith.constant 0 : i32
    %dma_wait3A_97 = tpu.memref_slice %arg8[%dma_wait3A_96] : memref<10240xf32, #tpu.memory_space<vmem_shared>> -> memref<10240xf32, #tpu.memory_space<vmem_shared>>
    tpu.wait_indirect_dma semaphore(%arg7 : memref<!tpu.dma_semaphore, #tpu.memory_space<semaphore_mem>>) src(%arg5 : memref<80xf32, #tpu.memory_space<vmem>>) dst(%dma_wait3A_97 : memref<10240xf32, #tpu.memory_space<vmem_shared>>)
    %dma_wait3A_98 = arith.constant 0 : i32
    %dma_wait3A_99 = arith.constant 0 : i32
    %dma_wait3A_100 = tpu.memref_slice %arg6[%dma_wait3A_98, %dma_wait3A_99] : memref<125x80xi32, #tpu.memory_space<vmem>> -> memref<1x80xi32, #tpu.memory_space<vmem>>
    %dma_wait3A_101 = tpu.memref_squeeze %dma_wait3A_100 : memref<1x80xi32, #tpu.memory_space<vmem>> -> memref<80xi32, #tpu.memory_space<vmem>>
    %dma_wait3A_102 = arith.constant 0 : i32
    %dma_wait3A_103 = tpu.memref_slice %arg8[%dma_wait3A_102] : memref<10240xf32, #tpu.memory_space<vmem_shared>> -> memref<10240xf32, #tpu.memory_space<vmem_shared>>
    tpu.wait_indirect_dma semaphore(%arg7 : memref<!tpu.dma_semaphore, #tpu.memory_space<semaphore_mem>>) src(%arg5 : memref<80xf32, #tpu.memory_space<vmem>>) dst(%dma_wait3A_103 : memref<10240xf32, #tpu.memory_space<vmem_shared>>)
    %barrier3A_104 = arith.constant 0 : index
    tpu.barrier barrier_id(%barrier3A_104)
    %mul3A_105 = arith.constant 640 : i32
    %mul3A_106 = arith.muli %arg1, %mul3A_105 : i32
    %mul3A_107 = arith.constant 10240 : i32
    %mul3A_108 = arith.muli %arg0, %mul3A_107 : i32
    %mul3A_109 = arith.constant 640 : i32
    %mul3A_110 = arith.muli %arg1, %mul3A_109 : i32
    %add3A_111 = arith.addi %mul3A_108, %mul3A_110 : i32
    "tpu.region"() ({
      %run_scoped3A = tpu.sem_alloc : memref<!tpu.dma_semaphore, #tpu.memory_space<semaphore_mem>>
      %dma_start3A_112 = tpu.memref_slice %arg3[%add3A_111] : memref<20480xf32, #tpu.memory_space<hbm>> -> memref<640xf32, #tpu.memory_space<hbm>>
      %dma_start3A_113 = tpu.memref_slice %arg8[%mul3A_106] : memref<10240xf32, #tpu.memory_space<vmem_shared>> -> memref<640xf32, #tpu.memory_space<vmem_shared>>
      tpu.enqueue_dma source(%dma_start3A_113 : memref<640xf32, #tpu.memory_space<vmem_shared>>) target(%dma_start3A_112 : memref<640xf32, #tpu.memory_space<hbm>>) target_semaphore(%run_scoped3A : memref<!tpu.dma_semaphore, #tpu.memory_space<semaphore_mem>>)
      %dma_wait3A_114 = tpu.memref_slice %arg3[%add3A_111] : memref<20480xf32, #tpu.memory_space<hbm>> -> memref<640xf32, #tpu.memory_space<hbm>>
      %dma_wait3A_115 = tpu.memref_slice %arg8[%mul3A_106] : memref<10240xf32, #tpu.memory_space<vmem_shared>> -> memref<640xf32, #tpu.memory_space<vmem_shared>>
      tpu.wait_dma2 semaphore(%run_scoped3A : memref<!tpu.dma_semaphore, #tpu.memory_space<semaphore_mem>>) src(%dma_wait3A_115 : memref<640xf32, #tpu.memory_space<vmem_shared>>) dst(%dma_wait3A_114 : memref<640xf32, #tpu.memory_space<hbm>>)
      tpu.yield
    }) : () -> ()
    return
  }
}

module attributes {stable_mosaic.version = 14 : i64} {
  func.func @_tc1_body(%arg0: memref<20480x1xf32, #tpu.memory_space<vmem>>, %arg1: memref<10000x128xf32, #tpu.memory_space<vmem>>, %arg2: memref<128x128xf32, #tpu.memory_space<vmem>>, %arg3: memref<10000x128xf32, #tpu.memory_space<vmem>>, %arg4: memref<10000x1xf32, #tpu.memory_space<vmem>>) attributes {dimension_semantics = [], scalar_prefetch = 0 : i64, scratch_operands = 0 : i64, tpu.core_type = #tpu.core_type<tc>} {
    %get3A = arith.constant 0 : index
    %get3A_0 = arith.constant 0 : index
    %get3A_1 = vector.load %arg0[%get3A, %get3A_0] : memref<20480x1xf32, #tpu.memory_space<vmem>>, vector<10000x1xf32>
    %get3A_2 = arith.constant 10240 : index
    %get3A_3 = arith.constant 0 : index
    %get3A_4 = vector.load %arg0[%get3A_2, %get3A_3] : memref<20480x1xf32, #tpu.memory_space<vmem>>, vector<10000x1xf32>
    %add3A = arith.addf %get3A_1, %get3A_4 : vector<10000x1xf32>
    %add3A_5 = arith.constant 1.000000e+00 : f32
    %add3A_6 = vector.broadcast %add3A_5 : f32 to vector<10000x1xf32>
    %add3A_7 = arith.addf %add3A, %add3A_6 : vector<10000x1xf32>
    %rsqrt3A = math.rsqrt %add3A_7 : vector<10000x1xf32>
    %get3A_8 = arith.constant 0 : index
    %get3A_9 = arith.constant 0 : index
    %get3A_10 = vector.load %arg1[%get3A_8, %get3A_9] : memref<10000x128xf32, #tpu.memory_space<vmem>>, vector<10000x128xf32>
    %get3A_11 = arith.constant 0 : index
    %get3A_12 = arith.constant 0 : index
    %get3A_13 = vector.load %arg2[%get3A_11, %get3A_12] : memref<128x128xf32, #tpu.memory_space<vmem>>, vector<128x128xf32>
    %dot_general3A = arith.constant dense<0.000000e+00> : vector<10000x128xf32>
    %dot_general3A_14 = tpu.matmul %get3A_10, %get3A_13, %dot_general3A {dimension_numbers = #tpu.dot_dimension_numbers<[1], [0], [0], [1], [0, 0, 1, 1], [], []>, transpose_lhs_hint = false} : vector<10000x128xf32>, vector<128x128xf32>, vector<10000x128xf32> -> vector<10000x128xf32>
    %mul3A = vector.broadcast %rsqrt3A : vector<10000x1xf32> to vector<10000x128xf32>
    %mul3A_15 = arith.mulf %dot_general3A_14, %mul3A : vector<10000x128xf32>
    %swap3A = arith.constant 0 : index
    %swap3A_16 = arith.constant 0 : index
    %swap3A_17 = vector.load %arg3[%swap3A, %swap3A_16] : memref<10000x128xf32, #tpu.memory_space<vmem>>, vector<10000x128xf32>
    tpu.vector_store %arg3[%swap3A, %swap3A_16], %mul3A_15 {strides = array<i32>} : memref<10000x128xf32, #tpu.memory_space<vmem>>, vector<10000x128xf32>,
    %swap3A_18 = arith.constant 0 : index
    %swap3A_19 = arith.constant 0 : index
    %swap3A_20 = vector.load %arg4[%swap3A_18, %swap3A_19] : memref<10000x1xf32, #tpu.memory_space<vmem>>, vector<10000x1xf32>
    tpu.vector_store %arg4[%swap3A_18, %swap3A_19], %rsqrt3A {strides = array<i32>} : memref<10000x1xf32, #tpu.memory_space<vmem>>, vector<10000x1xf32>,
    return
  }
}

module attributes {stable_mosaic.version = 14 : i64} {
  func.func @_tc2_body(%arg0: memref<20480x128xf32, #tpu.memory_space<vmem>>, %arg1: memref<10000x128xf32, #tpu.memory_space<vmem>>, %arg2: memref<10000x1xf32, #tpu.memory_space<vmem>>, %arg3: memref<1x128xf32, #tpu.memory_space<vmem>>, %arg4: memref<128x128xf32, #tpu.memory_space<vmem>>, %arg5: memref<10000x128xf32, #tpu.memory_space<vmem>>) attributes {dimension_semantics = [], scalar_prefetch = 0 : i64, scratch_operands = 0 : i64, tpu.core_type = #tpu.core_type<tc>} {
    %get3A = arith.constant 0 : index
    %get3A_0 = arith.constant 0 : index
    %get3A_1 = vector.load %arg0[%get3A, %get3A_0] : memref<20480x128xf32, #tpu.memory_space<vmem>>, vector<10000x128xf32>
    %get3A_2 = arith.constant 10240 : index
    %get3A_3 = arith.constant 0 : index
    %get3A_4 = vector.load %arg0[%get3A_2, %get3A_3] : memref<20480x128xf32, #tpu.memory_space<vmem>>, vector<10000x128xf32>
    %add3A = arith.addf %get3A_1, %get3A_4 : vector<10000x128xf32>
    %get3A_5 = arith.constant 0 : index
    %get3A_6 = arith.constant 0 : index
    %get3A_7 = vector.load %arg1[%get3A_5, %get3A_6] : memref<10000x128xf32, #tpu.memory_space<vmem>>, vector<10000x128xf32>
    %add3A_8 = arith.addf %add3A, %get3A_7 : vector<10000x128xf32>
    %get3A_9 = arith.constant 0 : index
    %get3A_10 = arith.constant 0 : index
    %get3A_11 = vector.load %arg2[%get3A_9, %get3A_10] : memref<10000x1xf32, #tpu.memory_space<vmem>>, vector<10000x1xf32>
    %mul3A = vector.broadcast %get3A_11 : vector<10000x1xf32> to vector<10000x128xf32>
    %mul3A_12 = arith.mulf %add3A_8, %mul3A : vector<10000x128xf32>
    %get3A_13 = arith.constant 0 : index
    %get3A_14 = arith.constant 0 : index
    %get3A_15 = vector.load %arg3[%get3A_13, %get3A_14] : memref<1x128xf32, #tpu.memory_space<vmem>>, vector<1x128xf32>
    %add3A_16 = vector.broadcast %get3A_15 : vector<1x128xf32> to vector<10000x128xf32>
    %add3A_17 = arith.addf %mul3A_12, %add3A_16 : vector<10000x128xf32>
    %max3A = arith.constant 0.000000e+00 : f32
    %max3A_18 = vector.broadcast %max3A : f32 to vector<10000x128xf32>
    %max3A_19 = arith.maximumf %add3A_17, %max3A_18 : vector<10000x128xf32>
    %get3A_20 = arith.constant 0 : index
    %get3A_21 = arith.constant 0 : index
    %get3A_22 = vector.load %arg4[%get3A_20, %get3A_21] : memref<128x128xf32, #tpu.memory_space<vmem>>, vector<128x128xf32>
    %dot_general3A = arith.constant dense<0.000000e+00> : vector<10000x128xf32>
    %dot_general3A_23 = tpu.matmul %max3A_19, %get3A_22, %dot_general3A {dimension_numbers = #tpu.dot_dimension_numbers<[1], [0], [0], [1], [0, 0, 1, 1], [], []>, transpose_lhs_hint = false} : vector<10000x128xf32>, vector<128x128xf32>, vector<10000x128xf32> -> vector<10000x128xf32>
    %get3A_24 = arith.constant 0 : index
    %get3A_25 = arith.constant 0 : index
    %get3A_26 = vector.load %arg2[%get3A_24, %get3A_25] : memref<10000x1xf32, #tpu.memory_space<vmem>>, vector<10000x1xf32>
    %mul3A_27 = vector.broadcast %get3A_26 : vector<10000x1xf32> to vector<10000x128xf32>
    %mul3A_28 = arith.mulf %dot_general3A_23, %mul3A_27 : vector<10000x128xf32>
    %swap3A = arith.constant 0 : index
    %swap3A_29 = arith.constant 0 : index
    %swap3A_30 = vector.load %arg5[%swap3A, %swap3A_29] : memref<10000x128xf32, #tpu.memory_space<vmem>>, vector<10000x128xf32>
    tpu.vector_store %arg5[%swap3A, %swap3A_29], %mul3A_28 {strides = array<i32>} : memref<10000x128xf32, #tpu.memory_space<vmem>>, vector<10000x128xf32>,
    return
  }
}

module attributes {stable_mosaic.version = 14 : i64} {
  func.func @_tc3_body(%arg0: memref<20480x128xf32, #tpu.memory_space<vmem>>, %arg1: memref<10000x128xf32, #tpu.memory_space<vmem>>, %arg2: memref<10000x1xf32, #tpu.memory_space<vmem>>, %arg3: memref<1x128xf32, #tpu.memory_space<vmem>>, %arg4: memref<1x10000xi32, #tpu.memory_space<vmem>>, %arg5: memref<64x128xf32, #tpu.memory_space<vmem>>) attributes {dimension_semantics = [], scalar_prefetch = 0 : i64, scratch_operands = 0 : i64, tpu.core_type = #tpu.core_type<tc>} {
    %get3A = arith.constant 0 : index
    %get3A_0 = arith.constant 0 : index
    %get3A_1 = vector.load %arg0[%get3A, %get3A_0] : memref<20480x128xf32, #tpu.memory_space<vmem>>, vector<10000x128xf32>
    %get3A_2 = arith.constant 10240 : index
    %get3A_3 = arith.constant 0 : index
    %get3A_4 = vector.load %arg0[%get3A_2, %get3A_3] : memref<20480x128xf32, #tpu.memory_space<vmem>>, vector<10000x128xf32>
    %add3A = arith.addf %get3A_1, %get3A_4 : vector<10000x128xf32>
    %get3A_5 = arith.constant 0 : index
    %get3A_6 = arith.constant 0 : index
    %get3A_7 = vector.load %arg1[%get3A_5, %get3A_6] : memref<10000x128xf32, #tpu.memory_space<vmem>>, vector<10000x128xf32>
    %add3A_8 = arith.addf %add3A, %get3A_7 : vector<10000x128xf32>
    %get3A_9 = arith.constant 0 : index
    %get3A_10 = arith.constant 0 : index
    %get3A_11 = vector.load %arg2[%get3A_9, %get3A_10] : memref<10000x1xf32, #tpu.memory_space<vmem>>, vector<10000x1xf32>
    %mul3A = vector.broadcast %get3A_11 : vector<10000x1xf32> to vector<10000x128xf32>
    %mul3A_12 = arith.mulf %add3A_8, %mul3A : vector<10000x128xf32>
    %get3A_13 = arith.constant 0 : index
    %get3A_14 = arith.constant 0 : index
    %get3A_15 = vector.load %arg3[%get3A_13, %get3A_14] : memref<1x128xf32, #tpu.memory_space<vmem>>, vector<1x128xf32>
    %add3A_16 = vector.broadcast %get3A_15 : vector<1x128xf32> to vector<10000x128xf32>
    %add3A_17 = arith.addf %mul3A_12, %add3A_16 : vector<10000x128xf32>
    %max3A = arith.constant 0.000000e+00 : f32
    %max3A_18 = vector.broadcast %max3A : f32 to vector<10000x128xf32>
    %max3A_19 = arith.maximumf %add3A_17, %max3A_18 : vector<10000x128xf32>
    %iota3A = tpu.iota {dimensions = array<i32: 0>} : vector<64x10000xi32>
    %get3A_20 = arith.constant 0 : index
    %get3A_21 = arith.constant 0 : index
    %get3A_22 = vector.load %arg4[%get3A_20, %get3A_21] : memref<1x10000xi32, #tpu.memory_space<vmem>>, vector<1x10000xi32>
    %eq3A = vector.broadcast %get3A_22 : vector<1x10000xi32> to vector<64x10000xi32>
    %eq3A_23 = arith.cmpi eq, %eq3A, %iota3A : vector<64x10000xi32>
    %convert_element_type3A = arith.extui %eq3A_23 : vector<64x10000xi1> to vector<64x10000xi32>
    %convert_element_type3A_24 = arith.sitofp %convert_element_type3A : vector<64x10000xi32> to vector<64x10000xf32>
    %dot_general3A = arith.constant dense<0.000000e+00> : vector<64x128xf32>
    %dot_general3A_25 = tpu.matmul %convert_element_type3A_24, %max3A_19, %dot_general3A {dimension_numbers = #tpu.dot_dimension_numbers<[1], [0], [0], [1], [0, 0, 1, 1], [], []>, transpose_lhs_hint = false} : vector<64x10000xf32>, vector<10000x128xf32>, vector<64x128xf32> -> vector<64x128xf32>
    %reduce_sum3A = arith.constant dense<0.000000e+00> : vector<64xf32>
    %reduce_sum3A_26 = vector.multi_reduction <add>, %convert_element_type3A_24, %reduce_sum3A [1] : vector<64x10000xf32> to vector<64xf32>
    %broadcast_in_dim3A = vector.shape_cast %reduce_sum3A_26 : vector<64xf32> to vector<64x1xf32>
    %max3A_27 = arith.constant 1.000000e+00 : f32
    %max3A_28 = vector.broadcast %max3A_27 : f32 to vector<64x1xf32>
    %max3A_29 = arith.maximumf %broadcast_in_dim3A, %max3A_28 : vector<64x1xf32>
    %div3A = vector.broadcast %max3A_29 : vector<64x1xf32> to vector<64x128xf32>
    %div3A_30 = arith.divf %dot_general3A_25, %div3A : vector<64x128xf32>
    %swap3A = arith.constant 0 : index
    %swap3A_31 = arith.constant 0 : index
    %swap3A_32 = vector.load %arg5[%swap3A, %swap3A_31] : memref<64x128xf32, #tpu.memory_space<vmem>>, vector<64x128xf32>
    tpu.vector_store %arg5[%swap3A, %swap3A_31], %div3A_30 {strides = array<i32>} : memref<64x128xf32, #tpu.memory_space<vmem>>, vector<64x128xf32>,
    return
  }
}

</mosaic_0001>

<sc_bundles>
// kernel: kernel.11.cloned.1.call-start
scs
__scs_entry_jumppad:
0x0: {  	(pc) =	sbr.rel $0x88, $3  }
0x1: {  	(tag) =	ssettag $0x0;
	lr =	simm.s32 $0x1  }
0x2: {  	[smem:$0x3F9A] =	sst lr;
	_ =	strace $0xD0000000  }
0x3: {  	_ = 	snop  }
0x4: {  	_ = 	snop  }
0x5: {  	_ = 	snop  }
0x6: {  	_ = 	snop  }
0x7: {  	_ = 	snop  }
__scs_overlays_trampoline_lowered:
0x8: {  	[smem:$0x3FA9] =	sst s0  }
0x9: {  	[smem:$0x3FAA] =	sst s1  }
0xa: {  	[smem:$0x3FAB] =	sst s2  }
0xb: {  	[smem:$0x3FAC] =	sst s3  }
0xc: {  	[smem:$0x3FAD] =	sst s4  }
0xd: {  	[smem:$0x3FAE] =	sst s5  }
0xe: {  	[smem:$0x3FAF] =	sst s6  }
0xf: {  	[smem:$0x3FB0] =	sst s7  }
0x10: {  	[smem:$0x3FB1] =	sst s8  }
0x11: {  	[smem:$0x3FB2] =	sst s9;
	s0 =	simm.s32 @!p0 $0x0  }
0x12: {  	s1 =	sld [smem:$0x3F98];
	s0 =	simm.s32 @p0 $0x1  }
0x13: {  	[smem:$0x3FB3] =	sst s0;
	s0 =	simm.s32 @!p1 $0x0  }
0x14: {  	s2 =	sld [smem:$0x3F97];
	s0 =	simm.s32 @p1 $0x1  }
0x15: {  	[smem:$0x3FB4] =	sst s0;
	s0 =	simm.s32 @!p2 $0x0  }
0x16: {  	s3 =	sld [smem:$0x3FDB];
	s0 =	simm.s32 @p2 $0x1  }
0x17: {  	s4 =	simm.s32 $0x1BF5;
	[smem:$0x3FB6] =	sst s0  }
0x18: {  	s0 =	sld [smem:$0x3F99];
	_ =	swait.ge [sflag:s4], $0x0  }
0x19: {  	s7 =	sld [smem:$0x3F9A]  }
0x1a: {  	s8 =	sadd.s32 $0xFFFFE003, lr  }
0x1b: {  	s9 =	sadd.s32 $0xFFFFFEF7, lr;
	s5 =	simm.s32 $0xFFFFFFFF;
	p2 =	slt.u32 s8, $0xFFFFF086  }
0x1c: {  	p1 =	slt.u32 s9, $0xF7A;
	s5 =	simm.s32 @!p2 $0x0  }
0x1d: {  	s5 =	simm.s32 @p1 $0x1;
	p0 =	seq.s32 s7, s2  }
0x1e: {  	s7 =	smul.u32 @!p0 $0xF7A, s2;
	p2 =	seq.s32 @!p0 s5, $0x0  }
0x1f: {  	s9 =	smul.u32 $0xF7A, s1;
	s8 =	simm.s32 @!p0 $0x1BF5;
	p2 =	por !p2, p0  }
0x20: {  	[sflag:s8] =	ssyncset.s32 @!p0 $0xFFFFF086;
	s6 =	sadd.s32 @!p0 s3, s7;
	s7 =	simm.s32 @!p0 $0x108  }
0x21: {  	s3 =	sadd.s32 s3, s9;
	s6 =	sadd.s32 @!p0 $0x88, s6;
	s7 =	simm.s32 @p2 $0x1082  }
0x22: {  	[simem:s7], [sflag:s8] =	dma.local @!p0 [hbm:s6], $0xF7A  }
0x23: {  	s9 =	sor.u32 $0xD0000000, s2;
	s6 =	simm.s32 $0x108;
	_ =	swait.ge @!p0 [sflag:s8], $0x0  }
0x24: {  	s3 =	sadd.s32 $0x88, s3;
	s6 =	simm.s32 @!p1 $0x1082;
	[sflag:s4] =	ssyncset.s32 $0xFFFFF086  }
0x25: {  	[simem:s6], [sflag:s4] =	dma.local [hbm:s3], $0xF7A  }
0x26: {  	[smem:$0x3F9A] =	sst s1;
	(tag) =	ssettag s2;
	_ =	strace s9  }
0x27: {  	s1 =	sld [smem:$0x3FAA]  }
0x28: {  	s2 =	sld [smem:$0x3FAB]  }
0x29: {  	s4 =	sld [smem:$0x3FAD]  }
0x2a: {  	p0 =	seq.s32 s5, $0x0;
	s5 =	sld [smem:$0x3FAE]  }
0x2b: {  	s6 =	sld [smem:$0x3FAF]  }
0x2c: {  	s7 =	sld [smem:$0x3FB0]  }
0x2d: {  	s3 =	simm.s32 $0x108;
	s8 =	sld [smem:$0x3FB1]  }
0x2e: {  	s3 =	simm.s32 @!p0 $0x1082;
	s9 =	sld [smem:$0x3FB2]  }
0x2f: {  	lr =	sadd.s32 s0, s3;
	s0 =	sld [smem:$0x3FA9]  }
0x30: {  	s3 =	sld [smem:$0x3FAC]  }
0x31: {  	[smem:$0x3FB5] =	sst s10  }
0x32: {  	s10 =	sld [smem:$0x3FB3];
	_ =	sdelay $0x3  }
0x33: {  	p0 =	seq.s32 s10, $0x1;
	s10 =	sld [smem:$0x3FB5];
	_ =	sdelay $0x3  }
0x34: {  	[smem:$0x3FB5] =	sst s10  }
0x35: {  	s10 =	sld [smem:$0x3FB4];
	_ =	sdelay $0x3  }
0x36: {  	p1 =	seq.s32 s10, $0x1;
	s10 =	sld [smem:$0x3FB5];
	_ =	sdelay $0x3  }
0x37: {  	[smem:$0x3FB5] =	sst s10  }
0x38: {  	s10 =	sld [smem:$0x3FB6]  }
0x39: {  	_ = 	snop;
	(pc) =	sbr.ind lr, $3  }
0x3a: {  	_ = 	snop  }
0x3b: {  	_ = 	snop  }
0x3c: {  	p2 =	seq.s32 s10, $0x1;
	s10 =	sld [smem:$0x3FB5]  }
0x3d: {  	_ =	shalt  }
0x3e: {  	_ =	shalt  }
0x3f: {  	_ =	shalt  }
0x40: {  	_ =	shalt  }
0x41: {  	_ =	shalt  }
0x42: {  	_ =	shalt  }
0x43: {  	_ =	shalt  }
0x44: {  	_ =	shalt  }
0x45: {  	_ =	shalt  }
0x46: {  	_ =	shalt  }
0x47: {  	_ =	shalt  }
0x48: {  	_ =	shalt  }
0x49: {  	_ =	shalt  }
0x4a: {  	_ =	shalt  }
0x4b: {  	_ =	shalt  }
0x4c: {  	_ =	shalt  }
0x4d: {  	_ =	shalt  }
0x4e: {  	_ =	shalt  }
0x4f: {  	_ =	shalt  }
0x50: {  	_ =	shalt  }
0x51: {  	_ =	shalt  }
0x52: {  	_ =	shalt  }
0x53: {  	_ =	shalt  }
0x54: {  	_ =	shalt  }
0x55: {  	_ =	shalt  }
0x56: {  	_ =	shalt  }
0x57: {  	_ =	shalt  }
0x58: {  	_ =	shalt  }
0x59: {  	_ =	shalt  }
0x5a: {  	_ =	shalt  }
0x5b: {  	_ =	shalt  }
0x5c: {  	_ =	shalt  }
0x5d: {  	_ =	shalt  }
0x5e: {  	_ =	shalt  }
0x5f: {  	_ =	shalt  }
0x60: {  	_ =	shalt  }
0x61: {  	_ =	shalt  }
0x62: {  	_ =	shalt  }
0x63: {  	_ =	shalt  }
0x64: {  	_ =	shalt  }
0x65: {  	_ =	shalt  }
0x66: {  	_ =	shalt  }
0x67: {  	_ =	shalt  }
0x68: {  	_ =	shalt  }
0x69: {  	_ =	shalt  }
0x6a: {  	_ =	shalt  }
0x6b: {  	_ =	shalt  }
0x6c: {  	_ =	shalt  }
0x6d: {  	_ =	shalt  }
0x6e: {  	_ =	shalt  }
0x6f: {  	_ =	shalt  }
0x70: {  	_ =	shalt  }
0x71: {  	_ =	shalt  }
0x72: {  	_ =	shalt  }
0x73: {  	_ =	shalt  }
0x74: {  	_ =	shalt  }
0x75: {  	_ =	shalt  }
0x76: {  	_ =	shalt  }
0x77: {  	_ =	shalt  }
0x78: {  	_ =	shalt  }
0x79: {  	_ =	shalt  }
0x7a: {  	_ =	shalt  }
0x7b: {  	_ =	shalt  }
0x7c: {  	_ =	shalt  }
0x7d: {  	_ =	shalt  }
0x7e: {  	_ =	shalt  }
0x7f: {  	_ =	shalt  }
0x80: {  	_ =	shalt  }
0x81: {  	_ =	shalt  }
0x82: {  	_ =	shalt  }
0x83: {  	_ =	shalt  }
0x84: {  	_ =	shalt  }
0x85: {  	_ =	shalt  }
0x86: {  	_ =	shalt  }
0x87: {  	_ =	shalt  }
.Lfunc_end0:
.L_simem_size_0:
called_computation.1_lowered:
.L_overlay_start_0:
0x88: {  	s2 =	sld [smem:$0x3FD9]  }
0x89: {  	s3 =	sld [smem:$0x3FFE];
	_ =	sdelay $0x1  }
0x8a: {  	s1 =	srdreg.scid  }
0x8b: {  	s0 =	sand.u32 $0x1, s1  }
0x8c: {  	s16 =	sshll.u32 s0, $0xA;
	s2 =	sadd.s32 s3, s2  }
0x8d: {  	s2 =	sadd.s32 s2, s16  }
0x8e: {  	[smem:$0x3FC1] =	sst s2  }
0x8f: {  	_ = 	snop  }
0x90: {  	(tm) =	ssettm $0x1  }
0x91: {  	s17 =	sld [smem:$0x3FFB];
	_ =	sdelay $0x3  }
0x92: {  	_ =	strace s17  }
0x93: {  	s2 =	sld [smem:$0x3FFC];
	_ =	sdelay $0x3  }
0x94: {  	_ =	strace s2  }
0x95: {  	s2 =	sld [smem:$0x3FFD];
	_ =	sdelay $0x3  }
0x96: {  	_ =	strace s2  }
0x97: {  	_ =	strace $0x8FFFFFFF  }
0x98: {  	s18 =	sld [smem:$0x3FDB];
	_ =	sdelay $0x1  }
0x99: {  	s19 =	simm.s32 $_scs_section_size  }
0x9a: {  	s4 =	simm.s32 $_size__tile_overlayer_lowered;
	s5 =	simm.s32 $_tile_overlayer_lowered  }
0x9b: {  	s22 =	simm.s32 $0x1BFF;
	s21 =	sshll.u32 s5, $0x1;
	s2 =	sadd.s32 s19, s18  }
0x9c: {  	s6 =	simm.s32 $0x0;
	s20 =	sshll.u32 s4, $0x1;
	s4 =	sadd.s32 s21, s2  }
0x9d: {  	[timem:s6], [sflag:s22] =	dma.local [hbm:s4], s20  }
0x9e: {  	_ =	swait.ge [sflag:s22], s20  }
0x9f: {  	s3 =	ssub.s32 $0x0, s20;
	[sflag:s22] =	ssyncset.done $0x0  }
0xa0: {  	[sflag:s22] =	ssyncadd.s32 s3;
	_ =	sdelay $0x1  }
0xa1: {  	s23 =	simm.s32 $0x1B8B  }
0xa2: {  	_ =	swait.ge [sflag:s23], $0x1  }
0xa3: {  	[sflag:s23] =	ssyncset.done $0x0  }
0xa4: {  	s25 =	simm.s32 $0x1B8E;
	s24 =	sld [smem:$0x3FFE];
	[sflag:s23] =	ssyncadd.s32 $0xFFFFFFFF  }
0xa5: {  	s26 =	simm.s32 $execute0_lowered;
	[smem:$0x3FD2] =	sst s25  }
0xa6: {  	s4 =	sshll.u32 s26, $0x1;
	_ =	strace $0x80000049;
	[dreg:$0x1] =	wrdreg $0xFFFFFFFF  }
0xa7: {  	s28 =	simm.s32 $_size_execute0_lowered;
	s2 =	sadd.s32 s2, s4;
	[dreg:$0x0] =	wrdreg $0x0  }
0xa8: {  	s4 =	sshll.u32 s28, $0x1;
	[dreg:$0x2] =	wrdreg s2  }
0xa9: {  	[dreg:$0x3] =	wrdreg s4  }
0xaa: {  	[dreg:$0x4] =	wrdreg $0xC0  }
0xab: {  	_ =	task [dreg:s6], $0x5FFFF  }
0xac: {  	[dreg:$0x1] =	wrdreg $0xFFFFFFFF  }
0xad: {  	[dreg:$0x0] =	wrdreg $0x60  }
0xae: {  	[dreg:$0x2] =	wrdreg s24  }
0xaf: {  	[dreg:$0x3] =	wrdreg $0xA8000  }
0xb0: {  	[dreg:$0x4] =	wrdreg $0x9  }
0xb1: {  	_ =	task.clear_ibuf [dreg:s6], $0x5FFFF;
	_ =	strace $0x90000049  }
0xb2: {  	s29 =	simm.s32 $0x9;
	_ =	strace $0x8000004B  }
0xb3: {  	_ =	swait.ge [sflag:s29], $0x1  }
0xb4: {  	[sflag:s29] =	ssyncadd.s32 $0xFFFFFFFF  }
0xb5: {  	_ =	strace $0x9000004B  }
0xb6: {  	_ =	sfence  }
0xb7: {  	s30 =	sld [smem:$0x0];
	_ =	sdelay $0x2  }
0xb8: {  	s31 =	sshll.u32 s1, $0xD;
	s1 =	sshrl.u32 s1, $0x2  }
0xb9: {  	s3 =	sand.u32 $0x4000, s31;
	s1 =	sadd.s32 s1, s30  }
0xba: {  	s0 =	sor.u32 s3, s0;
	s1 =	sshll.u32 s1, $0x11  }
0xbb: {  	s0 =	sor.u32 s1, s0  }
0xbc: {  	s0 =	sadd.s32 $0x8F2B, s0  }
0xbd: {  	[sflag:s0] =	ssyncadd.remote.s32 $0x1  }
0xbe: {  	_ =	sfence.sel $0xFFFF  }
0xbf: {  	[dreg:$0x0] =	wrdreg $0xFFFFFFFF;
	(pc) =	sbr.abs _section_cstart, $3  }
0xc0: {  	[dreg:$0x1] =	wrdreg $0xFFFFFFFF  }
0xc1: {  	_ =	task.clear_ibuf [dreg:s6], $0x2FFFF;
	_ =	strace $0x9FFFFFFF  }
0xc2: {  	(tm) =	ssettm $0x7FFFFFFF  }
0xc3: {  	_ =	shalt  }
tec
execute0_lowered:
.L_overlay_start_1:
0x0: {  	(tag) =	ssettag $0x1  }
0x1: {  	s0 =	rddreg [dreg:$0x0]  }
0x2: {  	s2 =	rddreg [dreg:$0x1];
	s11 =	stileid.u32  }
0x3: {  	s1 =	srdreg.scid;
	s3 =	simm.s32 $0x0;
	s6 =	smul.u32 $0x280, s11  }
0x4: {  	s29 =	simm.s32 $0x80;
	s1 =	sand.u32 $0x1, s1;
	s26 =	smul.u32 $0x50000, s11  }
0x5: {  	[smem:$0x7FF] =	sst s3;
	s16 =	smul.u32 $0x2710, s11;
	s5 =	sshll.u32 s1, $0x4  }
0x6: {  	s4 =	sadd.s32 $0x16600, s0;
	s7 =	smul.u32 $0x2800, s1;
	s8 =	sor.u32 s11, s5  }
0x7: {  	_ =	strace $0x8000004A;
	s5 =	sadd.s32 $0x2A00, s0;
	s9 =	smul.u32 $0x2710, s8  }
0x8: {  	s20 =	ssub.s32 $0x2, s1;
	s6 =	sadd.s32 s6, s7;
	[dreg:$0x1e] =	wrdreg s5  }
0x9: {  	s7 =	sadd.s32 $0xC800, s0;
	[dreg:$0x3] =	wrdreg s9;
	s9 =	sshrl.u32 s9, $0x3  }
0xa: {  	s6 =	sshll.u32 s6, $0x4;
	[dreg:$0x1f] =	wrdreg s7;
	s22 =	sadd.s32 s5, s9  }
0xb: {  	s0 =	sadd.s32 s6, s0;
	s10 =	sadd.s32 s7, s9;
	[dreg:$0x4] =	wrdreg s22  }
0xc: {  	s1 =	smul.u32 $0x27100, s1;
	s15 =	sadd.s32 $0x3D800, s0;
	[dreg:$0x5] =	wrdreg s10  }
0xd: {  	s21 =	sshrl.u32 s20, $0x1;
	s17 =	sadd.s32 $0x3DD00, s0;
	[dreg:$0xd] =	wrdreg s15  }
0xe: {  	s14 =	sshrl.u32 s26, $0x2;
	s18 =	sadd.s32 $0x3E200, s0;
	[dreg:$0xe] =	wrdreg s17  }
0xf: {  	s1 =	sadd.s32 s16, s1;
	s19 =	sadd.s32 $0x3E700, s0;
	[dreg:$0xf] =	wrdreg s18  }
0x10: {  	s6 =	ssub.s32 s20, s21;
	s20 =	sadd.s32 $0x3EC00, s0;
	[dreg:$0x10] =	wrdreg s19  }
0x11: {  	s23 =	sadd.s32 $0xA, s9;
	s21 =	sadd.s32 $0x3F100, s0;
	[dreg:$0x11] =	wrdreg s20  }
0x12: {  	s25 =	sadd.s32 $0x14, s9;
	s6 =	smax.u32 s6, $0x1;
	[dreg:$0x12] =	wrdreg s21  }
0x13: {  	s9 =	sadd.s32 $0x1E, s9;
	s24 =	sadd.s32 s5, s23;
	[dreg:$0x15] =	wrdreg s6  }
0x14: {  	s8 =	sadd.s32 s7, s23;
	s12 =	sadd.s32 s5, s25;
	[dreg:$0x6] =	wrdreg s24  }
0x15: {  	s13 =	sadd.s32 s7, s9;
	s10 =	sadd.s32 s14, s2;
	[dreg:$0x7] =	wrdreg s8  }
0x16: {  	s22 =	sadd.s32 $0x3F600, s0;
	s0 =	sadd.s32 $0x3FB00, s0;
	[dreg:$0x8] =	wrdreg s12  }
0x17: {  	s23 =	sadd.s32 $0x1E0, s1;
	s15 =	simm.s32 $0x1;
	[dreg:$0xb] =	wrdreg s13  }
0x18: {  	s17 =	simm.s32 $0x50;
	s21 =	simm.s32 $0x9;
	[dreg:$0x13] =	wrdreg s22  }
0x19: {  	s8 =	sadd.s32 s7, s25;
	s12 =	sadd.s32 s5, s9;
	[dreg:$0x14] =	wrdreg s0  }
0x1a: {  	s0 =	sshrl.u32 s23, $0x3;
	s24 =	sadd.s32 $0x230, s1;
	s1 =	sadd.s32 $0x140, s1  }
0x1b: {  	s14 =	sadd.s32 $0x2800, s10;
	s23 =	sadd.s32 $0x5000, s10;
	[dreg:$0x9] =	wrdreg s8  }
0x1c: {  	s28 =	sadd.s32 $0xA000, s10;
	s20 =	sadd.s32 $0xC800, s10;
	[dreg:$0xa] =	wrdreg s12  }
0x1d: {  	s16 =	sadd.s32 $0xF000, s10;
	s22 =	simm.s32 $0xA;
	[dreg:$0x16] =	wrdreg s1  }
0x1e: {  	s13 =	simm.s32 $0x5;
	s9 =	simm.s32 $0x8;
	[dreg:$0x17] =	wrdreg s14  }
0x1f: {  	s25 =	sshrl.u32 s24, $0x3;
	s30 =	sadd.s32 s0, s7;
	[dreg:$0x18] =	wrdreg s23  }
0x20: {  	s31 =	sadd.s32 s0, s5;
	s24 =	sadd.s32 $0x7800, s10;
	[dreg:$0x1a] =	wrdreg s28  }
.Ltmp0:
0x21: {  	s12 =	sadd.s32 $0x11800, s10;
	[dreg:$0x1b] =	wrdreg s20;
	(pc) =	sbr.rel .LBB2_1-.Ltmp0, $4  }
0x22: {  	s0 =	simm.s32 $0x4;
	s1 =	simm.s32 $0x6;
	[dreg:$0x1c] =	wrdreg s16  }
0x23: {  	s8 =	simm.s32 $0x7;
	s26 =	sadd.s32 s25, s7;
	[dreg:$0x19] =	wrdreg s24  }
0x24: {  	s7 =	smov.u32 s10;
	s18 =	sadd.s32 s25, s5;
	[dreg:$0x1d] =	wrdreg s12  }
0x25: {  	v0 =	vimm.f32 $0.0e+00;
	s25 =	simm.s32 $0x3;
	s5 =	simm.s32 $0x0;
	[dreg:$0xc] =	wrdreg s7  }
.LBB2_8:
0x26: {  	s29 =	simm.s32 $0xB  }
0x27: {  	_ =	swait.ge [sflag:s29], $0x2800  }
0x28: {  	[sflag:s29] =	ssyncset.done $0x0  }
0x29: {  	[sflag:s29] =	ssyncadd.s32 $0xFFFFD800  }
0x2a: {  	_ =	swait.ge [sflag:s13], $0x2800  }
0x2b: {  	[sflag:s13] =	ssyncset.done $0x0  }
0x2c: {  	s5 =	simm.s32 $0x600;
	s19 =	simm.s32 $0xC;
	[sflag:s13] =	ssyncadd.s32 $0xFFFFD800  }
0x2d: {  	[spmem:s2] =	stream.indirect.scatter.add.f32 [tilespmem:s28], [sflag:$0x9], $0x80, s5, s17, $0xb8;
	[tilespmem:$0x1E800] =	vst v63  }
0x2e: {  	_ =	swait.ge [sflag:s19], $0x2800  }
0x2f: {  	[sflag:s19] =	ssyncset.done $0x0  }
0x30: {  	[sflag:s19] =	ssyncadd.s32 $0xFFFFD800  }
0x31: {  	_ =	swait.ge [sflag:s21], $0x2800  }
0x32: {  	[sflag:s21] =	ssyncset.done $0x0  }
0x33: {  	[sflag:s21] =	ssyncadd.s32 $0xFFFFD800  }
0x34: {  	s6 =	stileid.u32;
	[bflag:$0x0] =	sbarrier.arrive $0xFFFF  }
0x35: {  	s6 =	sshll.u32 s6, $0x6;
	s7 =	rddreg [dreg:$0xc]  }
0x36: {  	s10 =	sor.u32 $0x1C09, s6;
	s12 =	rddreg [dreg:$0xd];
	s11 =	sshrl.u32 s7, $0x3  }
0x37: {  	[hbm:s12], [sflag:s10] =	dma.local [spmem:s11], $0x500  }
0x38: {  	s14 =	rddreg [dreg:$0x17]  }
0x39: {  	s11 =	sor.u32 $0x1C0A, s6;
	s16 =	rddreg [dreg:$0xe];
	s23 =	sshrl.u32 s14, $0x3  }
0x3a: {  	[hbm:s16], [sflag:s11] =	dma.local [spmem:s23], $0x500  }
0x3b: {  	s23 =	rddreg [dreg:$0x18]  }
0x3c: {  	s12 =	sor.u32 $0x1C0B, s6;
	s20 =	rddreg [dreg:$0xf];
	s24 =	sshrl.u32 s23, $0x3  }
0x3d: {  	[hbm:s20], [sflag:s12] =	dma.local [spmem:s24], $0x500  }
0x3e: {  	s24 =	rddreg [dreg:$0x19]  }
0x3f: {  	s6 =	sor.u32 $0x1C0C, s6;
	s20 =	rddreg [dreg:$0x10];
	s5 =	sshrl.u32 s24, $0x3  }
0x40: {  	[hbm:s20], [sflag:s6] =	dma.local [spmem:s5], $0x500  }
0x41: {  	s28 =	rddreg [dreg:$0x1a]  }
0x42: {  	s20 =	rddreg [dreg:$0x11];
	s5 =	sshrl.u32 s28, $0x3  }
0x43: {  	[hbm:s20], [sflag:s10] =	dma.local [spmem:s5], $0x500  }
0x44: {  	s20 =	rddreg [dreg:$0x1b]  }
0x45: {  	s16 =	rddreg [dreg:$0x12];
	s5 =	sshrl.u32 s20, $0x3  }
0x46: {  	[hbm:s16], [sflag:s11] =	dma.local [spmem:s5], $0x500  }
0x47: {  	s16 =	rddreg [dreg:$0x1c]  }
0x48: {  	s11 =	rddreg [dreg:$0x13];
	s5 =	sshrl.u32 s16, $0x3  }
0x49: {  	[hbm:s11], [sflag:s12] =	dma.local [spmem:s5], $0x500  }
0x4a: {  	s12 =	rddreg [dreg:$0x1d]  }
0x4b: {  	s11 =	rddreg [dreg:$0x14];
	s5 =	sshrl.u32 s12, $0x3  }
0x4c: {  	[hbm:s11], [sflag:s6] =	dma.local [spmem:s5], $0x500  }
0x4d: {  	_ =	swait.ge [sflag:s21], $0x500  }
0x4e: {  	[sflag:s21] =	ssyncset.done $0x0  }
0x4f: {  	[sflag:s21] =	ssyncadd.s32 $0xFFFFFB00  }
0x50: {  	_ =	swait.ge [sflag:s22], $0x500  }
0x51: {  	[sflag:s22] =	ssyncset.done $0x0  }
0x52: {  	[sflag:s22] =	ssyncadd.s32 $0xFFFFFB00  }
0x53: {  	_ =	swait.ge [sflag:s29], $0x500  }
0x54: {  	[sflag:s29] =	ssyncset.done $0x0  }
0x55: {  	[sflag:s29] =	ssyncadd.s32 $0xFFFFFB00  }
0x56: {  	_ =	swait.ge [sflag:s19], $0x500  }
0x57: {  	[sflag:s19] =	ssyncset.done $0x0  }
0x58: {  	[sflag:s19] =	ssyncadd.s32 $0xFFFFFB00  }
0x59: {  	_ =	swait.ge [sflag:s21], $0x500  }
0x5a: {  	[sflag:s21] =	ssyncset.done $0x0  }
0x5b: {  	[sflag:s21] =	ssyncadd.s32 $0xFFFFFB00  }
0x5c: {  	_ =	swait.ge [sflag:s22], $0x500  }
0x5d: {  	[sflag:s22] =	ssyncset.done $0x0  }
0x5e: {  	[sflag:s22] =	ssyncadd.s32 $0xFFFFFB00  }
0x5f: {  	_ =	swait.ge [sflag:s29], $0x500  }
0x60: {  	[sflag:s29] =	ssyncset.done $0x0  }
0x61: {  	[sflag:s29] =	ssyncadd.s32 $0xFFFFFB00  }
0x62: {  	_ =	swait.ge [sflag:s19], $0x500  }
0x63: {  	s10 =	sld [smem:$0x7FD];
	_ =	sdelay $0x2  }
0x64: {  	s11 =	rddreg [dreg:$0x15];
	s5 =	sadd.s32 $0x1, s10  }
0x65: {  	p0 =	sne.s32 s5, s11  }
.Ltmp1:
0x66: {  	_ = 	snop;
	(pc) =	sbr.rel @!p0 .LBB2_9-.Ltmp1, $3  }
0x67: {  	_ =	sdelay $0x1  }
0x68: {  	[sflag:s19] =	ssyncset.done $0x0  }
0x69: {  	s29 =	simm.s32 $0x80;
	[sflag:s19] =	ssyncadd.s32 $0xFFFFFB00  }
.LBB2_1:
0x6a: {  	[smem:$0x7FD] =	sst s5  }
0x6b: {  	s6 =	rddreg [dreg:$0x4]  }
0x6c: {  	[tilespmem:s3], [sflag:$0x1] =	stream.linear.gather [hbm4b:s6+s3], $0x50, $0x38;
	[tilespmem:$0x1E800] =	vst v63  }
0x6d: {  	s19 =	rddreg [dreg:$0x5];
	s10 =	simm.s32 $0x400  }
0x6e: {  	[tilespmem:s10], [sflag:$0x1] =	stream.linear.gather [hbm4b:s19+s3], $0x50, $0x38;
	[tilespmem:$0x1E800] =	vst v63  }
0x6f: {  	s5 =	rddreg [dreg:$0x6]  }
0x70: {  	[tilespmem:s29], [sflag:$0x2] =	stream.linear.gather [hbm4b:s5+s3], $0x50, $0x38;
	[tilespmem:$0x1E800] =	vst v63  }
0x71: {  	s11 =	simm.s32 $0x480;
	s10 =	rddreg [dreg:$0x7]  }
0x72: {  	[tilespmem:s11], [sflag:$0x2] =	stream.linear.gather [hbm4b:s10+s3], $0x50, $0x38;
	[tilespmem:$0x1E800] =	vst v63  }
0x73: {  	s19 =	rddreg [dreg:$0x8];
	s5 =	simm.s32 $0x100  }
0x74: {  	[tilespmem:s5], [sflag:$0x3] =	stream.linear.gather [hbm4b:s19+s3], $0x50, $0x38;
	[tilespmem:$0x1E800] =	vst v63  }
0x75: {  	s10 =	rddreg [dreg:$0x9];
	s11 =	simm.s32 $0x500  }
0x76: {  	[tilespmem:s11], [sflag:$0x3] =	stream.linear.gather [hbm4b:s10+s3], $0x50, $0x38;
	[tilespmem:$0x1E800] =	vst v63  }
0x77: {  	s6 =	simm.s32 $0x0;
	s19 =	rddreg [dreg:$0xa];
	s5 =	simm.s32 $0x180  }
0x78: {  	[tilespmem:s5], [sflag:$0x4] =	stream.linear.gather [hbm4b:s19+s3], $0x50, $0x38;
	[tilespmem:$0x1E800] =	vst v63  }
0x79: {  	s11 =	rddreg [dreg:$0xb];
	s10 =	simm.s32 $0x200;
	s19 =	simm.s32 $0x580  }
0x7a: {  	[tilespmem:s19], [sflag:$0x4] =	stream.linear.gather [hbm4b:s11+s3], $0x50, $0x38;
	[tilespmem:$0x1E800] =	vst v63  }
.LBB2_2:
0x7b: {  	p0 =	sne.s32 s10, $0x9E00;
	[tilespmem:s6+$0x8070] =	vst v0  }
0x7c: {  	[tilespmem:s6+$0x8000] =	vst v0  }
0x7d: {  	[tilespmem:s6+$0x8010] =	vst v0  }
.Ltmp2:
0x7e: {  	[tilespmem:s6+$0x8020] =	vst v0;
	(pc) =	sbr.rel @p0 .LBB2_2-.Ltmp2, $4  }
0x7f: {  	[tilespmem:s6+$0x8030] =	vst v0  }
0x80: {  	[tilespmem:s6+$0x8040] =	vst v0  }
0x81: {  	[tilespmem:s6+$0x8050] =	vst v0  }
0x82: {  	[tilespmem:s6+$0x8060] =	vst v0;
	s6 =	sshra.s32 s10, $0x2;
	s10 =	sadd.s32 $0x200, s10  }
0x83: {  	[tilespmem:s6+$0x8070] =	vst v0  }
0x84: {  	[tilespmem:s6+$0x8000] =	vst v0  }
0x85: {  	[tilespmem:s6+$0x8010] =	vst v0  }
0x86: {  	[tilespmem:s6+$0x8020] =	vst v0  }
0x87: {  	[tilespmem:s6+$0x8030] =	vst v0  }
0x88: {  	[tilespmem:s6+$0x8040] =	vst v0  }
0x89: {  	[tilespmem:s6+$0x8050] =	vst v0  }
0x8a: {  	[tilespmem:s6+$0x8060] =	vst v0;
	s19 =	simm.s32 $0x8000  }
0x8b: {  	[spmem:s7] =	stream.linear.scatter [tilespmem:s19], [sflag:$0x9], $0x2800, $0x38;
	[tilespmem:$0x1E800] =	vst v63  }
0x8c: {  	_ = 	snop  }
0x8d: {  	[spmem:s14] =	stream.linear.scatter [tilespmem:s19], [sflag:$0xA], $0x2800, $0x38;
	[tilespmem:$0x1E800] =	vst v63  }
0x8e: {  	_ = 	snop  }
0x8f: {  	[spmem:s23] =	stream.linear.scatter [tilespmem:s19], [sflag:$0xB], $0x2800, $0x38;
	[tilespmem:$0x1E800] =	vst v63  }
0x90: {  	_ = 	snop  }
0x91: {  	[spmem:s24] =	stream.linear.scatter [tilespmem:s19], [sflag:$0xC], $0x2800, $0x38;
	[tilespmem:$0x1E800] =	vst v63  }
0x92: {  	_ = 	snop  }
0x93: {  	[spmem:s28] =	stream.linear.scatter [tilespmem:s19], [sflag:$0x9], $0x2800, $0x38;
	[tilespmem:$0x1E800] =	vst v63  }
0x94: {  	_ = 	snop  }
0x95: {  	[spmem:s20] =	stream.linear.scatter [tilespmem:s19], [sflag:$0xA], $0x2800, $0x38;
	[tilespmem:$0x1E800] =	vst v63  }
0x96: {  	_ = 	snop  }
0x97: {  	[spmem:s16] =	stream.linear.scatter [tilespmem:s19], [sflag:$0xB], $0x2800, $0x38;
	[tilespmem:$0x1E800] =	vst v63  }
0x98: {  	_ = 	snop  }
0x99: {  	[spmem:s12] =	stream.linear.scatter [tilespmem:s19], [sflag:$0xC], $0x2800, $0x38;
	[tilespmem:$0x1E800] =	vst v63  }
0x9a: {  	_ =	swait.ge [sflag:s15], $0x50  }
0x9b: {  	[sflag:s15] =	ssyncset.done $0x0  }
0x9c: {  	[sflag:s15] =	ssyncadd.s32 $0xFFFFFFB0  }
0x9d: {  	_ =	swait.ge [sflag:s15], $0x50  }
0x9e: {  	s11 =	simm.s32 $0x0;
	[sflag:s15] =	ssyncset.done $0x0  }
0x9f: {  	s23 =	simm.s32 $0x2;
	s28 =	simm.s32 $0x800;
	[sflag:s15] =	ssyncadd.s32 $0xFFFFFFB0  }
0xa0: {  	[tilespmem:s28], [sflag:$0x5] =	stream.indirect.gather [hbm4b:s4+s17], $0x80, s11, s17, $0xb8;
	[tilespmem:$0x1E800] =	vst v63  }
0xa1: {  	_ =	swait.ge [sflag:s23], $0x50  }
0xa2: {  	[sflag:s23] =	ssyncset.done $0x0  }
0xa3: {  	[sflag:s23] =	ssyncadd.s32 $0xFFFFFFB0  }
0xa4: {  	_ =	swait.ge [sflag:s23], $0x50  }
0xa5: {  	[sflag:s23] =	ssyncset.done $0x0  }
0xa6: {  	s24 =	simm.s32 $0x3000;
	[sflag:s23] =	ssyncadd.s32 $0xFFFFFFB0  }
0xa7: {  	[tilespmem:s24], [sflag:$0x6] =	stream.indirect.gather [hbm4b:s4+s17], $0x80, s29, s17, $0xb8;
	[tilespmem:$0x1E800] =	vst v63  }
0xa8: {  	_ =	swait.ge [sflag:s21], $0x2800  }
0xa9: {  	[sflag:s21] =	ssyncset.done $0x0  }
0xaa: {  	[sflag:s21] =	ssyncadd.s32 $0xFFFFD800  }
0xab: {  	_ =	swait.ge [sflag:s22], $0x2800  }
0xac: {  	[sflag:s22] =	ssyncset.done $0x0  }
0xad: {  	s29 =	simm.s32 $0xB;
	[sflag:s22] =	ssyncadd.s32 $0xFFFFD800  }
0xae: {  	_ =	swait.ge [sflag:s29], $0x2800  }
0xaf: {  	[sflag:s29] =	ssyncset.done $0x0  }
0xb0: {  	s10 =	simm.s32 $0xC;
	[sflag:s29] =	ssyncadd.s32 $0xFFFFD800  }
0xb1: {  	_ =	swait.ge [sflag:s10], $0x2800  }
0xb2: {  	[sflag:s10] =	ssyncset.done $0x0  }
0xb3: {  	[sflag:s10] =	ssyncadd.s32 $0xFFFFD800  }
0xb4: {  	_ =	swait.ge [sflag:s21], $0x2800  }
0xb5: {  	[sflag:s21] =	ssyncset.done $0x0  }
0xb6: {  	[sflag:s21] =	ssyncadd.s32 $0xFFFFD800  }
0xb7: {  	_ =	swait.ge [sflag:s22], $0x2800  }
0xb8: {  	[sflag:s22] =	ssyncset.done $0x0  }
0xb9: {  	[sflag:s22] =	ssyncadd.s32 $0xFFFFD800  }
0xba: {  	_ =	swait.ge [sflag:s29], $0x2800  }
0xbb: {  	[sflag:s29] =	ssyncset.done $0x0  }
0xbc: {  	[sflag:s29] =	ssyncadd.s32 $0xFFFFD800  }
.Ltmp3:
0xbd: {  	_ =	swait.ge [sflag:s10], $0x2800;
	(pc) =	sbr.rel .LBB2_4-.Ltmp3, $4  }
0xbe: {  	[sflag:s10] =	ssyncset.done $0x0  }
0xbf: {  	[sflag:s10] =	ssyncadd.s32 $0xFFFFD800  }
0xc0: {  	s5 =	simm.s32 $0x5800;
	s16 =	simm.s32 $0x5;
	[bflag:$0x0] =	sbarrier.arrive $0xFFFF  }
0xc1: {  	s12 =	simm.s32 $0x380;
	s10 =	simm.s32 $0x0;
	s19 =	rddreg [dreg:$0x16]  }
.LBB2_6:
0xc2: {  	s24 =	smov.u32 s16  }
0xc3: {  	s24 =	simm.s32 @p1 $0x5  }
0xc4: {  	s29 =	rddreg [dreg:$0x3];
	s28 =	smul.u32 $0x50, s24  }
0xc5: {  	s20 =	sor.u32 $0x600, s20;
	p0 =	por $0x0, $0x0;
	s5 =	sshll.u32 s24, $0x7  }
0xc6: {  	s28 =	sadd.s32 s29, s28;
	s29 =	sand.u32 $0x280, s5;
	s5 =	smov.u32 s14  }
0xc7: {  	s14 =	smov.u32 s18;
	s18 =	smov.u32 s26;
	s28 =	sshrl.u32 s28, $0x3  }
0xc8: {  	s26 =	smov.u32 s31;
	s31 =	smov.u32 s30;
	s30 =	sadd.s32 s7, s28  }
0xc9: {  	[tilespmem:s29], [sflag:$0x2] =	stream.linear.gather [hbm4b:s30+s3], $0x50, $0x38;
	[tilespmem:$0x1E800] =	vst v63  }
0xca: {  	s28 =	sadd.s32 s5, s28;
	s30 =	smov.u32 s31;
	s31 =	smov.u32 s26  }
0xcb: {  	s26 =	smov.u32 s18;
	s18 =	smov.u32 s14;
	s29 =	sor.u32 $0x400, s29  }
0xcc: {  	[tilespmem:s29], [sflag:$0x2] =	stream.linear.gather [hbm4b:s28+s3], $0x50, $0x38;
	[tilespmem:$0x1E800] =	vst v63  }
.LBB2_7:
0xcd: {  	_ =	swait.ge [sflag:s0], $0x50  }
0xce: {  	[sflag:s0] =	ssyncset.done $0x0  }
0xcf: {  	[sflag:s0] =	ssyncadd.s32 $0xFFFFFFB0  }
0xd0: {  	_ =	swait.ge [sflag:s0], $0x50  }
0xd1: {  	[sflag:s0] =	ssyncset.done $0x0  }
0xd2: {  	s20 =	sshrl.u32 s20, $0x2;
	s14 =	simm.s32 $0x8000;
	[sflag:s0] =	ssyncadd.s32 $0xFFFFFFB0  }
0xd3: {  	[tilespmem:s14], [sflag:$0x8] =	stream.indirect.gather [hbm4b:s4+s17], $0x80, s20, s17, $0xb8;
	[tilespmem:$0x1E800] =	vst v63  }
0xd4: {  	_ =	swait.ge [sflag:s1], $0x2800  }
0xd5: {  	[sflag:s1] =	ssyncset.done $0x0  }
0xd6: {  	s6 =	sadd.s32 $0x480, s6;
	s28 =	simm.s32 $0x3000;
	[sflag:s1] =	ssyncadd.s32 $0xFFFFD800  }
0xd7: {  	[spmem:s2] =	stream.indirect.scatter.add.f32 [tilespmem:s28], [sflag:$0xA], $0x80, s6, s17, $0xb8;
	[tilespmem:$0x1E800] =	vst v63  }
0xd8: {  	_ =	swait.ge [sflag:s21], $0x2800  }
0xd9: {  	s29 =	simm.s32 @!p0 $0x0;
	s6 =	sadd.s32 @!p0 $0xFFFFFF80, s12;
	[sflag:s21] =	ssyncset.done $0x0  }
0xda: {  	s28 =	sadd.s32 @!p0 s11, s31;
	s6 =	sand.u32 @!p0 $0x300, s6;
	[sflag:s21] =	ssyncadd.s32 $0xFFFFD800  }
0xdb: {  	[tilespmem:s6], [sflag:$0x3] =	stream.linear.gather @!p0 [hbm4b:s28+s29], $0x50, $0x38;
	[tilespmem:$0x1E800] =	vst v63  }
0xdc: {  	s6 =	sor.u32 @!p0 $0x400, s6;
	s28 =	sadd.s32 @!p0 s11, s30  }
0xdd: {  	[tilespmem:s6], [sflag:$0x3] =	stream.linear.gather @!p0 [hbm4b:s28+s29], $0x50, $0x38;
	[tilespmem:$0x1E800] =	vst v63  }
0xde: {  	_ =	swait.ge [sflag:s15], $0x50  }
0xdf: {  	[sflag:s15] =	ssyncset.done $0x0  }
0xe0: {  	[sflag:s15] =	ssyncadd.s32 $0xFFFFFFB0  }
0xe1: {  	s7 =	sxor.u32 $0xFFFFFFFF, s10;
	_ =	swait.ge [sflag:s15], $0x50  }
0xe2: {  	s6 =	sand.u32 $0x800, s7;
	[sflag:s15] =	ssyncset.done $0x0  }
0xe3: {  	s28 =	simm.s32 $0x800;
	s6 =	sshrl.u32 s6, $0x2;
	[sflag:s15] =	ssyncadd.s32 $0xFFFFFFB0  }
0xe4: {  	[tilespmem:s28], [sflag:$0x5] =	stream.indirect.gather [hbm4b:s4+s17], $0x80, s6, s17, $0xb8;
	[tilespmem:$0x1E800] =	vst v63  }
0xe5: {  	_ =	swait.ge [sflag:s8], $0x2800  }
0xe6: {  	[sflag:s8] =	ssyncset.done $0x0  }
0xe7: {  	s23 =	sor.u32 $0x400, s23;
	s5 =	simm.s32 $0x5800;
	[sflag:s8] =	ssyncadd.s32 $0xFFFFD800  }
0xe8: {  	[spmem:s2] =	stream.indirect.scatter.add.f32 [tilespmem:s5], [sflag:$0xB], $0x80, s23, s17, $0xb8;
	[tilespmem:$0x1E800] =	vst v63  }
0xe9: {  	_ =	swait.ge [sflag:s22], $0x2800  }
0xea: {  	[sflag:s22] =	ssyncset.done $0x0  }
0xeb: {  	s6 =	sand.u32 @!p0 $0x380, s12;
	s23 =	sadd.s32 @!p0 s11, s18;
	[sflag:s22] =	ssyncadd.s32 $0xFFFFD800  }
0xec: {  	[tilespmem:s6], [sflag:$0x4] =	stream.linear.gather @!p0 [hbm4b:s23+s29], $0x50, $0x38;
	[tilespmem:$0x1E800] =	vst v63  }
0xed: {  	s6 =	sor.u32 @!p0 $0x400, s6;
	s23 =	sadd.s32 @!p0 s11, s26  }
0xee: {  	[tilespmem:s6], [sflag:$0x4] =	stream.linear.gather @!p0 [hbm4b:s23+s29], $0x50, $0x38;
	[tilespmem:$0x1E800] =	vst v63  }
0xef: {  	s6 =	simm.s32 @!p0 $0x2  }
0xf0: {  	_ =	swait.ge @!p0 [sflag:s6], $0x50  }
0xf1: {  	[sflag:s6] =	ssyncset.done @!p0 $0x0  }
0xf2: {  	[sflag:s6] =	ssyncadd.s32 @!p0 $0xFFFFFFB0  }
0xf3: {  	_ =	swait.ge @!p0 [sflag:s6], $0x50  }
0xf4: {  	[sflag:s6] =	ssyncset.done @!p0 $0x0  }
0xf5: {  	s11 =	sadd.s32 $0x28, s11;
	[sflag:s6] =	ssyncadd.s32 @!p0 $0xFFFFFFB0;
	s6 =	sshll.u32 @!p0 s24, $0x7  }
0xf6: {  	s23 =	simm.s32 @!p0 $0x50;
	s24 =	simm.s32 @!p0 $0x3000;
	s6 =	sand.u32 @!p0 $0x280, s6  }
0xf7: {  	[tilespmem:s24], [sflag:$0x6] =	stream.indirect.gather @!p0 [hbm4b:s4+s23], $0x80, s6, s23, $0xb8;
	[tilespmem:$0x1E800] =	vst v63  }
0xf8: {  	p0 =	sne.s32 s11, $0x4D8  }
.Ltmp4:
0xf9: {  	_ = 	snop;
	(pc) =	sbr.rel @!p0 .LBB2_8-.Ltmp4, $4  }
0xfa: {  	s10 =	sadd.s32 $0x800, s10;
	_ =	swait.ge [sflag:s9], $0x2800  }
0xfb: {  	s19 =	sadd.s32 $0x140, s19;
	s16 =	sadd.s32 $0x4, s16;
	[sflag:s9] =	ssyncset.done $0x0  }
0xfc: {  	s12 =	sadd.s32 $0x200, s12;
	s29 =	sor.u32 $0x400, s20;
	[sflag:s9] =	ssyncadd.s32 $0xFFFFD800  }
0xfd: {  	[spmem:s2] =	stream.indirect.scatter.add.f32 [tilespmem:s14], [sflag:$0xC], $0x80, s29, s17, $0xb8;
	[tilespmem:$0x1E800] =	vst v63  }
.LBB2_4:
0xfe: {  	p1 =	seq.s32 s11, $0x0  }
0xff: {  	s6 =	simm.s32 @!p1 $0xB  }
0x100: {  	s20 =	sadd.s32 $0xFFFFFE80, s12;
	_ =	swait.ge @!p1 [sflag:s6], $0x2800  }
0x101: {  	s23 =	sshrl.u32 s19, $0x3;
	[sflag:s6] =	ssyncset.done @!p1 $0x0;
	s7 =	rddreg [dreg:$0x1e]  }
0x102: {  	s29 =	sand.u32 $0x200, s20;
	[sflag:s6] =	ssyncadd.s32 @!p1 $0xFFFFD800;
	s14 =	sadd.s32 s7, s23  }
0x103: {  	[tilespmem:s29], [sflag:$0x1] =	stream.linear.gather [hbm4b:s14+s3], $0x50, $0x38;
	[tilespmem:$0x1E800] =	vst v63  }
0x104: {  	s14 =	rddreg [dreg:$0x1f]  }
0x105: {  	s6 =	sor.u32 $0x400, s29;
	s24 =	sadd.s32 s14, s23  }
0x106: {  	[tilespmem:s6], [sflag:$0x1] =	stream.linear.gather [hbm4b:s24+s3], $0x50, $0x38;
	[tilespmem:$0x1E800] =	vst v63  }
0x107: {  	_ =	swait.ge [sflag:s25], $0x50  }
0x108: {  	[sflag:s25] =	ssyncset.done $0x0  }
0x109: {  	[sflag:s25] =	ssyncadd.s32 $0xFFFFFFB0  }
0x10a: {  	s20 =	sand.u32 $0x800, s10;
	_ =	swait.ge [sflag:s25], $0x50  }
0x10b: {  	s29 =	sor.u32 $0x400, s20;
	[sflag:s25] =	ssyncset.done $0x0  }
0x10c: {  	s23 =	sshrl.u32 s29, $0x2;
	[sflag:s25] =	ssyncadd.s32 $0xFFFFFFB0  }
0x10d: {  	[tilespmem:s5], [sflag:$0x7] =	stream.indirect.gather [hbm4b:s4+s17], $0x80, s23, s17, $0xb8;
	[tilespmem:$0x1E800] =	vst v63  }
0x10e: {  	_ =	swait.ge [sflag:s13], $0x2800  }
0x10f: {  	p0 =	seq.s32 @!p1 s11, $0x4B0;
	s6 =	sshrl.u32 s20, $0x2;
	[sflag:s13] =	ssyncset.done $0x0  }
0x110: {  	p0 =	por p1, !p0;
	s24 =	sor.u32 $0x400, s6;
	[sflag:s13] =	ssyncadd.s32 $0xFFFFD800  }
0x111: {  	[spmem:s2] =	stream.indirect.scatter.add.f32 [tilespmem:s28], [sflag:$0x9], $0x80, s24, s17, $0xb8;
	[tilespmem:$0x1E800] =	vst v63  }
.Ltmp5:
0x112: {  	_ = 	snop;
	(pc) =	sbr.rel @p0 .LBB2_6-.Ltmp5, $4  }
0x113: {  	s24 =	simm.s32 @!p1 $0xC  }
0x114: {  	_ =	swait.ge @!p1 [sflag:s24], $0x2800  }
0x115: {  	[sflag:s24] =	ssyncset.done @!p1 $0x0  }
0x116: {  	[sflag:s24] =	ssyncadd.s32 @!p1 $0xFFFFD800  }
.Ltmp6:
0x117: {  	(pc) =	sbr.rel .LBB2_7-.Ltmp6, $2  }
0x118: {  	_ =	sdelay $0x2  }
0x119: {  	p0 =	por @!p1 $0x1, $0x1;
	s20 =	simm.s32 @!p1 $0x600;
	s24 =	smov.u32 s16  }
.LBB2_9:
0x11a: {  	_ =	sfence.sel $0x180000  }
0x11b: {  	[bflag:$0x0] =	sbarrier.arrive $0xFFFF  }
0x11c: {  	_ =	strace $0x9000004A  }
0x11d: {  	s0 =	stileid.u32;
	[bflag:$0x2] =	sbarrier.arrive $0xFFFF  }
0x11e: {  	p0 =	sne.s32 s0, $0x0;
	s0 =	rddreg [dreg:$0x2]  }
0x11f: {  	s0 =	sadd.s32 @!p0 $0x100000, s0  }
0x120: {  	[sflag:s0] =	ssyncadd.tile.s32 @!p0 $0x1;
	_ =	shalt  }
.Lfunc_end2:
_tile_overlayer_lowered:
.L_overlay_start_2:
0x121: {  	(tag) =	ssettag $0x2  }
0x122: {  	s0 =	rddreg [dreg:$0x0];
	s2 =	stileid.u32  }
0x123: {  	s1 =	rddreg [dreg:$0x1];
	p0 =	sne.s32 s2, $0x0  }
0x124: {  	s3 =	rddreg [dreg:$0x2];
	[bflag:$0x3] =	sbarrier.arrive $0xFFFF;
	s2 =	simm.s32 @!p0 $0x1C0D  }
0x125: {  	[timem:s3], [sflag:s2] =	dma.local @!p0 [hbm:s0], s1  }
0x126: {  	s0 =	simm.s32 @!p0 $0xD  }
0x127: {  	_ =	swait.ge @!p0 [sflag:s0], s1  }
0x128: {  	s1 =	ssub.s32 @!p0 $0x0, s1;
	[sflag:s0] =	ssyncset.done @!p0 $0x0  }
0x129: {  	[sflag:s0] =	ssyncadd.s32 @!p0 s1  }
0x12a: {  	[bflag:$0x3] =	sbarrier.arrive $0xFFFF  }
0x12b: {  	_ =	shalt  }

// kernel: kernel.14.cloned.1.call-start
scs
__scs_entry_jumppad:
0x0: {  	(pc) =	sbr.rel $0x88, $3  }
0x1: {  	(tag) =	ssettag $0x0;
	lr =	simm.s32 $0x1  }
0x2: {  	[smem:$0x3F9A] =	sst lr;
	_ =	strace $0xD0000000  }
0x3: {  	_ = 	snop  }
0x4: {  	_ = 	snop  }
0x5: {  	_ = 	snop  }
0x6: {  	_ = 	snop  }
0x7: {  	_ = 	snop  }
__scs_overlays_trampoline_lowered:
0x8: {  	[smem:$0x3FA9] =	sst s0  }
0x9: {  	[smem:$0x3FAA] =	sst s1  }
0xa: {  	[smem:$0x3FAB] =	sst s2  }
0xb: {  	[smem:$0x3FAC] =	sst s3  }
0xc: {  	[smem:$0x3FAD] =	sst s4  }
0xd: {  	[smem:$0x3FAE] =	sst s5  }
0xe: {  	[smem:$0x3FAF] =	sst s6  }
0xf: {  	[smem:$0x3FB0] =	sst s7  }
0x10: {  	[smem:$0x3FB1] =	sst s8  }
0x11: {  	[smem:$0x3FB2] =	sst s9;
	s0 =	simm.s32 @!p0 $0x0  }
0x12: {  	s1 =	sld [smem:$0x3F98];
	s0 =	simm.s32 @p0 $0x1  }
0x13: {  	[smem:$0x3FB3] =	sst s0;
	s0 =	simm.s32 @!p1 $0x0  }
0x14: {  	s2 =	sld [smem:$0x3F97];
	s0 =	simm.s32 @p1 $0x1  }
0x15: {  	[smem:$0x3FB4] =	sst s0;
	s0 =	simm.s32 @!p2 $0x0  }
0x16: {  	s3 =	sld [smem:$0x3FDB];
	s0 =	simm.s32 @p2 $0x1  }
0x17: {  	s4 =	simm.s32 $0x1BF5;
	[smem:$0x3FB6] =	sst s0  }
0x18: {  	s0 =	sld [smem:$0x3F99];
	_ =	swait.ge [sflag:s4], $0x0  }
0x19: {  	s7 =	sld [smem:$0x3F9A]  }
0x1a: {  	s8 =	sadd.s32 $0xFFFFE003, lr  }
0x1b: {  	s9 =	sadd.s32 $0xFFFFFEF7, lr;
	s5 =	simm.s32 $0xFFFFFFFF;
	p2 =	slt.u32 s8, $0xFFFFF086  }
0x1c: {  	p1 =	slt.u32 s9, $0xF7A;
	s5 =	simm.s32 @!p2 $0x0  }
0x1d: {  	s5 =	simm.s32 @p1 $0x1;
	p0 =	seq.s32 s7, s2  }
0x1e: {  	s7 =	smul.u32 @!p0 $0xF7A, s2;
	p2 =	seq.s32 @!p0 s5, $0x0  }
0x1f: {  	s9 =	smul.u32 $0xF7A, s1;
	s8 =	simm.s32 @!p0 $0x1BF5;
	p2 =	por !p2, p0  }
0x20: {  	[sflag:s8] =	ssyncset.s32 @!p0 $0xFFFFF086;
	s6 =	sadd.s32 @!p0 s3, s7;
	s7 =	simm.s32 @!p0 $0x108  }
0x21: {  	s3 =	sadd.s32 s3, s9;
	s6 =	sadd.s32 @!p0 $0x88, s6;
	s7 =	simm.s32 @p2 $0x1082  }
0x22: {  	[simem:s7], [sflag:s8] =	dma.local @!p0 [hbm:s6], $0xF7A  }
0x23: {  	s9 =	sor.u32 $0xD0000000, s2;
	s6 =	simm.s32 $0x108;
	_ =	swait.ge @!p0 [sflag:s8], $0x0  }
0x24: {  	s3 =	sadd.s32 $0x88, s3;
	s6 =	simm.s32 @!p1 $0x1082;
	[sflag:s4] =	ssyncset.s32 $0xFFFFF086  }
0x25: {  	[simem:s6], [sflag:s4] =	dma.local [hbm:s3], $0xF7A  }
0x26: {  	[smem:$0x3F9A] =	sst s1;
	(tag) =	ssettag s2;
	_ =	strace s9  }
0x27: {  	s1 =	sld [smem:$0x3FAA]  }
0x28: {  	s2 =	sld [smem:$0x3FAB]  }
0x29: {  	s4 =	sld [smem:$0x3FAD]  }
0x2a: {  	p0 =	seq.s32 s5, $0x0;
	s5 =	sld [smem:$0x3FAE]  }
0x2b: {  	s6 =	sld [smem:$0x3FAF]  }
0x2c: {  	s7 =	sld [smem:$0x3FB0]  }
0x2d: {  	s3 =	simm.s32 $0x108;
	s8 =	sld [smem:$0x3FB1]  }
0x2e: {  	s3 =	simm.s32 @!p0 $0x1082;
	s9 =	sld [smem:$0x3FB2]  }
0x2f: {  	lr =	sadd.s32 s0, s3;
	s0 =	sld [smem:$0x3FA9]  }
0x30: {  	s3 =	sld [smem:$0x3FAC]  }
0x31: {  	[smem:$0x3FB5] =	sst s10  }
0x32: {  	s10 =	sld [smem:$0x3FB3];
	_ =	sdelay $0x3  }
0x33: {  	p0 =	seq.s32 s10, $0x1;
	s10 =	sld [smem:$0x3FB5];
	_ =	sdelay $0x3  }
0x34: {  	[smem:$0x3FB5] =	sst s10  }
0x35: {  	s10 =	sld [smem:$0x3FB4];
	_ =	sdelay $0x3  }
0x36: {  	p1 =	seq.s32 s10, $0x1;
	s10 =	sld [smem:$0x3FB5];
	_ =	sdelay $0x3  }
0x37: {  	[smem:$0x3FB5] =	sst s10  }
0x38: {  	s10 =	sld [smem:$0x3FB6]  }
0x39: {  	_ = 	snop;
	(pc) =	sbr.ind lr, $3  }
0x3a: {  	_ = 	snop  }
0x3b: {  	_ = 	snop  }
0x3c: {  	p2 =	seq.s32 s10, $0x1;
	s10 =	sld [smem:$0x3FB5]  }
0x3d: {  	_ =	shalt  }
0x3e: {  	_ =	shalt  }
0x3f: {  	_ =	shalt  }
0x40: {  	_ =	shalt  }
0x41: {  	_ =	shalt  }
0x42: {  	_ =	shalt  }
0x43: {  	_ =	shalt  }
0x44: {  	_ =	shalt  }
0x45: {  	_ =	shalt  }
0x46: {  	_ =	shalt  }
0x47: {  	_ =	shalt  }
0x48: {  	_ =	shalt  }
0x49: {  	_ =	shalt  }
0x4a: {  	_ =	shalt  }
0x4b: {  	_ =	shalt  }
0x4c: {  	_ =	shalt  }
0x4d: {  	_ =	shalt  }
0x4e: {  	_ =	shalt  }
0x4f: {  	_ =	shalt  }
0x50: {  	_ =	shalt  }
0x51: {  	_ =	shalt  }
0x52: {  	_ =	shalt  }
0x53: {  	_ =	shalt  }
0x54: {  	_ =	shalt  }
0x55: {  	_ =	shalt  }
0x56: {  	_ =	shalt  }
0x57: {  	_ =	shalt  }
0x58: {  	_ =	shalt  }
0x59: {  	_ =	shalt  }
0x5a: {  	_ =	shalt  }
0x5b: {  	_ =	shalt  }
0x5c: {  	_ =	shalt  }
0x5d: {  	_ =	shalt  }
0x5e: {  	_ =	shalt  }
0x5f: {  	_ =	shalt  }
0x60: {  	_ =	shalt  }
0x61: {  	_ =	shalt  }
0x62: {  	_ =	shalt  }
0x63: {  	_ =	shalt  }
0x64: {  	_ =	shalt  }
0x65: {  	_ =	shalt  }
0x66: {  	_ =	shalt  }
0x67: {  	_ =	shalt  }
0x68: {  	_ =	shalt  }
0x69: {  	_ =	shalt  }
0x6a: {  	_ =	shalt  }
0x6b: {  	_ =	shalt  }
0x6c: {  	_ =	shalt  }
0x6d: {  	_ =	shalt  }
0x6e: {  	_ =	shalt  }
0x6f: {  	_ =	shalt  }
0x70: {  	_ =	shalt  }
0x71: {  	_ =	shalt  }
0x72: {  	_ =	shalt  }
0x73: {  	_ =	shalt  }
0x74: {  	_ =	shalt  }
0x75: {  	_ =	shalt  }
0x76: {  	_ =	shalt  }
0x77: {  	_ =	shalt  }
0x78: {  	_ =	shalt  }
0x79: {  	_ =	shalt  }
0x7a: {  	_ =	shalt  }
0x7b: {  	_ =	shalt  }
0x7c: {  	_ =	shalt  }
0x7d: {  	_ =	shalt  }
0x7e: {  	_ =	shalt  }
0x7f: {  	_ =	shalt  }
0x80: {  	_ =	shalt  }
0x81: {  	_ =	shalt  }
0x82: {  	_ =	shalt  }
0x83: {  	_ =	shalt  }
0x84: {  	_ =	shalt  }
0x85: {  	_ =	shalt  }
0x86: {  	_ =	shalt  }
0x87: {  	_ =	shalt  }
.Lfunc_end0:
.L_simem_size_0:
called_computation.2_lowered:
.L_overlay_start_0:
0x88: {  	s2 =	sld [smem:$0x3FD9]  }
0x89: {  	s3 =	sld [smem:$0x3FFE];
	_ =	sdelay $0x1  }
0x8a: {  	s1 =	srdreg.scid  }
0x8b: {  	s0 =	sand.u32 $0x1, s1  }
0x8c: {  	s16 =	sshll.u32 s0, $0xA;
	s2 =	sadd.s32 s3, s2  }
0x8d: {  	s2 =	sadd.s32 s2, s16  }
0x8e: {  	[smem:$0x3FC1] =	sst s2  }
0x8f: {  	_ = 	snop  }
0x90: {  	(tm) =	ssettm $0x1  }
0x91: {  	s17 =	sld [smem:$0x3FFB];
	_ =	sdelay $0x3  }
0x92: {  	_ =	strace s17  }
0x93: {  	s2 =	sld [smem:$0x3FFC];
	_ =	sdelay $0x3  }
0x94: {  	_ =	strace s2  }
0x95: {  	s2 =	sld [smem:$0x3FFD];
	_ =	sdelay $0x3  }
0x96: {  	_ =	strace s2  }
0x97: {  	_ =	strace $0x8FFFFFFF  }
0x98: {  	s18 =	sld [smem:$0x3FDB];
	_ =	sdelay $0x1  }
0x99: {  	s19 =	simm.s32 $_scs_section_size  }
0x9a: {  	s4 =	simm.s32 $_size__tile_overlayer_lowered;
	s5 =	simm.s32 $_tile_overlayer_lowered  }
0x9b: {  	s22 =	simm.s32 $0x1BFF;
	s21 =	sshll.u32 s5, $0x1;
	s2 =	sadd.s32 s19, s18  }
0x9c: {  	s6 =	simm.s32 $0x0;
	s20 =	sshll.u32 s4, $0x1;
	s4 =	sadd.s32 s21, s2  }
0x9d: {  	[timem:s6], [sflag:s22] =	dma.local [hbm:s4], s20  }
0x9e: {  	_ =	swait.ge [sflag:s22], s20  }
0x9f: {  	s3 =	ssub.s32 $0x0, s20;
	[sflag:s22] =	ssyncset.done $0x0  }
0xa0: {  	[sflag:s22] =	ssyncadd.s32 s3;
	_ =	sdelay $0x1  }
0xa1: {  	s23 =	simm.s32 $0x1B8B  }
0xa2: {  	_ =	swait.ge [sflag:s23], $0x1  }
0xa3: {  	[sflag:s23] =	ssyncset.done $0x0  }
0xa4: {  	s25 =	simm.s32 $0x1B8E;
	s24 =	sld [smem:$0x3FFE];
	[sflag:s23] =	ssyncadd.s32 $0xFFFFFFFF  }
0xa5: {  	s26 =	simm.s32 $execute0_lowered;
	[smem:$0x3FD2] =	sst s25  }
0xa6: {  	s4 =	sshll.u32 s26, $0x1;
	_ =	strace $0x8000004C;
	[dreg:$0x1] =	wrdreg $0xFFFFFFFF  }
0xa7: {  	s28 =	simm.s32 $_size_execute0_lowered;
	s2 =	sadd.s32 s2, s4;
	[dreg:$0x0] =	wrdreg $0x0  }
0xa8: {  	s4 =	sshll.u32 s28, $0x1;
	[dreg:$0x2] =	wrdreg s2  }
0xa9: {  	[dreg:$0x3] =	wrdreg s4  }
0xaa: {  	[dreg:$0x4] =	wrdreg $0xC0  }
0xab: {  	_ =	task [dreg:s6], $0x5FFFF  }
0xac: {  	[dreg:$0x1] =	wrdreg $0xFFFFFFFF  }
0xad: {  	[dreg:$0x0] =	wrdreg $0x60  }
0xae: {  	[dreg:$0x2] =	wrdreg s24  }
0xaf: {  	[dreg:$0x3] =	wrdreg $0xA8000  }
0xb0: {  	[dreg:$0x4] =	wrdreg $0x9  }
0xb1: {  	_ =	task.clear_ibuf [dreg:s6], $0x5FFFF;
	_ =	strace $0x9000004C  }
0xb2: {  	s29 =	simm.s32 $0x9;
	_ =	strace $0x8000004E  }
0xb3: {  	_ =	swait.ge [sflag:s29], $0x1  }
0xb4: {  	[sflag:s29] =	ssyncadd.s32 $0xFFFFFFFF  }
0xb5: {  	_ =	strace $0x9000004E  }
0xb6: {  	_ =	sfence  }
0xb7: {  	s30 =	sld [smem:$0x0];
	_ =	sdelay $0x2  }
0xb8: {  	s31 =	sshll.u32 s1, $0xD;
	s1 =	sshrl.u32 s1, $0x2  }
0xb9: {  	s3 =	sand.u32 $0x4000, s31;
	s1 =	sadd.s32 s1, s30  }
0xba: {  	s0 =	sor.u32 s3, s0;
	s1 =	sshll.u32 s1, $0x11  }
0xbb: {  	s0 =	sor.u32 s1, s0  }
0xbc: {  	s0 =	sadd.s32 $0x8F2B, s0  }
0xbd: {  	[sflag:s0] =	ssyncadd.remote.s32 $0x1  }
0xbe: {  	_ =	sfence.sel $0xFFFF  }
0xbf: {  	[dreg:$0x0] =	wrdreg $0xFFFFFFFF;
	(pc) =	sbr.abs _section_cstart, $3  }
0xc0: {  	[dreg:$0x1] =	wrdreg $0xFFFFFFFF  }
0xc1: {  	_ =	task.clear_ibuf [dreg:s6], $0x2FFFF;
	_ =	strace $0x9FFFFFFF  }
0xc2: {  	(tm) =	ssettm $0x7FFFFFFF  }
0xc3: {  	_ =	shalt  }
tec
execute0_lowered:
.L_overlay_start_1:
0x0: {  	(tag) =	ssettag $0x1  }
0x1: {  	s0 =	rddreg [dreg:$0x0]  }
0x2: {  	s2 =	rddreg [dreg:$0x1];
	s11 =	stileid.u32  }
0x3: {  	s1 =	srdreg.scid;
	s3 =	simm.s32 $0x0;
	s6 =	smul.u32 $0x280, s11  }
0x4: {  	s29 =	simm.s32 $0x80;
	s1 =	sand.u32 $0x1, s1;
	s26 =	smul.u32 $0x50000, s11  }
0x5: {  	[smem:$0x7FF] =	sst s3;
	s16 =	smul.u32 $0x2710, s11;
	s5 =	sshll.u32 s1, $0x4  }
0x6: {  	s4 =	sadd.s32 $0x16600, s0;
	s7 =	smul.u32 $0x2800, s1;
	s8 =	sor.u32 s11, s5  }
0x7: {  	_ =	strace $0x8000004D;
	s5 =	sadd.s32 $0x2A00, s0;
	s9 =	smul.u32 $0x2710, s8  }
0x8: {  	s20 =	ssub.s32 $0x2, s1;
	s6 =	sadd.s32 s6, s7;
	[dreg:$0x1e] =	wrdreg s5  }
0x9: {  	s7 =	sadd.s32 $0xC800, s0;
	[dreg:$0x3] =	wrdreg s9;
	s9 =	sshrl.u32 s9, $0x3  }
0xa: {  	s6 =	sshll.u32 s6, $0x4;
	[dreg:$0x1f] =	wrdreg s7;
	s22 =	sadd.s32 s5, s9  }
0xb: {  	s0 =	sadd.s32 s6, s0;
	s10 =	sadd.s32 s7, s9;
	[dreg:$0x4] =	wrdreg s22  }
0xc: {  	s1 =	smul.u32 $0x27100, s1;
	s15 =	sadd.s32 $0x3D800, s0;
	[dreg:$0x5] =	wrdreg s10  }
0xd: {  	s21 =	sshrl.u32 s20, $0x1;
	s17 =	sadd.s32 $0x3DD00, s0;
	[dreg:$0xd] =	wrdreg s15  }
0xe: {  	s14 =	sshrl.u32 s26, $0x2;
	s18 =	sadd.s32 $0x3E200, s0;
	[dreg:$0xe] =	wrdreg s17  }
0xf: {  	s1 =	sadd.s32 s16, s1;
	s19 =	sadd.s32 $0x3E700, s0;
	[dreg:$0xf] =	wrdreg s18  }
0x10: {  	s6 =	ssub.s32 s20, s21;
	s20 =	sadd.s32 $0x3EC00, s0;
	[dreg:$0x10] =	wrdreg s19  }
0x11: {  	s23 =	sadd.s32 $0xA, s9;
	s21 =	sadd.s32 $0x3F100, s0;
	[dreg:$0x11] =	wrdreg s20  }
0x12: {  	s25 =	sadd.s32 $0x14, s9;
	s6 =	smax.u32 s6, $0x1;
	[dreg:$0x12] =	wrdreg s21  }
0x13: {  	s9 =	sadd.s32 $0x1E, s9;
	s24 =	sadd.s32 s5, s23;
	[dreg:$0x15] =	wrdreg s6  }
0x14: {  	s8 =	sadd.s32 s7, s23;
	s12 =	sadd.s32 s5, s25;
	[dreg:$0x6] =	wrdreg s24  }
0x15: {  	s13 =	sadd.s32 s7, s9;
	s10 =	sadd.s32 s14, s2;
	[dreg:$0x7] =	wrdreg s8  }
0x16: {  	s22 =	sadd.s32 $0x3F600, s0;
	s0 =	sadd.s32 $0x3FB00, s0;
	[dreg:$0x8] =	wrdreg s12  }
0x17: {  	s23 =	sadd.s32 $0x1E0, s1;
	s15 =	simm.s32 $0x1;
	[dreg:$0xb] =	wrdreg s13  }
0x18: {  	s17 =	simm.s32 $0x50;
	s21 =	simm.s32 $0x9;
	[dreg:$0x13] =	wrdreg s22  }
0x19: {  	s8 =	sadd.s32 s7, s25;
	s12 =	sadd.s32 s5, s9;
	[dreg:$0x14] =	wrdreg s0  }
0x1a: {  	s0 =	sshrl.u32 s23, $0x3;
	s24 =	sadd.s32 $0x230, s1;
	s1 =	sadd.s32 $0x140, s1  }
0x1b: {  	s14 =	sadd.s32 $0x2800, s10;
	s23 =	sadd.s32 $0x5000, s10;
	[dreg:$0x9] =	wrdreg s8  }
0x1c: {  	s28 =	sadd.s32 $0xA000, s10;
	s20 =	sadd.s32 $0xC800, s10;
	[dreg:$0xa] =	wrdreg s12  }
0x1d: {  	s16 =	sadd.s32 $0xF000, s10;
	s22 =	simm.s32 $0xA;
	[dreg:$0x16] =	wrdreg s1  }
0x1e: {  	s13 =	simm.s32 $0x5;
	s9 =	simm.s32 $0x8;
	[dreg:$0x17] =	wrdreg s14  }
0x1f: {  	s25 =	sshrl.u32 s24, $0x3;
	s30 =	sadd.s32 s0, s7;
	[dreg:$0x18] =	wrdreg s23  }
0x20: {  	s31 =	sadd.s32 s0, s5;
	s24 =	sadd.s32 $0x7800, s10;
	[dreg:$0x1a] =	wrdreg s28  }
.Ltmp0:
0x21: {  	s12 =	sadd.s32 $0x11800, s10;
	[dreg:$0x1b] =	wrdreg s20;
	(pc) =	sbr.rel .LBB2_1-.Ltmp0, $4  }
0x22: {  	s0 =	simm.s32 $0x4;
	s1 =	simm.s32 $0x6;
	[dreg:$0x1c] =	wrdreg s16  }
0x23: {  	s8 =	simm.s32 $0x7;
	s26 =	sadd.s32 s25, s7;
	[dreg:$0x19] =	wrdreg s24  }
0x24: {  	s7 =	smov.u32 s10;
	s18 =	sadd.s32 s25, s5;
	[dreg:$0x1d] =	wrdreg s12  }
0x25: {  	v0 =	vimm.f32 $0.0e+00;
	s25 =	simm.s32 $0x3;
	s5 =	simm.s32 $0x0;
	[dreg:$0xc] =	wrdreg s7  }
.LBB2_8:
0x26: {  	s29 =	simm.s32 $0xB  }
0x27: {  	_ =	swait.ge [sflag:s29], $0x2800  }
0x28: {  	[sflag:s29] =	ssyncset.done $0x0  }
0x29: {  	[sflag:s29] =	ssyncadd.s32 $0xFFFFD800  }
0x2a: {  	_ =	swait.ge [sflag:s13], $0x2800  }
0x2b: {  	[sflag:s13] =	ssyncset.done $0x0  }
0x2c: {  	s5 =	simm.s32 $0x600;
	s19 =	simm.s32 $0xC;
	[sflag:s13] =	ssyncadd.s32 $0xFFFFD800  }
0x2d: {  	[spmem:s2] =	stream.indirect.scatter.add.f32 [tilespmem:s28], [sflag:$0x9], $0x80, s5, s17, $0xb8;
	[tilespmem:$0x1E800] =	vst v63  }
0x2e: {  	_ =	swait.ge [sflag:s19], $0x2800  }
0x2f: {  	[sflag:s19] =	ssyncset.done $0x0  }
0x30: {  	[sflag:s19] =	ssyncadd.s32 $0xFFFFD800  }
0x31: {  	_ =	swait.ge [sflag:s21], $0x2800  }
0x32: {  	[sflag:s21] =	ssyncset.done $0x0  }
0x33: {  	[sflag:s21] =	ssyncadd.s32 $0xFFFFD800  }
0x34: {  	s6 =	stileid.u32;
	[bflag:$0x0] =	sbarrier.arrive $0xFFFF  }
0x35: {  	s6 =	sshll.u32 s6, $0x6;
	s7 =	rddreg [dreg:$0xc]  }
0x36: {  	s10 =	sor.u32 $0x1C09, s6;
	s12 =	rddreg [dreg:$0xd];
	s11 =	sshrl.u32 s7, $0x3  }
0x37: {  	[hbm:s12], [sflag:s10] =	dma.local [spmem:s11], $0x500  }
0x38: {  	s14 =	rddreg [dreg:$0x17]  }
0x39: {  	s11 =	sor.u32 $0x1C0A, s6;
	s16 =	rddreg [dreg:$0xe];
	s23 =	sshrl.u32 s14, $0x3  }
0x3a: {  	[hbm:s16], [sflag:s11] =	dma.local [spmem:s23], $0x500  }
0x3b: {  	s23 =	rddreg [dreg:$0x18]  }
0x3c: {  	s12 =	sor.u32 $0x1C0B, s6;
	s20 =	rddreg [dreg:$0xf];
	s24 =	sshrl.u32 s23, $0x3  }
0x3d: {  	[hbm:s20], [sflag:s12] =	dma.local [spmem:s24], $0x500  }
0x3e: {  	s24 =	rddreg [dreg:$0x19]  }
0x3f: {  	s6 =	sor.u32 $0x1C0C, s6;
	s20 =	rddreg [dreg:$0x10];
	s5 =	sshrl.u32 s24, $0x3  }
0x40: {  	[hbm:s20], [sflag:s6] =	dma.local [spmem:s5], $0x500  }
0x41: {  	s28 =	rddreg [dreg:$0x1a]  }
0x42: {  	s20 =	rddreg [dreg:$0x11];
	s5 =	sshrl.u32 s28, $0x3  }
0x43: {  	[hbm:s20], [sflag:s10] =	dma.local [spmem:s5], $0x500  }
0x44: {  	s20 =	rddreg [dreg:$0x1b]  }
0x45: {  	s16 =	rddreg [dreg:$0x12];
	s5 =	sshrl.u32 s20, $0x3  }
0x46: {  	[hbm:s16], [sflag:s11] =	dma.local [spmem:s5], $0x500  }
0x47: {  	s16 =	rddreg [dreg:$0x1c]  }
0x48: {  	s11 =	rddreg [dreg:$0x13];
	s5 =	sshrl.u32 s16, $0x3  }
0x49: {  	[hbm:s11], [sflag:s12] =	dma.local [spmem:s5], $0x500  }
0x4a: {  	s12 =	rddreg [dreg:$0x1d]  }
0x4b: {  	s11 =	rddreg [dreg:$0x14];
	s5 =	sshrl.u32 s12, $0x3  }
0x4c: {  	[hbm:s11], [sflag:s6] =	dma.local [spmem:s5], $0x500  }
0x4d: {  	_ =	swait.ge [sflag:s21], $0x500  }
0x4e: {  	[sflag:s21] =	ssyncset.done $0x0  }
0x4f: {  	[sflag:s21] =	ssyncadd.s32 $0xFFFFFB00  }
0x50: {  	_ =	swait.ge [sflag:s22], $0x500  }
0x51: {  	[sflag:s22] =	ssyncset.done $0x0  }
0x52: {  	[sflag:s22] =	ssyncadd.s32 $0xFFFFFB00  }
0x53: {  	_ =	swait.ge [sflag:s29], $0x500  }
0x54: {  	[sflag:s29] =	ssyncset.done $0x0  }
0x55: {  	[sflag:s29] =	ssyncadd.s32 $0xFFFFFB00  }
0x56: {  	_ =	swait.ge [sflag:s19], $0x500  }
0x57: {  	[sflag:s19] =	ssyncset.done $0x0  }
0x58: {  	[sflag:s19] =	ssyncadd.s32 $0xFFFFFB00  }
0x59: {  	_ =	swait.ge [sflag:s21], $0x500  }
0x5a: {  	[sflag:s21] =	ssyncset.done $0x0  }
0x5b: {  	[sflag:s21] =	ssyncadd.s32 $0xFFFFFB00  }
0x5c: {  	_ =	swait.ge [sflag:s22], $0x500  }
0x5d: {  	[sflag:s22] =	ssyncset.done $0x0  }
0x5e: {  	[sflag:s22] =	ssyncadd.s32 $0xFFFFFB00  }
0x5f: {  	_ =	swait.ge [sflag:s29], $0x500  }
0x60: {  	[sflag:s29] =	ssyncset.done $0x0  }
0x61: {  	[sflag:s29] =	ssyncadd.s32 $0xFFFFFB00  }
0x62: {  	_ =	swait.ge [sflag:s19], $0x500  }
0x63: {  	s10 =	sld [smem:$0x7FD];
	_ =	sdelay $0x2  }
0x64: {  	s11 =	rddreg [dreg:$0x15];
	s5 =	sadd.s32 $0x1, s10  }
0x65: {  	p0 =	sne.s32 s5, s11  }
.Ltmp1:
0x66: {  	_ = 	snop;
	(pc) =	sbr.rel @!p0 .LBB2_9-.Ltmp1, $3  }
0x67: {  	_ =	sdelay $0x1  }
0x68: {  	[sflag:s19] =	ssyncset.done $0x0  }
0x69: {  	s29 =	simm.s32 $0x80;
	[sflag:s19] =	ssyncadd.s32 $0xFFFFFB00  }
.LBB2_1:
0x6a: {  	[smem:$0x7FD] =	sst s5  }
0x6b: {  	s6 =	rddreg [dreg:$0x4]  }
0x6c: {  	[tilespmem:s3], [sflag:$0x1] =	stream.linear.gather [hbm4b:s6+s3], $0x50, $0x38;
	[tilespmem:$0x1E800] =	vst v63  }
0x6d: {  	s19 =	rddreg [dreg:$0x5];
	s10 =	simm.s32 $0x400  }
0x6e: {  	[tilespmem:s10], [sflag:$0x1] =	stream.linear.gather [hbm4b:s19+s3], $0x50, $0x38;
	[tilespmem:$0x1E800] =	vst v63  }
0x6f: {  	s5 =	rddreg [dreg:$0x6]  }
0x70: {  	[tilespmem:s29], [sflag:$0x2] =	stream.linear.gather [hbm4b:s5+s3], $0x50, $0x38;
	[tilespmem:$0x1E800] =	vst v63  }
0x71: {  	s11 =	simm.s32 $0x480;
	s10 =	rddreg [dreg:$0x7]  }
0x72: {  	[tilespmem:s11], [sflag:$0x2] =	stream.linear.gather [hbm4b:s10+s3], $0x50, $0x38;
	[tilespmem:$0x1E800] =	vst v63  }
0x73: {  	s19 =	rddreg [dreg:$0x8];
	s5 =	simm.s32 $0x100  }
0x74: {  	[tilespmem:s5], [sflag:$0x3] =	stream.linear.gather [hbm4b:s19+s3], $0x50, $0x38;
	[tilespmem:$0x1E800] =	vst v63  }
0x75: {  	s10 =	rddreg [dreg:$0x9];
	s11 =	simm.s32 $0x500  }
0x76: {  	[tilespmem:s11], [sflag:$0x3] =	stream.linear.gather [hbm4b:s10+s3], $0x50, $0x38;
	[tilespmem:$0x1E800] =	vst v63  }
0x77: {  	s6 =	simm.s32 $0x0;
	s19 =	rddreg [dreg:$0xa];
	s5 =	simm.s32 $0x180  }
0x78: {  	[tilespmem:s5], [sflag:$0x4] =	stream.linear.gather [hbm4b:s19+s3], $0x50, $0x38;
	[tilespmem:$0x1E800] =	vst v63  }
0x79: {  	s11 =	rddreg [dreg:$0xb];
	s10 =	simm.s32 $0x200;
	s19 =	simm.s32 $0x580  }
0x7a: {  	[tilespmem:s19], [sflag:$0x4] =	stream.linear.gather [hbm4b:s11+s3], $0x50, $0x38;
	[tilespmem:$0x1E800] =	vst v63  }
.LBB2_2:
0x7b: {  	p0 =	sne.s32 s10, $0x9E00;
	[tilespmem:s6+$0x8070] =	vst v0  }
0x7c: {  	[tilespmem:s6+$0x8000] =	vst v0  }
0x7d: {  	[tilespmem:s6+$0x8010] =	vst v0  }
.Ltmp2:
0x7e: {  	[tilespmem:s6+$0x8020] =	vst v0;
	(pc) =	sbr.rel @p0 .LBB2_2-.Ltmp2, $4  }
0x7f: {  	[tilespmem:s6+$0x8030] =	vst v0  }
0x80: {  	[tilespmem:s6+$0x8040] =	vst v0  }
0x81: {  	[tilespmem:s6+$0x8050] =	vst v0  }
0x82: {  	[tilespmem:s6+$0x8060] =	vst v0;
	s6 =	sshra.s32 s10, $0x2;
	s10 =	sadd.s32 $0x200, s10  }
0x83: {  	[tilespmem:s6+$0x8070] =	vst v0  }
0x84: {  	[tilespmem:s6+$0x8000] =	vst v0  }
0x85: {  	[tilespmem:s6+$0x8010] =	vst v0  }
0x86: {  	[tilespmem:s6+$0x8020] =	vst v0  }
0x87: {  	[tilespmem:s6+$0x8030] =	vst v0  }
0x88: {  	[tilespmem:s6+$0x8040] =	vst v0  }
0x89: {  	[tilespmem:s6+$0x8050] =	vst v0  }
0x8a: {  	[tilespmem:s6+$0x8060] =	vst v0;
	s19 =	simm.s32 $0x8000  }
0x8b: {  	[spmem:s7] =	stream.linear.scatter [tilespmem:s19], [sflag:$0x9], $0x2800, $0x38;
	[tilespmem:$0x1E800] =	vst v63  }
0x8c: {  	_ = 	snop  }
0x8d: {  	[spmem:s14] =	stream.linear.scatter [tilespmem:s19], [sflag:$0xA], $0x2800, $0x38;
	[tilespmem:$0x1E800] =	vst v63  }
0x8e: {  	_ = 	snop  }
0x8f: {  	[spmem:s23] =	stream.linear.scatter [tilespmem:s19], [sflag:$0xB], $0x2800, $0x38;
	[tilespmem:$0x1E800] =	vst v63  }
0x90: {  	_ = 	snop  }
0x91: {  	[spmem:s24] =	stream.linear.scatter [tilespmem:s19], [sflag:$0xC], $0x2800, $0x38;
	[tilespmem:$0x1E800] =	vst v63  }
0x92: {  	_ = 	snop  }
0x93: {  	[spmem:s28] =	stream.linear.scatter [tilespmem:s19], [sflag:$0x9], $0x2800, $0x38;
	[tilespmem:$0x1E800] =	vst v63  }
0x94: {  	_ = 	snop  }
0x95: {  	[spmem:s20] =	stream.linear.scatter [tilespmem:s19], [sflag:$0xA], $0x2800, $0x38;
	[tilespmem:$0x1E800] =	vst v63  }
0x96: {  	_ = 	snop  }
0x97: {  	[spmem:s16] =	stream.linear.scatter [tilespmem:s19], [sflag:$0xB], $0x2800, $0x38;
	[tilespmem:$0x1E800] =	vst v63  }
0x98: {  	_ = 	snop  }
0x99: {  	[spmem:s12] =	stream.linear.scatter [tilespmem:s19], [sflag:$0xC], $0x2800, $0x38;
	[tilespmem:$0x1E800] =	vst v63  }
0x9a: {  	_ =	swait.ge [sflag:s15], $0x50  }
0x9b: {  	[sflag:s15] =	ssyncset.done $0x0  }
0x9c: {  	[sflag:s15] =	ssyncadd.s32 $0xFFFFFFB0  }
0x9d: {  	_ =	swait.ge [sflag:s15], $0x50  }
0x9e: {  	s11 =	simm.s32 $0x0;
	[sflag:s15] =	ssyncset.done $0x0  }
0x9f: {  	s23 =	simm.s32 $0x2;
	s28 =	simm.s32 $0x800;
	[sflag:s15] =	ssyncadd.s32 $0xFFFFFFB0  }
0xa0: {  	[tilespmem:s28], [sflag:$0x5] =	stream.indirect.gather [hbm4b:s4+s17], $0x80, s11, s17, $0xb8;
	[tilespmem:$0x1E800] =	vst v63  }
0xa1: {  	_ =	swait.ge [sflag:s23], $0x50  }
0xa2: {  	[sflag:s23] =	ssyncset.done $0x0  }
0xa3: {  	[sflag:s23] =	ssyncadd.s32 $0xFFFFFFB0  }
0xa4: {  	_ =	swait.ge [sflag:s23], $0x50  }
0xa5: {  	[sflag:s23] =	ssyncset.done $0x0  }
0xa6: {  	s24 =	simm.s32 $0x3000;
	[sflag:s23] =	ssyncadd.s32 $0xFFFFFFB0  }
0xa7: {  	[tilespmem:s24], [sflag:$0x6] =	stream.indirect.gather [hbm4b:s4+s17], $0x80, s29, s17, $0xb8;
	[tilespmem:$0x1E800] =	vst v63  }
0xa8: {  	_ =	swait.ge [sflag:s21], $0x2800  }
0xa9: {  	[sflag:s21] =	ssyncset.done $0x0  }
0xaa: {  	[sflag:s21] =	ssyncadd.s32 $0xFFFFD800  }
0xab: {  	_ =	swait.ge [sflag:s22], $0x2800  }
0xac: {  	[sflag:s22] =	ssyncset.done $0x0  }
0xad: {  	s29 =	simm.s32 $0xB;
	[sflag:s22] =	ssyncadd.s32 $0xFFFFD800  }
0xae: {  	_ =	swait.ge [sflag:s29], $0x2800  }
0xaf: {  	[sflag:s29] =	ssyncset.done $0x0  }
0xb0: {  	s10 =	simm.s32 $0xC;
	[sflag:s29] =	ssyncadd.s32 $0xFFFFD800  }
0xb1: {  	_ =	swait.ge [sflag:s10], $0x2800  }
0xb2: {  	[sflag:s10] =	ssyncset.done $0x0  }
0xb3: {  	[sflag:s10] =	ssyncadd.s32 $0xFFFFD800  }
0xb4: {  	_ =	swait.ge [sflag:s21], $0x2800  }
0xb5: {  	[sflag:s21] =	ssyncset.done $0x0  }
0xb6: {  	[sflag:s21] =	ssyncadd.s32 $0xFFFFD800  }
0xb7: {  	_ =	swait.ge [sflag:s22], $0x2800  }
0xb8: {  	[sflag:s22] =	ssyncset.done $0x0  }
0xb9: {  	[sflag:s22] =	ssyncadd.s32 $0xFFFFD800  }
0xba: {  	_ =	swait.ge [sflag:s29], $0x2800  }
0xbb: {  	[sflag:s29] =	ssyncset.done $0x0  }
0xbc: {  	[sflag:s29] =	ssyncadd.s32 $0xFFFFD800  }
.Ltmp3:
0xbd: {  	_ =	swait.ge [sflag:s10], $0x2800;
	(pc) =	sbr.rel .LBB2_4-.Ltmp3, $4  }
0xbe: {  	[sflag:s10] =	ssyncset.done $0x0  }
0xbf: {  	[sflag:s10] =	ssyncadd.s32 $0xFFFFD800  }
0xc0: {  	s5 =	simm.s32 $0x5800;
	s16 =	simm.s32 $0x5;
	[bflag:$0x0] =	sbarrier.arrive $0xFFFF  }
0xc1: {  	s12 =	simm.s32 $0x380;
	s10 =	simm.s32 $0x0;
	s19 =	rddreg [dreg:$0x16]  }
.LBB2_6:
0xc2: {  	s24 =	smov.u32 s16  }
0xc3: {  	s24 =	simm.s32 @p1 $0x5  }
0xc4: {  	s29 =	rddreg [dreg:$0x3];
	s28 =	smul.u32 $0x50, s24  }
0xc5: {  	s20 =	sor.u32 $0x600, s20;
	p0 =	por $0x0, $0x0;
	s5 =	sshll.u32 s24, $0x7  }
0xc6: {  	s28 =	sadd.s32 s29, s28;
	s29 =	sand.u32 $0x280, s5;
	s5 =	smov.u32 s14  }
0xc7: {  	s14 =	smov.u32 s18;
	s18 =	smov.u32 s26;
	s28 =	sshrl.u32 s28, $0x3  }
0xc8: {  	s26 =	smov.u32 s31;
	s31 =	smov.u32 s30;
	s30 =	sadd.s32 s7, s28  }
0xc9: {  	[tilespmem:s29], [sflag:$0x2] =	stream.linear.gather [hbm4b:s30+s3], $0x50, $0x38;
	[tilespmem:$0x1E800] =	vst v63  }
0xca: {  	s28 =	sadd.s32 s5, s28;
	s30 =	smov.u32 s31;
	s31 =	smov.u32 s26  }
0xcb: {  	s26 =	smov.u32 s18;
	s18 =	smov.u32 s14;
	s29 =	sor.u32 $0x400, s29  }
0xcc: {  	[tilespmem:s29], [sflag:$0x2] =	stream.linear.gather [hbm4b:s28+s3], $0x50, $0x38;
	[tilespmem:$0x1E800] =	vst v63  }
.LBB2_7:
0xcd: {  	_ =	swait.ge [sflag:s0], $0x50  }
0xce: {  	[sflag:s0] =	ssyncset.done $0x0  }
0xcf: {  	[sflag:s0] =	ssyncadd.s32 $0xFFFFFFB0  }
0xd0: {  	_ =	swait.ge [sflag:s0], $0x50  }
0xd1: {  	[sflag:s0] =	ssyncset.done $0x0  }
0xd2: {  	s20 =	sshrl.u32 s20, $0x2;
	s14 =	simm.s32 $0x8000;
	[sflag:s0] =	ssyncadd.s32 $0xFFFFFFB0  }
0xd3: {  	[tilespmem:s14], [sflag:$0x8] =	stream.indirect.gather [hbm4b:s4+s17], $0x80, s20, s17, $0xb8;
	[tilespmem:$0x1E800] =	vst v63  }
0xd4: {  	_ =	swait.ge [sflag:s1], $0x2800  }
0xd5: {  	[sflag:s1] =	ssyncset.done $0x0  }
0xd6: {  	s6 =	sadd.s32 $0x480, s6;
	s28 =	simm.s32 $0x3000;
	[sflag:s1] =	ssyncadd.s32 $0xFFFFD800  }
0xd7: {  	[spmem:s2] =	stream.indirect.scatter.add.f32 [tilespmem:s28], [sflag:$0xA], $0x80, s6, s17, $0xb8;
	[tilespmem:$0x1E800] =	vst v63  }
0xd8: {  	_ =	swait.ge [sflag:s21], $0x2800  }
0xd9: {  	s29 =	simm.s32 @!p0 $0x0;
	s6 =	sadd.s32 @!p0 $0xFFFFFF80, s12;
	[sflag:s21] =	ssyncset.done $0x0  }
0xda: {  	s28 =	sadd.s32 @!p0 s11, s31;
	s6 =	sand.u32 @!p0 $0x300, s6;
	[sflag:s21] =	ssyncadd.s32 $0xFFFFD800  }
0xdb: {  	[tilespmem:s6], [sflag:$0x3] =	stream.linear.gather @!p0 [hbm4b:s28+s29], $0x50, $0x38;
	[tilespmem:$0x1E800] =	vst v63  }
0xdc: {  	s6 =	sor.u32 @!p0 $0x400, s6;
	s28 =	sadd.s32 @!p0 s11, s30  }
0xdd: {  	[tilespmem:s6], [sflag:$0x3] =	stream.linear.gather @!p0 [hbm4b:s28+s29], $0x50, $0x38;
	[tilespmem:$0x1E800] =	vst v63  }
0xde: {  	_ =	swait.ge [sflag:s15], $0x50  }
0xdf: {  	[sflag:s15] =	ssyncset.done $0x0  }
0xe0: {  	[sflag:s15] =	ssyncadd.s32 $0xFFFFFFB0  }
0xe1: {  	s7 =	sxor.u32 $0xFFFFFFFF, s10;
	_ =	swait.ge [sflag:s15], $0x50  }
0xe2: {  	s6 =	sand.u32 $0x800, s7;
	[sflag:s15] =	ssyncset.done $0x0  }
0xe3: {  	s28 =	simm.s32 $0x800;
	s6 =	sshrl.u32 s6, $0x2;
	[sflag:s15] =	ssyncadd.s32 $0xFFFFFFB0  }
0xe4: {  	[tilespmem:s28], [sflag:$0x5] =	stream.indirect.gather [hbm4b:s4+s17], $0x80, s6, s17, $0xb8;
	[tilespmem:$0x1E800] =	vst v63  }
0xe5: {  	_ =	swait.ge [sflag:s8], $0x2800  }
0xe6: {  	[sflag:s8] =	ssyncset.done $0x0  }
0xe7: {  	s23 =	sor.u32 $0x400, s23;
	s5 =	simm.s32 $0x5800;
	[sflag:s8] =	ssyncadd.s32 $0xFFFFD800  }
0xe8: {  	[spmem:s2] =	stream.indirect.scatter.add.f32 [tilespmem:s5], [sflag:$0xB], $0x80, s23, s17, $0xb8;
	[tilespmem:$0x1E800] =	vst v63  }
0xe9: {  	_ =	swait.ge [sflag:s22], $0x2800  }
0xea: {  	[sflag:s22] =	ssyncset.done $0x0  }
0xeb: {  	s6 =	sand.u32 @!p0 $0x380, s12;
	s23 =	sadd.s32 @!p0 s11, s18;
	[sflag:s22] =	ssyncadd.s32 $0xFFFFD800  }
0xec: {  	[tilespmem:s6], [sflag:$0x4] =	stream.linear.gather @!p0 [hbm4b:s23+s29], $0x50, $0x38;
	[tilespmem:$0x1E800] =	vst v63  }
0xed: {  	s6 =	sor.u32 @!p0 $0x400, s6;
	s23 =	sadd.s32 @!p0 s11, s26  }
0xee: {  	[tilespmem:s6], [sflag:$0x4] =	stream.linear.gather @!p0 [hbm4b:s23+s29], $0x50, $0x38;
	[tilespmem:$0x1E800] =	vst v63  }
0xef: {  	s6 =	simm.s32 @!p0 $0x2  }
0xf0: {  	_ =	swait.ge @!p0 [sflag:s6], $0x50  }
0xf1: {  	[sflag:s6] =	ssyncset.done @!p0 $0x0  }
0xf2: {  	[sflag:s6] =	ssyncadd.s32 @!p0 $0xFFFFFFB0  }
0xf3: {  	_ =	swait.ge @!p0 [sflag:s6], $0x50  }
0xf4: {  	[sflag:s6] =	ssyncset.done @!p0 $0x0  }
0xf5: {  	s11 =	sadd.s32 $0x28, s11;
	[sflag:s6] =	ssyncadd.s32 @!p0 $0xFFFFFFB0;
	s6 =	sshll.u32 @!p0 s24, $0x7  }
0xf6: {  	s23 =	simm.s32 @!p0 $0x50;
	s24 =	simm.s32 @!p0 $0x3000;
	s6 =	sand.u32 @!p0 $0x280, s6  }
0xf7: {  	[tilespmem:s24], [sflag:$0x6] =	stream.indirect.gather @!p0 [hbm4b:s4+s23], $0x80, s6, s23, $0xb8;
	[tilespmem:$0x1E800] =	vst v63  }
0xf8: {  	p0 =	sne.s32 s11, $0x4D8  }
.Ltmp4:
0xf9: {  	_ = 	snop;
	(pc) =	sbr.rel @!p0 .LBB2_8-.Ltmp4, $4  }
0xfa: {  	s10 =	sadd.s32 $0x800, s10;
	_ =	swait.ge [sflag:s9], $0x2800  }
0xfb: {  	s19 =	sadd.s32 $0x140, s19;
	s16 =	sadd.s32 $0x4, s16;
	[sflag:s9] =	ssyncset.done $0x0  }
0xfc: {  	s12 =	sadd.s32 $0x200, s12;
	s29 =	sor.u32 $0x400, s20;
	[sflag:s9] =	ssyncadd.s32 $0xFFFFD800  }
0xfd: {  	[spmem:s2] =	stream.indirect.scatter.add.f32 [tilespmem:s14], [sflag:$0xC], $0x80, s29, s17, $0xb8;
	[tilespmem:$0x1E800] =	vst v63  }
.LBB2_4:
0xfe: {  	p1 =	seq.s32 s11, $0x0  }
0xff: {  	s6 =	simm.s32 @!p1 $0xB  }
0x100: {  	s20 =	sadd.s32 $0xFFFFFE80, s12;
	_ =	swait.ge @!p1 [sflag:s6], $0x2800  }
0x101: {  	s23 =	sshrl.u32 s19, $0x3;
	[sflag:s6] =	ssyncset.done @!p1 $0x0;
	s7 =	rddreg [dreg:$0x1e]  }
0x102: {  	s29 =	sand.u32 $0x200, s20;
	[sflag:s6] =	ssyncadd.s32 @!p1 $0xFFFFD800;
	s14 =	sadd.s32 s7, s23  }
0x103: {  	[tilespmem:s29], [sflag:$0x1] =	stream.linear.gather [hbm4b:s14+s3], $0x50, $0x38;
	[tilespmem:$0x1E800] =	vst v63  }
0x104: {  	s14 =	rddreg [dreg:$0x1f]  }
0x105: {  	s6 =	sor.u32 $0x400, s29;
	s24 =	sadd.s32 s14, s23  }
0x106: {  	[tilespmem:s6], [sflag:$0x1] =	stream.linear.gather [hbm4b:s24+s3], $0x50, $0x38;
	[tilespmem:$0x1E800] =	vst v63  }
0x107: {  	_ =	swait.ge [sflag:s25], $0x50  }
0x108: {  	[sflag:s25] =	ssyncset.done $0x0  }
0x109: {  	[sflag:s25] =	ssyncadd.s32 $0xFFFFFFB0  }
0x10a: {  	s20 =	sand.u32 $0x800, s10;
	_ =	swait.ge [sflag:s25], $0x50  }
0x10b: {  	s29 =	sor.u32 $0x400, s20;
	[sflag:s25] =	ssyncset.done $0x0  }
0x10c: {  	s23 =	sshrl.u32 s29, $0x2;
	[sflag:s25] =	ssyncadd.s32 $0xFFFFFFB0  }
0x10d: {  	[tilespmem:s5], [sflag:$0x7] =	stream.indirect.gather [hbm4b:s4+s17], $0x80, s23, s17, $0xb8;
	[tilespmem:$0x1E800] =	vst v63  }
0x10e: {  	_ =	swait.ge [sflag:s13], $0x2800  }
0x10f: {  	p0 =	seq.s32 @!p1 s11, $0x4B0;
	s6 =	sshrl.u32 s20, $0x2;
	[sflag:s13] =	ssyncset.done $0x0  }
0x110: {  	p0 =	por p1, !p0;
	s24 =	sor.u32 $0x400, s6;
	[sflag:s13] =	ssyncadd.s32 $0xFFFFD800  }
0x111: {  	[spmem:s2] =	stream.indirect.scatter.add.f32 [tilespmem:s28], [sflag:$0x9], $0x80, s24, s17, $0xb8;
	[tilespmem:$0x1E800] =	vst v63  }
.Ltmp5:
0x112: {  	_ = 	snop;
	(pc) =	sbr.rel @p0 .LBB2_6-.Ltmp5, $4  }
0x113: {  	s24 =	simm.s32 @!p1 $0xC  }
0x114: {  	_ =	swait.ge @!p1 [sflag:s24], $0x2800  }
0x115: {  	[sflag:s24] =	ssyncset.done @!p1 $0x0  }
0x116: {  	[sflag:s24] =	ssyncadd.s32 @!p1 $0xFFFFD800  }
.Ltmp6:
0x117: {  	(pc) =	sbr.rel .LBB2_7-.Ltmp6, $2  }
0x118: {  	_ =	sdelay $0x2  }
0x119: {  	p0 =	por @!p1 $0x1, $0x1;
	s20 =	simm.s32 @!p1 $0x600;
	s24 =	smov.u32 s16  }
.LBB2_9:
0x11a: {  	_ =	sfence.sel $0x180000  }
0x11b: {  	[bflag:$0x0] =	sbarrier.arrive $0xFFFF  }
0x11c: {  	_ =	strace $0x9000004D  }
0x11d: {  	s0 =	stileid.u32;
	[bflag:$0x2] =	sbarrier.arrive $0xFFFF  }
0x11e: {  	p0 =	sne.s32 s0, $0x0;
	s0 =	rddreg [dreg:$0x2]  }
0x11f: {  	s0 =	sadd.s32 @!p0 $0x100000, s0  }
0x120: {  	[sflag:s0] =	ssyncadd.tile.s32 @!p0 $0x1;
	_ =	shalt  }
.Lfunc_end2:
_tile_overlayer_lowered:
.L_overlay_start_2:
0x121: {  	(tag) =	ssettag $0x2  }
0x122: {  	s0 =	rddreg [dreg:$0x0];
	s2 =	stileid.u32  }
0x123: {  	s1 =	rddreg [dreg:$0x1];
	p0 =	sne.s32 s2, $0x0  }
0x124: {  	s3 =	rddreg [dreg:$0x2];
	[bflag:$0x3] =	sbarrier.arrive $0xFFFF;
	s2 =	simm.s32 @!p0 $0x1C0D  }
0x125: {  	[timem:s3], [sflag:s2] =	dma.local @!p0 [hbm:s0], s1  }
0x126: {  	s0 =	simm.s32 @!p0 $0xD  }
0x127: {  	_ =	swait.ge @!p0 [sflag:s0], s1  }
0x128: {  	s1 =	ssub.s32 @!p0 $0x0, s1;
	[sflag:s0] =	ssyncset.done @!p0 $0x0  }
0x129: {  	[sflag:s0] =	ssyncadd.s32 @!p0 s1  }
0x12a: {  	[bflag:$0x3] =	sbarrier.arrive $0xFFFF  }
0x12b: {  	_ =	shalt  }

// kernel: kernel.8.cloned.1.call-start
scs
__scs_entry_jumppad:
0x0: {  	(pc) =	sbr.rel $0x88, $3  }
0x1: {  	(tag) =	ssettag $0x0;
	lr =	simm.s32 $0x1  }
0x2: {  	[smem:$0x3F9A] =	sst lr;
	_ =	strace $0xD0000000  }
0x3: {  	_ = 	snop  }
0x4: {  	_ = 	snop  }
0x5: {  	_ = 	snop  }
0x6: {  	_ = 	snop  }
0x7: {  	_ = 	snop  }
__scs_overlays_trampoline_lowered:
0x8: {  	[smem:$0x3FA9] =	sst s0  }
0x9: {  	[smem:$0x3FAA] =	sst s1  }
0xa: {  	[smem:$0x3FAB] =	sst s2  }
0xb: {  	[smem:$0x3FAC] =	sst s3  }
0xc: {  	[smem:$0x3FAD] =	sst s4  }
0xd: {  	[smem:$0x3FAE] =	sst s5  }
0xe: {  	[smem:$0x3FAF] =	sst s6  }
0xf: {  	[smem:$0x3FB0] =	sst s7  }
0x10: {  	[smem:$0x3FB1] =	sst s8  }
0x11: {  	[smem:$0x3FB2] =	sst s9;
	s0 =	simm.s32 @!p0 $0x0  }
0x12: {  	s1 =	sld [smem:$0x3F98];
	s0 =	simm.s32 @p0 $0x1  }
0x13: {  	[smem:$0x3FB3] =	sst s0;
	s0 =	simm.s32 @!p1 $0x0  }
0x14: {  	s2 =	sld [smem:$0x3F97];
	s0 =	simm.s32 @p1 $0x1  }
0x15: {  	[smem:$0x3FB4] =	sst s0;
	s0 =	simm.s32 @!p2 $0x0  }
0x16: {  	s3 =	sld [smem:$0x3FDB];
	s0 =	simm.s32 @p2 $0x1  }
0x17: {  	s4 =	simm.s32 $0x1BF5;
	[smem:$0x3FB6] =	sst s0  }
0x18: {  	s0 =	sld [smem:$0x3F99];
	_ =	swait.ge [sflag:s4], $0x0  }
0x19: {  	s7 =	sld [smem:$0x3F9A]  }
0x1a: {  	s8 =	sadd.s32 $0xFFFFE003, lr  }
0x1b: {  	s9 =	sadd.s32 $0xFFFFFEF7, lr;
	s5 =	simm.s32 $0xFFFFFFFF;
	p2 =	slt.u32 s8, $0xFFFFF086  }
0x1c: {  	p1 =	slt.u32 s9, $0xF7A;
	s5 =	simm.s32 @!p2 $0x0  }
0x1d: {  	s5 =	simm.s32 @p1 $0x1;
	p0 =	seq.s32 s7, s2  }
0x1e: {  	s7 =	smul.u32 @!p0 $0xF7A, s2;
	p2 =	seq.s32 @!p0 s5, $0x0  }
0x1f: {  	s9 =	smul.u32 $0xF7A, s1;
	s8 =	simm.s32 @!p0 $0x1BF5;
	p2 =	por !p2, p0  }
0x20: {  	[sflag:s8] =	ssyncset.s32 @!p0 $0xFFFFF086;
	s6 =	sadd.s32 @!p0 s3, s7;
	s7 =	simm.s32 @!p0 $0x108  }
0x21: {  	s3 =	sadd.s32 s3, s9;
	s6 =	sadd.s32 @!p0 $0x88, s6;
	s7 =	simm.s32 @p2 $0x1082  }
0x22: {  	[simem:s7], [sflag:s8] =	dma.local @!p0 [hbm:s6], $0xF7A  }
0x23: {  	s9 =	sor.u32 $0xD0000000, s2;
	s6 =	simm.s32 $0x108;
	_ =	swait.ge @!p0 [sflag:s8], $0x0  }
0x24: {  	s3 =	sadd.s32 $0x88, s3;
	s6 =	simm.s32 @!p1 $0x1082;
	[sflag:s4] =	ssyncset.s32 $0xFFFFF086  }
0x25: {  	[simem:s6], [sflag:s4] =	dma.local [hbm:s3], $0xF7A  }
0x26: {  	[smem:$0x3F9A] =	sst s1;
	(tag) =	ssettag s2;
	_ =	strace s9  }
0x27: {  	s1 =	sld [smem:$0x3FAA]  }
0x28: {  	s2 =	sld [smem:$0x3FAB]  }
0x29: {  	s4 =	sld [smem:$0x3FAD]  }
0x2a: {  	p0 =	seq.s32 s5, $0x0;
	s5 =	sld [smem:$0x3FAE]  }
0x2b: {  	s6 =	sld [smem:$0x3FAF]  }
0x2c: {  	s7 =	sld [smem:$0x3FB0]  }
0x2d: {  	s3 =	simm.s32 $0x108;
	s8 =	sld [smem:$0x3FB1]  }
0x2e: {  	s3 =	simm.s32 @!p0 $0x1082;
	s9 =	sld [smem:$0x3FB2]  }
0x2f: {  	lr =	sadd.s32 s0, s3;
	s0 =	sld [smem:$0x3FA9]  }
0x30: {  	s3 =	sld [smem:$0x3FAC]  }
0x31: {  	[smem:$0x3FB5] =	sst s10  }
0x32: {  	s10 =	sld [smem:$0x3FB3];
	_ =	sdelay $0x3  }
0x33: {  	p0 =	seq.s32 s10, $0x1;
	s10 =	sld [smem:$0x3FB5];
	_ =	sdelay $0x3  }
0x34: {  	[smem:$0x3FB5] =	sst s10  }
0x35: {  	s10 =	sld [smem:$0x3FB4];
	_ =	sdelay $0x3  }
0x36: {  	p1 =	seq.s32 s10, $0x1;
	s10 =	sld [smem:$0x3FB5];
	_ =	sdelay $0x3  }
0x37: {  	[smem:$0x3FB5] =	sst s10  }
0x38: {  	s10 =	sld [smem:$0x3FB6]  }
0x39: {  	_ = 	snop;
	(pc) =	sbr.ind lr, $3  }
0x3a: {  	_ = 	snop  }
0x3b: {  	_ = 	snop  }
0x3c: {  	p2 =	seq.s32 s10, $0x1;
	s10 =	sld [smem:$0x3FB5]  }
0x3d: {  	_ =	shalt  }
0x3e: {  	_ =	shalt  }
0x3f: {  	_ =	shalt  }
0x40: {  	_ =	shalt  }
0x41: {  	_ =	shalt  }
0x42: {  	_ =	shalt  }
0x43: {  	_ =	shalt  }
0x44: {  	_ =	shalt  }
0x45: {  	_ =	shalt  }
0x46: {  	_ =	shalt  }
0x47: {  	_ =	shalt  }
0x48: {  	_ =	shalt  }
0x49: {  	_ =	shalt  }
0x4a: {  	_ =	shalt  }
0x4b: {  	_ =	shalt  }
0x4c: {  	_ =	shalt  }
0x4d: {  	_ =	shalt  }
0x4e: {  	_ =	shalt  }
0x4f: {  	_ =	shalt  }
0x50: {  	_ =	shalt  }
0x51: {  	_ =	shalt  }
0x52: {  	_ =	shalt  }
0x53: {  	_ =	shalt  }
0x54: {  	_ =	shalt  }
0x55: {  	_ =	shalt  }
0x56: {  	_ =	shalt  }
0x57: {  	_ =	shalt  }
0x58: {  	_ =	shalt  }
0x59: {  	_ =	shalt  }
0x5a: {  	_ =	shalt  }
0x5b: {  	_ =	shalt  }
0x5c: {  	_ =	shalt  }
0x5d: {  	_ =	shalt  }
0x5e: {  	_ =	shalt  }
0x5f: {  	_ =	shalt  }
0x60: {  	_ =	shalt  }
0x61: {  	_ =	shalt  }
0x62: {  	_ =	shalt  }
0x63: {  	_ =	shalt  }
0x64: {  	_ =	shalt  }
0x65: {  	_ =	shalt  }
0x66: {  	_ =	shalt  }
0x67: {  	_ =	shalt  }
0x68: {  	_ =	shalt  }
0x69: {  	_ =	shalt  }
0x6a: {  	_ =	shalt  }
0x6b: {  	_ =	shalt  }
0x6c: {  	_ =	shalt  }
0x6d: {  	_ =	shalt  }
0x6e: {  	_ =	shalt  }
0x6f: {  	_ =	shalt  }
0x70: {  	_ =	shalt  }
0x71: {  	_ =	shalt  }
0x72: {  	_ =	shalt  }
0x73: {  	_ =	shalt  }
0x74: {  	_ =	shalt  }
0x75: {  	_ =	shalt  }
0x76: {  	_ =	shalt  }
0x77: {  	_ =	shalt  }
0x78: {  	_ =	shalt  }
0x79: {  	_ =	shalt  }
0x7a: {  	_ =	shalt  }
0x7b: {  	_ =	shalt  }
0x7c: {  	_ =	shalt  }
0x7d: {  	_ =	shalt  }
0x7e: {  	_ =	shalt  }
0x7f: {  	_ =	shalt  }
0x80: {  	_ =	shalt  }
0x81: {  	_ =	shalt  }
0x82: {  	_ =	shalt  }
0x83: {  	_ =	shalt  }
0x84: {  	_ =	shalt  }
0x85: {  	_ =	shalt  }
0x86: {  	_ =	shalt  }
0x87: {  	_ =	shalt  }
.Lfunc_end0:
.L_simem_size_0:
called_computation_lowered:
.L_overlay_start_0:
0x88: {  	s2 =	sld [smem:$0x3FD9]  }
0x89: {  	s3 =	sld [smem:$0x3FFE];
	_ =	sdelay $0x1  }
0x8a: {  	s1 =	srdreg.scid  }
0x8b: {  	s0 =	sand.u32 $0x1, s1  }
0x8c: {  	s16 =	sshll.u32 s0, $0xA;
	s2 =	sadd.s32 s3, s2  }
0x8d: {  	s2 =	sadd.s32 s2, s16  }
0x8e: {  	[smem:$0x3FC1] =	sst s2  }
0x8f: {  	_ = 	snop  }
0x90: {  	(tm) =	ssettm $0x1  }
0x91: {  	s17 =	sld [smem:$0x3FFB];
	_ =	sdelay $0x3  }
0x92: {  	_ =	strace s17  }
0x93: {  	s2 =	sld [smem:$0x3FFC];
	_ =	sdelay $0x3  }
0x94: {  	_ =	strace s2  }
0x95: {  	s2 =	sld [smem:$0x3FFD];
	_ =	sdelay $0x3  }
0x96: {  	_ =	strace s2  }
0x97: {  	_ =	strace $0x8FFFFFFF  }
0x98: {  	s18 =	sld [smem:$0x3FDB];
	_ =	sdelay $0x1  }
0x99: {  	s19 =	simm.s32 $_scs_section_size  }
0x9a: {  	s4 =	simm.s32 $_size__tile_overlayer_lowered;
	s5 =	simm.s32 $_tile_overlayer_lowered  }
0x9b: {  	s22 =	simm.s32 $0x1BFF;
	s21 =	sshll.u32 s5, $0x1;
	s2 =	sadd.s32 s19, s18  }
0x9c: {  	s6 =	simm.s32 $0x0;
	s20 =	sshll.u32 s4, $0x1;
	s4 =	sadd.s32 s21, s2  }
0x9d: {  	[timem:s6], [sflag:s22] =	dma.local [hbm:s4], s20  }
0x9e: {  	_ =	swait.ge [sflag:s22], s20  }
0x9f: {  	s3 =	ssub.s32 $0x0, s20;
	[sflag:s22] =	ssyncset.done $0x0  }
0xa0: {  	[sflag:s22] =	ssyncadd.s32 s3;
	_ =	sdelay $0x1  }
0xa1: {  	s23 =	simm.s32 $0x1B8B  }
0xa2: {  	_ =	swait.ge [sflag:s23], $0x1  }
0xa3: {  	[sflag:s23] =	ssyncset.done $0x0  }
0xa4: {  	s25 =	simm.s32 $0x1B8E;
	s24 =	sld [smem:$0x3FFE];
	[sflag:s23] =	ssyncadd.s32 $0xFFFFFFFF  }
0xa5: {  	s26 =	simm.s32 $execute0_lowered;
	[smem:$0x3FD2] =	sst s25  }
0xa6: {  	s4 =	sshll.u32 s26, $0x1;
	_ =	strace $0x80000046;
	[dreg:$0x1] =	wrdreg $0xFFFFFFFF  }
0xa7: {  	s28 =	simm.s32 $_size_execute0_lowered;
	s2 =	sadd.s32 s2, s4;
	[dreg:$0x0] =	wrdreg $0x0  }
0xa8: {  	s4 =	sshll.u32 s28, $0x1;
	[dreg:$0x2] =	wrdreg s2  }
0xa9: {  	[dreg:$0x3] =	wrdreg s4  }
0xaa: {  	[dreg:$0x4] =	wrdreg $0xC0  }
0xab: {  	_ =	task [dreg:s6], $0x5FFFF  }
0xac: {  	[dreg:$0x1] =	wrdreg $0xFFFFFFFF  }
0xad: {  	[dreg:$0x0] =	wrdreg $0x60  }
0xae: {  	[dreg:$0x2] =	wrdreg s24  }
0xaf: {  	[dreg:$0x3] =	wrdreg $0x43000  }
0xb0: {  	[dreg:$0x4] =	wrdreg $0x9  }
0xb1: {  	_ =	task.clear_ibuf [dreg:s6], $0x5FFFF;
	_ =	strace $0x90000046  }
0xb2: {  	s29 =	simm.s32 $0x9;
	_ =	strace $0x80000048  }
0xb3: {  	_ =	swait.ge [sflag:s29], $0x1  }
0xb4: {  	[sflag:s29] =	ssyncadd.s32 $0xFFFFFFFF  }
0xb5: {  	_ =	strace $0x90000048  }
0xb6: {  	_ =	sfence  }
0xb7: {  	s30 =	sld [smem:$0x0];
	_ =	sdelay $0x2  }
0xb8: {  	s31 =	sshll.u32 s1, $0xD;
	s1 =	sshrl.u32 s1, $0x2  }
0xb9: {  	s3 =	sand.u32 $0x4000, s31;
	s1 =	sadd.s32 s1, s30  }
0xba: {  	s0 =	sor.u32 s3, s0;
	s1 =	sshll.u32 s1, $0x11  }
0xbb: {  	s0 =	sor.u32 s1, s0  }
0xbc: {  	s0 =	sadd.s32 $0x8F2B, s0  }
0xbd: {  	[sflag:s0] =	ssyncadd.remote.s32 $0x1  }
0xbe: {  	_ =	sfence.sel $0xFFFF  }
0xbf: {  	[dreg:$0x0] =	wrdreg $0xFFFFFFFF;
	(pc) =	sbr.abs _section_cstart, $3  }
0xc0: {  	[dreg:$0x1] =	wrdreg $0xFFFFFFFF  }
0xc1: {  	_ =	task.clear_ibuf [dreg:s6], $0x2FFFF;
	_ =	strace $0x9FFFFFFF  }
0xc2: {  	(tm) =	ssettm $0x7FFFFFFF  }
0xc3: {  	_ =	shalt  }
tec
execute0_lowered:
.L_overlay_start_1:
0x0: {  	(tag) =	ssettag $0x1  }
0x1: {  	s4 =	rddreg [dreg:$0x0]  }
0x2: {  	s2 =	rddreg [dreg:$0x1]  }
0x3: {  	s0 =	rddreg [dreg:$0x2]  }
0x4: {  	s1 =	stileid.u32;
	s5 =	srdreg.scid;
	s3 =	simm.s32 $0x0  }
0x5: {  	s11 =	simm.s32 $0x280;
	s14 =	simm.s32 $0x0;
	s5 =	sand.u32 $0x1, s5  }
0x6: {  	s6 =	smul.u32 $0x280, s1;
	[smem:$0x7FF] =	sst s3;
	s8 =	sshll.u32 s1, $0xB  }
0x7: {  	s12 =	sshll.u32 s1, $0x6;
	s7 =	smul.u32 $0x2800, s5;
	_ =	strace $0x80000047  }
0x8: {  	s8 =	sadd.s32 s8, s4;
	s9 =	ssub.s32 $0x2, s5;
	s5 =	sshll.u32 s5, $0xF  }
0x9: {  	s12 =	sor.u32 $0x1C02, s12;
	s10 =	sshrl.u32 s9, $0x1;
	s31 =	sadd.s32 s5, s8  }
0xa: {  	s5 =	sadd.s32 s6, s2;
	s8 =	simm.s32 $0x2;
	s7 =	sadd.s32 s6, s7  }
0xb: {  	s9 =	ssub.s32 s9, s10;
	s10 =	simm.s32 $0x50;
	s7 =	sshrl.u32 s7, $0x3  }
0xc: {  	s13 =	sshrl.u32 s5, $0x3;
	s7 =	sadd.s32 s7, s4;
	s4 =	sadd.s32 $0x16600, s31  }
0xd: {  	v0 =	vimm.f32 $0.0e+00;
	v1 =	vimm.f32 $1.000000000e+00;
	s6 =	sadd.s32 $0x26600, s7;
	s7 =	smax.u32 s9, $0x1;
	s9 =	simm.s32 $0x1  }
.LBB2_1:
0xe: {  	s15 =	simm.s32 $0x300  }
0xf: {  	[tilespmem:s15], [sflag:$0x1] =	stream.linear.gather [hbm4b:s4+s3], $0x3E80, $0x38;
	[tilespmem:$0x4580] =	vst v63  }
0x10: {  	[tilespmem:$0x0] =	vst v0  }
0x11: {  	[tilespmem:$0x10] =	vst v0  }
0x12: {  	[tilespmem:$0x20] =	vst v0  }
0x13: {  	[tilespmem:$0x30] =	vst v0  }
0x14: {  	[tilespmem:$0x40] =	vst v0  }
0x15: {  	[tilespmem:$0x50] =	vst v0  }
0x16: {  	[tilespmem:$0x60] =	vst v0  }
0x17: {  	[tilespmem:$0x70] =	vst v0  }
0x18: {  	[tilespmem:$0x80] =	vst v0  }
0x19: {  	[tilespmem:$0x90] =	vst v0  }
0x1a: {  	[tilespmem:$0xA0] =	vst v0  }
0x1b: {  	[tilespmem:$0xB0] =	vst v0  }
0x1c: {  	[tilespmem:$0xC0] =	vst v0  }
0x1d: {  	[tilespmem:$0xD0] =	vst v0  }
0x1e: {  	[tilespmem:$0xE0] =	vst v0  }
0x1f: {  	[tilespmem:$0xF0] =	vst v0  }
0x20: {  	[tilespmem:$0x100] =	vst v0  }
0x21: {  	[tilespmem:$0x110] =	vst v0  }
0x22: {  	[tilespmem:$0x120] =	vst v0  }
0x23: {  	[tilespmem:$0x130] =	vst v0  }
0x24: {  	[tilespmem:$0x140] =	vst v0  }
0x25: {  	[tilespmem:$0x150] =	vst v0  }
0x26: {  	[tilespmem:$0x160] =	vst v0  }
0x27: {  	[tilespmem:$0x170] =	vst v0  }
0x28: {  	[tilespmem:$0x180] =	vst v0  }
0x29: {  	[tilespmem:$0x190] =	vst v0  }
0x2a: {  	[tilespmem:$0x1A0] =	vst v0  }
0x2b: {  	[tilespmem:$0x1B0] =	vst v0  }
0x2c: {  	[tilespmem:$0x1C0] =	vst v0  }
0x2d: {  	[tilespmem:$0x1D0] =	vst v0  }
0x2e: {  	[tilespmem:$0x1E0] =	vst v0  }
0x2f: {  	[tilespmem:$0x1F0] =	vst v0  }
0x30: {  	[tilespmem:$0x200] =	vst v0  }
0x31: {  	[tilespmem:$0x210] =	vst v0  }
0x32: {  	[tilespmem:$0x220] =	vst v0  }
0x33: {  	[tilespmem:$0x230] =	vst v0  }
0x34: {  	[tilespmem:$0x240] =	vst v0  }
0x35: {  	[tilespmem:$0x250] =	vst v0  }
0x36: {  	[tilespmem:$0x260] =	vst v0  }
0x37: {  	[tilespmem:$0x270] =	vst v0  }
0x38: {  	[tilespmem:$0x280] =	vst v1  }
0x39: {  	[tilespmem:$0x290] =	vst v1  }
0x3a: {  	[tilespmem:$0x2A0] =	vst v1  }
0x3b: {  	[tilespmem:$0x2B0] =	vst v1  }
0x3c: {  	[tilespmem:$0x2C0] =	vst v1  }
0x3d: {  	[spmem:s5] =	stream.linear.scatter [tilespmem:s3], [sflag:$0x2], $0x280, $0x38;
	[tilespmem:$0x4580] =	vst v63  }
0x3e: {  	_ =	swait.ge [sflag:s8], $0x280  }
0x3f: {  	[sflag:s8] =	ssyncset.done $0x0  }
0x40: {  	[sflag:s8] =	ssyncadd.s32 $0xFFFFFD80  }
0x41: {  	_ =	swait.ge [sflag:s9], $0x3E80  }
0x42: {  	[sflag:s9] =	ssyncset.done $0x0  }
0x43: {  	p0 =	por $0x1, $0x1;
	[sflag:s9] =	ssyncadd.s32 $0xFFFFC180  }
0x44: {  	s17 =	simm.s32 @!p0 $0x1;
	[bflag:$0x0] =	sbarrier.arrive $0xFFFF  }
0x45: {  	[spmem:s2] =	stream.indirect.scatter.add.f32 [tilespmem:s11], [sflag:$0x1], $0x1, s15, s10, $0xb8;
	[tilespmem:$0x4580] =	vst v63  }
0x46: {  	_ =	swait.ge @!p0 [sflag:s17], $0x50  }
0x47: {  	s16 =	simm.s32 $0x1;
	[sflag:s17] =	ssyncset.done @!p0 $0x0  }
.LBB2_2:
0x48: {  	[sflag:s17] =	ssyncadd.s32 @!p0 $0xFFFFFFB0  }
0x49: {  	s15 =	sadd.s32 $0x80, s15;
	s17 =	smov.u32 s16;
	s16 =	sadd.s32 $0x1, s16  }
0x4a: {  	p1 =	sne.s32 s16, $0x7D  }
0x4b: {  	[spmem:s2] =	stream.indirect.scatter.add.f32 [tilespmem:s11], [sflag:$0x1], $0x1, s15, s10, $0xb8;
	[tilespmem:$0x4580] =	vst v63  }
.Ltmp0:
0x4c: {  	_ = 	snop;
	(pc) =	sbr.rel @p1 .LBB2_2-.Ltmp0, $4  }
0x4d: {  	p0 =	slt.u32 s17, $0x8  }
0x4e: {  	s17 =	simm.s32 @!p0 $0x1  }
0x4f: {  	_ =	swait.ge @!p0 [sflag:s17], $0x50  }
0x50: {  	[sflag:s17] =	ssyncset.done @!p0 $0x0  }
0x51: {  	[sflag:s17] =	ssyncadd.s32 @!p0 $0xFFFFFFB0  }
0x52: {  	_ =	swait.ge [sflag:s9], $0x50  }
0x53: {  	[sflag:s9] =	ssyncset.done $0x0  }
0x54: {  	[sflag:s9] =	ssyncadd.s32 $0xFFFFFFB0  }
0x55: {  	_ =	swait.ge [sflag:s9], $0x50  }
0x56: {  	[sflag:s9] =	ssyncset.done $0x0  }
0x57: {  	[sflag:s9] =	ssyncadd.s32 $0xFFFFFFB0  }
0x58: {  	_ =	swait.ge [sflag:s9], $0x50  }
0x59: {  	[sflag:s9] =	ssyncset.done $0x0  }
0x5a: {  	[sflag:s9] =	ssyncadd.s32 $0xFFFFFFB0  }
0x5b: {  	_ =	swait.ge [sflag:s9], $0x50  }
0x5c: {  	[sflag:s9] =	ssyncset.done $0x0  }
0x5d: {  	[sflag:s9] =	ssyncadd.s32 $0xFFFFFFB0  }
0x5e: {  	_ =	swait.ge [sflag:s9], $0x50  }
0x5f: {  	[sflag:s9] =	ssyncset.done $0x0  }
0x60: {  	[sflag:s9] =	ssyncadd.s32 $0xFFFFFFB0  }
0x61: {  	_ =	swait.ge [sflag:s9], $0x50  }
0x62: {  	[sflag:s9] =	ssyncset.done $0x0  }
0x63: {  	[sflag:s9] =	ssyncadd.s32 $0xFFFFFFB0  }
0x64: {  	_ =	swait.ge [sflag:s9], $0x50  }
0x65: {  	[sflag:s9] =	ssyncset.done $0x0  }
0x66: {  	[sflag:s9] =	ssyncadd.s32 $0xFFFFFFB0  }
0x67: {  	_ =	swait.ge [sflag:s9], $0x50  }
0x68: {  	s14 =	sadd.s32 $0x1, s14;
	[sflag:s9] =	ssyncset.done $0x0  }
0x69: {  	p0 =	sne.s32 s14, s7;
	[sflag:s9] =	ssyncadd.s32 $0xFFFFFFB0  }
.Ltmp1:
0x6a: {  	[bflag:$0x0] =	sbarrier.arrive $0xFFFF;
	(pc) =	sbr.rel @p0 .LBB2_1-.Ltmp1, $4  }
0x6b: {  	[hbm:s6], [sflag:s12] =	dma.local [spmem:s13], $0x50  }
0x6c: {  	_ =	swait.ge [sflag:s8], $0x50  }
0x6d: {  	[sflag:s8] =	ssyncset.done $0x0  }
0x6e: {  	[sflag:s8] =	ssyncadd.s32 $0xFFFFFFB0  }
0x6f: {  	_ =	sfence.sel $0x180000  }
0x70: {  	[bflag:$0x0] =	sbarrier.arrive $0xFFFF  }
0x71: {  	p0 =	sne.s32 s1, $0x0;
	_ =	strace $0x90000047  }
0x72: {  	s0 =	sadd.s32 @!p0 $0x100000, s0;
	[bflag:$0x2] =	sbarrier.arrive $0xFFFF  }
0x73: {  	[sflag:s0] =	ssyncadd.tile.s32 @!p0 $0x1;
	_ =	shalt  }
.Lfunc_end2:
_tile_overlayer_lowered:
.L_overlay_start_2:
0x74: {  	(tag) =	ssettag $0x2  }
0x75: {  	s0 =	rddreg [dreg:$0x0];
	s2 =	stileid.u32  }
0x76: {  	s1 =	rddreg [dreg:$0x1];
	p0 =	sne.s32 s2, $0x0  }
0x77: {  	s3 =	rddreg [dreg:$0x2];
	[bflag:$0x3] =	sbarrier.arrive $0xFFFF;
	s2 =	simm.s32 @!p0 $0x1C02  }
0x78: {  	[timem:s3], [sflag:s2] =	dma.local @!p0 [hbm:s0], s1  }
0x79: {  	s0 =	simm.s32 @!p0 $0x2  }
0x7a: {  	_ =	swait.ge @!p0 [sflag:s0], s1  }
0x7b: {  	s1 =	ssub.s32 @!p0 $0x0, s1;
	[sflag:s0] =	ssyncset.done @!p0 $0x0  }
0x7c: {  	[sflag:s0] =	ssyncadd.s32 @!p0 s1  }
0x7d: {  	[bflag:$0x3] =	sbarrier.arrive $0xFFFF  }
0x7e: {  	_ =	shalt  }

</sc_bundles>
